<compile_context>
chip_gen: v7x
topology: tpu7x:2x2x1
jax: 0.10.2.dev20260603
libtpu: 0.0.44.dev20260713+nightly
codegen_flags: <defaults>
</compile_context>

<pallas_src>
import functools

import jax
import jax.numpy as jnp
from jax import lax
from jax.experimental import pallas as pl
from jax.experimental.pallas import tpu as pltpu
from jax.experimental.pallas import tpu_sc as plsc

_L = 16
_NB = 8
_D = 64


def _gather_call(idx, table_t, b_per_w, nc):
    B = idx.shape[0]
    D = table_t.shape[0]
    n_groups = b_per_w // _L
    mesh = plsc.VectorSubcoreMesh(core_axis_name="c", subcore_axis_name="s")

    @functools.partial(
        pl.kernel,
        mesh=mesh,
        out_type=jax.ShapeDtypeStruct((D, B), table_t.dtype),
        scratch_types=[
            pltpu.VMEM((b_per_w,), jnp.int32),
            pltpu.VMEM((_NB, D, 128), table_t.dtype),
            pltpu.VMEM((D, b_per_w), table_t.dtype),
            pltpu.SemaphoreType.DMA,
        ]
        + [pltpu.SemaphoreType.DMA] * _NB,
        compiler_params=pltpu.CompilerParams(
            disable_bounds_checks=True, needs_layout_passes=False
        ),
    )
    def body(idx_hbm, tt_hbm, out_hbm, idx_v, slabs, out_v, sem, *slab_sems):
        wid = lax.axis_index("s") * nc + lax.axis_index("c")
        base = wid * b_per_w
        pltpu.sync_copy(idx_hbm.at[pl.ds(base, b_per_w)], idx_v)

        def fire(tc, b):
            start = pl.multiple_of(tc * 128, 128)
            for h in range(2):
                pltpu.async_copy(
                    tt_hbm.at[pl.ds(h * D // 2, D // 2), pl.ds(start, 128)],
                    slabs.at[b, pl.ds(h * D // 2, D // 2)],
                    slab_sems[b],
                )

        def slab_wait(b):
            for h in range(2):
                pltpu.make_async_copy(
                    tt_hbm.at[pl.ds(0, D // 2), pl.ds(0, 128)],
                    slabs.at[b, pl.ds(h * D // 2, D // 2)],
                    slab_sems[b],
                ).wait()

        vec0 = idx_v[pl.ds(0, _L)]
        tcs0 = lax.shift_right_logical(vec0, 7)
        ls0 = lax.bitwise_and(vec0, 127)
        for b in range(_NB):
            fire(tcs0[b], b)

        def group(g, carry):
            tcs_cur, ls_cur = carry
            g_nxt = jnp.minimum(g + 1, n_groups - 1)
            vec_n = idx_v[pl.ds(g_nxt * _L, _L)]
            tcs_nxt = lax.shift_right_logical(vec_n, 7)
            ls_nxt = lax.bitwise_and(vec_n, 127)
            for h in range(2):
                for b in range(_NB):
                    j2 = h * _NB + b
                    slab_wait(b)
                    col = jnp.full((_L,), ls_cur[j2], jnp.int32)
                    j = g * _L + j2
                    jvec = jnp.full((_L,), j, jnp.int32)
                    for k in range(D // _L):
                        rows = lax.iota(jnp.int32, _L) + k * _L
                        vals = plsc.load_gather(slabs.at[b], [rows, col])
                        plsc.store_scatter(out_v, [rows, jvec], vals)
                    if h == 0:
                        fire(tcs_cur[_NB + b], b)
                    else:
                        fire(tcs_nxt[b], b)
            return (tcs_nxt, ls_nxt)

        lax.fori_loop(0, n_groups, group, (tcs0, ls0), unroll=False)
        for b in range(_NB):
            slab_wait(b)
        pltpu.sync_copy(out_v, out_hbm.at[:, pl.ds(base, b_per_w)])

    return body(idx, table_t)


def kernel(shape_idx, emb_weight):
    B = shape_idx.shape[0]
    info = plsc.get_sparse_core_info()
    nw = info.num_cores * info.num_subcores
    b_per_w = B // nw
    idx = shape_idx.astype(jnp.int32)
    out_t = _gather_call(idx, emb_weight.T, b_per_w, info.num_cores)
    return out_t.T

# --- scband reference (transcript-rebuilt; emitter-appended) ---
"""Pipeline reference for scband-shape-code-embedding-88716844466699 (READ-ONLY COPY).

The authoritative reference and input builder live on the scoring server;
editing this copy changes nothing except your own understanding.
"""

import jax, jax.numpy as jnp
import numpy as np

NUM_SHAPES = 1000000
SHAPE_CODE_DIM = 64
BATCH = 16384

def setup_inputs(seed: int = 0) -> dict:
    key = jax.random.key(seed)
    k_idx, k_emb = jax.random.split(key)
    shape_idx = jax.random.randint(k_idx, (BATCH,), 0, NUM_SHAPES, dtype=jnp.int64 if jax.config.read('jax_enable_x64') else jnp.int32)
    # Embedding table initialized N(0, 0.01) as in the torch module
    emb_weight = jax.random.normal(k_emb, (NUM_SHAPES, SHAPE_CODE_DIM), dtype=jnp.float32) * 0.01
    return {"shape_idx": shape_idx, "emb_weight": emb_weight}

def reference(shape_idx, emb_weight):
    # nn.Embedding lookup: gather rows of the table
    return jnp.take(emb_weight, shape_idx, axis=0)

if __name__ == "__main__":
    import jax
    _d = setup_inputs()
    print(jax.jit(kernel)(*tuple(_d.values())))

</pallas_src>

<mosaic_0001>
#map = affine_map<(d0, d1) -> (0)>
#map1 = affine_map<(d0, d1) -> (0, 0)>
module attributes {stable_mosaic.version = 14 : i64} {
  func.func @body(%arg0: i32, %arg1: i32, %arg2: memref<16384xi32, #tpu.memory_space<hbm>>, %arg3: memref<64x1000000xf32, #tpu.memory_space<hbm>>, %arg4: memref<64x16384xf32, #tpu.memory_space<hbm>>, %arg5: memref<512xi32, #tpu.memory_space<vmem>>, %arg6: memref<8x64x128xf32, #tpu.memory_space<vmem>>, %arg7: memref<64x512xf32, #tpu.memory_space<vmem>>, %arg8: memref<!tpu.dma_semaphore, #tpu.memory_space<semaphore_mem>>, %arg9: memref<!tpu.dma_semaphore, #tpu.memory_space<semaphore_mem>>, %arg10: memref<!tpu.dma_semaphore, #tpu.memory_space<semaphore_mem>>, %arg11: memref<!tpu.dma_semaphore, #tpu.memory_space<semaphore_mem>>, %arg12: memref<!tpu.dma_semaphore, #tpu.memory_space<semaphore_mem>>, %arg13: memref<!tpu.dma_semaphore, #tpu.memory_space<semaphore_mem>>, %arg14: memref<!tpu.dma_semaphore, #tpu.memory_space<semaphore_mem>>, %arg15: memref<!tpu.dma_semaphore, #tpu.memory_space<semaphore_mem>>, %arg16: memref<!tpu.dma_semaphore, #tpu.memory_space<semaphore_mem>>) attributes {dimension_semantics = [#tpu.dimension_semantics<core_parallel>, #tpu.dimension_semantics<subcore_parallel>], iteration_bounds = array<i64: 2, 16>, scalar_prefetch = 0 : i64, scratch_operands = 12 : i64, tpu.core_type = #tpu.core_type<sc_vector_subcore>, window_params = [{transform_indices = #map}, {transform_indices = #map1}, {transform_indices = #map1}]} {
    %mul3A = arith.constant 2 : i32
    %mul3A_0 = arith.muli %arg1, %mul3A : i32
    %add3A = arith.addi %mul3A_0, %arg0 : i32
    %mul3A_1 = arith.constant 512 : i32
    %mul3A_2 = arith.muli %add3A, %mul3A_1 : i32
    "tpu.region"() ({
      %run_scoped3A = tpu.sem_alloc : memref<!tpu.dma_semaphore, #tpu.memory_space<semaphore_mem>>
      %dma_start3A_496 = tpu.memref_slice %arg2[%mul3A_2] : memref<16384xi32, #tpu.memory_space<hbm>> -> memref<512xi32, #tpu.memory_space<hbm>>
      %dma_start3A_497 = tpu.memref_slice %arg2[%mul3A_2] : memref<16384xi32, #tpu.memory_space<hbm>> -> memref<512xi32, #tpu.memory_space<hbm>>
      tpu.enqueue_dma source(%dma_start3A_497 : memref<512xi32, #tpu.memory_space<hbm>>) target(%arg5 : memref<512xi32, #tpu.memory_space<vmem>>) target_semaphore(%run_scoped3A : memref<!tpu.dma_semaphore, #tpu.memory_space<semaphore_mem>>)
      %dma_wait3A_498 = tpu.memref_slice %arg2[%mul3A_2] : memref<16384xi32, #tpu.memory_space<hbm>> -> memref<512xi32, #tpu.memory_space<hbm>>
      %dma_wait3A_499 = tpu.memref_slice %arg2[%mul3A_2] : memref<16384xi32, #tpu.memory_space<hbm>> -> memref<512xi32, #tpu.memory_space<hbm>>
      tpu.wait_dma2 semaphore(%run_scoped3A : memref<!tpu.dma_semaphore, #tpu.memory_space<semaphore_mem>>) src(%dma_wait3A_499 : memref<512xi32, #tpu.memory_space<hbm>>) dst(%arg5 : memref<512xi32, #tpu.memory_space<vmem>>)
      tpu.yield
    }) : () -> ()
    %get3A = arith.constant 0 : index
    %get3A_3 = tpu.vector_load %arg5[%get3A] {strides = array<i32>} : memref<512xi32, #tpu.memory_space<vmem>>, vector<16xi32>,
    %shift_right_logical3A = arith.constant 7 : i32
    %shift_right_logical3A_4 = vector.broadcast %shift_right_logical3A : i32 to vector<16xi32>
    %shift_right_logical3A_5 = arith.shrui %get3A_3, %shift_right_logical3A_4 : vector<16xi32>
    %and3A = arith.constant 127 : i32
    %and3A_6 = vector.broadcast %and3A : i32 to vector<16xi32>
    %and3A_7 = arith.andi %get3A_3, %and3A_6 : vector<16xi32>
    %slice3A = vector.extract_strided_slice %shift_right_logical3A_5 {offsets = [0], sizes = [1], strides = [1]} : vector<16xi32> to vector<1xi32>
    %squeeze3A = vector.extract %slice3A[0] : i32 from vector<1xi32>
    %mul3A_8 = arith.constant 128 : i32
    %mul3A_9 = arith.muli %squeeze3A, %mul3A_8 : i32
    %multiple_of3A = tpu.assume_multiple %mul3A_9, 128 : i32
    %dma_start3A = arith.constant 0 : i32
    %dma_start3A_10 = arith.constant 0 : i32
    %dma_start3A_11 = arith.constant 0 : i32
    %dma_start3A_12 = tpu.memref_slice %arg6[%dma_start3A, %dma_start3A_10, %dma_start3A_11] : memref<8x64x128xf32, #tpu.memory_space<vmem>> -> memref<1x32x128xf32, #tpu.memory_space<vmem>>
    %dma_start3A_13 = tpu.memref_squeeze %dma_start3A_12 : memref<1x32x128xf32, #tpu.memory_space<vmem>> -> memref<32x128xf32, #tpu.memory_space<vmem>>
    %dma_start3A_14 = arith.constant 0 : i32
    %dma_start3A_15 = tpu.memref_slice %arg3[%dma_start3A_14, %multiple_of3A] : memref<64x1000000xf32, #tpu.memory_space<hbm>> -> memref<32x128xf32, #tpu.memory_space<hbm>>
    %dma_start3A_16 = arith.constant 0 : i32
    %dma_start3A_17 = arith.constant 0 : i32
    %dma_start3A_18 = tpu.memref_slice %arg6[%dma_start3A, %dma_start3A_16, %dma_start3A_17] : memref<8x64x128xf32, #tpu.memory_space<vmem>> -> memref<1x32x128xf32, #tpu.memory_space<vmem>>
    %dma_start3A_19 = tpu.memref_squeeze %dma_start3A_18 : memref<1x32x128xf32, #tpu.memory_space<vmem>> -> memref<32x128xf32, #tpu.memory_space<vmem>>
    %dma_start3A_20 = arith.constant 0 : i32
    %dma_start3A_21 = tpu.memref_slice %arg3[%dma_start3A_20, %multiple_of3A] : memref<64x1000000xf32, #tpu.memory_space<hbm>> -> memref<32x128xf32, #tpu.memory_space<hbm>>
    tpu.enqueue_dma source(%dma_start3A_21 : memref<32x128xf32, #tpu.memory_space<hbm>>) target(%dma_start3A_19 : memref<32x128xf32, #tpu.memory_space<vmem>>) target_semaphore(%arg9 : memref<!tpu.dma_semaphore, #tpu.memory_space<semaphore_mem>>)
    %dma_start3A_22 = arith.constant 0 : i32
    %dma_start3A_23 = arith.constant 32 : i32
    %dma_start3A_24 = arith.constant 0 : i32
    %dma_start3A_25 = tpu.memref_slice %arg6[%dma_start3A_22, %dma_start3A_23, %dma_start3A_24] : memref<8x64x128xf32, #tpu.memory_space<vmem>> -> memref<1x32x128xf32, #tpu.memory_space<vmem>>
    %dma_start3A_26 = tpu.memref_squeeze %dma_start3A_25 : memref<1x32x128xf32, #tpu.memory_space<vmem>> -> memref<32x128xf32, #tpu.memory_space<vmem>>
    %dma_start3A_27 = arith.constant 32 : i32
    %dma_start3A_28 = tpu.memref_slice %arg3[%dma_start3A_27, %multiple_of3A] : memref<64x1000000xf32, #tpu.memory_space<hbm>> -> memref<32x128xf32, #tpu.memory_space<hbm>>
    %dma_start3A_29 = arith.constant 32 : i32
    %dma_start3A_30 = arith.constant 0 : i32
    %dma_start3A_31 = tpu.memref_slice %arg6[%dma_start3A_22, %dma_start3A_29, %dma_start3A_30] : memref<8x64x128xf32, #tpu.memory_space<vmem>> -> memref<1x32x128xf32, #tpu.memory_space<vmem>>
    %dma_start3A_32 = tpu.memref_squeeze %dma_start3A_31 : memref<1x32x128xf32, #tpu.memory_space<vmem>> -> memref<32x128xf32, #tpu.memory_space<vmem>>
    %dma_start3A_33 = arith.constant 32 : i32
    %dma_start3A_34 = tpu.memref_slice %arg3[%dma_start3A_33, %multiple_of3A] : memref<64x1000000xf32, #tpu.memory_space<hbm>> -> memref<32x128xf32, #tpu.memory_space<hbm>>
    tpu.enqueue_dma source(%dma_start3A_34 : memref<32x128xf32, #tpu.memory_space<hbm>>) target(%dma_start3A_32 : memref<32x128xf32, #tpu.memory_space<vmem>>) target_semaphore(%arg9 : memref<!tpu.dma_semaphore, #tpu.memory_space<semaphore_mem>>)
    %slice3A_35 = vector.extract_strided_slice %shift_right_logical3A_5 {offsets = [1], sizes = [1], strides = [1]} : vector<16xi32> to vector<1xi32>
    %squeeze3A_36 = vector.extract %slice3A_35[0] : i32 from vector<1xi32>
    %mul3A_37 = arith.constant 128 : i32
    %mul3A_38 = arith.muli %squeeze3A_36, %mul3A_37 : i32
    %multiple_of3A_39 = tpu.assume_multiple %mul3A_38, 128 : i32
    %dma_start3A_40 = arith.constant 1 : i32
    %dma_start3A_41 = arith.constant 0 : i32
    %dma_start3A_42 = arith.constant 0 : i32
    %dma_start3A_43 = tpu.memref_slice %arg6[%dma_start3A_40, %dma_start3A_41, %dma_start3A_42] : memref<8x64x128xf32, #tpu.memory_space<vmem>> -> memref<1x32x128xf32, #tpu.memory_space<vmem>>
    %dma_start3A_44 = tpu.memref_squeeze %dma_start3A_43 : memref<1x32x128xf32, #tpu.memory_space<vmem>> -> memref<32x128xf32, #tpu.memory_space<vmem>>
    %dma_start3A_45 = arith.constant 0 : i32
    %dma_start3A_46 = tpu.memref_slice %arg3[%dma_start3A_45, %multiple_of3A_39] : memref<64x1000000xf32, #tpu.memory_space<hbm>> -> memref<32x128xf32, #tpu.memory_space<hbm>>
    %dma_start3A_47 = arith.constant 0 : i32
    %dma_start3A_48 = arith.constant 0 : i32
    %dma_start3A_49 = tpu.memref_slice %arg6[%dma_start3A_40, %dma_start3A_47, %dma_start3A_48] : memref<8x64x128xf32, #tpu.memory_space<vmem>> -> memref<1x32x128xf32, #tpu.memory_space<vmem>>
    %dma_start3A_50 = tpu.memref_squeeze %dma_start3A_49 : memref<1x32x128xf32, #tpu.memory_space<vmem>> -> memref<32x128xf32, #tpu.memory_space<vmem>>
    %dma_start3A_51 = arith.constant 0 : i32
    %dma_start3A_52 = tpu.memref_slice %arg3[%dma_start3A_51, %multiple_of3A_39] : memref<64x1000000xf32, #tpu.memory_space<hbm>> -> memref<32x128xf32, #tpu.memory_space<hbm>>
    tpu.enqueue_dma source(%dma_start3A_52 : memref<32x128xf32, #tpu.memory_space<hbm>>) target(%dma_start3A_50 : memref<32x128xf32, #tpu.memory_space<vmem>>) target_semaphore(%arg10 : memref<!tpu.dma_semaphore, #tpu.memory_space<semaphore_mem>>)
    %dma_start3A_53 = arith.constant 1 : i32
    %dma_start3A_54 = arith.constant 32 : i32
    %dma_start3A_55 = arith.constant 0 : i32
    %dma_start3A_56 = tpu.memref_slice %arg6[%dma_start3A_53, %dma_start3A_54, %dma_start3A_55] : memref<8x64x128xf32, #tpu.memory_space<vmem>> -> memref<1x32x128xf32, #tpu.memory_space<vmem>>
    %dma_start3A_57 = tpu.memref_squeeze %dma_start3A_56 : memref<1x32x128xf32, #tpu.memory_space<vmem>> -> memref<32x128xf32, #tpu.memory_space<vmem>>
    %dma_start3A_58 = arith.constant 32 : i32
    %dma_start3A_59 = tpu.memref_slice %arg3[%dma_start3A_58, %multiple_of3A_39] : memref<64x1000000xf32, #tpu.memory_space<hbm>> -> memref<32x128xf32, #tpu.memory_space<hbm>>
    %dma_start3A_60 = arith.constant 32 : i32
    %dma_start3A_61 = arith.constant 0 : i32
    %dma_start3A_62 = tpu.memref_slice %arg6[%dma_start3A_53, %dma_start3A_60, %dma_start3A_61] : memref<8x64x128xf32, #tpu.memory_space<vmem>> -> memref<1x32x128xf32, #tpu.memory_space<vmem>>
    %dma_start3A_63 = tpu.memref_squeeze %dma_start3A_62 : memref<1x32x128xf32, #tpu.memory_space<vmem>> -> memref<32x128xf32, #tpu.memory_space<vmem>>
    %dma_start3A_64 = arith.constant 32 : i32
    %dma_start3A_65 = tpu.memref_slice %arg3[%dma_start3A_64, %multiple_of3A_39] : memref<64x1000000xf32, #tpu.memory_space<hbm>> -> memref<32x128xf32, #tpu.memory_space<hbm>>
    tpu.enqueue_dma source(%dma_start3A_65 : memref<32x128xf32, #tpu.memory_space<hbm>>) target(%dma_start3A_63 : memref<32x128xf32, #tpu.memory_space<vmem>>) target_semaphore(%arg10 : memref<!tpu.dma_semaphore, #tpu.memory_space<semaphore_mem>>)
    %slice3A_66 = vector.extract_strided_slice %shift_right_logical3A_5 {offsets = [2], sizes = [1], strides = [1]} : vector<16xi32> to vector<1xi32>
    %squeeze3A_67 = vector.extract %slice3A_66[0] : i32 from vector<1xi32>
    %mul3A_68 = arith.constant 128 : i32
    %mul3A_69 = arith.muli %squeeze3A_67, %mul3A_68 : i32
    %multiple_of3A_70 = tpu.assume_multiple %mul3A_69, 128 : i32
    %dma_start3A_71 = arith.constant 2 : i32
    %dma_start3A_72 = arith.constant 0 : i32
    %dma_start3A_73 = arith.constant 0 : i32
    %dma_start3A_74 = tpu.memref_slice %arg6[%dma_start3A_71, %dma_start3A_72, %dma_start3A_73] : memref<8x64x128xf32, #tpu.memory_space<vmem>> -> memref<1x32x128xf32, #tpu.memory_space<vmem>>
    %dma_start3A_75 = tpu.memref_squeeze %dma_start3A_74 : memref<1x32x128xf32, #tpu.memory_space<vmem>> -> memref<32x128xf32, #tpu.memory_space<vmem>>
    %dma_start3A_76 = arith.constant 0 : i32
    %dma_start3A_77 = tpu.memref_slice %arg3[%dma_start3A_76, %multiple_of3A_70] : memref<64x1000000xf32, #tpu.memory_space<hbm>> -> memref<32x128xf32, #tpu.memory_space<hbm>>
    %dma_start3A_78 = arith.constant 0 : i32
    %dma_start3A_79 = arith.constant 0 : i32
    %dma_start3A_80 = tpu.memref_slice %arg6[%dma_start3A_71, %dma_start3A_78, %dma_start3A_79] : memref<8x64x128xf32, #tpu.memory_space<vmem>> -> memref<1x32x128xf32, #tpu.memory_space<vmem>>
    %dma_start3A_81 = tpu.memref_squeeze %dma_start3A_80 : memref<1x32x128xf32, #tpu.memory_space<vmem>> -> memref<32x128xf32, #tpu.memory_space<vmem>>
    %dma_start3A_82 = arith.constant 0 : i32
    %dma_start3A_83 = tpu.memref_slice %arg3[%dma_start3A_82, %multiple_of3A_70] : memref<64x1000000xf32, #tpu.memory_space<hbm>> -> memref<32x128xf32, #tpu.memory_space<hbm>>
    tpu.enqueue_dma source(%dma_start3A_83 : memref<32x128xf32, #tpu.memory_space<hbm>>) target(%dma_start3A_81 : memref<32x128xf32, #tpu.memory_space<vmem>>) target_semaphore(%arg11 : memref<!tpu.dma_semaphore, #tpu.memory_space<semaphore_mem>>)
    %dma_start3A_84 = arith.constant 2 : i32
    %dma_start3A_85 = arith.constant 32 : i32
    %dma_start3A_86 = arith.constant 0 : i32
    %dma_start3A_87 = tpu.memref_slice %arg6[%dma_start3A_84, %dma_start3A_85, %dma_start3A_86] : memref<8x64x128xf32, #tpu.memory_space<vmem>> -> memref<1x32x128xf32, #tpu.memory_space<vmem>>
    %dma_start3A_88 = tpu.memref_squeeze %dma_start3A_87 : memref<1x32x128xf32, #tpu.memory_space<vmem>> -> memref<32x128xf32, #tpu.memory_space<vmem>>
    %dma_start3A_89 = arith.constant 32 : i32
    %dma_start3A_90 = tpu.memref_slice %arg3[%dma_start3A_89, %multiple_of3A_70] : memref<64x1000000xf32, #tpu.memory_space<hbm>> -> memref<32x128xf32, #tpu.memory_space<hbm>>
    %dma_start3A_91 = arith.constant 32 : i32
    %dma_start3A_92 = arith.constant 0 : i32
    %dma_start3A_93 = tpu.memref_slice %arg6[%dma_start3A_84, %dma_start3A_91, %dma_start3A_92] : memref<8x64x128xf32, #tpu.memory_space<vmem>> -> memref<1x32x128xf32, #tpu.memory_space<vmem>>
    %dma_start3A_94 = tpu.memref_squeeze %dma_start3A_93 : memref<1x32x128xf32, #tpu.memory_space<vmem>> -> memref<32x128xf32, #tpu.memory_space<vmem>>
    %dma_start3A_95 = arith.constant 32 : i32
    %dma_start3A_96 = tpu.memref_slice %arg3[%dma_start3A_95, %multiple_of3A_70] : memref<64x1000000xf32, #tpu.memory_space<hbm>> -> memref<32x128xf32, #tpu.memory_space<hbm>>
    tpu.enqueue_dma source(%dma_start3A_96 : memref<32x128xf32, #tpu.memory_space<hbm>>) target(%dma_start3A_94 : memref<32x128xf32, #tpu.memory_space<vmem>>) target_semaphore(%arg11 : memref<!tpu.dma_semaphore, #tpu.memory_space<semaphore_mem>>)
    %slice3A_97 = vector.extract_strided_slice %shift_right_logical3A_5 {offsets = [3], sizes = [1], strides = [1]} : vector<16xi32> to vector<1xi32>
    %squeeze3A_98 = vector.extract %slice3A_97[0] : i32 from vector<1xi32>
    %mul3A_99 = arith.constant 128 : i32
    %mul3A_100 = arith.muli %squeeze3A_98, %mul3A_99 : i32
    %multiple_of3A_101 = tpu.assume_multiple %mul3A_100, 128 : i32
    %dma_start3A_102 = arith.constant 3 : i32
    %dma_start3A_103 = arith.constant 0 : i32
    %dma_start3A_104 = arith.constant 0 : i32
    %dma_start3A_105 = tpu.memref_slice %arg6[%dma_start3A_102, %dma_start3A_103, %dma_start3A_104] : memref<8x64x128xf32, #tpu.memory_space<vmem>> -> memref<1x32x128xf32, #tpu.memory_space<vmem>>
    %dma_start3A_106 = tpu.memref_squeeze %dma_start3A_105 : memref<1x32x128xf32, #tpu.memory_space<vmem>> -> memref<32x128xf32, #tpu.memory_space<vmem>>
    %dma_start3A_107 = arith.constant 0 : i32
    %dma_start3A_108 = tpu.memref_slice %arg3[%dma_start3A_107, %multiple_of3A_101] : memref<64x1000000xf32, #tpu.memory_space<hbm>> -> memref<32x128xf32, #tpu.memory_space<hbm>>
    %dma_start3A_109 = arith.constant 0 : i32
    %dma_start3A_110 = arith.constant 0 : i32
    %dma_start3A_111 = tpu.memref_slice %arg6[%dma_start3A_102, %dma_start3A_109, %dma_start3A_110] : memref<8x64x128xf32, #tpu.memory_space<vmem>> -> memref<1x32x128xf32, #tpu.memory_space<vmem>>
    %dma_start3A_112 = tpu.memref_squeeze %dma_start3A_111 : memref<1x32x128xf32, #tpu.memory_space<vmem>> -> memref<32x128xf32, #tpu.memory_space<vmem>>
    %dma_start3A_113 = arith.constant 0 : i32
    %dma_start3A_114 = tpu.memref_slice %arg3[%dma_start3A_113, %multiple_of3A_101] : memref<64x1000000xf32, #tpu.memory_space<hbm>> -> memref<32x128xf32, #tpu.memory_space<hbm>>
    tpu.enqueue_dma source(%dma_start3A_114 : memref<32x128xf32, #tpu.memory_space<hbm>>) target(%dma_start3A_112 : memref<32x128xf32, #tpu.memory_space<vmem>>) target_semaphore(%arg12 : memref<!tpu.dma_semaphore, #tpu.memory_space<semaphore_mem>>)
    %dma_start3A_115 = arith.constant 3 : i32
    %dma_start3A_116 = arith.constant 32 : i32
    %dma_start3A_117 = arith.constant 0 : i32
    %dma_start3A_118 = tpu.memref_slice %arg6[%dma_start3A_115, %dma_start3A_116, %dma_start3A_117] : memref<8x64x128xf32, #tpu.memory_space<vmem>> -> memref<1x32x128xf32, #tpu.memory_space<vmem>>
    %dma_start3A_119 = tpu.memref_squeeze %dma_start3A_118 : memref<1x32x128xf32, #tpu.memory_space<vmem>> -> memref<32x128xf32, #tpu.memory_space<vmem>>
    %dma_start3A_120 = arith.constant 32 : i32
    %dma_start3A_121 = tpu.memref_slice %arg3[%dma_start3A_120, %multiple_of3A_101] : memref<64x1000000xf32, #tpu.memory_space<hbm>> -> memref<32x128xf32, #tpu.memory_space<hbm>>
    %dma_start3A_122 = arith.constant 32 : i32
    %dma_start3A_123 = arith.constant 0 : i32
    %dma_start3A_124 = tpu.memref_slice %arg6[%dma_start3A_115, %dma_start3A_122, %dma_start3A_123] : memref<8x64x128xf32, #tpu.memory_space<vmem>> -> memref<1x32x128xf32, #tpu.memory_space<vmem>>
    %dma_start3A_125 = tpu.memref_squeeze %dma_start3A_124 : memref<1x32x128xf32, #tpu.memory_space<vmem>> -> memref<32x128xf32, #tpu.memory_space<vmem>>
    %dma_start3A_126 = arith.constant 32 : i32
    %dma_start3A_127 = tpu.memref_slice %arg3[%dma_start3A_126, %multiple_of3A_101] : memref<64x1000000xf32, #tpu.memory_space<hbm>> -> memref<32x128xf32, #tpu.memory_space<hbm>>
    tpu.enqueue_dma source(%dma_start3A_127 : memref<32x128xf32, #tpu.memory_space<hbm>>) target(%dma_start3A_125 : memref<32x128xf32, #tpu.memory_space<vmem>>) target_semaphore(%arg12 : memref<!tpu.dma_semaphore, #tpu.memory_space<semaphore_mem>>)
    %slice3A_128 = vector.extract_strided_slice %shift_right_logical3A_5 {offsets = [4], sizes = [1], strides = [1]} : vector<16xi32> to vector<1xi32>
    %squeeze3A_129 = vector.extract %slice3A_128[0] : i32 from vector<1xi32>
    %mul3A_130 = arith.constant 128 : i32
    %mul3A_131 = arith.muli %squeeze3A_129, %mul3A_130 : i32
    %multiple_of3A_132 = tpu.assume_multiple %mul3A_131, 128 : i32
    %dma_start3A_133 = arith.constant 4 : i32
    %dma_start3A_134 = arith.constant 0 : i32
    %dma_start3A_135 = arith.constant 0 : i32
    %dma_start3A_136 = tpu.memref_slice %arg6[%dma_start3A_133, %dma_start3A_134, %dma_start3A_135] : memref<8x64x128xf32, #tpu.memory_space<vmem>> -> memref<1x32x128xf32, #tpu.memory_space<vmem>>
    %dma_start3A_137 = tpu.memref_squeeze %dma_start3A_136 : memref<1x32x128xf32, #tpu.memory_space<vmem>> -> memref<32x128xf32, #tpu.memory_space<vmem>>
    %dma_start3A_138 = arith.constant 0 : i32
    %dma_start3A_139 = tpu.memref_slice %arg3[%dma_start3A_138, %multiple_of3A_132] : memref<64x1000000xf32, #tpu.memory_space<hbm>> -> memref<32x128xf32, #tpu.memory_space<hbm>>
    %dma_start3A_140 = arith.constant 0 : i32
    %dma_start3A_141 = arith.constant 0 : i32
    %dma_start3A_142 = tpu.memref_slice %arg6[%dma_start3A_133, %dma_start3A_140, %dma_start3A_141] : memref<8x64x128xf32, #tpu.memory_space<vmem>> -> memref<1x32x128xf32, #tpu.memory_space<vmem>>
    %dma_start3A_143 = tpu.memref_squeeze %dma_start3A_142 : memref<1x32x128xf32, #tpu.memory_space<vmem>> -> memref<32x128xf32, #tpu.memory_space<vmem>>
    %dma_start3A_144 = arith.constant 0 : i32
    %dma_start3A_145 = tpu.memref_slice %arg3[%dma_start3A_144, %multiple_of3A_132] : memref<64x1000000xf32, #tpu.memory_space<hbm>> -> memref<32x128xf32, #tpu.memory_space<hbm>>
    tpu.enqueue_dma source(%dma_start3A_145 : memref<32x128xf32, #tpu.memory_space<hbm>>) target(%dma_start3A_143 : memref<32x128xf32, #tpu.memory_space<vmem>>) target_semaphore(%arg13 : memref<!tpu.dma_semaphore, #tpu.memory_space<semaphore_mem>>)
    %dma_start3A_146 = arith.constant 4 : i32
    %dma_start3A_147 = arith.constant 32 : i32
    %dma_start3A_148 = arith.constant 0 : i32
    %dma_start3A_149 = tpu.memref_slice %arg6[%dma_start3A_146, %dma_start3A_147, %dma_start3A_148] : memref<8x64x128xf32, #tpu.memory_space<vmem>> -> memref<1x32x128xf32, #tpu.memory_space<vmem>>
    %dma_start3A_150 = tpu.memref_squeeze %dma_start3A_149 : memref<1x32x128xf32, #tpu.memory_space<vmem>> -> memref<32x128xf32, #tpu.memory_space<vmem>>
    %dma_start3A_151 = arith.constant 32 : i32
    %dma_start3A_152 = tpu.memref_slice %arg3[%dma_start3A_151, %multiple_of3A_132] : memref<64x1000000xf32, #tpu.memory_space<hbm>> -> memref<32x128xf32, #tpu.memory_space<hbm>>
    %dma_start3A_153 = arith.constant 32 : i32
    %dma_start3A_154 = arith.constant 0 : i32
    %dma_start3A_155 = tpu.memref_slice %arg6[%dma_start3A_146, %dma_start3A_153, %dma_start3A_154] : memref<8x64x128xf32, #tpu.memory_space<vmem>> -> memref<1x32x128xf32, #tpu.memory_space<vmem>>
    %dma_start3A_156 = tpu.memref_squeeze %dma_start3A_155 : memref<1x32x128xf32, #tpu.memory_space<vmem>> -> memref<32x128xf32, #tpu.memory_space<vmem>>
    %dma_start3A_157 = arith.constant 32 : i32
    %dma_start3A_158 = tpu.memref_slice %arg3[%dma_start3A_157, %multiple_of3A_132] : memref<64x1000000xf32, #tpu.memory_space<hbm>> -> memref<32x128xf32, #tpu.memory_space<hbm>>
    tpu.enqueue_dma source(%dma_start3A_158 : memref<32x128xf32, #tpu.memory_space<hbm>>) target(%dma_start3A_156 : memref<32x128xf32, #tpu.memory_space<vmem>>) target_semaphore(%arg13 : memref<!tpu.dma_semaphore, #tpu.memory_space<semaphore_mem>>)
    %slice3A_159 = vector.extract_strided_slice %shift_right_logical3A_5 {offsets = [5], sizes = [1], strides = [1]} : vector<16xi32> to vector<1xi32>
    %squeeze3A_160 = vector.extract %slice3A_159[0] : i32 from vector<1xi32>
    %mul3A_161 = arith.constant 128 : i32
    %mul3A_162 = arith.muli %squeeze3A_160, %mul3A_161 : i32
    %multiple_of3A_163 = tpu.assume_multiple %mul3A_162, 128 : i32
    %dma_start3A_164 = arith.constant 5 : i32
    %dma_start3A_165 = arith.constant 0 : i32
    %dma_start3A_166 = arith.constant 0 : i32
    %dma_start3A_167 = tpu.memref_slice %arg6[%dma_start3A_164, %dma_start3A_165, %dma_start3A_166] : memref<8x64x128xf32, #tpu.memory_space<vmem>> -> memref<1x32x128xf32, #tpu.memory_space<vmem>>
    %dma_start3A_168 = tpu.memref_squeeze %dma_start3A_167 : memref<1x32x128xf32, #tpu.memory_space<vmem>> -> memref<32x128xf32, #tpu.memory_space<vmem>>
    %dma_start3A_169 = arith.constant 0 : i32
    %dma_start3A_170 = tpu.memref_slice %arg3[%dma_start3A_169, %multiple_of3A_163] : memref<64x1000000xf32, #tpu.memory_space<hbm>> -> memref<32x128xf32, #tpu.memory_space<hbm>>
    %dma_start3A_171 = arith.constant 0 : i32
    %dma_start3A_172 = arith.constant 0 : i32
    %dma_start3A_173 = tpu.memref_slice %arg6[%dma_start3A_164, %dma_start3A_171, %dma_start3A_172] : memref<8x64x128xf32, #tpu.memory_space<vmem>> -> memref<1x32x128xf32, #tpu.memory_space<vmem>>
    %dma_start3A_174 = tpu.memref_squeeze %dma_start3A_173 : memref<1x32x128xf32, #tpu.memory_space<vmem>> -> memref<32x128xf32, #tpu.memory_space<vmem>>
    %dma_start3A_175 = arith.constant 0 : i32
    %dma_start3A_176 = tpu.memref_slice %arg3[%dma_start3A_175, %multiple_of3A_163] : memref<64x1000000xf32, #tpu.memory_space<hbm>> -> memref<32x128xf32, #tpu.memory_space<hbm>>
    tpu.enqueue_dma source(%dma_start3A_176 : memref<32x128xf32, #tpu.memory_space<hbm>>) target(%dma_start3A_174 : memref<32x128xf32, #tpu.memory_space<vmem>>) target_semaphore(%arg14 : memref<!tpu.dma_semaphore, #tpu.memory_space<semaphore_mem>>)
    %dma_start3A_177 = arith.constant 5 : i32
    %dma_start3A_178 = arith.constant 32 : i32
    %dma_start3A_179 = arith.constant 0 : i32
    %dma_start3A_180 = tpu.memref_slice %arg6[%dma_start3A_177, %dma_start3A_178, %dma_start3A_179] : memref<8x64x128xf32, #tpu.memory_space<vmem>> -> memref<1x32x128xf32, #tpu.memory_space<vmem>>
    %dma_start3A_181 = tpu.memref_squeeze %dma_start3A_180 : memref<1x32x128xf32, #tpu.memory_space<vmem>> -> memref<32x128xf32, #tpu.memory_space<vmem>>
    %dma_start3A_182 = arith.constant 32 : i32
    %dma_start3A_183 = tpu.memref_slice %arg3[%dma_start3A_182, %multiple_of3A_163] : memref<64x1000000xf32, #tpu.memory_space<hbm>> -> memref<32x128xf32, #tpu.memory_space<hbm>>
    %dma_start3A_184 = arith.constant 32 : i32
    %dma_start3A_185 = arith.constant 0 : i32
    %dma_start3A_186 = tpu.memref_slice %arg6[%dma_start3A_177, %dma_start3A_184, %dma_start3A_185] : memref<8x64x128xf32, #tpu.memory_space<vmem>> -> memref<1x32x128xf32, #tpu.memory_space<vmem>>
    %dma_start3A_187 = tpu.memref_squeeze %dma_start3A_186 : memref<1x32x128xf32, #tpu.memory_space<vmem>> -> memref<32x128xf32, #tpu.memory_space<vmem>>
    %dma_start3A_188 = arith.constant 32 : i32
    %dma_start3A_189 = tpu.memref_slice %arg3[%dma_start3A_188, %multiple_of3A_163] : memref<64x1000000xf32, #tpu.memory_space<hbm>> -> memref<32x128xf32, #tpu.memory_space<hbm>>
    tpu.enqueue_dma source(%dma_start3A_189 : memref<32x128xf32, #tpu.memory_space<hbm>>) target(%dma_start3A_187 : memref<32x128xf32, #tpu.memory_space<vmem>>) target_semaphore(%arg14 : memref<!tpu.dma_semaphore, #tpu.memory_space<semaphore_mem>>)
    %slice3A_190 = vector.extract_strided_slice %shift_right_logical3A_5 {offsets = [6], sizes = [1], strides = [1]} : vector<16xi32> to vector<1xi32>
    %squeeze3A_191 = vector.extract %slice3A_190[0] : i32 from vector<1xi32>
    %mul3A_192 = arith.constant 128 : i32
    %mul3A_193 = arith.muli %squeeze3A_191, %mul3A_192 : i32
    %multiple_of3A_194 = tpu.assume_multiple %mul3A_193, 128 : i32
    %dma_start3A_195 = arith.constant 6 : i32
    %dma_start3A_196 = arith.constant 0 : i32
    %dma_start3A_197 = arith.constant 0 : i32
    %dma_start3A_198 = tpu.memref_slice %arg6[%dma_start3A_195, %dma_start3A_196, %dma_start3A_197] : memref<8x64x128xf32, #tpu.memory_space<vmem>> -> memref<1x32x128xf32, #tpu.memory_space<vmem>>
    %dma_start3A_199 = tpu.memref_squeeze %dma_start3A_198 : memref<1x32x128xf32, #tpu.memory_space<vmem>> -> memref<32x128xf32, #tpu.memory_space<vmem>>
    %dma_start3A_200 = arith.constant 0 : i32
    %dma_start3A_201 = tpu.memref_slice %arg3[%dma_start3A_200, %multiple_of3A_194] : memref<64x1000000xf32, #tpu.memory_space<hbm>> -> memref<32x128xf32, #tpu.memory_space<hbm>>
    %dma_start3A_202 = arith.constant 0 : i32
    %dma_start3A_203 = arith.constant 0 : i32
    %dma_start3A_204 = tpu.memref_slice %arg6[%dma_start3A_195, %dma_start3A_202, %dma_start3A_203] : memref<8x64x128xf32, #tpu.memory_space<vmem>> -> memref<1x32x128xf32, #tpu.memory_space<vmem>>
    %dma_start3A_205 = tpu.memref_squeeze %dma_start3A_204 : memref<1x32x128xf32, #tpu.memory_space<vmem>> -> memref<32x128xf32, #tpu.memory_space<vmem>>
    %dma_start3A_206 = arith.constant 0 : i32
    %dma_start3A_207 = tpu.memref_slice %arg3[%dma_start3A_206, %multiple_of3A_194] : memref<64x1000000xf32, #tpu.memory_space<hbm>> -> memref<32x128xf32, #tpu.memory_space<hbm>>
    tpu.enqueue_dma source(%dma_start3A_207 : memref<32x128xf32, #tpu.memory_space<hbm>>) target(%dma_start3A_205 : memref<32x128xf32, #tpu.memory_space<vmem>>) target_semaphore(%arg15 : memref<!tpu.dma_semaphore, #tpu.memory_space<semaphore_mem>>)
    %dma_start3A_208 = arith.constant 6 : i32
    %dma_start3A_209 = arith.constant 32 : i32
    %dma_start3A_210 = arith.constant 0 : i32
    %dma_start3A_211 = tpu.memref_slice %arg6[%dma_start3A_208, %dma_start3A_209, %dma_start3A_210] : memref<8x64x128xf32, #tpu.memory_space<vmem>> -> memref<1x32x128xf32, #tpu.memory_space<vmem>>
    %dma_start3A_212 = tpu.memref_squeeze %dma_start3A_211 : memref<1x32x128xf32, #tpu.memory_space<vmem>> -> memref<32x128xf32, #tpu.memory_space<vmem>>
    %dma_start3A_213 = arith.constant 32 : i32
    %dma_start3A_214 = tpu.memref_slice %arg3[%dma_start3A_213, %multiple_of3A_194] : memref<64x1000000xf32, #tpu.memory_space<hbm>> -> memref<32x128xf32, #tpu.memory_space<hbm>>
    %dma_start3A_215 = arith.constant 32 : i32
    %dma_start3A_216 = arith.constant 0 : i32
    %dma_start3A_217 = tpu.memref_slice %arg6[%dma_start3A_208, %dma_start3A_215, %dma_start3A_216] : memref<8x64x128xf32, #tpu.memory_space<vmem>> -> memref<1x32x128xf32, #tpu.memory_space<vmem>>
    %dma_start3A_218 = tpu.memref_squeeze %dma_start3A_217 : memref<1x32x128xf32, #tpu.memory_space<vmem>> -> memref<32x128xf32, #tpu.memory_space<vmem>>
    %dma_start3A_219 = arith.constant 32 : i32
    %dma_start3A_220 = tpu.memref_slice %arg3[%dma_start3A_219, %multiple_of3A_194] : memref<64x1000000xf32, #tpu.memory_space<hbm>> -> memref<32x128xf32, #tpu.memory_space<hbm>>
    tpu.enqueue_dma source(%dma_start3A_220 : memref<32x128xf32, #tpu.memory_space<hbm>>) target(%dma_start3A_218 : memref<32x128xf32, #tpu.memory_space<vmem>>) target_semaphore(%arg15 : memref<!tpu.dma_semaphore, #tpu.memory_space<semaphore_mem>>)
    %slice3A_221 = vector.extract_strided_slice %shift_right_logical3A_5 {offsets = [7], sizes = [1], strides = [1]} : vector<16xi32> to vector<1xi32>
    %squeeze3A_222 = vector.extract %slice3A_221[0] : i32 from vector<1xi32>
    %mul3A_223 = arith.constant 128 : i32
    %mul3A_224 = arith.muli %squeeze3A_222, %mul3A_223 : i32
    %multiple_of3A_225 = tpu.assume_multiple %mul3A_224, 128 : i32
    %dma_start3A_226 = arith.constant 7 : i32
    %dma_start3A_227 = arith.constant 0 : i32
    %dma_start3A_228 = arith.constant 0 : i32
    %dma_start3A_229 = tpu.memref_slice %arg6[%dma_start3A_226, %dma_start3A_227, %dma_start3A_228] : memref<8x64x128xf32, #tpu.memory_space<vmem>> -> memref<1x32x128xf32, #tpu.memory_space<vmem>>
    %dma_start3A_230 = tpu.memref_squeeze %dma_start3A_229 : memref<1x32x128xf32, #tpu.memory_space<vmem>> -> memref<32x128xf32, #tpu.memory_space<vmem>>
    %dma_start3A_231 = arith.constant 0 : i32
    %dma_start3A_232 = tpu.memref_slice %arg3[%dma_start3A_231, %multiple_of3A_225] : memref<64x1000000xf32, #tpu.memory_space<hbm>> -> memref<32x128xf32, #tpu.memory_space<hbm>>
    %dma_start3A_233 = arith.constant 0 : i32
    %dma_start3A_234 = arith.constant 0 : i32
    %dma_start3A_235 = tpu.memref_slice %arg6[%dma_start3A_226, %dma_start3A_233, %dma_start3A_234] : memref<8x64x128xf32, #tpu.memory_space<vmem>> -> memref<1x32x128xf32, #tpu.memory_space<vmem>>
    %dma_start3A_236 = tpu.memref_squeeze %dma_start3A_235 : memref<1x32x128xf32, #tpu.memory_space<vmem>> -> memref<32x128xf32, #tpu.memory_space<vmem>>
    %dma_start3A_237 = arith.constant 0 : i32
    %dma_start3A_238 = tpu.memref_slice %arg3[%dma_start3A_237, %multiple_of3A_225] : memref<64x1000000xf32, #tpu.memory_space<hbm>> -> memref<32x128xf32, #tpu.memory_space<hbm>>
    tpu.enqueue_dma source(%dma_start3A_238 : memref<32x128xf32, #tpu.memory_space<hbm>>) target(%dma_start3A_236 : memref<32x128xf32, #tpu.memory_space<vmem>>) target_semaphore(%arg16 : memref<!tpu.dma_semaphore, #tpu.memory_space<semaphore_mem>>)
    %dma_start3A_239 = arith.constant 7 : i32
    %dma_start3A_240 = arith.constant 32 : i32
    %dma_start3A_241 = arith.constant 0 : i32
    %dma_start3A_242 = tpu.memref_slice %arg6[%dma_start3A_239, %dma_start3A_240, %dma_start3A_241] : memref<8x64x128xf32, #tpu.memory_space<vmem>> -> memref<1x32x128xf32, #tpu.memory_space<vmem>>
    %dma_start3A_243 = tpu.memref_squeeze %dma_start3A_242 : memref<1x32x128xf32, #tpu.memory_space<vmem>> -> memref<32x128xf32, #tpu.memory_space<vmem>>
    %dma_start3A_244 = arith.constant 32 : i32
    %dma_start3A_245 = tpu.memref_slice %arg3[%dma_start3A_244, %multiple_of3A_225] : memref<64x1000000xf32, #tpu.memory_space<hbm>> -> memref<32x128xf32, #tpu.memory_space<hbm>>
    %dma_start3A_246 = arith.constant 32 : i32
    %dma_start3A_247 = arith.constant 0 : i32
    %dma_start3A_248 = tpu.memref_slice %arg6[%dma_start3A_239, %dma_start3A_246, %dma_start3A_247] : memref<8x64x128xf32, #tpu.memory_space<vmem>> -> memref<1x32x128xf32, #tpu.memory_space<vmem>>
    %dma_start3A_249 = tpu.memref_squeeze %dma_start3A_248 : memref<1x32x128xf32, #tpu.memory_space<vmem>> -> memref<32x128xf32, #tpu.memory_space<vmem>>
    %dma_start3A_250 = arith.constant 32 : i32
    %dma_start3A_251 = tpu.memref_slice %arg3[%dma_start3A_250, %multiple_of3A_225] : memref<64x1000000xf32, #tpu.memory_space<hbm>> -> memref<32x128xf32, #tpu.memory_space<hbm>>
    tpu.enqueue_dma source(%dma_start3A_251 : memref<32x128xf32, #tpu.memory_space<hbm>>) target(%dma_start3A_249 : memref<32x128xf32, #tpu.memory_space<vmem>>) target_semaphore(%arg16 : memref<!tpu.dma_semaphore, #tpu.memory_space<semaphore_mem>>)
    %scan3A = arith.constant 0 : i32
    %scan3A_252 = arith.constant 32 : i32
    %scan3A_253 = arith.addi %scan3A, %scan3A_252 : i32
    %scan3A_254 = arith.constant 1 : i32
    %scan3A_255:2 = scf.for %scan3A_496 = %scan3A to %scan3A_253 step %scan3A_254 iter_args(%scan3A_497 = %shift_right_logical3A_5, %scan3A_498 = %and3A_7) -> (vector<16xi32>, vector<16xi32>)  : i32 {
      %add3A_499 = arith.constant 1 : i32
      %add3A_500 = arith.addi %scan3A_496, %add3A_499 : i32
      %min3A = arith.constant 31 : i32
      %min3A_501 = arith.minsi %add3A_500, %min3A : i32
      %mul3A_502 = arith.constant 16 : i32
      %mul3A_503 = arith.muli %min3A_501, %mul3A_502 : i32
      %get3A_504 = arith.index_cast %mul3A_503 : i32 to index
      %get3A_505 = tpu.vector_load %arg5[%get3A_504] {strides = array<i32>} : memref<512xi32, #tpu.memory_space<vmem>>, vector<16xi32>,
      %shift_right_logical3A_506 = arith.constant 7 : i32
      %shift_right_logical3A_507 = vector.broadcast %shift_right_logical3A_506 : i32 to vector<16xi32>
      %shift_right_logical3A_508 = arith.shrui %get3A_505, %shift_right_logical3A_507 : vector<16xi32>
      %and3A_509 = arith.constant 127 : i32
      %and3A_510 = vector.broadcast %and3A_509 : i32 to vector<16xi32>
      %and3A_511 = arith.andi %get3A_505, %and3A_510 : vector<16xi32>
      %dma_wait3A_512 = arith.constant 0 : i32
      %dma_wait3A_513 = arith.constant 0 : i32
      %dma_wait3A_514 = arith.constant 0 : i32
      %dma_wait3A_515 = tpu.memref_slice %arg6[%dma_wait3A_512, %dma_wait3A_513, %dma_wait3A_514] : memref<8x64x128xf32, #tpu.memory_space<vmem>> -> memref<1x32x128xf32, #tpu.memory_space<vmem>>
      %dma_wait3A_516 = tpu.memref_squeeze %dma_wait3A_515 : memref<1x32x128xf32, #tpu.memory_space<vmem>> -> memref<32x128xf32, #tpu.memory_space<vmem>>
      %dma_wait3A_517 = arith.constant 0 : i32
      %dma_wait3A_518 = arith.constant 0 : i32
      %dma_wait3A_519 = tpu.memref_slice %arg3[%dma_wait3A_517, %dma_wait3A_518] : memref<64x1000000xf32, #tpu.memory_space<hbm>> -> memref<32x128xf32, #tpu.memory_space<hbm>>
      %dma_wait3A_520 = arith.constant 0 : i32
      %dma_wait3A_521 = arith.constant 0 : i32
      %dma_wait3A_522 = tpu.memref_slice %arg6[%dma_wait3A_512, %dma_wait3A_520, %dma_wait3A_521] : memref<8x64x128xf32, #tpu.memory_space<vmem>> -> memref<1x32x128xf32, #tpu.memory_space<vmem>>
      %dma_wait3A_523 = tpu.memref_squeeze %dma_wait3A_522 : memref<1x32x128xf32, #tpu.memory_space<vmem>> -> memref<32x128xf32, #tpu.memory_space<vmem>>
      %dma_wait3A_524 = arith.constant 0 : i32
      %dma_wait3A_525 = arith.constant 0 : i32
      %dma_wait3A_526 = tpu.memref_slice %arg3[%dma_wait3A_524, %dma_wait3A_525] : memref<64x1000000xf32, #tpu.memory_space<hbm>> -> memref<32x128xf32, #tpu.memory_space<hbm>>
      tpu.wait_dma2 semaphore(%arg9 : memref<!tpu.dma_semaphore, #tpu.memory_space<semaphore_mem>>) src(%dma_wait3A_526 : memref<32x128xf32, #tpu.memory_space<hbm>>) dst(%dma_wait3A_523 : memref<32x128xf32, #tpu.memory_space<vmem>>)
      %dma_wait3A_527 = arith.constant 0 : i32
      %dma_wait3A_528 = arith.constant 32 : i32
      %dma_wait3A_529 = arith.constant 0 : i32
      %dma_wait3A_530 = tpu.memref_slice %arg6[%dma_wait3A_527, %dma_wait3A_528, %dma_wait3A_529] : memref<8x64x128xf32, #tpu.memory_space<vmem>> -> memref<1x32x128xf32, #tpu.memory_space<vmem>>
      %dma_wait3A_531 = tpu.memref_squeeze %dma_wait3A_530 : memref<1x32x128xf32, #tpu.memory_space<vmem>> -> memref<32x128xf32, #tpu.memory_space<vmem>>
      %dma_wait3A_532 = arith.constant 0 : i32
      %dma_wait3A_533 = arith.constant 0 : i32
      %dma_wait3A_534 = tpu.memref_slice %arg3[%dma_wait3A_532, %dma_wait3A_533] : memref<64x1000000xf32, #tpu.memory_space<hbm>> -> memref<32x128xf32, #tpu.memory_space<hbm>>
      %dma_wait3A_535 = arith.constant 32 : i32
      %dma_wait3A_536 = arith.constant 0 : i32
      %dma_wait3A_537 = tpu.memref_slice %arg6[%dma_wait3A_527, %dma_wait3A_535, %dma_wait3A_536] : memref<8x64x128xf32, #tpu.memory_space<vmem>> -> memref<1x32x128xf32, #tpu.memory_space<vmem>>
      %dma_wait3A_538 = tpu.memref_squeeze %dma_wait3A_537 : memref<1x32x128xf32, #tpu.memory_space<vmem>> -> memref<32x128xf32, #tpu.memory_space<vmem>>
      %dma_wait3A_539 = arith.constant 0 : i32
      %dma_wait3A_540 = arith.constant 0 : i32
      %dma_wait3A_541 = tpu.memref_slice %arg3[%dma_wait3A_539, %dma_wait3A_540] : memref<64x1000000xf32, #tpu.memory_space<hbm>> -> memref<32x128xf32, #tpu.memory_space<hbm>>
      tpu.wait_dma2 semaphore(%arg9 : memref<!tpu.dma_semaphore, #tpu.memory_space<semaphore_mem>>) src(%dma_wait3A_541 : memref<32x128xf32, #tpu.memory_space<hbm>>) dst(%dma_wait3A_538 : memref<32x128xf32, #tpu.memory_space<vmem>>)
      %slice3A_542 = vector.extract_strided_slice %scan3A_498 {offsets = [0], sizes = [1], strides = [1]} : vector<16xi32> to vector<1xi32>
      %squeeze3A_543 = vector.extract %slice3A_542[0] : i32 from vector<1xi32>
      %broadcast_in_dim3A = vector.broadcast %squeeze3A_543 : i32 to vector<16xi32>
      %mul3A_544 = arith.constant 16 : i32
      %mul3A_545 = arith.muli %scan3A_496, %mul3A_544 : i32
      %add3A_546 = arith.constant 0 : i32
      %add3A_547 = arith.addi %mul3A_545, %add3A_546 : i32
      %broadcast_in_dim3A_548 = vector.broadcast %add3A_547 : i32 to vector<16xi32>
      %iota3A = tpu.iota {dimensions = array<i32: 0>} : vector<16xi32>
      %add3A_549 = arith.constant 0 : i32
      %add3A_550 = vector.broadcast %add3A_549 : i32 to vector<16xi32>
      %add3A_551 = arith.addi %iota3A, %add3A_550 : vector<16xi32>
      %gather3A = arith.constant 0 : i32
      %gather3A_552 = arith.constant 0 : i32
      %gather3A_553 = arith.constant 0 : i32
      %gather3A_554 = tpu.memref_slice %arg6[%gather3A, %gather3A_552, %gather3A_553] : memref<8x64x128xf32, #tpu.memory_space<vmem>> -> memref<1x64x128xf32, #tpu.memory_space<vmem>>
      %gather3A_555 = tpu.memref_squeeze %gather3A_554 : memref<1x64x128xf32, #tpu.memory_space<vmem>> -> memref<64x128xf32, #tpu.memory_space<vmem>>
      %gather3A_556 = tpu.vector_load_idx %gather3A_555[%add3A_551, %broadcast_in_dim3A] : memref<64x128xf32, #tpu.memory_space<vmem>>[vector<16xi32>, vector<16xi32>], vector<16xf32>,
      tpu.vector_store_idx %arg7[%add3A_551, %broadcast_in_dim3A_548], %gather3A_556 : memref<64x512xf32, #tpu.memory_space<vmem>>[vector<16xi32>, vector<16xi32>], vector<16xf32>,
      %iota3A_557 = tpu.iota {dimensions = array<i32: 0>} : vector<16xi32>
      %add3A_558 = arith.constant 16 : i32
      %add3A_559 = vector.broadcast %add3A_558 : i32 to vector<16xi32>
      %add3A_560 = arith.addi %iota3A_557, %add3A_559 : vector<16xi32>
      %gather3A_561 = arith.constant 0 : i32
      %gather3A_562 = arith.constant 0 : i32
      %gather3A_563 = arith.constant 0 : i32
      %gather3A_564 = tpu.memref_slice %arg6[%gather3A_561, %gather3A_562, %gather3A_563] : memref<8x64x128xf32, #tpu.memory_space<vmem>> -> memref<1x64x128xf32, #tpu.memory_space<vmem>>
      %gather3A_565 = tpu.memref_squeeze %gather3A_564 : memref<1x64x128xf32, #tpu.memory_space<vmem>> -> memref<64x128xf32, #tpu.memory_space<vmem>>
      %gather3A_566 = tpu.vector_load_idx %gather3A_565[%add3A_560, %broadcast_in_dim3A] : memref<64x128xf32, #tpu.memory_space<vmem>>[vector<16xi32>, vector<16xi32>], vector<16xf32>,
      tpu.vector_store_idx %arg7[%add3A_560, %broadcast_in_dim3A_548], %gather3A_566 : memref<64x512xf32, #tpu.memory_space<vmem>>[vector<16xi32>, vector<16xi32>], vector<16xf32>,
      %iota3A_567 = tpu.iota {dimensions = array<i32: 0>} : vector<16xi32>
      %add3A_568 = arith.constant 32 : i32
      %add3A_569 = vector.broadcast %add3A_568 : i32 to vector<16xi32>
      %add3A_570 = arith.addi %iota3A_567, %add3A_569 : vector<16xi32>
      %gather3A_571 = arith.constant 0 : i32
      %gather3A_572 = arith.constant 0 : i32
      %gather3A_573 = arith.constant 0 : i32
      %gather3A_574 = tpu.memref_slice %arg6[%gather3A_571, %gather3A_572, %gather3A_573] : memref<8x64x128xf32, #tpu.memory_space<vmem>> -> memref<1x64x128xf32, #tpu.memory_space<vmem>>
      %gather3A_575 = tpu.memref_squeeze %gather3A_574 : memref<1x64x128xf32, #tpu.memory_space<vmem>> -> memref<64x128xf32, #tpu.memory_space<vmem>>
      %gather3A_576 = tpu.vector_load_idx %gather3A_575[%add3A_570, %broadcast_in_dim3A] : memref<64x128xf32, #tpu.memory_space<vmem>>[vector<16xi32>, vector<16xi32>], vector<16xf32>,
      tpu.vector_store_idx %arg7[%add3A_570, %broadcast_in_dim3A_548], %gather3A_576 : memref<64x512xf32, #tpu.memory_space<vmem>>[vector<16xi32>, vector<16xi32>], vector<16xf32>,
      %iota3A_577 = tpu.iota {dimensions = array<i32: 0>} : vector<16xi32>
      %add3A_578 = arith.constant 48 : i32
      %add3A_579 = vector.broadcast %add3A_578 : i32 to vector<16xi32>
      %add3A_580 = arith.addi %iota3A_577, %add3A_579 : vector<16xi32>
      %gather3A_581 = arith.constant 0 : i32
      %gather3A_582 = arith.constant 0 : i32
      %gather3A_583 = arith.constant 0 : i32
      %gather3A_584 = tpu.memref_slice %arg6[%gather3A_581, %gather3A_582, %gather3A_583] : memref<8x64x128xf32, #tpu.memory_space<vmem>> -> memref<1x64x128xf32, #tpu.memory_space<vmem>>
      %gather3A_585 = tpu.memref_squeeze %gather3A_584 : memref<1x64x128xf32, #tpu.memory_space<vmem>> -> memref<64x128xf32, #tpu.memory_space<vmem>>
      %gather3A_586 = tpu.vector_load_idx %gather3A_585[%add3A_580, %broadcast_in_dim3A] : memref<64x128xf32, #tpu.memory_space<vmem>>[vector<16xi32>, vector<16xi32>], vector<16xf32>,
      tpu.vector_store_idx %arg7[%add3A_580, %broadcast_in_dim3A_548], %gather3A_586 : memref<64x512xf32, #tpu.memory_space<vmem>>[vector<16xi32>, vector<16xi32>], vector<16xf32>,
      %slice3A_587 = vector.extract_strided_slice %scan3A_497 {offsets = [8], sizes = [1], strides = [1]} : vector<16xi32> to vector<1xi32>
      %squeeze3A_588 = vector.extract %slice3A_587[0] : i32 from vector<1xi32>
      %mul3A_589 = arith.constant 128 : i32
      %mul3A_590 = arith.muli %squeeze3A_588, %mul3A_589 : i32
      %multiple_of3A_591 = tpu.assume_multiple %mul3A_590, 128 : i32
      %dma_start3A_592 = arith.constant 0 : i32
      %dma_start3A_593 = arith.constant 0 : i32
      %dma_start3A_594 = arith.constant 0 : i32
      %dma_start3A_595 = tpu.memref_slice %arg6[%dma_start3A_592, %dma_start3A_593, %dma_start3A_594] : memref<8x64x128xf32, #tpu.memory_space<vmem>> -> memref<1x32x128xf32, #tpu.memory_space<vmem>>
      %dma_start3A_596 = tpu.memref_squeeze %dma_start3A_595 : memref<1x32x128xf32, #tpu.memory_space<vmem>> -> memref<32x128xf32, #tpu.memory_space<vmem>>
      %dma_start3A_597 = arith.constant 0 : i32
      %dma_start3A_598 = tpu.memref_slice %arg3[%dma_start3A_597, %multiple_of3A_591] : memref<64x1000000xf32, #tpu.memory_space<hbm>> -> memref<32x128xf32, #tpu.memory_space<hbm>>
      %dma_start3A_599 = arith.constant 0 : i32
      %dma_start3A_600 = arith.constant 0 : i32
      %dma_start3A_601 = tpu.memref_slice %arg6[%dma_start3A_592, %dma_start3A_599, %dma_start3A_600] : memref<8x64x128xf32, #tpu.memory_space<vmem>> -> memref<1x32x128xf32, #tpu.memory_space<vmem>>
      %dma_start3A_602 = tpu.memref_squeeze %dma_start3A_601 : memref<1x32x128xf32, #tpu.memory_space<vmem>> -> memref<32x128xf32, #tpu.memory_space<vmem>>
      %dma_start3A_603 = arith.constant 0 : i32
      %dma_start3A_604 = tpu.memref_slice %arg3[%dma_start3A_603, %multiple_of3A_591] : memref<64x1000000xf32, #tpu.memory_space<hbm>> -> memref<32x128xf32, #tpu.memory_space<hbm>>
      tpu.enqueue_dma source(%dma_start3A_604 : memref<32x128xf32, #tpu.memory_space<hbm>>) target(%dma_start3A_602 : memref<32x128xf32, #tpu.memory_space<vmem>>) target_semaphore(%arg9 : memref<!tpu.dma_semaphore, #tpu.memory_space<semaphore_mem>>)
      %dma_start3A_605 = arith.constant 0 : i32
      %dma_start3A_606 = arith.constant 32 : i32
      %dma_start3A_607 = arith.constant 0 : i32
      %dma_start3A_608 = tpu.memref_slice %arg6[%dma_start3A_605, %dma_start3A_606, %dma_start3A_607] : memref<8x64x128xf32, #tpu.memory_space<vmem>> -> memref<1x32x128xf32, #tpu.memory_space<vmem>>
      %dma_start3A_609 = tpu.memref_squeeze %dma_start3A_608 : memref<1x32x128xf32, #tpu.memory_space<vmem>> -> memref<32x128xf32, #tpu.memory_space<vmem>>
      %dma_start3A_610 = arith.constant 32 : i32
      %dma_start3A_611 = tpu.memref_slice %arg3[%dma_start3A_610, %multiple_of3A_591] : memref<64x1000000xf32, #tpu.memory_space<hbm>> -> memref<32x128xf32, #tpu.memory_space<hbm>>
      %dma_start3A_612 = arith.constant 32 : i32
      %dma_start3A_613 = arith.constant 0 : i32
      %dma_start3A_614 = tpu.memref_slice %arg6[%dma_start3A_605, %dma_start3A_612, %dma_start3A_613] : memref<8x64x128xf32, #tpu.memory_space<vmem>> -> memref<1x32x128xf32, #tpu.memory_space<vmem>>
      %dma_start3A_615 = tpu.memref_squeeze %dma_start3A_614 : memref<1x32x128xf32, #tpu.memory_space<vmem>> -> memref<32x128xf32, #tpu.memory_space<vmem>>
      %dma_start3A_616 = arith.constant 32 : i32
      %dma_start3A_617 = tpu.memref_slice %arg3[%dma_start3A_616, %multiple_of3A_591] : memref<64x1000000xf32, #tpu.memory_space<hbm>> -> memref<32x128xf32, #tpu.memory_space<hbm>>
      tpu.enqueue_dma source(%dma_start3A_617 : memref<32x128xf32, #tpu.memory_space<hbm>>) target(%dma_start3A_615 : memref<32x128xf32, #tpu.memory_space<vmem>>) target_semaphore(%arg9 : memref<!tpu.dma_semaphore, #tpu.memory_space<semaphore_mem>>)
      %dma_wait3A_618 = arith.constant 1 : i32
      %dma_wait3A_619 = arith.constant 0 : i32
      %dma_wait3A_620 = arith.constant 0 : i32
      %dma_wait3A_621 = tpu.memref_slice %arg6[%dma_wait3A_618, %dma_wait3A_619, %dma_wait3A_620] : memref<8x64x128xf32, #tpu.memory_space<vmem>> -> memref<1x32x128xf32, #tpu.memory_space<vmem>>
      %dma_wait3A_622 = tpu.memref_squeeze %dma_wait3A_621 : memref<1x32x128xf32, #tpu.memory_space<vmem>> -> memref<32x128xf32, #tpu.memory_space<vmem>>
      %dma_wait3A_623 = arith.constant 0 : i32
      %dma_wait3A_624 = arith.constant 0 : i32
      %dma_wait3A_625 = tpu.memref_slice %arg3[%dma_wait3A_623, %dma_wait3A_624] : memref<64x1000000xf32, #tpu.memory_space<hbm>> -> memref<32x128xf32, #tpu.memory_space<hbm>>
      %dma_wait3A_626 = arith.constant 0 : i32
      %dma_wait3A_627 = arith.constant 0 : i32
      %dma_wait3A_628 = tpu.memref_slice %arg6[%dma_wait3A_618, %dma_wait3A_626, %dma_wait3A_627] : memref<8x64x128xf32, #tpu.memory_space<vmem>> -> memref<1x32x128xf32, #tpu.memory_space<vmem>>
      %dma_wait3A_629 = tpu.memref_squeeze %dma_wait3A_628 : memref<1x32x128xf32, #tpu.memory_space<vmem>> -> memref<32x128xf32, #tpu.memory_space<vmem>>
      %dma_wait3A_630 = arith.constant 0 : i32
      %dma_wait3A_631 = arith.constant 0 : i32
      %dma_wait3A_632 = tpu.memref_slice %arg3[%dma_wait3A_630, %dma_wait3A_631] : memref<64x1000000xf32, #tpu.memory_space<hbm>> -> memref<32x128xf32, #tpu.memory_space<hbm>>
      tpu.wait_dma2 semaphore(%arg10 : memref<!tpu.dma_semaphore, #tpu.memory_space<semaphore_mem>>) src(%dma_wait3A_632 : memref<32x128xf32, #tpu.memory_space<hbm>>) dst(%dma_wait3A_629 : memref<32x128xf32, #tpu.memory_space<vmem>>)
      %dma_wait3A_633 = arith.constant 1 : i32
      %dma_wait3A_634 = arith.constant 32 : i32
      %dma_wait3A_635 = arith.constant 0 : i32
      %dma_wait3A_636 = tpu.memref_slice %arg6[%dma_wait3A_633, %dma_wait3A_634, %dma_wait3A_635] : memref<8x64x128xf32, #tpu.memory_space<vmem>> -> memref<1x32x128xf32, #tpu.memory_space<vmem>>
      %dma_wait3A_637 = tpu.memref_squeeze %dma_wait3A_636 : memref<1x32x128xf32, #tpu.memory_space<vmem>> -> memref<32x128xf32, #tpu.memory_space<vmem>>
      %dma_wait3A_638 = arith.constant 0 : i32
      %dma_wait3A_639 = arith.constant 0 : i32
      %dma_wait3A_640 = tpu.memref_slice %arg3[%dma_wait3A_638, %dma_wait3A_639] : memref<64x1000000xf32, #tpu.memory_space<hbm>> -> memref<32x128xf32, #tpu.memory_space<hbm>>
      %dma_wait3A_641 = arith.constant 32 : i32
      %dma_wait3A_642 = arith.constant 0 : i32
      %dma_wait3A_643 = tpu.memref_slice %arg6[%dma_wait3A_633, %dma_wait3A_641, %dma_wait3A_642] : memref<8x64x128xf32, #tpu.memory_space<vmem>> -> memref<1x32x128xf32, #tpu.memory_space<vmem>>
      %dma_wait3A_644 = tpu.memref_squeeze %dma_wait3A_643 : memref<1x32x128xf32, #tpu.memory_space<vmem>> -> memref<32x128xf32, #tpu.memory_space<vmem>>
      %dma_wait3A_645 = arith.constant 0 : i32
      %dma_wait3A_646 = arith.constant 0 : i32
      %dma_wait3A_647 = tpu.memref_slice %arg3[%dma_wait3A_645, %dma_wait3A_646] : memref<64x1000000xf32, #tpu.memory_space<hbm>> -> memref<32x128xf32, #tpu.memory_space<hbm>>
      tpu.wait_dma2 semaphore(%arg10 : memref<!tpu.dma_semaphore, #tpu.memory_space<semaphore_mem>>) src(%dma_wait3A_647 : memref<32x128xf32, #tpu.memory_space<hbm>>) dst(%dma_wait3A_644 : memref<32x128xf32, #tpu.memory_space<vmem>>)
      %slice3A_648 = vector.extract_strided_slice %scan3A_498 {offsets = [1], sizes = [1], strides = [1]} : vector<16xi32> to vector<1xi32>
      %squeeze3A_649 = vector.extract %slice3A_648[0] : i32 from vector<1xi32>
      %broadcast_in_dim3A_650 = vector.broadcast %squeeze3A_649 : i32 to vector<16xi32>
      %mul3A_651 = arith.constant 16 : i32
      %mul3A_652 = arith.muli %scan3A_496, %mul3A_651 : i32
      %add3A_653 = arith.constant 1 : i32
      %add3A_654 = arith.addi %mul3A_652, %add3A_653 : i32
      %broadcast_in_dim3A_655 = vector.broadcast %add3A_654 : i32 to vector<16xi32>
      %iota3A_656 = tpu.iota {dimensions = array<i32: 0>} : vector<16xi32>
      %add3A_657 = arith.constant 0 : i32
      %add3A_658 = vector.broadcast %add3A_657 : i32 to vector<16xi32>
      %add3A_659 = arith.addi %iota3A_656, %add3A_658 : vector<16xi32>
      %gather3A_660 = arith.constant 1 : i32
      %gather3A_661 = arith.constant 0 : i32
      %gather3A_662 = arith.constant 0 : i32
      %gather3A_663 = tpu.memref_slice %arg6[%gather3A_660, %gather3A_661, %gather3A_662] : memref<8x64x128xf32, #tpu.memory_space<vmem>> -> memref<1x64x128xf32, #tpu.memory_space<vmem>>
      %gather3A_664 = tpu.memref_squeeze %gather3A_663 : memref<1x64x128xf32, #tpu.memory_space<vmem>> -> memref<64x128xf32, #tpu.memory_space<vmem>>
      %gather3A_665 = tpu.vector_load_idx %gather3A_664[%add3A_659, %broadcast_in_dim3A_650] : memref<64x128xf32, #tpu.memory_space<vmem>>[vector<16xi32>, vector<16xi32>], vector<16xf32>,
      tpu.vector_store_idx %arg7[%add3A_659, %broadcast_in_dim3A_655], %gather3A_665 : memref<64x512xf32, #tpu.memory_space<vmem>>[vector<16xi32>, vector<16xi32>], vector<16xf32>,
      %iota3A_666 = tpu.iota {dimensions = array<i32: 0>} : vector<16xi32>
      %add3A_667 = arith.constant 16 : i32
      %add3A_668 = vector.broadcast %add3A_667 : i32 to vector<16xi32>
      %add3A_669 = arith.addi %iota3A_666, %add3A_668 : vector<16xi32>
      %gather3A_670 = arith.constant 1 : i32
      %gather3A_671 = arith.constant 0 : i32
      %gather3A_672 = arith.constant 0 : i32
      %gather3A_673 = tpu.memref_slice %arg6[%gather3A_670, %gather3A_671, %gather3A_672] : memref<8x64x128xf32, #tpu.memory_space<vmem>> -> memref<1x64x128xf32, #tpu.memory_space<vmem>>
      %gather3A_674 = tpu.memref_squeeze %gather3A_673 : memref<1x64x128xf32, #tpu.memory_space<vmem>> -> memref<64x128xf32, #tpu.memory_space<vmem>>
      %gather3A_675 = tpu.vector_load_idx %gather3A_674[%add3A_669, %broadcast_in_dim3A_650] : memref<64x128xf32, #tpu.memory_space<vmem>>[vector<16xi32>, vector<16xi32>], vector<16xf32>,
      tpu.vector_store_idx %arg7[%add3A_669, %broadcast_in_dim3A_655], %gather3A_675 : memref<64x512xf32, #tpu.memory_space<vmem>>[vector<16xi32>, vector<16xi32>], vector<16xf32>,
      %iota3A_676 = tpu.iota {dimensions = array<i32: 0>} : vector<16xi32>
      %add3A_677 = arith.constant 32 : i32
      %add3A_678 = vector.broadcast %add3A_677 : i32 to vector<16xi32>
      %add3A_679 = arith.addi %iota3A_676, %add3A_678 : vector<16xi32>
      %gather3A_680 = arith.constant 1 : i32
      %gather3A_681 = arith.constant 0 : i32
      %gather3A_682 = arith.constant 0 : i32
      %gather3A_683 = tpu.memref_slice %arg6[%gather3A_680, %gather3A_681, %gather3A_682] : memref<8x64x128xf32, #tpu.memory_space<vmem>> -> memref<1x64x128xf32, #tpu.memory_space<vmem>>
      %gather3A_684 = tpu.memref_squeeze %gather3A_683 : memref<1x64x128xf32, #tpu.memory_space<vmem>> -> memref<64x128xf32, #tpu.memory_space<vmem>>
      %gather3A_685 = tpu.vector_load_idx %gather3A_684[%add3A_679, %broadcast_in_dim3A_650] : memref<64x128xf32, #tpu.memory_space<vmem>>[vector<16xi32>, vector<16xi32>], vector<16xf32>,
      tpu.vector_store_idx %arg7[%add3A_679, %broadcast_in_dim3A_655], %gather3A_685 : memref<64x512xf32, #tpu.memory_space<vmem>>[vector<16xi32>, vector<16xi32>], vector<16xf32>,
      %iota3A_686 = tpu.iota {dimensions = array<i32: 0>} : vector<16xi32>
      %add3A_687 = arith.constant 48 : i32
      %add3A_688 = vector.broadcast %add3A_687 : i32 to vector<16xi32>
      %add3A_689 = arith.addi %iota3A_686, %add3A_688 : vector<16xi32>
      %gather3A_690 = arith.constant 1 : i32
      %gather3A_691 = arith.constant 0 : i32
      %gather3A_692 = arith.constant 0 : i32
      %gather3A_693 = tpu.memref_slice %arg6[%gather3A_690, %gather3A_691, %gather3A_692] : memref<8x64x128xf32, #tpu.memory_space<vmem>> -> memref<1x64x128xf32, #tpu.memory_space<vmem>>
      %gather3A_694 = tpu.memref_squeeze %gather3A_693 : memref<1x64x128xf32, #tpu.memory_space<vmem>> -> memref<64x128xf32, #tpu.memory_space<vmem>>
      %gather3A_695 = tpu.vector_load_idx %gather3A_694[%add3A_689, %broadcast_in_dim3A_650] : memref<64x128xf32, #tpu.memory_space<vmem>>[vector<16xi32>, vector<16xi32>], vector<16xf32>,
      tpu.vector_store_idx %arg7[%add3A_689, %broadcast_in_dim3A_655], %gather3A_695 : memref<64x512xf32, #tpu.memory_space<vmem>>[vector<16xi32>, vector<16xi32>], vector<16xf32>,
      %slice3A_696 = vector.extract_strided_slice %scan3A_497 {offsets = [9], sizes = [1], strides = [1]} : vector<16xi32> to vector<1xi32>
      %squeeze3A_697 = vector.extract %slice3A_696[0] : i32 from vector<1xi32>
      %mul3A_698 = arith.constant 128 : i32
      %mul3A_699 = arith.muli %squeeze3A_697, %mul3A_698 : i32
      %multiple_of3A_700 = tpu.assume_multiple %mul3A_699, 128 : i32
      %dma_start3A_701 = arith.constant 1 : i32
      %dma_start3A_702 = arith.constant 0 : i32
      %dma_start3A_703 = arith.constant 0 : i32
      %dma_start3A_704 = tpu.memref_slice %arg6[%dma_start3A_701, %dma_start3A_702, %dma_start3A_703] : memref<8x64x128xf32, #tpu.memory_space<vmem>> -> memref<1x32x128xf32, #tpu.memory_space<vmem>>
      %dma_start3A_705 = tpu.memref_squeeze %dma_start3A_704 : memref<1x32x128xf32, #tpu.memory_space<vmem>> -> memref<32x128xf32, #tpu.memory_space<vmem>>
      %dma_start3A_706 = arith.constant 0 : i32
      %dma_start3A_707 = tpu.memref_slice %arg3[%dma_start3A_706, %multiple_of3A_700] : memref<64x1000000xf32, #tpu.memory_space<hbm>> -> memref<32x128xf32, #tpu.memory_space<hbm>>
      %dma_start3A_708 = arith.constant 0 : i32
      %dma_start3A_709 = arith.constant 0 : i32
      %dma_start3A_710 = tpu.memref_slice %arg6[%dma_start3A_701, %dma_start3A_708, %dma_start3A_709] : memref<8x64x128xf32, #tpu.memory_space<vmem>> -> memref<1x32x128xf32, #tpu.memory_space<vmem>>
      %dma_start3A_711 = tpu.memref_squeeze %dma_start3A_710 : memref<1x32x128xf32, #tpu.memory_space<vmem>> -> memref<32x128xf32, #tpu.memory_space<vmem>>
      %dma_start3A_712 = arith.constant 0 : i32
      %dma_start3A_713 = tpu.memref_slice %arg3[%dma_start3A_712, %multiple_of3A_700] : memref<64x1000000xf32, #tpu.memory_space<hbm>> -> memref<32x128xf32, #tpu.memory_space<hbm>>
      tpu.enqueue_dma source(%dma_start3A_713 : memref<32x128xf32, #tpu.memory_space<hbm>>) target(%dma_start3A_711 : memref<32x128xf32, #tpu.memory_space<vmem>>) target_semaphore(%arg10 : memref<!tpu.dma_semaphore, #tpu.memory_space<semaphore_mem>>)
      %dma_start3A_714 = arith.constant 1 : i32
      %dma_start3A_715 = arith.constant 32 : i32
      %dma_start3A_716 = arith.constant 0 : i32
      %dma_start3A_717 = tpu.memref_slice %arg6[%dma_start3A_714, %dma_start3A_715, %dma_start3A_716] : memref<8x64x128xf32, #tpu.memory_space<vmem>> -> memref<1x32x128xf32, #tpu.memory_space<vmem>>
      %dma_start3A_718 = tpu.memref_squeeze %dma_start3A_717 : memref<1x32x128xf32, #tpu.memory_space<vmem>> -> memref<32x128xf32, #tpu.memory_space<vmem>>
      %dma_start3A_719 = arith.constant 32 : i32
      %dma_start3A_720 = tpu.memref_slice %arg3[%dma_start3A_719, %multiple_of3A_700] : memref<64x1000000xf32, #tpu.memory_space<hbm>> -> memref<32x128xf32, #tpu.memory_space<hbm>>
      %dma_start3A_721 = arith.constant 32 : i32
      %dma_start3A_722 = arith.constant 0 : i32
      %dma_start3A_723 = tpu.memref_slice %arg6[%dma_start3A_714, %dma_start3A_721, %dma_start3A_722] : memref<8x64x128xf32, #tpu.memory_space<vmem>> -> memref<1x32x128xf32, #tpu.memory_space<vmem>>
      %dma_start3A_724 = tpu.memref_squeeze %dma_start3A_723 : memref<1x32x128xf32, #tpu.memory_space<vmem>> -> memref<32x128xf32, #tpu.memory_space<vmem>>
      %dma_start3A_725 = arith.constant 32 : i32
      %dma_start3A_726 = tpu.memref_slice %arg3[%dma_start3A_725, %multiple_of3A_700] : memref<64x1000000xf32, #tpu.memory_space<hbm>> -> memref<32x128xf32, #tpu.memory_space<hbm>>
      tpu.enqueue_dma source(%dma_start3A_726 : memref<32x128xf32, #tpu.memory_space<hbm>>) target(%dma_start3A_724 : memref<32x128xf32, #tpu.memory_space<vmem>>) target_semaphore(%arg10 : memref<!tpu.dma_semaphore, #tpu.memory_space<semaphore_mem>>)
      %dma_wait3A_727 = arith.constant 2 : i32
      %dma_wait3A_728 = arith.constant 0 : i32
      %dma_wait3A_729 = arith.constant 0 : i32
      %dma_wait3A_730 = tpu.memref_slice %arg6[%dma_wait3A_727, %dma_wait3A_728, %dma_wait3A_729] : memref<8x64x128xf32, #tpu.memory_space<vmem>> -> memref<1x32x128xf32, #tpu.memory_space<vmem>>
      %dma_wait3A_731 = tpu.memref_squeeze %dma_wait3A_730 : memref<1x32x128xf32, #tpu.memory_space<vmem>> -> memref<32x128xf32, #tpu.memory_space<vmem>>
      %dma_wait3A_732 = arith.constant 0 : i32
      %dma_wait3A_733 = arith.constant 0 : i32
      %dma_wait3A_734 = tpu.memref_slice %arg3[%dma_wait3A_732, %dma_wait3A_733] : memref<64x1000000xf32, #tpu.memory_space<hbm>> -> memref<32x128xf32, #tpu.memory_space<hbm>>
      %dma_wait3A_735 = arith.constant 0 : i32
      %dma_wait3A_736 = arith.constant 0 : i32
      %dma_wait3A_737 = tpu.memref_slice %arg6[%dma_wait3A_727, %dma_wait3A_735, %dma_wait3A_736] : memref<8x64x128xf32, #tpu.memory_space<vmem>> -> memref<1x32x128xf32, #tpu.memory_space<vmem>>
      %dma_wait3A_738 = tpu.memref_squeeze %dma_wait3A_737 : memref<1x32x128xf32, #tpu.memory_space<vmem>> -> memref<32x128xf32, #tpu.memory_space<vmem>>
      %dma_wait3A_739 = arith.constant 0 : i32
      %dma_wait3A_740 = arith.constant 0 : i32
      %dma_wait3A_741 = tpu.memref_slice %arg3[%dma_wait3A_739, %dma_wait3A_740] : memref<64x1000000xf32, #tpu.memory_space<hbm>> -> memref<32x128xf32, #tpu.memory_space<hbm>>
      tpu.wait_dma2 semaphore(%arg11 : memref<!tpu.dma_semaphore, #tpu.memory_space<semaphore_mem>>) src(%dma_wait3A_741 : memref<32x128xf32, #tpu.memory_space<hbm>>) dst(%dma_wait3A_738 : memref<32x128xf32, #tpu.memory_space<vmem>>)
      %dma_wait3A_742 = arith.constant 2 : i32
      %dma_wait3A_743 = arith.constant 32 : i32
      %dma_wait3A_744 = arith.constant 0 : i32
      %dma_wait3A_745 = tpu.memref_slice %arg6[%dma_wait3A_742, %dma_wait3A_743, %dma_wait3A_744] : memref<8x64x128xf32, #tpu.memory_space<vmem>> -> memref<1x32x128xf32, #tpu.memory_space<vmem>>
      %dma_wait3A_746 = tpu.memref_squeeze %dma_wait3A_745 : memref<1x32x128xf32, #tpu.memory_space<vmem>> -> memref<32x128xf32, #tpu.memory_space<vmem>>
      %dma_wait3A_747 = arith.constant 0 : i32
      %dma_wait3A_748 = arith.constant 0 : i32
      %dma_wait3A_749 = tpu.memref_slice %arg3[%dma_wait3A_747, %dma_wait3A_748] : memref<64x1000000xf32, #tpu.memory_space<hbm>> -> memref<32x128xf32, #tpu.memory_space<hbm>>
      %dma_wait3A_750 = arith.constant 32 : i32
      %dma_wait3A_751 = arith.constant 0 : i32
      %dma_wait3A_752 = tpu.memref_slice %arg6[%dma_wait3A_742, %dma_wait3A_750, %dma_wait3A_751] : memref<8x64x128xf32, #tpu.memory_space<vmem>> -> memref<1x32x128xf32, #tpu.memory_space<vmem>>
      %dma_wait3A_753 = tpu.memref_squeeze %dma_wait3A_752 : memref<1x32x128xf32, #tpu.memory_space<vmem>> -> memref<32x128xf32, #tpu.memory_space<vmem>>
      %dma_wait3A_754 = arith.constant 0 : i32
      %dma_wait3A_755 = arith.constant 0 : i32
      %dma_wait3A_756 = tpu.memref_slice %arg3[%dma_wait3A_754, %dma_wait3A_755] : memref<64x1000000xf32, #tpu.memory_space<hbm>> -> memref<32x128xf32, #tpu.memory_space<hbm>>
      tpu.wait_dma2 semaphore(%arg11 : memref<!tpu.dma_semaphore, #tpu.memory_space<semaphore_mem>>) src(%dma_wait3A_756 : memref<32x128xf32, #tpu.memory_space<hbm>>) dst(%dma_wait3A_753 : memref<32x128xf32, #tpu.memory_space<vmem>>)
      %slice3A_757 = vector.extract_strided_slice %scan3A_498 {offsets = [2], sizes = [1], strides = [1]} : vector<16xi32> to vector<1xi32>
      %squeeze3A_758 = vector.extract %slice3A_757[0] : i32 from vector<1xi32>
      %broadcast_in_dim3A_759 = vector.broadcast %squeeze3A_758 : i32 to vector<16xi32>
      %mul3A_760 = arith.constant 16 : i32
      %mul3A_761 = arith.muli %scan3A_496, %mul3A_760 : i32
      %add3A_762 = arith.constant 2 : i32
      %add3A_763 = arith.addi %mul3A_761, %add3A_762 : i32
      %broadcast_in_dim3A_764 = vector.broadcast %add3A_763 : i32 to vector<16xi32>
      %iota3A_765 = tpu.iota {dimensions = array<i32: 0>} : vector<16xi32>
      %add3A_766 = arith.constant 0 : i32
      %add3A_767 = vector.broadcast %add3A_766 : i32 to vector<16xi32>
      %add3A_768 = arith.addi %iota3A_765, %add3A_767 : vector<16xi32>
      %gather3A_769 = arith.constant 2 : i32
      %gather3A_770 = arith.constant 0 : i32
      %gather3A_771 = arith.constant 0 : i32
      %gather3A_772 = tpu.memref_slice %arg6[%gather3A_769, %gather3A_770, %gather3A_771] : memref<8x64x128xf32, #tpu.memory_space<vmem>> -> memref<1x64x128xf32, #tpu.memory_space<vmem>>
      %gather3A_773 = tpu.memref_squeeze %gather3A_772 : memref<1x64x128xf32, #tpu.memory_space<vmem>> -> memref<64x128xf32, #tpu.memory_space<vmem>>
      %gather3A_774 = tpu.vector_load_idx %gather3A_773[%add3A_768, %broadcast_in_dim3A_759] : memref<64x128xf32, #tpu.memory_space<vmem>>[vector<16xi32>, vector<16xi32>], vector<16xf32>,
      tpu.vector_store_idx %arg7[%add3A_768, %broadcast_in_dim3A_764], %gather3A_774 : memref<64x512xf32, #tpu.memory_space<vmem>>[vector<16xi32>, vector<16xi32>], vector<16xf32>,
      %iota3A_775 = tpu.iota {dimensions = array<i32: 0>} : vector<16xi32>
      %add3A_776 = arith.constant 16 : i32
      %add3A_777 = vector.broadcast %add3A_776 : i32 to vector<16xi32>
      %add3A_778 = arith.addi %iota3A_775, %add3A_777 : vector<16xi32>
      %gather3A_779 = arith.constant 2 : i32
      %gather3A_780 = arith.constant 0 : i32
      %gather3A_781 = arith.constant 0 : i32
      %gather3A_782 = tpu.memref_slice %arg6[%gather3A_779, %gather3A_780, %gather3A_781] : memref<8x64x128xf32, #tpu.memory_space<vmem>> -> memref<1x64x128xf32, #tpu.memory_space<vmem>>
      %gather3A_783 = tpu.memref_squeeze %gather3A_782 : memref<1x64x128xf32, #tpu.memory_space<vmem>> -> memref<64x128xf32, #tpu.memory_space<vmem>>
      %gather3A_784 = tpu.vector_load_idx %gather3A_783[%add3A_778, %broadcast_in_dim3A_759] : memref<64x128xf32, #tpu.memory_space<vmem>>[vector<16xi32>, vector<16xi32>], vector<16xf32>,
      tpu.vector_store_idx %arg7[%add3A_778, %broadcast_in_dim3A_764], %gather3A_784 : memref<64x512xf32, #tpu.memory_space<vmem>>[vector<16xi32>, vector<16xi32>], vector<16xf32>,
      %iota3A_785 = tpu.iota {dimensions = array<i32: 0>} : vector<16xi32>
      %add3A_786 = arith.constant 32 : i32
      %add3A_787 = vector.broadcast %add3A_786 : i32 to vector<16xi32>
      %add3A_788 = arith.addi %iota3A_785, %add3A_787 : vector<16xi32>
      %gather3A_789 = arith.constant 2 : i32
      %gather3A_790 = arith.constant 0 : i32
      %gather3A_791 = arith.constant 0 : i32
      %gather3A_792 = tpu.memref_slice %arg6[%gather3A_789, %gather3A_790, %gather3A_791] : memref<8x64x128xf32, #tpu.memory_space<vmem>> -> memref<1x64x128xf32, #tpu.memory_space<vmem>>
      %gather3A_793 = tpu.memref_squeeze %gather3A_792 : memref<1x64x128xf32, #tpu.memory_space<vmem>> -> memref<64x128xf32, #tpu.memory_space<vmem>>
      %gather3A_794 = tpu.vector_load_idx %gather3A_793[%add3A_788, %broadcast_in_dim3A_759] : memref<64x128xf32, #tpu.memory_space<vmem>>[vector<16xi32>, vector<16xi32>], vector<16xf32>,
      tpu.vector_store_idx %arg7[%add3A_788, %broadcast_in_dim3A_764], %gather3A_794 : memref<64x512xf32, #tpu.memory_space<vmem>>[vector<16xi32>, vector<16xi32>], vector<16xf32>,
      %iota3A_795 = tpu.iota {dimensions = array<i32: 0>} : vector<16xi32>
      %add3A_796 = arith.constant 48 : i32
      %add3A_797 = vector.broadcast %add3A_796 : i32 to vector<16xi32>
      %add3A_798 = arith.addi %iota3A_795, %add3A_797 : vector<16xi32>
      %gather3A_799 = arith.constant 2 : i32
      %gather3A_800 = arith.constant 0 : i32
      %gather3A_801 = arith.constant 0 : i32
      %gather3A_802 = tpu.memref_slice %arg6[%gather3A_799, %gather3A_800, %gather3A_801] : memref<8x64x128xf32, #tpu.memory_space<vmem>> -> memref<1x64x128xf32, #tpu.memory_space<vmem>>
      %gather3A_803 = tpu.memref_squeeze %gather3A_802 : memref<1x64x128xf32, #tpu.memory_space<vmem>> -> memref<64x128xf32, #tpu.memory_space<vmem>>
      %gather3A_804 = tpu.vector_load_idx %gather3A_803[%add3A_798, %broadcast_in_dim3A_759] : memref<64x128xf32, #tpu.memory_space<vmem>>[vector<16xi32>, vector<16xi32>], vector<16xf32>,
      tpu.vector_store_idx %arg7[%add3A_798, %broadcast_in_dim3A_764], %gather3A_804 : memref<64x512xf32, #tpu.memory_space<vmem>>[vector<16xi32>, vector<16xi32>], vector<16xf32>,
      %slice3A_805 = vector.extract_strided_slice %scan3A_497 {offsets = [10], sizes = [1], strides = [1]} : vector<16xi32> to vector<1xi32>
      %squeeze3A_806 = vector.extract %slice3A_805[0] : i32 from vector<1xi32>
      %mul3A_807 = arith.constant 128 : i32
      %mul3A_808 = arith.muli %squeeze3A_806, %mul3A_807 : i32
      %multiple_of3A_809 = tpu.assume_multiple %mul3A_808, 128 : i32
      %dma_start3A_810 = arith.constant 2 : i32
      %dma_start3A_811 = arith.constant 0 : i32
      %dma_start3A_812 = arith.constant 0 : i32
      %dma_start3A_813 = tpu.memref_slice %arg6[%dma_start3A_810, %dma_start3A_811, %dma_start3A_812] : memref<8x64x128xf32, #tpu.memory_space<vmem>> -> memref<1x32x128xf32, #tpu.memory_space<vmem>>
      %dma_start3A_814 = tpu.memref_squeeze %dma_start3A_813 : memref<1x32x128xf32, #tpu.memory_space<vmem>> -> memref<32x128xf32, #tpu.memory_space<vmem>>
      %dma_start3A_815 = arith.constant 0 : i32
      %dma_start3A_816 = tpu.memref_slice %arg3[%dma_start3A_815, %multiple_of3A_809] : memref<64x1000000xf32, #tpu.memory_space<hbm>> -> memref<32x128xf32, #tpu.memory_space<hbm>>
      %dma_start3A_817 = arith.constant 0 : i32
      %dma_start3A_818 = arith.constant 0 : i32
      %dma_start3A_819 = tpu.memref_slice %arg6[%dma_start3A_810, %dma_start3A_817, %dma_start3A_818] : memref<8x64x128xf32, #tpu.memory_space<vmem>> -> memref<1x32x128xf32, #tpu.memory_space<vmem>>
      %dma_start3A_820 = tpu.memref_squeeze %dma_start3A_819 : memref<1x32x128xf32, #tpu.memory_space<vmem>> -> memref<32x128xf32, #tpu.memory_space<vmem>>
      %dma_start3A_821 = arith.constant 0 : i32
      %dma_start3A_822 = tpu.memref_slice %arg3[%dma_start3A_821, %multiple_of3A_809] : memref<64x1000000xf32, #tpu.memory_space<hbm>> -> memref<32x128xf32, #tpu.memory_space<hbm>>
      tpu.enqueue_dma source(%dma_start3A_822 : memref<32x128xf32, #tpu.memory_space<hbm>>) target(%dma_start3A_820 : memref<32x128xf32, #tpu.memory_space<vmem>>) target_semaphore(%arg11 : memref<!tpu.dma_semaphore, #tpu.memory_space<semaphore_mem>>)
      %dma_start3A_823 = arith.constant 2 : i32
      %dma_start3A_824 = arith.constant 32 : i32
      %dma_start3A_825 = arith.constant 0 : i32
      %dma_start3A_826 = tpu.memref_slice %arg6[%dma_start3A_823, %dma_start3A_824, %dma_start3A_825] : memref<8x64x128xf32, #tpu.memory_space<vmem>> -> memref<1x32x128xf32, #tpu.memory_space<vmem>>
      %dma_start3A_827 = tpu.memref_squeeze %dma_start3A_826 : memref<1x32x128xf32, #tpu.memory_space<vmem>> -> memref<32x128xf32, #tpu.memory_space<vmem>>
      %dma_start3A_828 = arith.constant 32 : i32
      %dma_start3A_829 = tpu.memref_slice %arg3[%dma_start3A_828, %multiple_of3A_809] : memref<64x1000000xf32, #tpu.memory_space<hbm>> -> memref<32x128xf32, #tpu.memory_space<hbm>>
      %dma_start3A_830 = arith.constant 32 : i32
      %dma_start3A_831 = arith.constant 0 : i32
      %dma_start3A_832 = tpu.memref_slice %arg6[%dma_start3A_823, %dma_start3A_830, %dma_start3A_831] : memref<8x64x128xf32, #tpu.memory_space<vmem>> -> memref<1x32x128xf32, #tpu.memory_space<vmem>>
      %dma_start3A_833 = tpu.memref_squeeze %dma_start3A_832 : memref<1x32x128xf32, #tpu.memory_space<vmem>> -> memref<32x128xf32, #tpu.memory_space<vmem>>
      %dma_start3A_834 = arith.constant 32 : i32
      %dma_start3A_835 = tpu.memref_slice %arg3[%dma_start3A_834, %multiple_of3A_809] : memref<64x1000000xf32, #tpu.memory_space<hbm>> -> memref<32x128xf32, #tpu.memory_space<hbm>>
      tpu.enqueue_dma source(%dma_start3A_835 : memref<32x128xf32, #tpu.memory_space<hbm>>) target(%dma_start3A_833 : memref<32x128xf32, #tpu.memory_space<vmem>>) target_semaphore(%arg11 : memref<!tpu.dma_semaphore, #tpu.memory_space<semaphore_mem>>)
      %dma_wait3A_836 = arith.constant 3 : i32
      %dma_wait3A_837 = arith.constant 0 : i32
      %dma_wait3A_838 = arith.constant 0 : i32
      %dma_wait3A_839 = tpu.memref_slice %arg6[%dma_wait3A_836, %dma_wait3A_837, %dma_wait3A_838] : memref<8x64x128xf32, #tpu.memory_space<vmem>> -> memref<1x32x128xf32, #tpu.memory_space<vmem>>
      %dma_wait3A_840 = tpu.memref_squeeze %dma_wait3A_839 : memref<1x32x128xf32, #tpu.memory_space<vmem>> -> memref<32x128xf32, #tpu.memory_space<vmem>>
      %dma_wait3A_841 = arith.constant 0 : i32
      %dma_wait3A_842 = arith.constant 0 : i32
      %dma_wait3A_843 = tpu.memref_slice %arg3[%dma_wait3A_841, %dma_wait3A_842] : memref<64x1000000xf32, #tpu.memory_space<hbm>> -> memref<32x128xf32, #tpu.memory_space<hbm>>
      %dma_wait3A_844 = arith.constant 0 : i32
      %dma_wait3A_845 = arith.constant 0 : i32
      %dma_wait3A_846 = tpu.memref_slice %arg6[%dma_wait3A_836, %dma_wait3A_844, %dma_wait3A_845] : memref<8x64x128xf32, #tpu.memory_space<vmem>> -> memref<1x32x128xf32, #tpu.memory_space<vmem>>
      %dma_wait3A_847 = tpu.memref_squeeze %dma_wait3A_846 : memref<1x32x128xf32, #tpu.memory_space<vmem>> -> memref<32x128xf32, #tpu.memory_space<vmem>>
      %dma_wait3A_848 = arith.constant 0 : i32
      %dma_wait3A_849 = arith.constant 0 : i32
      %dma_wait3A_850 = tpu.memref_slice %arg3[%dma_wait3A_848, %dma_wait3A_849] : memref<64x1000000xf32, #tpu.memory_space<hbm>> -> memref<32x128xf32, #tpu.memory_space<hbm>>
      tpu.wait_dma2 semaphore(%arg12 : memref<!tpu.dma_semaphore, #tpu.memory_space<semaphore_mem>>) src(%dma_wait3A_850 : memref<32x128xf32, #tpu.memory_space<hbm>>) dst(%dma_wait3A_847 : memref<32x128xf32, #tpu.memory_space<vmem>>)
      %dma_wait3A_851 = arith.constant 3 : i32
      %dma_wait3A_852 = arith.constant 32 : i32
      %dma_wait3A_853 = arith.constant 0 : i32
      %dma_wait3A_854 = tpu.memref_slice %arg6[%dma_wait3A_851, %dma_wait3A_852, %dma_wait3A_853] : memref<8x64x128xf32, #tpu.memory_space<vmem>> -> memref<1x32x128xf32, #tpu.memory_space<vmem>>
      %dma_wait3A_855 = tpu.memref_squeeze %dma_wait3A_854 : memref<1x32x128xf32, #tpu.memory_space<vmem>> -> memref<32x128xf32, #tpu.memory_space<vmem>>
      %dma_wait3A_856 = arith.constant 0 : i32
      %dma_wait3A_857 = arith.constant 0 : i32
      %dma_wait3A_858 = tpu.memref_slice %arg3[%dma_wait3A_856, %dma_wait3A_857] : memref<64x1000000xf32, #tpu.memory_space<hbm>> -> memref<32x128xf32, #tpu.memory_space<hbm>>
      %dma_wait3A_859 = arith.constant 32 : i32
      %dma_wait3A_860 = arith.constant 0 : i32
      %dma_wait3A_861 = tpu.memref_slice %arg6[%dma_wait3A_851, %dma_wait3A_859, %dma_wait3A_860] : memref<8x64x128xf32, #tpu.memory_space<vmem>> -> memref<1x32x128xf32, #tpu.memory_space<vmem>>
      %dma_wait3A_862 = tpu.memref_squeeze %dma_wait3A_861 : memref<1x32x128xf32, #tpu.memory_space<vmem>> -> memref<32x128xf32, #tpu.memory_space<vmem>>
      %dma_wait3A_863 = arith.constant 0 : i32
      %dma_wait3A_864 = arith.constant 0 : i32
      %dma_wait3A_865 = tpu.memref_slice %arg3[%dma_wait3A_863, %dma_wait3A_864] : memref<64x1000000xf32, #tpu.memory_space<hbm>> -> memref<32x128xf32, #tpu.memory_space<hbm>>
      tpu.wait_dma2 semaphore(%arg12 : memref<!tpu.dma_semaphore, #tpu.memory_space<semaphore_mem>>) src(%dma_wait3A_865 : memref<32x128xf32, #tpu.memory_space<hbm>>) dst(%dma_wait3A_862 : memref<32x128xf32, #tpu.memory_space<vmem>>)
      %slice3A_866 = vector.extract_strided_slice %scan3A_498 {offsets = [3], sizes = [1], strides = [1]} : vector<16xi32> to vector<1xi32>
      %squeeze3A_867 = vector.extract %slice3A_866[0] : i32 from vector<1xi32>
      %broadcast_in_dim3A_868 = vector.broadcast %squeeze3A_867 : i32 to vector<16xi32>
      %mul3A_869 = arith.constant 16 : i32
      %mul3A_870 = arith.muli %scan3A_496, %mul3A_869 : i32
      %add3A_871 = arith.constant 3 : i32
      %add3A_872 = arith.addi %mul3A_870, %add3A_871 : i32
      %broadcast_in_dim3A_873 = vector.broadcast %add3A_872 : i32 to vector<16xi32>
      %iota3A_874 = tpu.iota {dimensions = array<i32: 0>} : vector<16xi32>
      %add3A_875 = arith.constant 0 : i32
      %add3A_876 = vector.broadcast %add3A_875 : i32 to vector<16xi32>
      %add3A_877 = arith.addi %iota3A_874, %add3A_876 : vector<16xi32>
      %gather3A_878 = arith.constant 3 : i32
      %gather3A_879 = arith.constant 0 : i32
      %gather3A_880 = arith.constant 0 : i32
      %gather3A_881 = tpu.memref_slice %arg6[%gather3A_878, %gather3A_879, %gather3A_880] : memref<8x64x128xf32, #tpu.memory_space<vmem>> -> memref<1x64x128xf32, #tpu.memory_space<vmem>>
      %gather3A_882 = tpu.memref_squeeze %gather3A_881 : memref<1x64x128xf32, #tpu.memory_space<vmem>> -> memref<64x128xf32, #tpu.memory_space<vmem>>
      %gather3A_883 = tpu.vector_load_idx %gather3A_882[%add3A_877, %broadcast_in_dim3A_868] : memref<64x128xf32, #tpu.memory_space<vmem>>[vector<16xi32>, vector<16xi32>], vector<16xf32>,
      tpu.vector_store_idx %arg7[%add3A_877, %broadcast_in_dim3A_873], %gather3A_883 : memref<64x512xf32, #tpu.memory_space<vmem>>[vector<16xi32>, vector<16xi32>], vector<16xf32>,
      %iota3A_884 = tpu.iota {dimensions = array<i32: 0>} : vector<16xi32>
      %add3A_885 = arith.constant 16 : i32
      %add3A_886 = vector.broadcast %add3A_885 : i32 to vector<16xi32>
      %add3A_887 = arith.addi %iota3A_884, %add3A_886 : vector<16xi32>
      %gather3A_888 = arith.constant 3 : i32
      %gather3A_889 = arith.constant 0 : i32
      %gather3A_890 = arith.constant 0 : i32
      %gather3A_891 = tpu.memref_slice %arg6[%gather3A_888, %gather3A_889, %gather3A_890] : memref<8x64x128xf32, #tpu.memory_space<vmem>> -> memref<1x64x128xf32, #tpu.memory_space<vmem>>
      %gather3A_892 = tpu.memref_squeeze %gather3A_891 : memref<1x64x128xf32, #tpu.memory_space<vmem>> -> memref<64x128xf32, #tpu.memory_space<vmem>>
      %gather3A_893 = tpu.vector_load_idx %gather3A_892[%add3A_887, %broadcast_in_dim3A_868] : memref<64x128xf32, #tpu.memory_space<vmem>>[vector<16xi32>, vector<16xi32>], vector<16xf32>,
      tpu.vector_store_idx %arg7[%add3A_887, %broadcast_in_dim3A_873], %gather3A_893 : memref<64x512xf32, #tpu.memory_space<vmem>>[vector<16xi32>, vector<16xi32>], vector<16xf32>,
      %iota3A_894 = tpu.iota {dimensions = array<i32: 0>} : vector<16xi32>
      %add3A_895 = arith.constant 32 : i32
      %add3A_896 = vector.broadcast %add3A_895 : i32 to vector<16xi32>
      %add3A_897 = arith.addi %iota3A_894, %add3A_896 : vector<16xi32>
      %gather3A_898 = arith.constant 3 : i32
      %gather3A_899 = arith.constant 0 : i32
      %gather3A_900 = arith.constant 0 : i32
      %gather3A_901 = tpu.memref_slice %arg6[%gather3A_898, %gather3A_899, %gather3A_900] : memref<8x64x128xf32, #tpu.memory_space<vmem>> -> memref<1x64x128xf32, #tpu.memory_space<vmem>>
      %gather3A_902 = tpu.memref_squeeze %gather3A_901 : memref<1x64x128xf32, #tpu.memory_space<vmem>> -> memref<64x128xf32, #tpu.memory_space<vmem>>
      %gather3A_903 = tpu.vector_load_idx %gather3A_902[%add3A_897, %broadcast_in_dim3A_868] : memref<64x128xf32, #tpu.memory_space<vmem>>[vector<16xi32>, vector<16xi32>], vector<16xf32>,
      tpu.vector_store_idx %arg7[%add3A_897, %broadcast_in_dim3A_873], %gather3A_903 : memref<64x512xf32, #tpu.memory_space<vmem>>[vector<16xi32>, vector<16xi32>], vector<16xf32>,
      %iota3A_904 = tpu.iota {dimensions = array<i32: 0>} : vector<16xi32>
      %add3A_905 = arith.constant 48 : i32
      %add3A_906 = vector.broadcast %add3A_905 : i32 to vector<16xi32>
      %add3A_907 = arith.addi %iota3A_904, %add3A_906 : vector<16xi32>
      %gather3A_908 = arith.constant 3 : i32
      %gather3A_909 = arith.constant 0 : i32
      %gather3A_910 = arith.constant 0 : i32
      %gather3A_911 = tpu.memref_slice %arg6[%gather3A_908, %gather3A_909, %gather3A_910] : memref<8x64x128xf32, #tpu.memory_space<vmem>> -> memref<1x64x128xf32, #tpu.memory_space<vmem>>
      %gather3A_912 = tpu.memref_squeeze %gather3A_911 : memref<1x64x128xf32, #tpu.memory_space<vmem>> -> memref<64x128xf32, #tpu.memory_space<vmem>>
      %gather3A_913 = tpu.vector_load_idx %gather3A_912[%add3A_907, %broadcast_in_dim3A_868] : memref<64x128xf32, #tpu.memory_space<vmem>>[vector<16xi32>, vector<16xi32>], vector<16xf32>,
      tpu.vector_store_idx %arg7[%add3A_907, %broadcast_in_dim3A_873], %gather3A_913 : memref<64x512xf32, #tpu.memory_space<vmem>>[vector<16xi32>, vector<16xi32>], vector<16xf32>,
      %slice3A_914 = vector.extract_strided_slice %scan3A_497 {offsets = [11], sizes = [1], strides = [1]} : vector<16xi32> to vector<1xi32>
      %squeeze3A_915 = vector.extract %slice3A_914[0] : i32 from vector<1xi32>
      %mul3A_916 = arith.constant 128 : i32
      %mul3A_917 = arith.muli %squeeze3A_915, %mul3A_916 : i32
      %multiple_of3A_918 = tpu.assume_multiple %mul3A_917, 128 : i32
      %dma_start3A_919 = arith.constant 3 : i32
      %dma_start3A_920 = arith.constant 0 : i32
      %dma_start3A_921 = arith.constant 0 : i32
      %dma_start3A_922 = tpu.memref_slice %arg6[%dma_start3A_919, %dma_start3A_920, %dma_start3A_921] : memref<8x64x128xf32, #tpu.memory_space<vmem>> -> memref<1x32x128xf32, #tpu.memory_space<vmem>>
      %dma_start3A_923 = tpu.memref_squeeze %dma_start3A_922 : memref<1x32x128xf32, #tpu.memory_space<vmem>> -> memref<32x128xf32, #tpu.memory_space<vmem>>
      %dma_start3A_924 = arith.constant 0 : i32
      %dma_start3A_925 = tpu.memref_slice %arg3[%dma_start3A_924, %multiple_of3A_918] : memref<64x1000000xf32, #tpu.memory_space<hbm>> -> memref<32x128xf32, #tpu.memory_space<hbm>>
      %dma_start3A_926 = arith.constant 0 : i32
      %dma_start3A_927 = arith.constant 0 : i32
      %dma_start3A_928 = tpu.memref_slice %arg6[%dma_start3A_919, %dma_start3A_926, %dma_start3A_927] : memref<8x64x128xf32, #tpu.memory_space<vmem>> -> memref<1x32x128xf32, #tpu.memory_space<vmem>>
      %dma_start3A_929 = tpu.memref_squeeze %dma_start3A_928 : memref<1x32x128xf32, #tpu.memory_space<vmem>> -> memref<32x128xf32, #tpu.memory_space<vmem>>
      %dma_start3A_930 = arith.constant 0 : i32
      %dma_start3A_931 = tpu.memref_slice %arg3[%dma_start3A_930, %multiple_of3A_918] : memref<64x1000000xf32, #tpu.memory_space<hbm>> -> memref<32x128xf32, #tpu.memory_space<hbm>>
      tpu.enqueue_dma source(%dma_start3A_931 : memref<32x128xf32, #tpu.memory_space<hbm>>) target(%dma_start3A_929 : memref<32x128xf32, #tpu.memory_space<vmem>>) target_semaphore(%arg12 : memref<!tpu.dma_semaphore, #tpu.memory_space<semaphore_mem>>)
      %dma_start3A_932 = arith.constant 3 : i32
      %dma_start3A_933 = arith.constant 32 : i32
      %dma_start3A_934 = arith.constant 0 : i32
      %dma_start3A_935 = tpu.memref_slice %arg6[%dma_start3A_932, %dma_start3A_933, %dma_start3A_934] : memref<8x64x128xf32, #tpu.memory_space<vmem>> -> memref<1x32x128xf32, #tpu.memory_space<vmem>>
      %dma_start3A_936 = tpu.memref_squeeze %dma_start3A_935 : memref<1x32x128xf32, #tpu.memory_space<vmem>> -> memref<32x128xf32, #tpu.memory_space<vmem>>
      %dma_start3A_937 = arith.constant 32 : i32
      %dma_start3A_938 = tpu.memref_slice %arg3[%dma_start3A_937, %multiple_of3A_918] : memref<64x1000000xf32, #tpu.memory_space<hbm>> -> memref<32x128xf32, #tpu.memory_space<hbm>>
      %dma_start3A_939 = arith.constant 32 : i32
      %dma_start3A_940 = arith.constant 0 : i32
      %dma_start3A_941 = tpu.memref_slice %arg6[%dma_start3A_932, %dma_start3A_939, %dma_start3A_940] : memref<8x64x128xf32, #tpu.memory_space<vmem>> -> memref<1x32x128xf32, #tpu.memory_space<vmem>>
      %dma_start3A_942 = tpu.memref_squeeze %dma_start3A_941 : memref<1x32x128xf32, #tpu.memory_space<vmem>> -> memref<32x128xf32, #tpu.memory_space<vmem>>
      %dma_start3A_943 = arith.constant 32 : i32
      %dma_start3A_944 = tpu.memref_slice %arg3[%dma_start3A_943, %multiple_of3A_918] : memref<64x1000000xf32, #tpu.memory_space<hbm>> -> memref<32x128xf32, #tpu.memory_space<hbm>>
      tpu.enqueue_dma source(%dma_start3A_944 : memref<32x128xf32, #tpu.memory_space<hbm>>) target(%dma_start3A_942 : memref<32x128xf32, #tpu.memory_space<vmem>>) target_semaphore(%arg12 : memref<!tpu.dma_semaphore, #tpu.memory_space<semaphore_mem>>)
      %dma_wait3A_945 = arith.constant 4 : i32
      %dma_wait3A_946 = arith.constant 0 : i32
      %dma_wait3A_947 = arith.constant 0 : i32
      %dma_wait3A_948 = tpu.memref_slice %arg6[%dma_wait3A_945, %dma_wait3A_946, %dma_wait3A_947] : memref<8x64x128xf32, #tpu.memory_space<vmem>> -> memref<1x32x128xf32, #tpu.memory_space<vmem>>
      %dma_wait3A_949 = tpu.memref_squeeze %dma_wait3A_948 : memref<1x32x128xf32, #tpu.memory_space<vmem>> -> memref<32x128xf32, #tpu.memory_space<vmem>>
      %dma_wait3A_950 = arith.constant 0 : i32
      %dma_wait3A_951 = arith.constant 0 : i32
      %dma_wait3A_952 = tpu.memref_slice %arg3[%dma_wait3A_950, %dma_wait3A_951] : memref<64x1000000xf32, #tpu.memory_space<hbm>> -> memref<32x128xf32, #tpu.memory_space<hbm>>
      %dma_wait3A_953 = arith.constant 0 : i32
      %dma_wait3A_954 = arith.constant 0 : i32
      %dma_wait3A_955 = tpu.memref_slice %arg6[%dma_wait3A_945, %dma_wait3A_953, %dma_wait3A_954] : memref<8x64x128xf32, #tpu.memory_space<vmem>> -> memref<1x32x128xf32, #tpu.memory_space<vmem>>
      %dma_wait3A_956 = tpu.memref_squeeze %dma_wait3A_955 : memref<1x32x128xf32, #tpu.memory_space<vmem>> -> memref<32x128xf32, #tpu.memory_space<vmem>>
      %dma_wait3A_957 = arith.constant 0 : i32
      %dma_wait3A_958 = arith.constant 0 : i32
      %dma_wait3A_959 = tpu.memref_slice %arg3[%dma_wait3A_957, %dma_wait3A_958] : memref<64x1000000xf32, #tpu.memory_space<hbm>> -> memref<32x128xf32, #tpu.memory_space<hbm>>
      tpu.wait_dma2 semaphore(%arg13 : memref<!tpu.dma_semaphore, #tpu.memory_space<semaphore_mem>>) src(%dma_wait3A_959 : memref<32x128xf32, #tpu.memory_space<hbm>>) dst(%dma_wait3A_956 : memref<32x128xf32, #tpu.memory_space<vmem>>)
      %dma_wait3A_960 = arith.constant 4 : i32
      %dma_wait3A_961 = arith.constant 32 : i32
      %dma_wait3A_962 = arith.constant 0 : i32
      %dma_wait3A_963 = tpu.memref_slice %arg6[%dma_wait3A_960, %dma_wait3A_961, %dma_wait3A_962] : memref<8x64x128xf32, #tpu.memory_space<vmem>> -> memref<1x32x128xf32, #tpu.memory_space<vmem>>
      %dma_wait3A_964 = tpu.memref_squeeze %dma_wait3A_963 : memref<1x32x128xf32, #tpu.memory_space<vmem>> -> memref<32x128xf32, #tpu.memory_space<vmem>>
      %dma_wait3A_965 = arith.constant 0 : i32
      %dma_wait3A_966 = arith.constant 0 : i32
      %dma_wait3A_967 = tpu.memref_slice %arg3[%dma_wait3A_965, %dma_wait3A_966] : memref<64x1000000xf32, #tpu.memory_space<hbm>> -> memref<32x128xf32, #tpu.memory_space<hbm>>
      %dma_wait3A_968 = arith.constant 32 : i32
      %dma_wait3A_969 = arith.constant 0 : i32
      %dma_wait3A_970 = tpu.memref_slice %arg6[%dma_wait3A_960, %dma_wait3A_968, %dma_wait3A_969] : memref<8x64x128xf32, #tpu.memory_space<vmem>> -> memref<1x32x128xf32, #tpu.memory_space<vmem>>
      %dma_wait3A_971 = tpu.memref_squeeze %dma_wait3A_970 : memref<1x32x128xf32, #tpu.memory_space<vmem>> -> memref<32x128xf32, #tpu.memory_space<vmem>>
      %dma_wait3A_972 = arith.constant 0 : i32
      %dma_wait3A_973 = arith.constant 0 : i32
      %dma_wait3A_974 = tpu.memref_slice %arg3[%dma_wait3A_972, %dma_wait3A_973] : memref<64x1000000xf32, #tpu.memory_space<hbm>> -> memref<32x128xf32, #tpu.memory_space<hbm>>
      tpu.wait_dma2 semaphore(%arg13 : memref<!tpu.dma_semaphore, #tpu.memory_space<semaphore_mem>>) src(%dma_wait3A_974 : memref<32x128xf32, #tpu.memory_space<hbm>>) dst(%dma_wait3A_971 : memref<32x128xf32, #tpu.memory_space<vmem>>)
      %slice3A_975 = vector.extract_strided_slice %scan3A_498 {offsets = [4], sizes = [1], strides = [1]} : vector<16xi32> to vector<1xi32>
      %squeeze3A_976 = vector.extract %slice3A_975[0] : i32 from vector<1xi32>
      %broadcast_in_dim3A_977 = vector.broadcast %squeeze3A_976 : i32 to vector<16xi32>
      %mul3A_978 = arith.constant 16 : i32
      %mul3A_979 = arith.muli %scan3A_496, %mul3A_978 : i32
      %add3A_980 = arith.constant 4 : i32
      %add3A_981 = arith.addi %mul3A_979, %add3A_980 : i32
      %broadcast_in_dim3A_982 = vector.broadcast %add3A_981 : i32 to vector<16xi32>
      %iota3A_983 = tpu.iota {dimensions = array<i32: 0>} : vector<16xi32>
      %add3A_984 = arith.constant 0 : i32
      %add3A_985 = vector.broadcast %add3A_984 : i32 to vector<16xi32>
      %add3A_986 = arith.addi %iota3A_983, %add3A_985 : vector<16xi32>
      %gather3A_987 = arith.constant 4 : i32
      %gather3A_988 = arith.constant 0 : i32
      %gather3A_989 = arith.constant 0 : i32
      %gather3A_990 = tpu.memref_slice %arg6[%gather3A_987, %gather3A_988, %gather3A_989] : memref<8x64x128xf32, #tpu.memory_space<vmem>> -> memref<1x64x128xf32, #tpu.memory_space<vmem>>
      %gather3A_991 = tpu.memref_squeeze %gather3A_990 : memref<1x64x128xf32, #tpu.memory_space<vmem>> -> memref<64x128xf32, #tpu.memory_space<vmem>>
      %gather3A_992 = tpu.vector_load_idx %gather3A_991[%add3A_986, %broadcast_in_dim3A_977] : memref<64x128xf32, #tpu.memory_space<vmem>>[vector<16xi32>, vector<16xi32>], vector<16xf32>,
      tpu.vector_store_idx %arg7[%add3A_986, %broadcast_in_dim3A_982], %gather3A_992 : memref<64x512xf32, #tpu.memory_space<vmem>>[vector<16xi32>, vector<16xi32>], vector<16xf32>,
      %iota3A_993 = tpu.iota {dimensions = array<i32: 0>} : vector<16xi32>
      %add3A_994 = arith.constant 16 : i32
      %add3A_995 = vector.broadcast %add3A_994 : i32 to vector<16xi32>
      %add3A_996 = arith.addi %iota3A_993, %add3A_995 : vector<16xi32>
      %gather3A_997 = arith.constant 4 : i32
      %gather3A_998 = arith.constant 0 : i32
      %gather3A_999 = arith.constant 0 : i32
      %gather3A_1000 = tpu.memref_slice %arg6[%gather3A_997, %gather3A_998, %gather3A_999] : memref<8x64x128xf32, #tpu.memory_space<vmem>> -> memref<1x64x128xf32, #tpu.memory_space<vmem>>
      %gather3A_1001 = tpu.memref_squeeze %gather3A_1000 : memref<1x64x128xf32, #tpu.memory_space<vmem>> -> memref<64x128xf32, #tpu.memory_space<vmem>>
      %gather3A_1002 = tpu.vector_load_idx %gather3A_1001[%add3A_996, %broadcast_in_dim3A_977] : memref<64x128xf32, #tpu.memory_space<vmem>>[vector<16xi32>, vector<16xi32>], vector<16xf32>,
      tpu.vector_store_idx %arg7[%add3A_996, %broadcast_in_dim3A_982], %gather3A_1002 : memref<64x512xf32, #tpu.memory_space<vmem>>[vector<16xi32>, vector<16xi32>], vector<16xf32>,
      %iota3A_1003 = tpu.iota {dimensions = array<i32: 0>} : vector<16xi32>
      %add3A_1004 = arith.constant 32 : i32
      %add3A_1005 = vector.broadcast %add3A_1004 : i32 to vector<16xi32>
      %add3A_1006 = arith.addi %iota3A_1003, %add3A_1005 : vector<16xi32>
      %gather3A_1007 = arith.constant 4 : i32
      %gather3A_1008 = arith.constant 0 : i32
      %gather3A_1009 = arith.constant 0 : i32
      %gather3A_1010 = tpu.memref_slice %arg6[%gather3A_1007, %gather3A_1008, %gather3A_1009] : memref<8x64x128xf32, #tpu.memory_space<vmem>> -> memref<1x64x128xf32, #tpu.memory_space<vmem>>
      %gather3A_1011 = tpu.memref_squeeze %gather3A_1010 : memref<1x64x128xf32, #tpu.memory_space<vmem>> -> memref<64x128xf32, #tpu.memory_space<vmem>>
      %gather3A_1012 = tpu.vector_load_idx %gather3A_1011[%add3A_1006, %broadcast_in_dim3A_977] : memref<64x128xf32, #tpu.memory_space<vmem>>[vector<16xi32>, vector<16xi32>], vector<16xf32>,
      tpu.vector_store_idx %arg7[%add3A_1006, %broadcast_in_dim3A_982], %gather3A_1012 : memref<64x512xf32, #tpu.memory_space<vmem>>[vector<16xi32>, vector<16xi32>], vector<16xf32>,
      %iota3A_1013 = tpu.iota {dimensions = array<i32: 0>} : vector<16xi32>
      %add3A_1014 = arith.constant 48 : i32
      %add3A_1015 = vector.broadcast %add3A_1014 : i32 to vector<16xi32>
      %add3A_1016 = arith.addi %iota3A_1013, %add3A_1015 : vector<16xi32>
      %gather3A_1017 = arith.constant 4 : i32
      %gather3A_1018 = arith.constant 0 : i32
      %gather3A_1019 = arith.constant 0 : i32
      %gather3A_1020 = tpu.memref_slice %arg6[%gather3A_1017, %gather3A_1018, %gather3A_1019] : memref<8x64x128xf32, #tpu.memory_space<vmem>> -> memref<1x64x128xf32, #tpu.memory_space<vmem>>
      %gather3A_1021 = tpu.memref_squeeze %gather3A_1020 : memref<1x64x128xf32, #tpu.memory_space<vmem>> -> memref<64x128xf32, #tpu.memory_space<vmem>>
      %gather3A_1022 = tpu.vector_load_idx %gather3A_1021[%add3A_1016, %broadcast_in_dim3A_977] : memref<64x128xf32, #tpu.memory_space<vmem>>[vector<16xi32>, vector<16xi32>], vector<16xf32>,
      tpu.vector_store_idx %arg7[%add3A_1016, %broadcast_in_dim3A_982], %gather3A_1022 : memref<64x512xf32, #tpu.memory_space<vmem>>[vector<16xi32>, vector<16xi32>], vector<16xf32>,
      %slice3A_1023 = vector.extract_strided_slice %scan3A_497 {offsets = [12], sizes = [1], strides = [1]} : vector<16xi32> to vector<1xi32>
      %squeeze3A_1024 = vector.extract %slice3A_1023[0] : i32 from vector<1xi32>
      %mul3A_1025 = arith.constant 128 : i32
      %mul3A_1026 = arith.muli %squeeze3A_1024, %mul3A_1025 : i32
      %multiple_of3A_1027 = tpu.assume_multiple %mul3A_1026, 128 : i32
      %dma_start3A_1028 = arith.constant 4 : i32
      %dma_start3A_1029 = arith.constant 0 : i32
      %dma_start3A_1030 = arith.constant 0 : i32
      %dma_start3A_1031 = tpu.memref_slice %arg6[%dma_start3A_1028, %dma_start3A_1029, %dma_start3A_1030] : memref<8x64x128xf32, #tpu.memory_space<vmem>> -> memref<1x32x128xf32, #tpu.memory_space<vmem>>
      %dma_start3A_1032 = tpu.memref_squeeze %dma_start3A_1031 : memref<1x32x128xf32, #tpu.memory_space<vmem>> -> memref<32x128xf32, #tpu.memory_space<vmem>>
      %dma_start3A_1033 = arith.constant 0 : i32
      %dma_start3A_1034 = tpu.memref_slice %arg3[%dma_start3A_1033, %multiple_of3A_1027] : memref<64x1000000xf32, #tpu.memory_space<hbm>> -> memref<32x128xf32, #tpu.memory_space<hbm>>
      %dma_start3A_1035 = arith.constant 0 : i32
      %dma_start3A_1036 = arith.constant 0 : i32
      %dma_start3A_1037 = tpu.memref_slice %arg6[%dma_start3A_1028, %dma_start3A_1035, %dma_start3A_1036] : memref<8x64x128xf32, #tpu.memory_space<vmem>> -> memref<1x32x128xf32, #tpu.memory_space<vmem>>
      %dma_start3A_1038 = tpu.memref_squeeze %dma_start3A_1037 : memref<1x32x128xf32, #tpu.memory_space<vmem>> -> memref<32x128xf32, #tpu.memory_space<vmem>>
      %dma_start3A_1039 = arith.constant 0 : i32
      %dma_start3A_1040 = tpu.memref_slice %arg3[%dma_start3A_1039, %multiple_of3A_1027] : memref<64x1000000xf32, #tpu.memory_space<hbm>> -> memref<32x128xf32, #tpu.memory_space<hbm>>
      tpu.enqueue_dma source(%dma_start3A_1040 : memref<32x128xf32, #tpu.memory_space<hbm>>) target(%dma_start3A_1038 : memref<32x128xf32, #tpu.memory_space<vmem>>) target_semaphore(%arg13 : memref<!tpu.dma_semaphore, #tpu.memory_space<semaphore_mem>>)
      %dma_start3A_1041 = arith.constant 4 : i32
      %dma_start3A_1042 = arith.constant 32 : i32
      %dma_start3A_1043 = arith.constant 0 : i32
      %dma_start3A_1044 = tpu.memref_slice %arg6[%dma_start3A_1041, %dma_start3A_1042, %dma_start3A_1043] : memref<8x64x128xf32, #tpu.memory_space<vmem>> -> memref<1x32x128xf32, #tpu.memory_space<vmem>>
      %dma_start3A_1045 = tpu.memref_squeeze %dma_start3A_1044 : memref<1x32x128xf32, #tpu.memory_space<vmem>> -> memref<32x128xf32, #tpu.memory_space<vmem>>
      %dma_start3A_1046 = arith.constant 32 : i32
      %dma_start3A_1047 = tpu.memref_slice %arg3[%dma_start3A_1046, %multiple_of3A_1027] : memref<64x1000000xf32, #tpu.memory_space<hbm>> -> memref<32x128xf32, #tpu.memory_space<hbm>>
      %dma_start3A_1048 = arith.constant 32 : i32
      %dma_start3A_1049 = arith.constant 0 : i32
      %dma_start3A_1050 = tpu.memref_slice %arg6[%dma_start3A_1041, %dma_start3A_1048, %dma_start3A_1049] : memref<8x64x128xf32, #tpu.memory_space<vmem>> -> memref<1x32x128xf32, #tpu.memory_space<vmem>>
      %dma_start3A_1051 = tpu.memref_squeeze %dma_start3A_1050 : memref<1x32x128xf32, #tpu.memory_space<vmem>> -> memref<32x128xf32, #tpu.memory_space<vmem>>
      %dma_start3A_1052 = arith.constant 32 : i32
      %dma_start3A_1053 = tpu.memref_slice %arg3[%dma_start3A_1052, %multiple_of3A_1027] : memref<64x1000000xf32, #tpu.memory_space<hbm>> -> memref<32x128xf32, #tpu.memory_space<hbm>>
      tpu.enqueue_dma source(%dma_start3A_1053 : memref<32x128xf32, #tpu.memory_space<hbm>>) target(%dma_start3A_1051 : memref<32x128xf32, #tpu.memory_space<vmem>>) target_semaphore(%arg13 : memref<!tpu.dma_semaphore, #tpu.memory_space<semaphore_mem>>)
      %dma_wait3A_1054 = arith.constant 5 : i32
      %dma_wait3A_1055 = arith.constant 0 : i32
      %dma_wait3A_1056 = arith.constant 0 : i32
      %dma_wait3A_1057 = tpu.memref_slice %arg6[%dma_wait3A_1054, %dma_wait3A_1055, %dma_wait3A_1056] : memref<8x64x128xf32, #tpu.memory_space<vmem>> -> memref<1x32x128xf32, #tpu.memory_space<vmem>>
      %dma_wait3A_1058 = tpu.memref_squeeze %dma_wait3A_1057 : memref<1x32x128xf32, #tpu.memory_space<vmem>> -> memref<32x128xf32, #tpu.memory_space<vmem>>
      %dma_wait3A_1059 = arith.constant 0 : i32
      %dma_wait3A_1060 = arith.constant 0 : i32
      %dma_wait3A_1061 = tpu.memref_slice %arg3[%dma_wait3A_1059, %dma_wait3A_1060] : memref<64x1000000xf32, #tpu.memory_space<hbm>> -> memref<32x128xf32, #tpu.memory_space<hbm>>
      %dma_wait3A_1062 = arith.constant 0 : i32
      %dma_wait3A_1063 = arith.constant 0 : i32
      %dma_wait3A_1064 = tpu.memref_slice %arg6[%dma_wait3A_1054, %dma_wait3A_1062, %dma_wait3A_1063] : memref<8x64x128xf32, #tpu.memory_space<vmem>> -> memref<1x32x128xf32, #tpu.memory_space<vmem>>
      %dma_wait3A_1065 = tpu.memref_squeeze %dma_wait3A_1064 : memref<1x32x128xf32, #tpu.memory_space<vmem>> -> memref<32x128xf32, #tpu.memory_space<vmem>>
      %dma_wait3A_1066 = arith.constant 0 : i32
      %dma_wait3A_1067 = arith.constant 0 : i32
      %dma_wait3A_1068 = tpu.memref_slice %arg3[%dma_wait3A_1066, %dma_wait3A_1067] : memref<64x1000000xf32, #tpu.memory_space<hbm>> -> memref<32x128xf32, #tpu.memory_space<hbm>>
      tpu.wait_dma2 semaphore(%arg14 : memref<!tpu.dma_semaphore, #tpu.memory_space<semaphore_mem>>) src(%dma_wait3A_1068 : memref<32x128xf32, #tpu.memory_space<hbm>>) dst(%dma_wait3A_1065 : memref<32x128xf32, #tpu.memory_space<vmem>>)
      %dma_wait3A_1069 = arith.constant 5 : i32
      %dma_wait3A_1070 = arith.constant 32 : i32
      %dma_wait3A_1071 = arith.constant 0 : i32
      %dma_wait3A_1072 = tpu.memref_slice %arg6[%dma_wait3A_1069, %dma_wait3A_1070, %dma_wait3A_1071] : memref<8x64x128xf32, #tpu.memory_space<vmem>> -> memref<1x32x128xf32, #tpu.memory_space<vmem>>
      %dma_wait3A_1073 = tpu.memref_squeeze %dma_wait3A_1072 : memref<1x32x128xf32, #tpu.memory_space<vmem>> -> memref<32x128xf32, #tpu.memory_space<vmem>>
      %dma_wait3A_1074 = arith.constant 0 : i32
      %dma_wait3A_1075 = arith.constant 0 : i32
      %dma_wait3A_1076 = tpu.memref_slice %arg3[%dma_wait3A_1074, %dma_wait3A_1075] : memref<64x1000000xf32, #tpu.memory_space<hbm>> -> memref<32x128xf32, #tpu.memory_space<hbm>>
      %dma_wait3A_1077 = arith.constant 32 : i32
      %dma_wait3A_1078 = arith.constant 0 : i32
      %dma_wait3A_1079 = tpu.memref_slice %arg6[%dma_wait3A_1069, %dma_wait3A_1077, %dma_wait3A_1078] : memref<8x64x128xf32, #tpu.memory_space<vmem>> -> memref<1x32x128xf32, #tpu.memory_space<vmem>>
      %dma_wait3A_1080 = tpu.memref_squeeze %dma_wait3A_1079 : memref<1x32x128xf32, #tpu.memory_space<vmem>> -> memref<32x128xf32, #tpu.memory_space<vmem>>
      %dma_wait3A_1081 = arith.constant 0 : i32
      %dma_wait3A_1082 = arith.constant 0 : i32
      %dma_wait3A_1083 = tpu.memref_slice %arg3[%dma_wait3A_1081, %dma_wait3A_1082] : memref<64x1000000xf32, #tpu.memory_space<hbm>> -> memref<32x128xf32, #tpu.memory_space<hbm>>
      tpu.wait_dma2 semaphore(%arg14 : memref<!tpu.dma_semaphore, #tpu.memory_space<semaphore_mem>>) src(%dma_wait3A_1083 : memref<32x128xf32, #tpu.memory_space<hbm>>) dst(%dma_wait3A_1080 : memref<32x128xf32, #tpu.memory_space<vmem>>)
      %slice3A_1084 = vector.extract_strided_slice %scan3A_498 {offsets = [5], sizes = [1], strides = [1]} : vector<16xi32> to vector<1xi32>
      %squeeze3A_1085 = vector.extract %slice3A_1084[0] : i32 from vector<1xi32>
      %broadcast_in_dim3A_1086 = vector.broadcast %squeeze3A_1085 : i32 to vector<16xi32>
      %mul3A_1087 = arith.constant 16 : i32
      %mul3A_1088 = arith.muli %scan3A_496, %mul3A_1087 : i32
      %add3A_1089 = arith.constant 5 : i32
      %add3A_1090 = arith.addi %mul3A_1088, %add3A_1089 : i32
      %broadcast_in_dim3A_1091 = vector.broadcast %add3A_1090 : i32 to vector<16xi32>
      %iota3A_1092 = tpu.iota {dimensions = array<i32: 0>} : vector<16xi32>
      %add3A_1093 = arith.constant 0 : i32
      %add3A_1094 = vector.broadcast %add3A_1093 : i32 to vector<16xi32>
      %add3A_1095 = arith.addi %iota3A_1092, %add3A_1094 : vector<16xi32>
      %gather3A_1096 = arith.constant 5 : i32
      %gather3A_1097 = arith.constant 0 : i32
      %gather3A_1098 = arith.constant 0 : i32
      %gather3A_1099 = tpu.memref_slice %arg6[%gather3A_1096, %gather3A_1097, %gather3A_1098] : memref<8x64x128xf32, #tpu.memory_space<vmem>> -> memref<1x64x128xf32, #tpu.memory_space<vmem>>
      %gather3A_1100 = tpu.memref_squeeze %gather3A_1099 : memref<1x64x128xf32, #tpu.memory_space<vmem>> -> memref<64x128xf32, #tpu.memory_space<vmem>>
      %gather3A_1101 = tpu.vector_load_idx %gather3A_1100[%add3A_1095, %broadcast_in_dim3A_1086] : memref<64x128xf32, #tpu.memory_space<vmem>>[vector<16xi32>, vector<16xi32>], vector<16xf32>,
      tpu.vector_store_idx %arg7[%add3A_1095, %broadcast_in_dim3A_1091], %gather3A_1101 : memref<64x512xf32, #tpu.memory_space<vmem>>[vector<16xi32>, vector<16xi32>], vector<16xf32>,
      %iota3A_1102 = tpu.iota {dimensions = array<i32: 0>} : vector<16xi32>
      %add3A_1103 = arith.constant 16 : i32
      %add3A_1104 = vector.broadcast %add3A_1103 : i32 to vector<16xi32>
      %add3A_1105 = arith.addi %iota3A_1102, %add3A_1104 : vector<16xi32>
      %gather3A_1106 = arith.constant 5 : i32
      %gather3A_1107 = arith.constant 0 : i32
      %gather3A_1108 = arith.constant 0 : i32
      %gather3A_1109 = tpu.memref_slice %arg6[%gather3A_1106, %gather3A_1107, %gather3A_1108] : memref<8x64x128xf32, #tpu.memory_space<vmem>> -> memref<1x64x128xf32, #tpu.memory_space<vmem>>
      %gather3A_1110 = tpu.memref_squeeze %gather3A_1109 : memref<1x64x128xf32, #tpu.memory_space<vmem>> -> memref<64x128xf32, #tpu.memory_space<vmem>>
      %gather3A_1111 = tpu.vector_load_idx %gather3A_1110[%add3A_1105, %broadcast_in_dim3A_1086] : memref<64x128xf32, #tpu.memory_space<vmem>>[vector<16xi32>, vector<16xi32>], vector<16xf32>,
      tpu.vector_store_idx %arg7[%add3A_1105, %broadcast_in_dim3A_1091], %gather3A_1111 : memref<64x512xf32, #tpu.memory_space<vmem>>[vector<16xi32>, vector<16xi32>], vector<16xf32>,
      %iota3A_1112 = tpu.iota {dimensions = array<i32: 0>} : vector<16xi32>
      %add3A_1113 = arith.constant 32 : i32
      %add3A_1114 = vector.broadcast %add3A_1113 : i32 to vector<16xi32>
      %add3A_1115 = arith.addi %iota3A_1112, %add3A_1114 : vector<16xi32>
      %gather3A_1116 = arith.constant 5 : i32
      %gather3A_1117 = arith.constant 0 : i32
      %gather3A_1118 = arith.constant 0 : i32
      %gather3A_1119 = tpu.memref_slice %arg6[%gather3A_1116, %gather3A_1117, %gather3A_1118] : memref<8x64x128xf32, #tpu.memory_space<vmem>> -> memref<1x64x128xf32, #tpu.memory_space<vmem>>
      %gather3A_1120 = tpu.memref_squeeze %gather3A_1119 : memref<1x64x128xf32, #tpu.memory_space<vmem>> -> memref<64x128xf32, #tpu.memory_space<vmem>>
      %gather3A_1121 = tpu.vector_load_idx %gather3A_1120[%add3A_1115, %broadcast_in_dim3A_1086] : memref<64x128xf32, #tpu.memory_space<vmem>>[vector<16xi32>, vector<16xi32>], vector<16xf32>,
      tpu.vector_store_idx %arg7[%add3A_1115, %broadcast_in_dim3A_1091], %gather3A_1121 : memref<64x512xf32, #tpu.memory_space<vmem>>[vector<16xi32>, vector<16xi32>], vector<16xf32>,
      %iota3A_1122 = tpu.iota {dimensions = array<i32: 0>} : vector<16xi32>
      %add3A_1123 = arith.constant 48 : i32
      %add3A_1124 = vector.broadcast %add3A_1123 : i32 to vector<16xi32>
      %add3A_1125 = arith.addi %iota3A_1122, %add3A_1124 : vector<16xi32>
      %gather3A_1126 = arith.constant 5 : i32
      %gather3A_1127 = arith.constant 0 : i32
      %gather3A_1128 = arith.constant 0 : i32
      %gather3A_1129 = tpu.memref_slice %arg6[%gather3A_1126, %gather3A_1127, %gather3A_1128] : memref<8x64x128xf32, #tpu.memory_space<vmem>> -> memref<1x64x128xf32, #tpu.memory_space<vmem>>
      %gather3A_1130 = tpu.memref_squeeze %gather3A_1129 : memref<1x64x128xf32, #tpu.memory_space<vmem>> -> memref<64x128xf32, #tpu.memory_space<vmem>>
      %gather3A_1131 = tpu.vector_load_idx %gather3A_1130[%add3A_1125, %broadcast_in_dim3A_1086] : memref<64x128xf32, #tpu.memory_space<vmem>>[vector<16xi32>, vector<16xi32>], vector<16xf32>,
      tpu.vector_store_idx %arg7[%add3A_1125, %broadcast_in_dim3A_1091], %gather3A_1131 : memref<64x512xf32, #tpu.memory_space<vmem>>[vector<16xi32>, vector<16xi32>], vector<16xf32>,
      %slice3A_1132 = vector.extract_strided_slice %scan3A_497 {offsets = [13], sizes = [1], strides = [1]} : vector<16xi32> to vector<1xi32>
      %squeeze3A_1133 = vector.extract %slice3A_1132[0] : i32 from vector<1xi32>
      %mul3A_1134 = arith.constant 128 : i32
      %mul3A_1135 = arith.muli %squeeze3A_1133, %mul3A_1134 : i32
      %multiple_of3A_1136 = tpu.assume_multiple %mul3A_1135, 128 : i32
      %dma_start3A_1137 = arith.constant 5 : i32
      %dma_start3A_1138 = arith.constant 0 : i32
      %dma_start3A_1139 = arith.constant 0 : i32
      %dma_start3A_1140 = tpu.memref_slice %arg6[%dma_start3A_1137, %dma_start3A_1138, %dma_start3A_1139] : memref<8x64x128xf32, #tpu.memory_space<vmem>> -> memref<1x32x128xf32, #tpu.memory_space<vmem>>
      %dma_start3A_1141 = tpu.memref_squeeze %dma_start3A_1140 : memref<1x32x128xf32, #tpu.memory_space<vmem>> -> memref<32x128xf32, #tpu.memory_space<vmem>>
      %dma_start3A_1142 = arith.constant 0 : i32
      %dma_start3A_1143 = tpu.memref_slice %arg3[%dma_start3A_1142, %multiple_of3A_1136] : memref<64x1000000xf32, #tpu.memory_space<hbm>> -> memref<32x128xf32, #tpu.memory_space<hbm>>
      %dma_start3A_1144 = arith.constant 0 : i32
      %dma_start3A_1145 = arith.constant 0 : i32
      %dma_start3A_1146 = tpu.memref_slice %arg6[%dma_start3A_1137, %dma_start3A_1144, %dma_start3A_1145] : memref<8x64x128xf32, #tpu.memory_space<vmem>> -> memref<1x32x128xf32, #tpu.memory_space<vmem>>
      %dma_start3A_1147 = tpu.memref_squeeze %dma_start3A_1146 : memref<1x32x128xf32, #tpu.memory_space<vmem>> -> memref<32x128xf32, #tpu.memory_space<vmem>>
      %dma_start3A_1148 = arith.constant 0 : i32
      %dma_start3A_1149 = tpu.memref_slice %arg3[%dma_start3A_1148, %multiple_of3A_1136] : memref<64x1000000xf32, #tpu.memory_space<hbm>> -> memref<32x128xf32, #tpu.memory_space<hbm>>
      tpu.enqueue_dma source(%dma_start3A_1149 : memref<32x128xf32, #tpu.memory_space<hbm>>) target(%dma_start3A_1147 : memref<32x128xf32, #tpu.memory_space<vmem>>) target_semaphore(%arg14 : memref<!tpu.dma_semaphore, #tpu.memory_space<semaphore_mem>>)
      %dma_start3A_1150 = arith.constant 5 : i32
      %dma_start3A_1151 = arith.constant 32 : i32
      %dma_start3A_1152 = arith.constant 0 : i32
      %dma_start3A_1153 = tpu.memref_slice %arg6[%dma_start3A_1150, %dma_start3A_1151, %dma_start3A_1152] : memref<8x64x128xf32, #tpu.memory_space<vmem>> -> memref<1x32x128xf32, #tpu.memory_space<vmem>>
      %dma_start3A_1154 = tpu.memref_squeeze %dma_start3A_1153 : memref<1x32x128xf32, #tpu.memory_space<vmem>> -> memref<32x128xf32, #tpu.memory_space<vmem>>
      %dma_start3A_1155 = arith.constant 32 : i32
      %dma_start3A_1156 = tpu.memref_slice %arg3[%dma_start3A_1155, %multiple_of3A_1136] : memref<64x1000000xf32, #tpu.memory_space<hbm>> -> memref<32x128xf32, #tpu.memory_space<hbm>>
      %dma_start3A_1157 = arith.constant 32 : i32
      %dma_start3A_1158 = arith.constant 0 : i32
      %dma_start3A_1159 = tpu.memref_slice %arg6[%dma_start3A_1150, %dma_start3A_1157, %dma_start3A_1158] : memref<8x64x128xf32, #tpu.memory_space<vmem>> -> memref<1x32x128xf32, #tpu.memory_space<vmem>>
      %dma_start3A_1160 = tpu.memref_squeeze %dma_start3A_1159 : memref<1x32x128xf32, #tpu.memory_space<vmem>> -> memref<32x128xf32, #tpu.memory_space<vmem>>
      %dma_start3A_1161 = arith.constant 32 : i32
      %dma_start3A_1162 = tpu.memref_slice %arg3[%dma_start3A_1161, %multiple_of3A_1136] : memref<64x1000000xf32, #tpu.memory_space<hbm>> -> memref<32x128xf32, #tpu.memory_space<hbm>>
      tpu.enqueue_dma source(%dma_start3A_1162 : memref<32x128xf32, #tpu.memory_space<hbm>>) target(%dma_start3A_1160 : memref<32x128xf32, #tpu.memory_space<vmem>>) target_semaphore(%arg14 : memref<!tpu.dma_semaphore, #tpu.memory_space<semaphore_mem>>)
      %dma_wait3A_1163 = arith.constant 6 : i32
      %dma_wait3A_1164 = arith.constant 0 : i32
      %dma_wait3A_1165 = arith.constant 0 : i32
      %dma_wait3A_1166 = tpu.memref_slice %arg6[%dma_wait3A_1163, %dma_wait3A_1164, %dma_wait3A_1165] : memref<8x64x128xf32, #tpu.memory_space<vmem>> -> memref<1x32x128xf32, #tpu.memory_space<vmem>>
      %dma_wait3A_1167 = tpu.memref_squeeze %dma_wait3A_1166 : memref<1x32x128xf32, #tpu.memory_space<vmem>> -> memref<32x128xf32, #tpu.memory_space<vmem>>
      %dma_wait3A_1168 = arith.constant 0 : i32
      %dma_wait3A_1169 = arith.constant 0 : i32
      %dma_wait3A_1170 = tpu.memref_slice %arg3[%dma_wait3A_1168, %dma_wait3A_1169] : memref<64x1000000xf32, #tpu.memory_space<hbm>> -> memref<32x128xf32, #tpu.memory_space<hbm>>
      %dma_wait3A_1171 = arith.constant 0 : i32
      %dma_wait3A_1172 = arith.constant 0 : i32
      %dma_wait3A_1173 = tpu.memref_slice %arg6[%dma_wait3A_1163, %dma_wait3A_1171, %dma_wait3A_1172] : memref<8x64x128xf32, #tpu.memory_space<vmem>> -> memref<1x32x128xf32, #tpu.memory_space<vmem>>
      %dma_wait3A_1174 = tpu.memref_squeeze %dma_wait3A_1173 : memref<1x32x128xf32, #tpu.memory_space<vmem>> -> memref<32x128xf32, #tpu.memory_space<vmem>>
      %dma_wait3A_1175 = arith.constant 0 : i32
      %dma_wait3A_1176 = arith.constant 0 : i32
      %dma_wait3A_1177 = tpu.memref_slice %arg3[%dma_wait3A_1175, %dma_wait3A_1176] : memref<64x1000000xf32, #tpu.memory_space<hbm>> -> memref<32x128xf32, #tpu.memory_space<hbm>>
      tpu.wait_dma2 semaphore(%arg15 : memref<!tpu.dma_semaphore, #tpu.memory_space<semaphore_mem>>) src(%dma_wait3A_1177 : memref<32x128xf32, #tpu.memory_space<hbm>>) dst(%dma_wait3A_1174 : memref<32x128xf32, #tpu.memory_space<vmem>>)
      %dma_wait3A_1178 = arith.constant 6 : i32
      %dma_wait3A_1179 = arith.constant 32 : i32
      %dma_wait3A_1180 = arith.constant 0 : i32
      %dma_wait3A_1181 = tpu.memref_slice %arg6[%dma_wait3A_1178, %dma_wait3A_1179, %dma_wait3A_1180] : memref<8x64x128xf32, #tpu.memory_space<vmem>> -> memref<1x32x128xf32, #tpu.memory_space<vmem>>
      %dma_wait3A_1182 = tpu.memref_squeeze %dma_wait3A_1181 : memref<1x32x128xf32, #tpu.memory_space<vmem>> -> memref<32x128xf32, #tpu.memory_space<vmem>>
      %dma_wait3A_1183 = arith.constant 0 : i32
      %dma_wait3A_1184 = arith.constant 0 : i32
      %dma_wait3A_1185 = tpu.memref_slice %arg3[%dma_wait3A_1183, %dma_wait3A_1184] : memref<64x1000000xf32, #tpu.memory_space<hbm>> -> memref<32x128xf32, #tpu.memory_space<hbm>>
      %dma_wait3A_1186 = arith.constant 32 : i32
      %dma_wait3A_1187 = arith.constant 0 : i32
      %dma_wait3A_1188 = tpu.memref_slice %arg6[%dma_wait3A_1178, %dma_wait3A_1186, %dma_wait3A_1187] : memref<8x64x128xf32, #tpu.memory_space<vmem>> -> memref<1x32x128xf32, #tpu.memory_space<vmem>>
      %dma_wait3A_1189 = tpu.memref_squeeze %dma_wait3A_1188 : memref<1x32x128xf32, #tpu.memory_space<vmem>> -> memref<32x128xf32, #tpu.memory_space<vmem>>
      %dma_wait3A_1190 = arith.constant 0 : i32
      %dma_wait3A_1191 = arith.constant 0 : i32
      %dma_wait3A_1192 = tpu.memref_slice %arg3[%dma_wait3A_1190, %dma_wait3A_1191] : memref<64x1000000xf32, #tpu.memory_space<hbm>> -> memref<32x128xf32, #tpu.memory_space<hbm>>
      tpu.wait_dma2 semaphore(%arg15 : memref<!tpu.dma_semaphore, #tpu.memory_space<semaphore_mem>>) src(%dma_wait3A_1192 : memref<32x128xf32, #tpu.memory_space<hbm>>) dst(%dma_wait3A_1189 : memref<32x128xf32, #tpu.memory_space<vmem>>)
      %slice3A_1193 = vector.extract_strided_slice %scan3A_498 {offsets = [6], sizes = [1], strides = [1]} : vector<16xi32> to vector<1xi32>
      %squeeze3A_1194 = vector.extract %slice3A_1193[0] : i32 from vector<1xi32>
      %broadcast_in_dim3A_1195 = vector.broadcast %squeeze3A_1194 : i32 to vector<16xi32>
      %mul3A_1196 = arith.constant 16 : i32
      %mul3A_1197 = arith.muli %scan3A_496, %mul3A_1196 : i32
      %add3A_1198 = arith.constant 6 : i32
      %add3A_1199 = arith.addi %mul3A_1197, %add3A_1198 : i32
      %broadcast_in_dim3A_1200 = vector.broadcast %add3A_1199 : i32 to vector<16xi32>
      %iota3A_1201 = tpu.iota {dimensions = array<i32: 0>} : vector<16xi32>
      %add3A_1202 = arith.constant 0 : i32
      %add3A_1203 = vector.broadcast %add3A_1202 : i32 to vector<16xi32>
      %add3A_1204 = arith.addi %iota3A_1201, %add3A_1203 : vector<16xi32>
      %gather3A_1205 = arith.constant 6 : i32
      %gather3A_1206 = arith.constant 0 : i32
      %gather3A_1207 = arith.constant 0 : i32
      %gather3A_1208 = tpu.memref_slice %arg6[%gather3A_1205, %gather3A_1206, %gather3A_1207] : memref<8x64x128xf32, #tpu.memory_space<vmem>> -> memref<1x64x128xf32, #tpu.memory_space<vmem>>
      %gather3A_1209 = tpu.memref_squeeze %gather3A_1208 : memref<1x64x128xf32, #tpu.memory_space<vmem>> -> memref<64x128xf32, #tpu.memory_space<vmem>>
      %gather3A_1210 = tpu.vector_load_idx %gather3A_1209[%add3A_1204, %broadcast_in_dim3A_1195] : memref<64x128xf32, #tpu.memory_space<vmem>>[vector<16xi32>, vector<16xi32>], vector<16xf32>,
      tpu.vector_store_idx %arg7[%add3A_1204, %broadcast_in_dim3A_1200], %gather3A_1210 : memref<64x512xf32, #tpu.memory_space<vmem>>[vector<16xi32>, vector<16xi32>], vector<16xf32>,
      %iota3A_1211 = tpu.iota {dimensions = array<i32: 0>} : vector<16xi32>
      %add3A_1212 = arith.constant 16 : i32
      %add3A_1213 = vector.broadcast %add3A_1212 : i32 to vector<16xi32>
      %add3A_1214 = arith.addi %iota3A_1211, %add3A_1213 : vector<16xi32>
      %gather3A_1215 = arith.constant 6 : i32
      %gather3A_1216 = arith.constant 0 : i32
      %gather3A_1217 = arith.constant 0 : i32
      %gather3A_1218 = tpu.memref_slice %arg6[%gather3A_1215, %gather3A_1216, %gather3A_1217] : memref<8x64x128xf32, #tpu.memory_space<vmem>> -> memref<1x64x128xf32, #tpu.memory_space<vmem>>
      %gather3A_1219 = tpu.memref_squeeze %gather3A_1218 : memref<1x64x128xf32, #tpu.memory_space<vmem>> -> memref<64x128xf32, #tpu.memory_space<vmem>>
      %gather3A_1220 = tpu.vector_load_idx %gather3A_1219[%add3A_1214, %broadcast_in_dim3A_1195] : memref<64x128xf32, #tpu.memory_space<vmem>>[vector<16xi32>, vector<16xi32>], vector<16xf32>,
      tpu.vector_store_idx %arg7[%add3A_1214, %broadcast_in_dim3A_1200], %gather3A_1220 : memref<64x512xf32, #tpu.memory_space<vmem>>[vector<16xi32>, vector<16xi32>], vector<16xf32>,
      %iota3A_1221 = tpu.iota {dimensions = array<i32: 0>} : vector<16xi32>
      %add3A_1222 = arith.constant 32 : i32
      %add3A_1223 = vector.broadcast %add3A_1222 : i32 to vector<16xi32>
      %add3A_1224 = arith.addi %iota3A_1221, %add3A_1223 : vector<16xi32>
      %gather3A_1225 = arith.constant 6 : i32
      %gather3A_1226 = arith.constant 0 : i32
      %gather3A_1227 = arith.constant 0 : i32
      %gather3A_1228 = tpu.memref_slice %arg6[%gather3A_1225, %gather3A_1226, %gather3A_1227] : memref<8x64x128xf32, #tpu.memory_space<vmem>> -> memref<1x64x128xf32, #tpu.memory_space<vmem>>
      %gather3A_1229 = tpu.memref_squeeze %gather3A_1228 : memref<1x64x128xf32, #tpu.memory_space<vmem>> -> memref<64x128xf32, #tpu.memory_space<vmem>>
      %gather3A_1230 = tpu.vector_load_idx %gather3A_1229[%add3A_1224, %broadcast_in_dim3A_1195] : memref<64x128xf32, #tpu.memory_space<vmem>>[vector<16xi32>, vector<16xi32>], vector<16xf32>,
      tpu.vector_store_idx %arg7[%add3A_1224, %broadcast_in_dim3A_1200], %gather3A_1230 : memref<64x512xf32, #tpu.memory_space<vmem>>[vector<16xi32>, vector<16xi32>], vector<16xf32>,
      %iota3A_1231 = tpu.iota {dimensions = array<i32: 0>} : vector<16xi32>
      %add3A_1232 = arith.constant 48 : i32
      %add3A_1233 = vector.broadcast %add3A_1232 : i32 to vector<16xi32>
      %add3A_1234 = arith.addi %iota3A_1231, %add3A_1233 : vector<16xi32>
      %gather3A_1235 = arith.constant 6 : i32
      %gather3A_1236 = arith.constant 0 : i32
      %gather3A_1237 = arith.constant 0 : i32
      %gather3A_1238 = tpu.memref_slice %arg6[%gather3A_1235, %gather3A_1236, %gather3A_1237] : memref<8x64x128xf32, #tpu.memory_space<vmem>> -> memref<1x64x128xf32, #tpu.memory_space<vmem>>
      %gather3A_1239 = tpu.memref_squeeze %gather3A_1238 : memref<1x64x128xf32, #tpu.memory_space<vmem>> -> memref<64x128xf32, #tpu.memory_space<vmem>>
      %gather3A_1240 = tpu.vector_load_idx %gather3A_1239[%add3A_1234, %broadcast_in_dim3A_1195] : memref<64x128xf32, #tpu.memory_space<vmem>>[vector<16xi32>, vector<16xi32>], vector<16xf32>,
      tpu.vector_store_idx %arg7[%add3A_1234, %broadcast_in_dim3A_1200], %gather3A_1240 : memref<64x512xf32, #tpu.memory_space<vmem>>[vector<16xi32>, vector<16xi32>], vector<16xf32>,
      %slice3A_1241 = vector.extract_strided_slice %scan3A_497 {offsets = [14], sizes = [1], strides = [1]} : vector<16xi32> to vector<1xi32>
      %squeeze3A_1242 = vector.extract %slice3A_1241[0] : i32 from vector<1xi32>
      %mul3A_1243 = arith.constant 128 : i32
      %mul3A_1244 = arith.muli %squeeze3A_1242, %mul3A_1243 : i32
      %multiple_of3A_1245 = tpu.assume_multiple %mul3A_1244, 128 : i32
      %dma_start3A_1246 = arith.constant 6 : i32
      %dma_start3A_1247 = arith.constant 0 : i32
      %dma_start3A_1248 = arith.constant 0 : i32
      %dma_start3A_1249 = tpu.memref_slice %arg6[%dma_start3A_1246, %dma_start3A_1247, %dma_start3A_1248] : memref<8x64x128xf32, #tpu.memory_space<vmem>> -> memref<1x32x128xf32, #tpu.memory_space<vmem>>
      %dma_start3A_1250 = tpu.memref_squeeze %dma_start3A_1249 : memref<1x32x128xf32, #tpu.memory_space<vmem>> -> memref<32x128xf32, #tpu.memory_space<vmem>>
      %dma_start3A_1251 = arith.constant 0 : i32
      %dma_start3A_1252 = tpu.memref_slice %arg3[%dma_start3A_1251, %multiple_of3A_1245] : memref<64x1000000xf32, #tpu.memory_space<hbm>> -> memref<32x128xf32, #tpu.memory_space<hbm>>
      %dma_start3A_1253 = arith.constant 0 : i32
      %dma_start3A_1254 = arith.constant 0 : i32
      %dma_start3A_1255 = tpu.memref_slice %arg6[%dma_start3A_1246, %dma_start3A_1253, %dma_start3A_1254] : memref<8x64x128xf32, #tpu.memory_space<vmem>> -> memref<1x32x128xf32, #tpu.memory_space<vmem>>
      %dma_start3A_1256 = tpu.memref_squeeze %dma_start3A_1255 : memref<1x32x128xf32, #tpu.memory_space<vmem>> -> memref<32x128xf32, #tpu.memory_space<vmem>>
      %dma_start3A_1257 = arith.constant 0 : i32
      %dma_start3A_1258 = tpu.memref_slice %arg3[%dma_start3A_1257, %multiple_of3A_1245] : memref<64x1000000xf32, #tpu.memory_space<hbm>> -> memref<32x128xf32, #tpu.memory_space<hbm>>
      tpu.enqueue_dma source(%dma_start3A_1258 : memref<32x128xf32, #tpu.memory_space<hbm>>) target(%dma_start3A_1256 : memref<32x128xf32, #tpu.memory_space<vmem>>) target_semaphore(%arg15 : memref<!tpu.dma_semaphore, #tpu.memory_space<semaphore_mem>>)
      %dma_start3A_1259 = arith.constant 6 : i32
      %dma_start3A_1260 = arith.constant 32 : i32
      %dma_start3A_1261 = arith.constant 0 : i32
      %dma_start3A_1262 = tpu.memref_slice %arg6[%dma_start3A_1259, %dma_start3A_1260, %dma_start3A_1261] : memref<8x64x128xf32, #tpu.memory_space<vmem>> -> memref<1x32x128xf32, #tpu.memory_space<vmem>>
      %dma_start3A_1263 = tpu.memref_squeeze %dma_start3A_1262 : memref<1x32x128xf32, #tpu.memory_space<vmem>> -> memref<32x128xf32, #tpu.memory_space<vmem>>
      %dma_start3A_1264 = arith.constant 32 : i32
      %dma_start3A_1265 = tpu.memref_slice %arg3[%dma_start3A_1264, %multiple_of3A_1245] : memref<64x1000000xf32, #tpu.memory_space<hbm>> -> memref<32x128xf32, #tpu.memory_space<hbm>>
      %dma_start3A_1266 = arith.constant 32 : i32
      %dma_start3A_1267 = arith.constant 0 : i32
      %dma_start3A_1268 = tpu.memref_slice %arg6[%dma_start3A_1259, %dma_start3A_1266, %dma_start3A_1267] : memref<8x64x128xf32, #tpu.memory_space<vmem>> -> memref<1x32x128xf32, #tpu.memory_space<vmem>>
      %dma_start3A_1269 = tpu.memref_squeeze %dma_start3A_1268 : memref<1x32x128xf32, #tpu.memory_space<vmem>> -> memref<32x128xf32, #tpu.memory_space<vmem>>
      %dma_start3A_1270 = arith.constant 32 : i32
      %dma_start3A_1271 = tpu.memref_slice %arg3[%dma_start3A_1270, %multiple_of3A_1245] : memref<64x1000000xf32, #tpu.memory_space<hbm>> -> memref<32x128xf32, #tpu.memory_space<hbm>>
      tpu.enqueue_dma source(%dma_start3A_1271 : memref<32x128xf32, #tpu.memory_space<hbm>>) target(%dma_start3A_1269 : memref<32x128xf32, #tpu.memory_space<vmem>>) target_semaphore(%arg15 : memref<!tpu.dma_semaphore, #tpu.memory_space<semaphore_mem>>)
      %dma_wait3A_1272 = arith.constant 7 : i32
      %dma_wait3A_1273 = arith.constant 0 : i32
      %dma_wait3A_1274 = arith.constant 0 : i32
      %dma_wait3A_1275 = tpu.memref_slice %arg6[%dma_wait3A_1272, %dma_wait3A_1273, %dma_wait3A_1274] : memref<8x64x128xf32, #tpu.memory_space<vmem>> -> memref<1x32x128xf32, #tpu.memory_space<vmem>>
      %dma_wait3A_1276 = tpu.memref_squeeze %dma_wait3A_1275 : memref<1x32x128xf32, #tpu.memory_space<vmem>> -> memref<32x128xf32, #tpu.memory_space<vmem>>
      %dma_wait3A_1277 = arith.constant 0 : i32
      %dma_wait3A_1278 = arith.constant 0 : i32
      %dma_wait3A_1279 = tpu.memref_slice %arg3[%dma_wait3A_1277, %dma_wait3A_1278] : memref<64x1000000xf32, #tpu.memory_space<hbm>> -> memref<32x128xf32, #tpu.memory_space<hbm>>
      %dma_wait3A_1280 = arith.constant 0 : i32
      %dma_wait3A_1281 = arith.constant 0 : i32
      %dma_wait3A_1282 = tpu.memref_slice %arg6[%dma_wait3A_1272, %dma_wait3A_1280, %dma_wait3A_1281] : memref<8x64x128xf32, #tpu.memory_space<vmem>> -> memref<1x32x128xf32, #tpu.memory_space<vmem>>
      %dma_wait3A_1283 = tpu.memref_squeeze %dma_wait3A_1282 : memref<1x32x128xf32, #tpu.memory_space<vmem>> -> memref<32x128xf32, #tpu.memory_space<vmem>>
      %dma_wait3A_1284 = arith.constant 0 : i32
      %dma_wait3A_1285 = arith.constant 0 : i32
      %dma_wait3A_1286 = tpu.memref_slice %arg3[%dma_wait3A_1284, %dma_wait3A_1285] : memref<64x1000000xf32, #tpu.memory_space<hbm>> -> memref<32x128xf32, #tpu.memory_space<hbm>>
      tpu.wait_dma2 semaphore(%arg16 : memref<!tpu.dma_semaphore, #tpu.memory_space<semaphore_mem>>) src(%dma_wait3A_1286 : memref<32x128xf32, #tpu.memory_space<hbm>>) dst(%dma_wait3A_1283 : memref<32x128xf32, #tpu.memory_space<vmem>>)
      %dma_wait3A_1287 = arith.constant 7 : i32
      %dma_wait3A_1288 = arith.constant 32 : i32
      %dma_wait3A_1289 = arith.constant 0 : i32
      %dma_wait3A_1290 = tpu.memref_slice %arg6[%dma_wait3A_1287, %dma_wait3A_1288, %dma_wait3A_1289] : memref<8x64x128xf32, #tpu.memory_space<vmem>> -> memref<1x32x128xf32, #tpu.memory_space<vmem>>
      %dma_wait3A_1291 = tpu.memref_squeeze %dma_wait3A_1290 : memref<1x32x128xf32, #tpu.memory_space<vmem>> -> memref<32x128xf32, #tpu.memory_space<vmem>>
      %dma_wait3A_1292 = arith.constant 0 : i32
      %dma_wait3A_1293 = arith.constant 0 : i32
      %dma_wait3A_1294 = tpu.memref_slice %arg3[%dma_wait3A_1292, %dma_wait3A_1293] : memref<64x1000000xf32, #tpu.memory_space<hbm>> -> memref<32x128xf32, #tpu.memory_space<hbm>>
      %dma_wait3A_1295 = arith.constant 32 : i32
      %dma_wait3A_1296 = arith.constant 0 : i32
      %dma_wait3A_1297 = tpu.memref_slice %arg6[%dma_wait3A_1287, %dma_wait3A_1295, %dma_wait3A_1296] : memref<8x64x128xf32, #tpu.memory_space<vmem>> -> memref<1x32x128xf32, #tpu.memory_space<vmem>>
      %dma_wait3A_1298 = tpu.memref_squeeze %dma_wait3A_1297 : memref<1x32x128xf32, #tpu.memory_space<vmem>> -> memref<32x128xf32, #tpu.memory_space<vmem>>
      %dma_wait3A_1299 = arith.constant 0 : i32
      %dma_wait3A_1300 = arith.constant 0 : i32
      %dma_wait3A_1301 = tpu.memref_slice %arg3[%dma_wait3A_1299, %dma_wait3A_1300] : memref<64x1000000xf32, #tpu.memory_space<hbm>> -> memref<32x128xf32, #tpu.memory_space<hbm>>
      tpu.wait_dma2 semaphore(%arg16 : memref<!tpu.dma_semaphore, #tpu.memory_space<semaphore_mem>>) src(%dma_wait3A_1301 : memref<32x128xf32, #tpu.memory_space<hbm>>) dst(%dma_wait3A_1298 : memref<32x128xf32, #tpu.memory_space<vmem>>)
      %slice3A_1302 = vector.extract_strided_slice %scan3A_498 {offsets = [7], sizes = [1], strides = [1]} : vector<16xi32> to vector<1xi32>
      %squeeze3A_1303 = vector.extract %slice3A_1302[0] : i32 from vector<1xi32>
      %broadcast_in_dim3A_1304 = vector.broadcast %squeeze3A_1303 : i32 to vector<16xi32>
      %mul3A_1305 = arith.constant 16 : i32
      %mul3A_1306 = arith.muli %scan3A_496, %mul3A_1305 : i32
      %add3A_1307 = arith.constant 7 : i32
      %add3A_1308 = arith.addi %mul3A_1306, %add3A_1307 : i32
      %broadcast_in_dim3A_1309 = vector.broadcast %add3A_1308 : i32 to vector<16xi32>
      %iota3A_1310 = tpu.iota {dimensions = array<i32: 0>} : vector<16xi32>
      %add3A_1311 = arith.constant 0 : i32
      %add3A_1312 = vector.broadcast %add3A_1311 : i32 to vector<16xi32>
      %add3A_1313 = arith.addi %iota3A_1310, %add3A_1312 : vector<16xi32>
      %gather3A_1314 = arith.constant 7 : i32
      %gather3A_1315 = arith.constant 0 : i32
      %gather3A_1316 = arith.constant 0 : i32
      %gather3A_1317 = tpu.memref_slice %arg6[%gather3A_1314, %gather3A_1315, %gather3A_1316] : memref<8x64x128xf32, #tpu.memory_space<vmem>> -> memref<1x64x128xf32, #tpu.memory_space<vmem>>
      %gather3A_1318 = tpu.memref_squeeze %gather3A_1317 : memref<1x64x128xf32, #tpu.memory_space<vmem>> -> memref<64x128xf32, #tpu.memory_space<vmem>>
      %gather3A_1319 = tpu.vector_load_idx %gather3A_1318[%add3A_1313, %broadcast_in_dim3A_1304] : memref<64x128xf32, #tpu.memory_space<vmem>>[vector<16xi32>, vector<16xi32>], vector<16xf32>,
      tpu.vector_store_idx %arg7[%add3A_1313, %broadcast_in_dim3A_1309], %gather3A_1319 : memref<64x512xf32, #tpu.memory_space<vmem>>[vector<16xi32>, vector<16xi32>], vector<16xf32>,
      %iota3A_1320 = tpu.iota {dimensions = array<i32: 0>} : vector<16xi32>
      %add3A_1321 = arith.constant 16 : i32
      %add3A_1322 = vector.broadcast %add3A_1321 : i32 to vector<16xi32>
      %add3A_1323 = arith.addi %iota3A_1320, %add3A_1322 : vector<16xi32>
      %gather3A_1324 = arith.constant 7 : i32
      %gather3A_1325 = arith.constant 0 : i32
      %gather3A_1326 = arith.constant 0 : i32
      %gather3A_1327 = tpu.memref_slice %arg6[%gather3A_1324, %gather3A_1325, %gather3A_1326] : memref<8x64x128xf32, #tpu.memory_space<vmem>> -> memref<1x64x128xf32, #tpu.memory_space<vmem>>
      %gather3A_1328 = tpu.memref_squeeze %gather3A_1327 : memref<1x64x128xf32, #tpu.memory_space<vmem>> -> memref<64x128xf32, #tpu.memory_space<vmem>>
      %gather3A_1329 = tpu.vector_load_idx %gather3A_1328[%add3A_1323, %broadcast_in_dim3A_1304] : memref<64x128xf32, #tpu.memory_space<vmem>>[vector<16xi32>, vector<16xi32>], vector<16xf32>,
      tpu.vector_store_idx %arg7[%add3A_1323, %broadcast_in_dim3A_1309], %gather3A_1329 : memref<64x512xf32, #tpu.memory_space<vmem>>[vector<16xi32>, vector<16xi32>], vector<16xf32>,
      %iota3A_1330 = tpu.iota {dimensions = array<i32: 0>} : vector<16xi32>
      %add3A_1331 = arith.constant 32 : i32
      %add3A_1332 = vector.broadcast %add3A_1331 : i32 to vector<16xi32>
      %add3A_1333 = arith.addi %iota3A_1330, %add3A_1332 : vector<16xi32>
      %gather3A_1334 = arith.constant 7 : i32
      %gather3A_1335 = arith.constant 0 : i32
      %gather3A_1336 = arith.constant 0 : i32
      %gather3A_1337 = tpu.memref_slice %arg6[%gather3A_1334, %gather3A_1335, %gather3A_1336] : memref<8x64x128xf32, #tpu.memory_space<vmem>> -> memref<1x64x128xf32, #tpu.memory_space<vmem>>
      %gather3A_1338 = tpu.memref_squeeze %gather3A_1337 : memref<1x64x128xf32, #tpu.memory_space<vmem>> -> memref<64x128xf32, #tpu.memory_space<vmem>>
      %gather3A_1339 = tpu.vector_load_idx %gather3A_1338[%add3A_1333, %broadcast_in_dim3A_1304] : memref<64x128xf32, #tpu.memory_space<vmem>>[vector<16xi32>, vector<16xi32>], vector<16xf32>,
      tpu.vector_store_idx %arg7[%add3A_1333, %broadcast_in_dim3A_1309], %gather3A_1339 : memref<64x512xf32, #tpu.memory_space<vmem>>[vector<16xi32>, vector<16xi32>], vector<16xf32>,
      %iota3A_1340 = tpu.iota {dimensions = array<i32: 0>} : vector<16xi32>
      %add3A_1341 = arith.constant 48 : i32
      %add3A_1342 = vector.broadcast %add3A_1341 : i32 to vector<16xi32>
      %add3A_1343 = arith.addi %iota3A_1340, %add3A_1342 : vector<16xi32>
      %gather3A_1344 = arith.constant 7 : i32
      %gather3A_1345 = arith.constant 0 : i32
      %gather3A_1346 = arith.constant 0 : i32
      %gather3A_1347 = tpu.memref_slice %arg6[%gather3A_1344, %gather3A_1345, %gather3A_1346] : memref<8x64x128xf32, #tpu.memory_space<vmem>> -> memref<1x64x128xf32, #tpu.memory_space<vmem>>
      %gather3A_1348 = tpu.memref_squeeze %gather3A_1347 : memref<1x64x128xf32, #tpu.memory_space<vmem>> -> memref<64x128xf32, #tpu.memory_space<vmem>>
      %gather3A_1349 = tpu.vector_load_idx %gather3A_1348[%add3A_1343, %broadcast_in_dim3A_1304] : memref<64x128xf32, #tpu.memory_space<vmem>>[vector<16xi32>, vector<16xi32>], vector<16xf32>,
      tpu.vector_store_idx %arg7[%add3A_1343, %broadcast_in_dim3A_1309], %gather3A_1349 : memref<64x512xf32, #tpu.memory_space<vmem>>[vector<16xi32>, vector<16xi32>], vector<16xf32>,
      %slice3A_1350 = vector.extract_strided_slice %scan3A_497 {offsets = [15], sizes = [1], strides = [1]} : vector<16xi32> to vector<1xi32>
      %squeeze3A_1351 = vector.extract %slice3A_1350[0] : i32 from vector<1xi32>
      %mul3A_1352 = arith.constant 128 : i32
      %mul3A_1353 = arith.muli %squeeze3A_1351, %mul3A_1352 : i32
      %multiple_of3A_1354 = tpu.assume_multiple %mul3A_1353, 128 : i32
      %dma_start3A_1355 = arith.constant 7 : i32
      %dma_start3A_1356 = arith.constant 0 : i32
      %dma_start3A_1357 = arith.constant 0 : i32
      %dma_start3A_1358 = tpu.memref_slice %arg6[%dma_start3A_1355, %dma_start3A_1356, %dma_start3A_1357] : memref<8x64x128xf32, #tpu.memory_space<vmem>> -> memref<1x32x128xf32, #tpu.memory_space<vmem>>
      %dma_start3A_1359 = tpu.memref_squeeze %dma_start3A_1358 : memref<1x32x128xf32, #tpu.memory_space<vmem>> -> memref<32x128xf32, #tpu.memory_space<vmem>>
      %dma_start3A_1360 = arith.constant 0 : i32
      %dma_start3A_1361 = tpu.memref_slice %arg3[%dma_start3A_1360, %multiple_of3A_1354] : memref<64x1000000xf32, #tpu.memory_space<hbm>> -> memref<32x128xf32, #tpu.memory_space<hbm>>
      %dma_start3A_1362 = arith.constant 0 : i32
      %dma_start3A_1363 = arith.constant 0 : i32
      %dma_start3A_1364 = tpu.memref_slice %arg6[%dma_start3A_1355, %dma_start3A_1362, %dma_start3A_1363] : memref<8x64x128xf32, #tpu.memory_space<vmem>> -> memref<1x32x128xf32, #tpu.memory_space<vmem>>
      %dma_start3A_1365 = tpu.memref_squeeze %dma_start3A_1364 : memref<1x32x128xf32, #tpu.memory_space<vmem>> -> memref<32x128xf32, #tpu.memory_space<vmem>>
      %dma_start3A_1366 = arith.constant 0 : i32
      %dma_start3A_1367 = tpu.memref_slice %arg3[%dma_start3A_1366, %multiple_of3A_1354] : memref<64x1000000xf32, #tpu.memory_space<hbm>> -> memref<32x128xf32, #tpu.memory_space<hbm>>
      tpu.enqueue_dma source(%dma_start3A_1367 : memref<32x128xf32, #tpu.memory_space<hbm>>) target(%dma_start3A_1365 : memref<32x128xf32, #tpu.memory_space<vmem>>) target_semaphore(%arg16 : memref<!tpu.dma_semaphore, #tpu.memory_space<semaphore_mem>>)
      %dma_start3A_1368 = arith.constant 7 : i32
      %dma_start3A_1369 = arith.constant 32 : i32
      %dma_start3A_1370 = arith.constant 0 : i32
      %dma_start3A_1371 = tpu.memref_slice %arg6[%dma_start3A_1368, %dma_start3A_1369, %dma_start3A_1370] : memref<8x64x128xf32, #tpu.memory_space<vmem>> -> memref<1x32x128xf32, #tpu.memory_space<vmem>>
      %dma_start3A_1372 = tpu.memref_squeeze %dma_start3A_1371 : memref<1x32x128xf32, #tpu.memory_space<vmem>> -> memref<32x128xf32, #tpu.memory_space<vmem>>
      %dma_start3A_1373 = arith.constant 32 : i32
      %dma_start3A_1374 = tpu.memref_slice %arg3[%dma_start3A_1373, %multiple_of3A_1354] : memref<64x1000000xf32, #tpu.memory_space<hbm>> -> memref<32x128xf32, #tpu.memory_space<hbm>>
      %dma_start3A_1375 = arith.constant 32 : i32
      %dma_start3A_1376 = arith.constant 0 : i32
      %dma_start3A_1377 = tpu.memref_slice %arg6[%dma_start3A_1368, %dma_start3A_1375, %dma_start3A_1376] : memref<8x64x128xf32, #tpu.memory_space<vmem>> -> memref<1x32x128xf32, #tpu.memory_space<vmem>>
      %dma_start3A_1378 = tpu.memref_squeeze %dma_start3A_1377 : memref<1x32x128xf32, #tpu.memory_space<vmem>> -> memref<32x128xf32, #tpu.memory_space<vmem>>
      %dma_start3A_1379 = arith.constant 32 : i32
      %dma_start3A_1380 = tpu.memref_slice %arg3[%dma_start3A_1379, %multiple_of3A_1354] : memref<64x1000000xf32, #tpu.memory_space<hbm>> -> memref<32x128xf32, #tpu.memory_space<hbm>>
      tpu.enqueue_dma source(%dma_start3A_1380 : memref<32x128xf32, #tpu.memory_space<hbm>>) target(%dma_start3A_1378 : memref<32x128xf32, #tpu.memory_space<vmem>>) target_semaphore(%arg16 : memref<!tpu.dma_semaphore, #tpu.memory_space<semaphore_mem>>)
      %dma_wait3A_1381 = arith.constant 0 : i32
      %dma_wait3A_1382 = arith.constant 0 : i32
      %dma_wait3A_1383 = arith.constant 0 : i32
      %dma_wait3A_1384 = tpu.memref_slice %arg6[%dma_wait3A_1381, %dma_wait3A_1382, %dma_wait3A_1383] : memref<8x64x128xf32, #tpu.memory_space<vmem>> -> memref<1x32x128xf32, #tpu.memory_space<vmem>>
      %dma_wait3A_1385 = tpu.memref_squeeze %dma_wait3A_1384 : memref<1x32x128xf32, #tpu.memory_space<vmem>> -> memref<32x128xf32, #tpu.memory_space<vmem>>
      %dma_wait3A_1386 = arith.constant 0 : i32
      %dma_wait3A_1387 = arith.constant 0 : i32
      %dma_wait3A_1388 = tpu.memref_slice %arg3[%dma_wait3A_1386, %dma_wait3A_1387] : memref<64x1000000xf32, #tpu.memory_space<hbm>> -> memref<32x128xf32, #tpu.memory_space<hbm>>
      %dma_wait3A_1389 = arith.constant 0 : i32
      %dma_wait3A_1390 = arith.constant 0 : i32
      %dma_wait3A_1391 = tpu.memref_slice %arg6[%dma_wait3A_1381, %dma_wait3A_1389, %dma_wait3A_1390] : memref<8x64x128xf32, #tpu.memory_space<vmem>> -> memref<1x32x128xf32, #tpu.memory_space<vmem>>
      %dma_wait3A_1392 = tpu.memref_squeeze %dma_wait3A_1391 : memref<1x32x128xf32, #tpu.memory_space<vmem>> -> memref<32x128xf32, #tpu.memory_space<vmem>>
      %dma_wait3A_1393 = arith.constant 0 : i32
      %dma_wait3A_1394 = arith.constant 0 : i32
      %dma_wait3A_1395 = tpu.memref_slice %arg3[%dma_wait3A_1393, %dma_wait3A_1394] : memref<64x1000000xf32, #tpu.memory_space<hbm>> -> memref<32x128xf32, #tpu.memory_space<hbm>>
      tpu.wait_dma2 semaphore(%arg9 : memref<!tpu.dma_semaphore, #tpu.memory_space<semaphore_mem>>) src(%dma_wait3A_1395 : memref<32x128xf32, #tpu.memory_space<hbm>>) dst(%dma_wait3A_1392 : memref<32x128xf32, #tpu.memory_space<vmem>>)
      %dma_wait3A_1396 = arith.constant 0 : i32
      %dma_wait3A_1397 = arith.constant 32 : i32
      %dma_wait3A_1398 = arith.constant 0 : i32
      %dma_wait3A_1399 = tpu.memref_slice %arg6[%dma_wait3A_1396, %dma_wait3A_1397, %dma_wait3A_1398] : memref<8x64x128xf32, #tpu.memory_space<vmem>> -> memref<1x32x128xf32, #tpu.memory_space<vmem>>
      %dma_wait3A_1400 = tpu.memref_squeeze %dma_wait3A_1399 : memref<1x32x128xf32, #tpu.memory_space<vmem>> -> memref<32x128xf32, #tpu.memory_space<vmem>>
      %dma_wait3A_1401 = arith.constant 0 : i32
      %dma_wait3A_1402 = arith.constant 0 : i32
      %dma_wait3A_1403 = tpu.memref_slice %arg3[%dma_wait3A_1401, %dma_wait3A_1402] : memref<64x1000000xf32, #tpu.memory_space<hbm>> -> memref<32x128xf32, #tpu.memory_space<hbm>>
      %dma_wait3A_1404 = arith.constant 32 : i32
      %dma_wait3A_1405 = arith.constant 0 : i32
      %dma_wait3A_1406 = tpu.memref_slice %arg6[%dma_wait3A_1396, %dma_wait3A_1404, %dma_wait3A_1405] : memref<8x64x128xf32, #tpu.memory_space<vmem>> -> memref<1x32x128xf32, #tpu.memory_space<vmem>>
      %dma_wait3A_1407 = tpu.memref_squeeze %dma_wait3A_1406 : memref<1x32x128xf32, #tpu.memory_space<vmem>> -> memref<32x128xf32, #tpu.memory_space<vmem>>
      %dma_wait3A_1408 = arith.constant 0 : i32
      %dma_wait3A_1409 = arith.constant 0 : i32
      %dma_wait3A_1410 = tpu.memref_slice %arg3[%dma_wait3A_1408, %dma_wait3A_1409] : memref<64x1000000xf32, #tpu.memory_space<hbm>> -> memref<32x128xf32, #tpu.memory_space<hbm>>
      tpu.wait_dma2 semaphore(%arg9 : memref<!tpu.dma_semaphore, #tpu.memory_space<semaphore_mem>>) src(%dma_wait3A_1410 : memref<32x128xf32, #tpu.memory_space<hbm>>) dst(%dma_wait3A_1407 : memref<32x128xf32, #tpu.memory_space<vmem>>)
      %slice3A_1411 = vector.extract_strided_slice %scan3A_498 {offsets = [8], sizes = [1], strides = [1]} : vector<16xi32> to vector<1xi32>
      %squeeze3A_1412 = vector.extract %slice3A_1411[0] : i32 from vector<1xi32>
      %broadcast_in_dim3A_1413 = vector.broadcast %squeeze3A_1412 : i32 to vector<16xi32>
      %mul3A_1414 = arith.constant 16 : i32
      %mul3A_1415 = arith.muli %scan3A_496, %mul3A_1414 : i32
      %add3A_1416 = arith.constant 8 : i32
      %add3A_1417 = arith.addi %mul3A_1415, %add3A_1416 : i32
      %broadcast_in_dim3A_1418 = vector.broadcast %add3A_1417 : i32 to vector<16xi32>
      %iota3A_1419 = tpu.iota {dimensions = array<i32: 0>} : vector<16xi32>
      %add3A_1420 = arith.constant 0 : i32
      %add3A_1421 = vector.broadcast %add3A_1420 : i32 to vector<16xi32>
      %add3A_1422 = arith.addi %iota3A_1419, %add3A_1421 : vector<16xi32>
      %gather3A_1423 = arith.constant 0 : i32
      %gather3A_1424 = arith.constant 0 : i32
      %gather3A_1425 = arith.constant 0 : i32
      %gather3A_1426 = tpu.memref_slice %arg6[%gather3A_1423, %gather3A_1424, %gather3A_1425] : memref<8x64x128xf32, #tpu.memory_space<vmem>> -> memref<1x64x128xf32, #tpu.memory_space<vmem>>
      %gather3A_1427 = tpu.memref_squeeze %gather3A_1426 : memref<1x64x128xf32, #tpu.memory_space<vmem>> -> memref<64x128xf32, #tpu.memory_space<vmem>>
      %gather3A_1428 = tpu.vector_load_idx %gather3A_1427[%add3A_1422, %broadcast_in_dim3A_1413] : memref<64x128xf32, #tpu.memory_space<vmem>>[vector<16xi32>, vector<16xi32>], vector<16xf32>,
      tpu.vector_store_idx %arg7[%add3A_1422, %broadcast_in_dim3A_1418], %gather3A_1428 : memref<64x512xf32, #tpu.memory_space<vmem>>[vector<16xi32>, vector<16xi32>], vector<16xf32>,
      %iota3A_1429 = tpu.iota {dimensions = array<i32: 0>} : vector<16xi32>
      %add3A_1430 = arith.constant 16 : i32
      %add3A_1431 = vector.broadcast %add3A_1430 : i32 to vector<16xi32>
      %add3A_1432 = arith.addi %iota3A_1429, %add3A_1431 : vector<16xi32>
      %gather3A_1433 = arith.constant 0 : i32
      %gather3A_1434 = arith.constant 0 : i32
      %gather3A_1435 = arith.constant 0 : i32
      %gather3A_1436 = tpu.memref_slice %arg6[%gather3A_1433, %gather3A_1434, %gather3A_1435] : memref<8x64x128xf32, #tpu.memory_space<vmem>> -> memref<1x64x128xf32, #tpu.memory_space<vmem>>
      %gather3A_1437 = tpu.memref_squeeze %gather3A_1436 : memref<1x64x128xf32, #tpu.memory_space<vmem>> -> memref<64x128xf32, #tpu.memory_space<vmem>>
      %gather3A_1438 = tpu.vector_load_idx %gather3A_1437[%add3A_1432, %broadcast_in_dim3A_1413] : memref<64x128xf32, #tpu.memory_space<vmem>>[vector<16xi32>, vector<16xi32>], vector<16xf32>,
      tpu.vector_store_idx %arg7[%add3A_1432, %broadcast_in_dim3A_1418], %gather3A_1438 : memref<64x512xf32, #tpu.memory_space<vmem>>[vector<16xi32>, vector<16xi32>], vector<16xf32>,
      %iota3A_1439 = tpu.iota {dimensions = array<i32: 0>} : vector<16xi32>
      %add3A_1440 = arith.constant 32 : i32
      %add3A_1441 = vector.broadcast %add3A_1440 : i32 to vector<16xi32>
      %add3A_1442 = arith.addi %iota3A_1439, %add3A_1441 : vector<16xi32>
      %gather3A_1443 = arith.constant 0 : i32
      %gather3A_1444 = arith.constant 0 : i32
      %gather3A_1445 = arith.constant 0 : i32
      %gather3A_1446 = tpu.memref_slice %arg6[%gather3A_1443, %gather3A_1444, %gather3A_1445] : memref<8x64x128xf32, #tpu.memory_space<vmem>> -> memref<1x64x128xf32, #tpu.memory_space<vmem>>
      %gather3A_1447 = tpu.memref_squeeze %gather3A_1446 : memref<1x64x128xf32, #tpu.memory_space<vmem>> -> memref<64x128xf32, #tpu.memory_space<vmem>>
      %gather3A_1448 = tpu.vector_load_idx %gather3A_1447[%add3A_1442, %broadcast_in_dim3A_1413] : memref<64x128xf32, #tpu.memory_space<vmem>>[vector<16xi32>, vector<16xi32>], vector<16xf32>,
      tpu.vector_store_idx %arg7[%add3A_1442, %broadcast_in_dim3A_1418], %gather3A_1448 : memref<64x512xf32, #tpu.memory_space<vmem>>[vector<16xi32>, vector<16xi32>], vector<16xf32>,
      %iota3A_1449 = tpu.iota {dimensions = array<i32: 0>} : vector<16xi32>
      %add3A_1450 = arith.constant 48 : i32
      %add3A_1451 = vector.broadcast %add3A_1450 : i32 to vector<16xi32>
      %add3A_1452 = arith.addi %iota3A_1449, %add3A_1451 : vector<16xi32>
      %gather3A_1453 = arith.constant 0 : i32
      %gather3A_1454 = arith.constant 0 : i32
      %gather3A_1455 = arith.constant 0 : i32
      %gather3A_1456 = tpu.memref_slice %arg6[%gather3A_1453, %gather3A_1454, %gather3A_1455] : memref<8x64x128xf32, #tpu.memory_space<vmem>> -> memref<1x64x128xf32, #tpu.memory_space<vmem>>
      %gather3A_1457 = tpu.memref_squeeze %gather3A_1456 : memref<1x64x128xf32, #tpu.memory_space<vmem>> -> memref<64x128xf32, #tpu.memory_space<vmem>>
      %gather3A_1458 = tpu.vector_load_idx %gather3A_1457[%add3A_1452, %broadcast_in_dim3A_1413] : memref<64x128xf32, #tpu.memory_space<vmem>>[vector<16xi32>, vector<16xi32>], vector<16xf32>,
      tpu.vector_store_idx %arg7[%add3A_1452, %broadcast_in_dim3A_1418], %gather3A_1458 : memref<64x512xf32, #tpu.memory_space<vmem>>[vector<16xi32>, vector<16xi32>], vector<16xf32>,
      %slice3A_1459 = vector.extract_strided_slice %shift_right_logical3A_508 {offsets = [0], sizes = [1], strides = [1]} : vector<16xi32> to vector<1xi32>
      %squeeze3A_1460 = vector.extract %slice3A_1459[0] : i32 from vector<1xi32>
      %mul3A_1461 = arith.constant 128 : i32
      %mul3A_1462 = arith.muli %squeeze3A_1460, %mul3A_1461 : i32
      %multiple_of3A_1463 = tpu.assume_multiple %mul3A_1462, 128 : i32
      %dma_start3A_1464 = arith.constant 0 : i32
      %dma_start3A_1465 = arith.constant 0 : i32
      %dma_start3A_1466 = arith.constant 0 : i32
      %dma_start3A_1467 = tpu.memref_slice %arg6[%dma_start3A_1464, %dma_start3A_1465, %dma_start3A_1466] : memref<8x64x128xf32, #tpu.memory_space<vmem>> -> memref<1x32x128xf32, #tpu.memory_space<vmem>>
      %dma_start3A_1468 = tpu.memref_squeeze %dma_start3A_1467 : memref<1x32x128xf32, #tpu.memory_space<vmem>> -> memref<32x128xf32, #tpu.memory_space<vmem>>
      %dma_start3A_1469 = arith.constant 0 : i32
      %dma_start3A_1470 = tpu.memref_slice %arg3[%dma_start3A_1469, %multiple_of3A_1463] : memref<64x1000000xf32, #tpu.memory_space<hbm>> -> memref<32x128xf32, #tpu.memory_space<hbm>>
      %dma_start3A_1471 = arith.constant 0 : i32
      %dma_start3A_1472 = arith.constant 0 : i32
      %dma_start3A_1473 = tpu.memref_slice %arg6[%dma_start3A_1464, %dma_start3A_1471, %dma_start3A_1472] : memref<8x64x128xf32, #tpu.memory_space<vmem>> -> memref<1x32x128xf32, #tpu.memory_space<vmem>>
      %dma_start3A_1474 = tpu.memref_squeeze %dma_start3A_1473 : memref<1x32x128xf32, #tpu.memory_space<vmem>> -> memref<32x128xf32, #tpu.memory_space<vmem>>
      %dma_start3A_1475 = arith.constant 0 : i32
      %dma_start3A_1476 = tpu.memref_slice %arg3[%dma_start3A_1475, %multiple_of3A_1463] : memref<64x1000000xf32, #tpu.memory_space<hbm>> -> memref<32x128xf32, #tpu.memory_space<hbm>>
      tpu.enqueue_dma source(%dma_start3A_1476 : memref<32x128xf32, #tpu.memory_space<hbm>>) target(%dma_start3A_1474 : memref<32x128xf32, #tpu.memory_space<vmem>>) target_semaphore(%arg9 : memref<!tpu.dma_semaphore, #tpu.memory_space<semaphore_mem>>)
      %dma_start3A_1477 = arith.constant 0 : i32
      %dma_start3A_1478 = arith.constant 32 : i32
      %dma_start3A_1479 = arith.constant 0 : i32
      %dma_start3A_1480 = tpu.memref_slice %arg6[%dma_start3A_1477, %dma_start3A_1478, %dma_start3A_1479] : memref<8x64x128xf32, #tpu.memory_space<vmem>> -> memref<1x32x128xf32, #tpu.memory_space<vmem>>
      %dma_start3A_1481 = tpu.memref_squeeze %dma_start3A_1480 : memref<1x32x128xf32, #tpu.memory_space<vmem>> -> memref<32x128xf32, #tpu.memory_space<vmem>>
      %dma_start3A_1482 = arith.constant 32 : i32
      %dma_start3A_1483 = tpu.memref_slice %arg3[%dma_start3A_1482, %multiple_of3A_1463] : memref<64x1000000xf32, #tpu.memory_space<hbm>> -> memref<32x128xf32, #tpu.memory_space<hbm>>
      %dma_start3A_1484 = arith.constant 32 : i32
      %dma_start3A_1485 = arith.constant 0 : i32
      %dma_start3A_1486 = tpu.memref_slice %arg6[%dma_start3A_1477, %dma_start3A_1484, %dma_start3A_1485] : memref<8x64x128xf32, #tpu.memory_space<vmem>> -> memref<1x32x128xf32, #tpu.memory_space<vmem>>
      %dma_start3A_1487 = tpu.memref_squeeze %dma_start3A_1486 : memref<1x32x128xf32, #tpu.memory_space<vmem>> -> memref<32x128xf32, #tpu.memory_space<vmem>>
      %dma_start3A_1488 = arith.constant 32 : i32
      %dma_start3A_1489 = tpu.memref_slice %arg3[%dma_start3A_1488, %multiple_of3A_1463] : memref<64x1000000xf32, #tpu.memory_space<hbm>> -> memref<32x128xf32, #tpu.memory_space<hbm>>
      tpu.enqueue_dma source(%dma_start3A_1489 : memref<32x128xf32, #tpu.memory_space<hbm>>) target(%dma_start3A_1487 : memref<32x128xf32, #tpu.memory_space<vmem>>) target_semaphore(%arg9 : memref<!tpu.dma_semaphore, #tpu.memory_space<semaphore_mem>>)
      %dma_wait3A_1490 = arith.constant 1 : i32
      %dma_wait3A_1491 = arith.constant 0 : i32
      %dma_wait3A_1492 = arith.constant 0 : i32
      %dma_wait3A_1493 = tpu.memref_slice %arg6[%dma_wait3A_1490, %dma_wait3A_1491, %dma_wait3A_1492] : memref<8x64x128xf32, #tpu.memory_space<vmem>> -> memref<1x32x128xf32, #tpu.memory_space<vmem>>
      %dma_wait3A_1494 = tpu.memref_squeeze %dma_wait3A_1493 : memref<1x32x128xf32, #tpu.memory_space<vmem>> -> memref<32x128xf32, #tpu.memory_space<vmem>>
      %dma_wait3A_1495 = arith.constant 0 : i32
      %dma_wait3A_1496 = arith.constant 0 : i32
      %dma_wait3A_1497 = tpu.memref_slice %arg3[%dma_wait3A_1495, %dma_wait3A_1496] : memref<64x1000000xf32, #tpu.memory_space<hbm>> -> memref<32x128xf32, #tpu.memory_space<hbm>>
      %dma_wait3A_1498 = arith.constant 0 : i32
      %dma_wait3A_1499 = arith.constant 0 : i32
      %dma_wait3A_1500 = tpu.memref_slice %arg6[%dma_wait3A_1490, %dma_wait3A_1498, %dma_wait3A_1499] : memref<8x64x128xf32, #tpu.memory_space<vmem>> -> memref<1x32x128xf32, #tpu.memory_space<vmem>>
      %dma_wait3A_1501 = tpu.memref_squeeze %dma_wait3A_1500 : memref<1x32x128xf32, #tpu.memory_space<vmem>> -> memref<32x128xf32, #tpu.memory_space<vmem>>
      %dma_wait3A_1502 = arith.constant 0 : i32
      %dma_wait3A_1503 = arith.constant 0 : i32
      %dma_wait3A_1504 = tpu.memref_slice %arg3[%dma_wait3A_1502, %dma_wait3A_1503] : memref<64x1000000xf32, #tpu.memory_space<hbm>> -> memref<32x128xf32, #tpu.memory_space<hbm>>
      tpu.wait_dma2 semaphore(%arg10 : memref<!tpu.dma_semaphore, #tpu.memory_space<semaphore_mem>>) src(%dma_wait3A_1504 : memref<32x128xf32, #tpu.memory_space<hbm>>) dst(%dma_wait3A_1501 : memref<32x128xf32, #tpu.memory_space<vmem>>)
      %dma_wait3A_1505 = arith.constant 1 : i32
      %dma_wait3A_1506 = arith.constant 32 : i32
      %dma_wait3A_1507 = arith.constant 0 : i32
      %dma_wait3A_1508 = tpu.memref_slice %arg6[%dma_wait3A_1505, %dma_wait3A_1506, %dma_wait3A_1507] : memref<8x64x128xf32, #tpu.memory_space<vmem>> -> memref<1x32x128xf32, #tpu.memory_space<vmem>>
      %dma_wait3A_1509 = tpu.memref_squeeze %dma_wait3A_1508 : memref<1x32x128xf32, #tpu.memory_space<vmem>> -> memref<32x128xf32, #tpu.memory_space<vmem>>
      %dma_wait3A_1510 = arith.constant 0 : i32
      %dma_wait3A_1511 = arith.constant 0 : i32
      %dma_wait3A_1512 = tpu.memref_slice %arg3[%dma_wait3A_1510, %dma_wait3A_1511] : memref<64x1000000xf32, #tpu.memory_space<hbm>> -> memref<32x128xf32, #tpu.memory_space<hbm>>
      %dma_wait3A_1513 = arith.constant 32 : i32
      %dma_wait3A_1514 = arith.constant 0 : i32
      %dma_wait3A_1515 = tpu.memref_slice %arg6[%dma_wait3A_1505, %dma_wait3A_1513, %dma_wait3A_1514] : memref<8x64x128xf32, #tpu.memory_space<vmem>> -> memref<1x32x128xf32, #tpu.memory_space<vmem>>
      %dma_wait3A_1516 = tpu.memref_squeeze %dma_wait3A_1515 : memref<1x32x128xf32, #tpu.memory_space<vmem>> -> memref<32x128xf32, #tpu.memory_space<vmem>>
      %dma_wait3A_1517 = arith.constant 0 : i32
      %dma_wait3A_1518 = arith.constant 0 : i32
      %dma_wait3A_1519 = tpu.memref_slice %arg3[%dma_wait3A_1517, %dma_wait3A_1518] : memref<64x1000000xf32, #tpu.memory_space<hbm>> -> memref<32x128xf32, #tpu.memory_space<hbm>>
      tpu.wait_dma2 semaphore(%arg10 : memref<!tpu.dma_semaphore, #tpu.memory_space<semaphore_mem>>) src(%dma_wait3A_1519 : memref<32x128xf32, #tpu.memory_space<hbm>>) dst(%dma_wait3A_1516 : memref<32x128xf32, #tpu.memory_space<vmem>>)
      %slice3A_1520 = vector.extract_strided_slice %scan3A_498 {offsets = [9], sizes = [1], strides = [1]} : vector<16xi32> to vector<1xi32>
      %squeeze3A_1521 = vector.extract %slice3A_1520[0] : i32 from vector<1xi32>
      %broadcast_in_dim3A_1522 = vector.broadcast %squeeze3A_1521 : i32 to vector<16xi32>
      %mul3A_1523 = arith.constant 16 : i32
      %mul3A_1524 = arith.muli %scan3A_496, %mul3A_1523 : i32
      %add3A_1525 = arith.constant 9 : i32
      %add3A_1526 = arith.addi %mul3A_1524, %add3A_1525 : i32
      %broadcast_in_dim3A_1527 = vector.broadcast %add3A_1526 : i32 to vector<16xi32>
      %iota3A_1528 = tpu.iota {dimensions = array<i32: 0>} : vector<16xi32>
      %add3A_1529 = arith.constant 0 : i32
      %add3A_1530 = vector.broadcast %add3A_1529 : i32 to vector<16xi32>
      %add3A_1531 = arith.addi %iota3A_1528, %add3A_1530 : vector<16xi32>
      %gather3A_1532 = arith.constant 1 : i32
      %gather3A_1533 = arith.constant 0 : i32
      %gather3A_1534 = arith.constant 0 : i32
      %gather3A_1535 = tpu.memref_slice %arg6[%gather3A_1532, %gather3A_1533, %gather3A_1534] : memref<8x64x128xf32, #tpu.memory_space<vmem>> -> memref<1x64x128xf32, #tpu.memory_space<vmem>>
      %gather3A_1536 = tpu.memref_squeeze %gather3A_1535 : memref<1x64x128xf32, #tpu.memory_space<vmem>> -> memref<64x128xf32, #tpu.memory_space<vmem>>
      %gather3A_1537 = tpu.vector_load_idx %gather3A_1536[%add3A_1531, %broadcast_in_dim3A_1522] : memref<64x128xf32, #tpu.memory_space<vmem>>[vector<16xi32>, vector<16xi32>], vector<16xf32>,
      tpu.vector_store_idx %arg7[%add3A_1531, %broadcast_in_dim3A_1527], %gather3A_1537 : memref<64x512xf32, #tpu.memory_space<vmem>>[vector<16xi32>, vector<16xi32>], vector<16xf32>,
      %iota3A_1538 = tpu.iota {dimensions = array<i32: 0>} : vector<16xi32>
      %add3A_1539 = arith.constant 16 : i32
      %add3A_1540 = vector.broadcast %add3A_1539 : i32 to vector<16xi32>
      %add3A_1541 = arith.addi %iota3A_1538, %add3A_1540 : vector<16xi32>
      %gather3A_1542 = arith.constant 1 : i32
      %gather3A_1543 = arith.constant 0 : i32
      %gather3A_1544 = arith.constant 0 : i32
      %gather3A_1545 = tpu.memref_slice %arg6[%gather3A_1542, %gather3A_1543, %gather3A_1544] : memref<8x64x128xf32, #tpu.memory_space<vmem>> -> memref<1x64x128xf32, #tpu.memory_space<vmem>>
      %gather3A_1546 = tpu.memref_squeeze %gather3A_1545 : memref<1x64x128xf32, #tpu.memory_space<vmem>> -> memref<64x128xf32, #tpu.memory_space<vmem>>
      %gather3A_1547 = tpu.vector_load_idx %gather3A_1546[%add3A_1541, %broadcast_in_dim3A_1522] : memref<64x128xf32, #tpu.memory_space<vmem>>[vector<16xi32>, vector<16xi32>], vector<16xf32>,
      tpu.vector_store_idx %arg7[%add3A_1541, %broadcast_in_dim3A_1527], %gather3A_1547 : memref<64x512xf32, #tpu.memory_space<vmem>>[vector<16xi32>, vector<16xi32>], vector<16xf32>,
      %iota3A_1548 = tpu.iota {dimensions = array<i32: 0>} : vector<16xi32>
      %add3A_1549 = arith.constant 32 : i32
      %add3A_1550 = vector.broadcast %add3A_1549 : i32 to vector<16xi32>
      %add3A_1551 = arith.addi %iota3A_1548, %add3A_1550 : vector<16xi32>
      %gather3A_1552 = arith.constant 1 : i32
      %gather3A_1553 = arith.constant 0 : i32
      %gather3A_1554 = arith.constant 0 : i32
      %gather3A_1555 = tpu.memref_slice %arg6[%gather3A_1552, %gather3A_1553, %gather3A_1554] : memref<8x64x128xf32, #tpu.memory_space<vmem>> -> memref<1x64x128xf32, #tpu.memory_space<vmem>>
      %gather3A_1556 = tpu.memref_squeeze %gather3A_1555 : memref<1x64x128xf32, #tpu.memory_space<vmem>> -> memref<64x128xf32, #tpu.memory_space<vmem>>
      %gather3A_1557 = tpu.vector_load_idx %gather3A_1556[%add3A_1551, %broadcast_in_dim3A_1522] : memref<64x128xf32, #tpu.memory_space<vmem>>[vector<16xi32>, vector<16xi32>], vector<16xf32>,
      tpu.vector_store_idx %arg7[%add3A_1551, %broadcast_in_dim3A_1527], %gather3A_1557 : memref<64x512xf32, #tpu.memory_space<vmem>>[vector<16xi32>, vector<16xi32>], vector<16xf32>,
      %iota3A_1558 = tpu.iota {dimensions = array<i32: 0>} : vector<16xi32>
      %add3A_1559 = arith.constant 48 : i32
      %add3A_1560 = vector.broadcast %add3A_1559 : i32 to vector<16xi32>
      %add3A_1561 = arith.addi %iota3A_1558, %add3A_1560 : vector<16xi32>
      %gather3A_1562 = arith.constant 1 : i32
      %gather3A_1563 = arith.constant 0 : i32
      %gather3A_1564 = arith.constant 0 : i32
      %gather3A_1565 = tpu.memref_slice %arg6[%gather3A_1562, %gather3A_1563, %gather3A_1564] : memref<8x64x128xf32, #tpu.memory_space<vmem>> -> memref<1x64x128xf32, #tpu.memory_space<vmem>>
      %gather3A_1566 = tpu.memref_squeeze %gather3A_1565 : memref<1x64x128xf32, #tpu.memory_space<vmem>> -> memref<64x128xf32, #tpu.memory_space<vmem>>
      %gather3A_1567 = tpu.vector_load_idx %gather3A_1566[%add3A_1561, %broadcast_in_dim3A_1522] : memref<64x128xf32, #tpu.memory_space<vmem>>[vector<16xi32>, vector<16xi32>], vector<16xf32>,
      tpu.vector_store_idx %arg7[%add3A_1561, %broadcast_in_dim3A_1527], %gather3A_1567 : memref<64x512xf32, #tpu.memory_space<vmem>>[vector<16xi32>, vector<16xi32>], vector<16xf32>,
      %slice3A_1568 = vector.extract_strided_slice %shift_right_logical3A_508 {offsets = [1], sizes = [1], strides = [1]} : vector<16xi32> to vector<1xi32>
      %squeeze3A_1569 = vector.extract %slice3A_1568[0] : i32 from vector<1xi32>
      %mul3A_1570 = arith.constant 128 : i32
      %mul3A_1571 = arith.muli %squeeze3A_1569, %mul3A_1570 : i32
      %multiple_of3A_1572 = tpu.assume_multiple %mul3A_1571, 128 : i32
      %dma_start3A_1573 = arith.constant 1 : i32
      %dma_start3A_1574 = arith.constant 0 : i32
      %dma_start3A_1575 = arith.constant 0 : i32
      %dma_start3A_1576 = tpu.memref_slice %arg6[%dma_start3A_1573, %dma_start3A_1574, %dma_start3A_1575] : memref<8x64x128xf32, #tpu.memory_space<vmem>> -> memref<1x32x128xf32, #tpu.memory_space<vmem>>
      %dma_start3A_1577 = tpu.memref_squeeze %dma_start3A_1576 : memref<1x32x128xf32, #tpu.memory_space<vmem>> -> memref<32x128xf32, #tpu.memory_space<vmem>>
      %dma_start3A_1578 = arith.constant 0 : i32
      %dma_start3A_1579 = tpu.memref_slice %arg3[%dma_start3A_1578, %multiple_of3A_1572] : memref<64x1000000xf32, #tpu.memory_space<hbm>> -> memref<32x128xf32, #tpu.memory_space<hbm>>
      %dma_start3A_1580 = arith.constant 0 : i32
      %dma_start3A_1581 = arith.constant 0 : i32
      %dma_start3A_1582 = tpu.memref_slice %arg6[%dma_start3A_1573, %dma_start3A_1580, %dma_start3A_1581] : memref<8x64x128xf32, #tpu.memory_space<vmem>> -> memref<1x32x128xf32, #tpu.memory_space<vmem>>
      %dma_start3A_1583 = tpu.memref_squeeze %dma_start3A_1582 : memref<1x32x128xf32, #tpu.memory_space<vmem>> -> memref<32x128xf32, #tpu.memory_space<vmem>>
      %dma_start3A_1584 = arith.constant 0 : i32
      %dma_start3A_1585 = tpu.memref_slice %arg3[%dma_start3A_1584, %multiple_of3A_1572] : memref<64x1000000xf32, #tpu.memory_space<hbm>> -> memref<32x128xf32, #tpu.memory_space<hbm>>
      tpu.enqueue_dma source(%dma_start3A_1585 : memref<32x128xf32, #tpu.memory_space<hbm>>) target(%dma_start3A_1583 : memref<32x128xf32, #tpu.memory_space<vmem>>) target_semaphore(%arg10 : memref<!tpu.dma_semaphore, #tpu.memory_space<semaphore_mem>>)
      %dma_start3A_1586 = arith.constant 1 : i32
      %dma_start3A_1587 = arith.constant 32 : i32
      %dma_start3A_1588 = arith.constant 0 : i32
      %dma_start3A_1589 = tpu.memref_slice %arg6[%dma_start3A_1586, %dma_start3A_1587, %dma_start3A_1588] : memref<8x64x128xf32, #tpu.memory_space<vmem>> -> memref<1x32x128xf32, #tpu.memory_space<vmem>>
      %dma_start3A_1590 = tpu.memref_squeeze %dma_start3A_1589 : memref<1x32x128xf32, #tpu.memory_space<vmem>> -> memref<32x128xf32, #tpu.memory_space<vmem>>
      %dma_start3A_1591 = arith.constant 32 : i32
      %dma_start3A_1592 = tpu.memref_slice %arg3[%dma_start3A_1591, %multiple_of3A_1572] : memref<64x1000000xf32, #tpu.memory_space<hbm>> -> memref<32x128xf32, #tpu.memory_space<hbm>>
      %dma_start3A_1593 = arith.constant 32 : i32
      %dma_start3A_1594 = arith.constant 0 : i32
      %dma_start3A_1595 = tpu.memref_slice %arg6[%dma_start3A_1586, %dma_start3A_1593, %dma_start3A_1594] : memref<8x64x128xf32, #tpu.memory_space<vmem>> -> memref<1x32x128xf32, #tpu.memory_space<vmem>>
      %dma_start3A_1596 = tpu.memref_squeeze %dma_start3A_1595 : memref<1x32x128xf32, #tpu.memory_space<vmem>> -> memref<32x128xf32, #tpu.memory_space<vmem>>
      %dma_start3A_1597 = arith.constant 32 : i32
      %dma_start3A_1598 = tpu.memref_slice %arg3[%dma_start3A_1597, %multiple_of3A_1572] : memref<64x1000000xf32, #tpu.memory_space<hbm>> -> memref<32x128xf32, #tpu.memory_space<hbm>>
      tpu.enqueue_dma source(%dma_start3A_1598 : memref<32x128xf32, #tpu.memory_space<hbm>>) target(%dma_start3A_1596 : memref<32x128xf32, #tpu.memory_space<vmem>>) target_semaphore(%arg10 : memref<!tpu.dma_semaphore, #tpu.memory_space<semaphore_mem>>)
      %dma_wait3A_1599 = arith.constant 2 : i32
      %dma_wait3A_1600 = arith.constant 0 : i32
      %dma_wait3A_1601 = arith.constant 0 : i32
      %dma_wait3A_1602 = tpu.memref_slice %arg6[%dma_wait3A_1599, %dma_wait3A_1600, %dma_wait3A_1601] : memref<8x64x128xf32, #tpu.memory_space<vmem>> -> memref<1x32x128xf32, #tpu.memory_space<vmem>>
      %dma_wait3A_1603 = tpu.memref_squeeze %dma_wait3A_1602 : memref<1x32x128xf32, #tpu.memory_space<vmem>> -> memref<32x128xf32, #tpu.memory_space<vmem>>
      %dma_wait3A_1604 = arith.constant 0 : i32
      %dma_wait3A_1605 = arith.constant 0 : i32
      %dma_wait3A_1606 = tpu.memref_slice %arg3[%dma_wait3A_1604, %dma_wait3A_1605] : memref<64x1000000xf32, #tpu.memory_space<hbm>> -> memref<32x128xf32, #tpu.memory_space<hbm>>
      %dma_wait3A_1607 = arith.constant 0 : i32
      %dma_wait3A_1608 = arith.constant 0 : i32
      %dma_wait3A_1609 = tpu.memref_slice %arg6[%dma_wait3A_1599, %dma_wait3A_1607, %dma_wait3A_1608] : memref<8x64x128xf32, #tpu.memory_space<vmem>> -> memref<1x32x128xf32, #tpu.memory_space<vmem>>
      %dma_wait3A_1610 = tpu.memref_squeeze %dma_wait3A_1609 : memref<1x32x128xf32, #tpu.memory_space<vmem>> -> memref<32x128xf32, #tpu.memory_space<vmem>>
      %dma_wait3A_1611 = arith.constant 0 : i32
      %dma_wait3A_1612 = arith.constant 0 : i32
      %dma_wait3A_1613 = tpu.memref_slice %arg3[%dma_wait3A_1611, %dma_wait3A_1612] : memref<64x1000000xf32, #tpu.memory_space<hbm>> -> memref<32x128xf32, #tpu.memory_space<hbm>>
      tpu.wait_dma2 semaphore(%arg11 : memref<!tpu.dma_semaphore, #tpu.memory_space<semaphore_mem>>) src(%dma_wait3A_1613 : memref<32x128xf32, #tpu.memory_space<hbm>>) dst(%dma_wait3A_1610 : memref<32x128xf32, #tpu.memory_space<vmem>>)
      %dma_wait3A_1614 = arith.constant 2 : i32
      %dma_wait3A_1615 = arith.constant 32 : i32
      %dma_wait3A_1616 = arith.constant 0 : i32
      %dma_wait3A_1617 = tpu.memref_slice %arg6[%dma_wait3A_1614, %dma_wait3A_1615, %dma_wait3A_1616] : memref<8x64x128xf32, #tpu.memory_space<vmem>> -> memref<1x32x128xf32, #tpu.memory_space<vmem>>
      %dma_wait3A_1618 = tpu.memref_squeeze %dma_wait3A_1617 : memref<1x32x128xf32, #tpu.memory_space<vmem>> -> memref<32x128xf32, #tpu.memory_space<vmem>>
      %dma_wait3A_1619 = arith.constant 0 : i32
      %dma_wait3A_1620 = arith.constant 0 : i32
      %dma_wait3A_1621 = tpu.memref_slice %arg3[%dma_wait3A_1619, %dma_wait3A_1620] : memref<64x1000000xf32, #tpu.memory_space<hbm>> -> memref<32x128xf32, #tpu.memory_space<hbm>>
      %dma_wait3A_1622 = arith.constant 32 : i32
      %dma_wait3A_1623 = arith.constant 0 : i32
      %dma_wait3A_1624 = tpu.memref_slice %arg6[%dma_wait3A_1614, %dma_wait3A_1622, %dma_wait3A_1623] : memref<8x64x128xf32, #tpu.memory_space<vmem>> -> memref<1x32x128xf32, #tpu.memory_space<vmem>>
      %dma_wait3A_1625 = tpu.memref_squeeze %dma_wait3A_1624 : memref<1x32x128xf32, #tpu.memory_space<vmem>> -> memref<32x128xf32, #tpu.memory_space<vmem>>
      %dma_wait3A_1626 = arith.constant 0 : i32
      %dma_wait3A_1627 = arith.constant 0 : i32
      %dma_wait3A_1628 = tpu.memref_slice %arg3[%dma_wait3A_1626, %dma_wait3A_1627] : memref<64x1000000xf32, #tpu.memory_space<hbm>> -> memref<32x128xf32, #tpu.memory_space<hbm>>
      tpu.wait_dma2 semaphore(%arg11 : memref<!tpu.dma_semaphore, #tpu.memory_space<semaphore_mem>>) src(%dma_wait3A_1628 : memref<32x128xf32, #tpu.memory_space<hbm>>) dst(%dma_wait3A_1625 : memref<32x128xf32, #tpu.memory_space<vmem>>)
      %slice3A_1629 = vector.extract_strided_slice %scan3A_498 {offsets = [10], sizes = [1], strides = [1]} : vector<16xi32> to vector<1xi32>
      %squeeze3A_1630 = vector.extract %slice3A_1629[0] : i32 from vector<1xi32>
      %broadcast_in_dim3A_1631 = vector.broadcast %squeeze3A_1630 : i32 to vector<16xi32>
      %mul3A_1632 = arith.constant 16 : i32
      %mul3A_1633 = arith.muli %scan3A_496, %mul3A_1632 : i32
      %add3A_1634 = arith.constant 10 : i32
      %add3A_1635 = arith.addi %mul3A_1633, %add3A_1634 : i32
      %broadcast_in_dim3A_1636 = vector.broadcast %add3A_1635 : i32 to vector<16xi32>
      %iota3A_1637 = tpu.iota {dimensions = array<i32: 0>} : vector<16xi32>
      %add3A_1638 = arith.constant 0 : i32
      %add3A_1639 = vector.broadcast %add3A_1638 : i32 to vector<16xi32>
      %add3A_1640 = arith.addi %iota3A_1637, %add3A_1639 : vector<16xi32>
      %gather3A_1641 = arith.constant 2 : i32
      %gather3A_1642 = arith.constant 0 : i32
      %gather3A_1643 = arith.constant 0 : i32
      %gather3A_1644 = tpu.memref_slice %arg6[%gather3A_1641, %gather3A_1642, %gather3A_1643] : memref<8x64x128xf32, #tpu.memory_space<vmem>> -> memref<1x64x128xf32, #tpu.memory_space<vmem>>
      %gather3A_1645 = tpu.memref_squeeze %gather3A_1644 : memref<1x64x128xf32, #tpu.memory_space<vmem>> -> memref<64x128xf32, #tpu.memory_space<vmem>>
      %gather3A_1646 = tpu.vector_load_idx %gather3A_1645[%add3A_1640, %broadcast_in_dim3A_1631] : memref<64x128xf32, #tpu.memory_space<vmem>>[vector<16xi32>, vector<16xi32>], vector<16xf32>,
      tpu.vector_store_idx %arg7[%add3A_1640, %broadcast_in_dim3A_1636], %gather3A_1646 : memref<64x512xf32, #tpu.memory_space<vmem>>[vector<16xi32>, vector<16xi32>], vector<16xf32>,
      %iota3A_1647 = tpu.iota {dimensions = array<i32: 0>} : vector<16xi32>
      %add3A_1648 = arith.constant 16 : i32
      %add3A_1649 = vector.broadcast %add3A_1648 : i32 to vector<16xi32>
      %add3A_1650 = arith.addi %iota3A_1647, %add3A_1649 : vector<16xi32>
      %gather3A_1651 = arith.constant 2 : i32
      %gather3A_1652 = arith.constant 0 : i32
      %gather3A_1653 = arith.constant 0 : i32
      %gather3A_1654 = tpu.memref_slice %arg6[%gather3A_1651, %gather3A_1652, %gather3A_1653] : memref<8x64x128xf32, #tpu.memory_space<vmem>> -> memref<1x64x128xf32, #tpu.memory_space<vmem>>
      %gather3A_1655 = tpu.memref_squeeze %gather3A_1654 : memref<1x64x128xf32, #tpu.memory_space<vmem>> -> memref<64x128xf32, #tpu.memory_space<vmem>>
      %gather3A_1656 = tpu.vector_load_idx %gather3A_1655[%add3A_1650, %broadcast_in_dim3A_1631] : memref<64x128xf32, #tpu.memory_space<vmem>>[vector<16xi32>, vector<16xi32>], vector<16xf32>,
      tpu.vector_store_idx %arg7[%add3A_1650, %broadcast_in_dim3A_1636], %gather3A_1656 : memref<64x512xf32, #tpu.memory_space<vmem>>[vector<16xi32>, vector<16xi32>], vector<16xf32>,
      %iota3A_1657 = tpu.iota {dimensions = array<i32: 0>} : vector<16xi32>
      %add3A_1658 = arith.constant 32 : i32
      %add3A_1659 = vector.broadcast %add3A_1658 : i32 to vector<16xi32>
      %add3A_1660 = arith.addi %iota3A_1657, %add3A_1659 : vector<16xi32>
      %gather3A_1661 = arith.constant 2 : i32
      %gather3A_1662 = arith.constant 0 : i32
      %gather3A_1663 = arith.constant 0 : i32
      %gather3A_1664 = tpu.memref_slice %arg6[%gather3A_1661, %gather3A_1662, %gather3A_1663] : memref<8x64x128xf32, #tpu.memory_space<vmem>> -> memref<1x64x128xf32, #tpu.memory_space<vmem>>
      %gather3A_1665 = tpu.memref_squeeze %gather3A_1664 : memref<1x64x128xf32, #tpu.memory_space<vmem>> -> memref<64x128xf32, #tpu.memory_space<vmem>>
      %gather3A_1666 = tpu.vector_load_idx %gather3A_1665[%add3A_1660, %broadcast_in_dim3A_1631] : memref<64x128xf32, #tpu.memory_space<vmem>>[vector<16xi32>, vector<16xi32>], vector<16xf32>,
      tpu.vector_store_idx %arg7[%add3A_1660, %broadcast_in_dim3A_1636], %gather3A_1666 : memref<64x512xf32, #tpu.memory_space<vmem>>[vector<16xi32>, vector<16xi32>], vector<16xf32>,
      %iota3A_1667 = tpu.iota {dimensions = array<i32: 0>} : vector<16xi32>
      %add3A_1668 = arith.constant 48 : i32
      %add3A_1669 = vector.broadcast %add3A_1668 : i32 to vector<16xi32>
      %add3A_1670 = arith.addi %iota3A_1667, %add3A_1669 : vector<16xi32>
      %gather3A_1671 = arith.constant 2 : i32
      %gather3A_1672 = arith.constant 0 : i32
      %gather3A_1673 = arith.constant 0 : i32
      %gather3A_1674 = tpu.memref_slice %arg6[%gather3A_1671, %gather3A_1672, %gather3A_1673] : memref<8x64x128xf32, #tpu.memory_space<vmem>> -> memref<1x64x128xf32, #tpu.memory_space<vmem>>
      %gather3A_1675 = tpu.memref_squeeze %gather3A_1674 : memref<1x64x128xf32, #tpu.memory_space<vmem>> -> memref<64x128xf32, #tpu.memory_space<vmem>>
      %gather3A_1676 = tpu.vector_load_idx %gather3A_1675[%add3A_1670, %broadcast_in_dim3A_1631] : memref<64x128xf32, #tpu.memory_space<vmem>>[vector<16xi32>, vector<16xi32>], vector<16xf32>,
      tpu.vector_store_idx %arg7[%add3A_1670, %broadcast_in_dim3A_1636], %gather3A_1676 : memref<64x512xf32, #tpu.memory_space<vmem>>[vector<16xi32>, vector<16xi32>], vector<16xf32>,
      %slice3A_1677 = vector.extract_strided_slice %shift_right_logical3A_508 {offsets = [2], sizes = [1], strides = [1]} : vector<16xi32> to vector<1xi32>
      %squeeze3A_1678 = vector.extract %slice3A_1677[0] : i32 from vector<1xi32>
      %mul3A_1679 = arith.constant 128 : i32
      %mul3A_1680 = arith.muli %squeeze3A_1678, %mul3A_1679 : i32
      %multiple_of3A_1681 = tpu.assume_multiple %mul3A_1680, 128 : i32
      %dma_start3A_1682 = arith.constant 2 : i32
      %dma_start3A_1683 = arith.constant 0 : i32
      %dma_start3A_1684 = arith.constant 0 : i32
      %dma_start3A_1685 = tpu.memref_slice %arg6[%dma_start3A_1682, %dma_start3A_1683, %dma_start3A_1684] : memref<8x64x128xf32, #tpu.memory_space<vmem>> -> memref<1x32x128xf32, #tpu.memory_space<vmem>>
      %dma_start3A_1686 = tpu.memref_squeeze %dma_start3A_1685 : memref<1x32x128xf32, #tpu.memory_space<vmem>> -> memref<32x128xf32, #tpu.memory_space<vmem>>
      %dma_start3A_1687 = arith.constant 0 : i32
      %dma_start3A_1688 = tpu.memref_slice %arg3[%dma_start3A_1687, %multiple_of3A_1681] : memref<64x1000000xf32, #tpu.memory_space<hbm>> -> memref<32x128xf32, #tpu.memory_space<hbm>>
      %dma_start3A_1689 = arith.constant 0 : i32
      %dma_start3A_1690 = arith.constant 0 : i32
      %dma_start3A_1691 = tpu.memref_slice %arg6[%dma_start3A_1682, %dma_start3A_1689, %dma_start3A_1690] : memref<8x64x128xf32, #tpu.memory_space<vmem>> -> memref<1x32x128xf32, #tpu.memory_space<vmem>>
      %dma_start3A_1692 = tpu.memref_squeeze %dma_start3A_1691 : memref<1x32x128xf32, #tpu.memory_space<vmem>> -> memref<32x128xf32, #tpu.memory_space<vmem>>
      %dma_start3A_1693 = arith.constant 0 : i32
      %dma_start3A_1694 = tpu.memref_slice %arg3[%dma_start3A_1693, %multiple_of3A_1681] : memref<64x1000000xf32, #tpu.memory_space<hbm>> -> memref<32x128xf32, #tpu.memory_space<hbm>>
      tpu.enqueue_dma source(%dma_start3A_1694 : memref<32x128xf32, #tpu.memory_space<hbm>>) target(%dma_start3A_1692 : memref<32x128xf32, #tpu.memory_space<vmem>>) target_semaphore(%arg11 : memref<!tpu.dma_semaphore, #tpu.memory_space<semaphore_mem>>)
      %dma_start3A_1695 = arith.constant 2 : i32
      %dma_start3A_1696 = arith.constant 32 : i32
      %dma_start3A_1697 = arith.constant 0 : i32
      %dma_start3A_1698 = tpu.memref_slice %arg6[%dma_start3A_1695, %dma_start3A_1696, %dma_start3A_1697] : memref<8x64x128xf32, #tpu.memory_space<vmem>> -> memref<1x32x128xf32, #tpu.memory_space<vmem>>
      %dma_start3A_1699 = tpu.memref_squeeze %dma_start3A_1698 : memref<1x32x128xf32, #tpu.memory_space<vmem>> -> memref<32x128xf32, #tpu.memory_space<vmem>>
      %dma_start3A_1700 = arith.constant 32 : i32
      %dma_start3A_1701 = tpu.memref_slice %arg3[%dma_start3A_1700, %multiple_of3A_1681] : memref<64x1000000xf32, #tpu.memory_space<hbm>> -> memref<32x128xf32, #tpu.memory_space<hbm>>
      %dma_start3A_1702 = arith.constant 32 : i32
      %dma_start3A_1703 = arith.constant 0 : i32
      %dma_start3A_1704 = tpu.memref_slice %arg6[%dma_start3A_1695, %dma_start3A_1702, %dma_start3A_1703] : memref<8x64x128xf32, #tpu.memory_space<vmem>> -> memref<1x32x128xf32, #tpu.memory_space<vmem>>
      %dma_start3A_1705 = tpu.memref_squeeze %dma_start3A_1704 : memref<1x32x128xf32, #tpu.memory_space<vmem>> -> memref<32x128xf32, #tpu.memory_space<vmem>>
      %dma_start3A_1706 = arith.constant 32 : i32
      %dma_start3A_1707 = tpu.memref_slice %arg3[%dma_start3A_1706, %multiple_of3A_1681] : memref<64x1000000xf32, #tpu.memory_space<hbm>> -> memref<32x128xf32, #tpu.memory_space<hbm>>
      tpu.enqueue_dma source(%dma_start3A_1707 : memref<32x128xf32, #tpu.memory_space<hbm>>) target(%dma_start3A_1705 : memref<32x128xf32, #tpu.memory_space<vmem>>) target_semaphore(%arg11 : memref<!tpu.dma_semaphore, #tpu.memory_space<semaphore_mem>>)
      %dma_wait3A_1708 = arith.constant 3 : i32
      %dma_wait3A_1709 = arith.constant 0 : i32
      %dma_wait3A_1710 = arith.constant 0 : i32
      %dma_wait3A_1711 = tpu.memref_slice %arg6[%dma_wait3A_1708, %dma_wait3A_1709, %dma_wait3A_1710] : memref<8x64x128xf32, #tpu.memory_space<vmem>> -> memref<1x32x128xf32, #tpu.memory_space<vmem>>
      %dma_wait3A_1712 = tpu.memref_squeeze %dma_wait3A_1711 : memref<1x32x128xf32, #tpu.memory_space<vmem>> -> memref<32x128xf32, #tpu.memory_space<vmem>>
      %dma_wait3A_1713 = arith.constant 0 : i32
      %dma_wait3A_1714 = arith.constant 0 : i32
      %dma_wait3A_1715 = tpu.memref_slice %arg3[%dma_wait3A_1713, %dma_wait3A_1714] : memref<64x1000000xf32, #tpu.memory_space<hbm>> -> memref<32x128xf32, #tpu.memory_space<hbm>>
      %dma_wait3A_1716 = arith.constant 0 : i32
      %dma_wait3A_1717 = arith.constant 0 : i32
      %dma_wait3A_1718 = tpu.memref_slice %arg6[%dma_wait3A_1708, %dma_wait3A_1716, %dma_wait3A_1717] : memref<8x64x128xf32, #tpu.memory_space<vmem>> -> memref<1x32x128xf32, #tpu.memory_space<vmem>>
      %dma_wait3A_1719 = tpu.memref_squeeze %dma_wait3A_1718 : memref<1x32x128xf32, #tpu.memory_space<vmem>> -> memref<32x128xf32, #tpu.memory_space<vmem>>
      %dma_wait3A_1720 = arith.constant 0 : i32
      %dma_wait3A_1721 = arith.constant 0 : i32
      %dma_wait3A_1722 = tpu.memref_slice %arg3[%dma_wait3A_1720, %dma_wait3A_1721] : memref<64x1000000xf32, #tpu.memory_space<hbm>> -> memref<32x128xf32, #tpu.memory_space<hbm>>
      tpu.wait_dma2 semaphore(%arg12 : memref<!tpu.dma_semaphore, #tpu.memory_space<semaphore_mem>>) src(%dma_wait3A_1722 : memref<32x128xf32, #tpu.memory_space<hbm>>) dst(%dma_wait3A_1719 : memref<32x128xf32, #tpu.memory_space<vmem>>)
      %dma_wait3A_1723 = arith.constant 3 : i32
      %dma_wait3A_1724 = arith.constant 32 : i32
      %dma_wait3A_1725 = arith.constant 0 : i32
      %dma_wait3A_1726 = tpu.memref_slice %arg6[%dma_wait3A_1723, %dma_wait3A_1724, %dma_wait3A_1725] : memref<8x64x128xf32, #tpu.memory_space<vmem>> -> memref<1x32x128xf32, #tpu.memory_space<vmem>>
      %dma_wait3A_1727 = tpu.memref_squeeze %dma_wait3A_1726 : memref<1x32x128xf32, #tpu.memory_space<vmem>> -> memref<32x128xf32, #tpu.memory_space<vmem>>
      %dma_wait3A_1728 = arith.constant 0 : i32
      %dma_wait3A_1729 = arith.constant 0 : i32
      %dma_wait3A_1730 = tpu.memref_slice %arg3[%dma_wait3A_1728, %dma_wait3A_1729] : memref<64x1000000xf32, #tpu.memory_space<hbm>> -> memref<32x128xf32, #tpu.memory_space<hbm>>
      %dma_wait3A_1731 = arith.constant 32 : i32
      %dma_wait3A_1732 = arith.constant 0 : i32
      %dma_wait3A_1733 = tpu.memref_slice %arg6[%dma_wait3A_1723, %dma_wait3A_1731, %dma_wait3A_1732] : memref<8x64x128xf32, #tpu.memory_space<vmem>> -> memref<1x32x128xf32, #tpu.memory_space<vmem>>
      %dma_wait3A_1734 = tpu.memref_squeeze %dma_wait3A_1733 : memref<1x32x128xf32, #tpu.memory_space<vmem>> -> memref<32x128xf32, #tpu.memory_space<vmem>>
      %dma_wait3A_1735 = arith.constant 0 : i32
      %dma_wait3A_1736 = arith.constant 0 : i32
      %dma_wait3A_1737 = tpu.memref_slice %arg3[%dma_wait3A_1735, %dma_wait3A_1736] : memref<64x1000000xf32, #tpu.memory_space<hbm>> -> memref<32x128xf32, #tpu.memory_space<hbm>>
      tpu.wait_dma2 semaphore(%arg12 : memref<!tpu.dma_semaphore, #tpu.memory_space<semaphore_mem>>) src(%dma_wait3A_1737 : memref<32x128xf32, #tpu.memory_space<hbm>>) dst(%dma_wait3A_1734 : memref<32x128xf32, #tpu.memory_space<vmem>>)
      %slice3A_1738 = vector.extract_strided_slice %scan3A_498 {offsets = [11], sizes = [1], strides = [1]} : vector<16xi32> to vector<1xi32>
      %squeeze3A_1739 = vector.extract %slice3A_1738[0] : i32 from vector<1xi32>
      %broadcast_in_dim3A_1740 = vector.broadcast %squeeze3A_1739 : i32 to vector<16xi32>
      %mul3A_1741 = arith.constant 16 : i32
      %mul3A_1742 = arith.muli %scan3A_496, %mul3A_1741 : i32
      %add3A_1743 = arith.constant 11 : i32
      %add3A_1744 = arith.addi %mul3A_1742, %add3A_1743 : i32
      %broadcast_in_dim3A_1745 = vector.broadcast %add3A_1744 : i32 to vector<16xi32>
      %iota3A_1746 = tpu.iota {dimensions = array<i32: 0>} : vector<16xi32>
      %add3A_1747 = arith.constant 0 : i32
      %add3A_1748 = vector.broadcast %add3A_1747 : i32 to vector<16xi32>
      %add3A_1749 = arith.addi %iota3A_1746, %add3A_1748 : vector<16xi32>
      %gather3A_1750 = arith.constant 3 : i32
      %gather3A_1751 = arith.constant 0 : i32
      %gather3A_1752 = arith.constant 0 : i32
      %gather3A_1753 = tpu.memref_slice %arg6[%gather3A_1750, %gather3A_1751, %gather3A_1752] : memref<8x64x128xf32, #tpu.memory_space<vmem>> -> memref<1x64x128xf32, #tpu.memory_space<vmem>>
      %gather3A_1754 = tpu.memref_squeeze %gather3A_1753 : memref<1x64x128xf32, #tpu.memory_space<vmem>> -> memref<64x128xf32, #tpu.memory_space<vmem>>
      %gather3A_1755 = tpu.vector_load_idx %gather3A_1754[%add3A_1749, %broadcast_in_dim3A_1740] : memref<64x128xf32, #tpu.memory_space<vmem>>[vector<16xi32>, vector<16xi32>], vector<16xf32>,
      tpu.vector_store_idx %arg7[%add3A_1749, %broadcast_in_dim3A_1745], %gather3A_1755 : memref<64x512xf32, #tpu.memory_space<vmem>>[vector<16xi32>, vector<16xi32>], vector<16xf32>,
      %iota3A_1756 = tpu.iota {dimensions = array<i32: 0>} : vector<16xi32>
      %add3A_1757 = arith.constant 16 : i32
      %add3A_1758 = vector.broadcast %add3A_1757 : i32 to vector<16xi32>
      %add3A_1759 = arith.addi %iota3A_1756, %add3A_1758 : vector<16xi32>
      %gather3A_1760 = arith.constant 3 : i32
      %gather3A_1761 = arith.constant 0 : i32
      %gather3A_1762 = arith.constant 0 : i32
      %gather3A_1763 = tpu.memref_slice %arg6[%gather3A_1760, %gather3A_1761, %gather3A_1762] : memref<8x64x128xf32, #tpu.memory_space<vmem>> -> memref<1x64x128xf32, #tpu.memory_space<vmem>>
      %gather3A_1764 = tpu.memref_squeeze %gather3A_1763 : memref<1x64x128xf32, #tpu.memory_space<vmem>> -> memref<64x128xf32, #tpu.memory_space<vmem>>
      %gather3A_1765 = tpu.vector_load_idx %gather3A_1764[%add3A_1759, %broadcast_in_dim3A_1740] : memref<64x128xf32, #tpu.memory_space<vmem>>[vector<16xi32>, vector<16xi32>], vector<16xf32>,
      tpu.vector_store_idx %arg7[%add3A_1759, %broadcast_in_dim3A_1745], %gather3A_1765 : memref<64x512xf32, #tpu.memory_space<vmem>>[vector<16xi32>, vector<16xi32>], vector<16xf32>,
      %iota3A_1766 = tpu.iota {dimensions = array<i32: 0>} : vector<16xi32>
      %add3A_1767 = arith.constant 32 : i32
      %add3A_1768 = vector.broadcast %add3A_1767 : i32 to vector<16xi32>
      %add3A_1769 = arith.addi %iota3A_1766, %add3A_1768 : vector<16xi32>
      %gather3A_1770 = arith.constant 3 : i32
      %gather3A_1771 = arith.constant 0 : i32
      %gather3A_1772 = arith.constant 0 : i32
      %gather3A_1773 = tpu.memref_slice %arg6[%gather3A_1770, %gather3A_1771, %gather3A_1772] : memref<8x64x128xf32, #tpu.memory_space<vmem>> -> memref<1x64x128xf32, #tpu.memory_space<vmem>>
      %gather3A_1774 = tpu.memref_squeeze %gather3A_1773 : memref<1x64x128xf32, #tpu.memory_space<vmem>> -> memref<64x128xf32, #tpu.memory_space<vmem>>
      %gather3A_1775 = tpu.vector_load_idx %gather3A_1774[%add3A_1769, %broadcast_in_dim3A_1740] : memref<64x128xf32, #tpu.memory_space<vmem>>[vector<16xi32>, vector<16xi32>], vector<16xf32>,
      tpu.vector_store_idx %arg7[%add3A_1769, %broadcast_in_dim3A_1745], %gather3A_1775 : memref<64x512xf32, #tpu.memory_space<vmem>>[vector<16xi32>, vector<16xi32>], vector<16xf32>,
      %iota3A_1776 = tpu.iota {dimensions = array<i32: 0>} : vector<16xi32>
      %add3A_1777 = arith.constant 48 : i32
      %add3A_1778 = vector.broadcast %add3A_1777 : i32 to vector<16xi32>
      %add3A_1779 = arith.addi %iota3A_1776, %add3A_1778 : vector<16xi32>
      %gather3A_1780 = arith.constant 3 : i32
      %gather3A_1781 = arith.constant 0 : i32
      %gather3A_1782 = arith.constant 0 : i32
      %gather3A_1783 = tpu.memref_slice %arg6[%gather3A_1780, %gather3A_1781, %gather3A_1782] : memref<8x64x128xf32, #tpu.memory_space<vmem>> -> memref<1x64x128xf32, #tpu.memory_space<vmem>>
      %gather3A_1784 = tpu.memref_squeeze %gather3A_1783 : memref<1x64x128xf32, #tpu.memory_space<vmem>> -> memref<64x128xf32, #tpu.memory_space<vmem>>
      %gather3A_1785 = tpu.vector_load_idx %gather3A_1784[%add3A_1779, %broadcast_in_dim3A_1740] : memref<64x128xf32, #tpu.memory_space<vmem>>[vector<16xi32>, vector<16xi32>], vector<16xf32>,
      tpu.vector_store_idx %arg7[%add3A_1779, %broadcast_in_dim3A_1745], %gather3A_1785 : memref<64x512xf32, #tpu.memory_space<vmem>>[vector<16xi32>, vector<16xi32>], vector<16xf32>,
      %slice3A_1786 = vector.extract_strided_slice %shift_right_logical3A_508 {offsets = [3], sizes = [1], strides = [1]} : vector<16xi32> to vector<1xi32>
      %squeeze3A_1787 = vector.extract %slice3A_1786[0] : i32 from vector<1xi32>
      %mul3A_1788 = arith.constant 128 : i32
      %mul3A_1789 = arith.muli %squeeze3A_1787, %mul3A_1788 : i32
      %multiple_of3A_1790 = tpu.assume_multiple %mul3A_1789, 128 : i32
      %dma_start3A_1791 = arith.constant 3 : i32
      %dma_start3A_1792 = arith.constant 0 : i32
      %dma_start3A_1793 = arith.constant 0 : i32
      %dma_start3A_1794 = tpu.memref_slice %arg6[%dma_start3A_1791, %dma_start3A_1792, %dma_start3A_1793] : memref<8x64x128xf32, #tpu.memory_space<vmem>> -> memref<1x32x128xf32, #tpu.memory_space<vmem>>
      %dma_start3A_1795 = tpu.memref_squeeze %dma_start3A_1794 : memref<1x32x128xf32, #tpu.memory_space<vmem>> -> memref<32x128xf32, #tpu.memory_space<vmem>>
      %dma_start3A_1796 = arith.constant 0 : i32
      %dma_start3A_1797 = tpu.memref_slice %arg3[%dma_start3A_1796, %multiple_of3A_1790] : memref<64x1000000xf32, #tpu.memory_space<hbm>> -> memref<32x128xf32, #tpu.memory_space<hbm>>
      %dma_start3A_1798 = arith.constant 0 : i32
      %dma_start3A_1799 = arith.constant 0 : i32
      %dma_start3A_1800 = tpu.memref_slice %arg6[%dma_start3A_1791, %dma_start3A_1798, %dma_start3A_1799] : memref<8x64x128xf32, #tpu.memory_space<vmem>> -> memref<1x32x128xf32, #tpu.memory_space<vmem>>
      %dma_start3A_1801 = tpu.memref_squeeze %dma_start3A_1800 : memref<1x32x128xf32, #tpu.memory_space<vmem>> -> memref<32x128xf32, #tpu.memory_space<vmem>>
      %dma_start3A_1802 = arith.constant 0 : i32
      %dma_start3A_1803 = tpu.memref_slice %arg3[%dma_start3A_1802, %multiple_of3A_1790] : memref<64x1000000xf32, #tpu.memory_space<hbm>> -> memref<32x128xf32, #tpu.memory_space<hbm>>
      tpu.enqueue_dma source(%dma_start3A_1803 : memref<32x128xf32, #tpu.memory_space<hbm>>) target(%dma_start3A_1801 : memref<32x128xf32, #tpu.memory_space<vmem>>) target_semaphore(%arg12 : memref<!tpu.dma_semaphore, #tpu.memory_space<semaphore_mem>>)
      %dma_start3A_1804 = arith.constant 3 : i32
      %dma_start3A_1805 = arith.constant 32 : i32
      %dma_start3A_1806 = arith.constant 0 : i32
      %dma_start3A_1807 = tpu.memref_slice %arg6[%dma_start3A_1804, %dma_start3A_1805, %dma_start3A_1806] : memref<8x64x128xf32, #tpu.memory_space<vmem>> -> memref<1x32x128xf32, #tpu.memory_space<vmem>>
      %dma_start3A_1808 = tpu.memref_squeeze %dma_start3A_1807 : memref<1x32x128xf32, #tpu.memory_space<vmem>> -> memref<32x128xf32, #tpu.memory_space<vmem>>
      %dma_start3A_1809 = arith.constant 32 : i32
      %dma_start3A_1810 = tpu.memref_slice %arg3[%dma_start3A_1809, %multiple_of3A_1790] : memref<64x1000000xf32, #tpu.memory_space<hbm>> -> memref<32x128xf32, #tpu.memory_space<hbm>>
      %dma_start3A_1811 = arith.constant 32 : i32
      %dma_start3A_1812 = arith.constant 0 : i32
      %dma_start3A_1813 = tpu.memref_slice %arg6[%dma_start3A_1804, %dma_start3A_1811, %dma_start3A_1812] : memref<8x64x128xf32, #tpu.memory_space<vmem>> -> memref<1x32x128xf32, #tpu.memory_space<vmem>>
      %dma_start3A_1814 = tpu.memref_squeeze %dma_start3A_1813 : memref<1x32x128xf32, #tpu.memory_space<vmem>> -> memref<32x128xf32, #tpu.memory_space<vmem>>
      %dma_start3A_1815 = arith.constant 32 : i32
      %dma_start3A_1816 = tpu.memref_slice %arg3[%dma_start3A_1815, %multiple_of3A_1790] : memref<64x1000000xf32, #tpu.memory_space<hbm>> -> memref<32x128xf32, #tpu.memory_space<hbm>>
      tpu.enqueue_dma source(%dma_start3A_1816 : memref<32x128xf32, #tpu.memory_space<hbm>>) target(%dma_start3A_1814 : memref<32x128xf32, #tpu.memory_space<vmem>>) target_semaphore(%arg12 : memref<!tpu.dma_semaphore, #tpu.memory_space<semaphore_mem>>)
      %dma_wait3A_1817 = arith.constant 4 : i32
      %dma_wait3A_1818 = arith.constant 0 : i32
      %dma_wait3A_1819 = arith.constant 0 : i32
      %dma_wait3A_1820 = tpu.memref_slice %arg6[%dma_wait3A_1817, %dma_wait3A_1818, %dma_wait3A_1819] : memref<8x64x128xf32, #tpu.memory_space<vmem>> -> memref<1x32x128xf32, #tpu.memory_space<vmem>>
      %dma_wait3A_1821 = tpu.memref_squeeze %dma_wait3A_1820 : memref<1x32x128xf32, #tpu.memory_space<vmem>> -> memref<32x128xf32, #tpu.memory_space<vmem>>
      %dma_wait3A_1822 = arith.constant 0 : i32
      %dma_wait3A_1823 = arith.constant 0 : i32
      %dma_wait3A_1824 = tpu.memref_slice %arg3[%dma_wait3A_1822, %dma_wait3A_1823] : memref<64x1000000xf32, #tpu.memory_space<hbm>> -> memref<32x128xf32, #tpu.memory_space<hbm>>
      %dma_wait3A_1825 = arith.constant 0 : i32
      %dma_wait3A_1826 = arith.constant 0 : i32
      %dma_wait3A_1827 = tpu.memref_slice %arg6[%dma_wait3A_1817, %dma_wait3A_1825, %dma_wait3A_1826] : memref<8x64x128xf32, #tpu.memory_space<vmem>> -> memref<1x32x128xf32, #tpu.memory_space<vmem>>
      %dma_wait3A_1828 = tpu.memref_squeeze %dma_wait3A_1827 : memref<1x32x128xf32, #tpu.memory_space<vmem>> -> memref<32x128xf32, #tpu.memory_space<vmem>>
      %dma_wait3A_1829 = arith.constant 0 : i32
      %dma_wait3A_1830 = arith.constant 0 : i32
      %dma_wait3A_1831 = tpu.memref_slice %arg3[%dma_wait3A_1829, %dma_wait3A_1830] : memref<64x1000000xf32, #tpu.memory_space<hbm>> -> memref<32x128xf32, #tpu.memory_space<hbm>>
      tpu.wait_dma2 semaphore(%arg13 : memref<!tpu.dma_semaphore, #tpu.memory_space<semaphore_mem>>) src(%dma_wait3A_1831 : memref<32x128xf32, #tpu.memory_space<hbm>>) dst(%dma_wait3A_1828 : memref<32x128xf32, #tpu.memory_space<vmem>>)
      %dma_wait3A_1832 = arith.constant 4 : i32
      %dma_wait3A_1833 = arith.constant 32 : i32
      %dma_wait3A_1834 = arith.constant 0 : i32
      %dma_wait3A_1835 = tpu.memref_slice %arg6[%dma_wait3A_1832, %dma_wait3A_1833, %dma_wait3A_1834] : memref<8x64x128xf32, #tpu.memory_space<vmem>> -> memref<1x32x128xf32, #tpu.memory_space<vmem>>
      %dma_wait3A_1836 = tpu.memref_squeeze %dma_wait3A_1835 : memref<1x32x128xf32, #tpu.memory_space<vmem>> -> memref<32x128xf32, #tpu.memory_space<vmem>>
      %dma_wait3A_1837 = arith.constant 0 : i32
      %dma_wait3A_1838 = arith.constant 0 : i32
      %dma_wait3A_1839 = tpu.memref_slice %arg3[%dma_wait3A_1837, %dma_wait3A_1838] : memref<64x1000000xf32, #tpu.memory_space<hbm>> -> memref<32x128xf32, #tpu.memory_space<hbm>>
      %dma_wait3A_1840 = arith.constant 32 : i32
      %dma_wait3A_1841 = arith.constant 0 : i32
      %dma_wait3A_1842 = tpu.memref_slice %arg6[%dma_wait3A_1832, %dma_wait3A_1840, %dma_wait3A_1841] : memref<8x64x128xf32, #tpu.memory_space<vmem>> -> memref<1x32x128xf32, #tpu.memory_space<vmem>>
      %dma_wait3A_1843 = tpu.memref_squeeze %dma_wait3A_1842 : memref<1x32x128xf32, #tpu.memory_space<vmem>> -> memref<32x128xf32, #tpu.memory_space<vmem>>
      %dma_wait3A_1844 = arith.constant 0 : i32
      %dma_wait3A_1845 = arith.constant 0 : i32
      %dma_wait3A_1846 = tpu.memref_slice %arg3[%dma_wait3A_1844, %dma_wait3A_1845] : memref<64x1000000xf32, #tpu.memory_space<hbm>> -> memref<32x128xf32, #tpu.memory_space<hbm>>
      tpu.wait_dma2 semaphore(%arg13 : memref<!tpu.dma_semaphore, #tpu.memory_space<semaphore_mem>>) src(%dma_wait3A_1846 : memref<32x128xf32, #tpu.memory_space<hbm>>) dst(%dma_wait3A_1843 : memref<32x128xf32, #tpu.memory_space<vmem>>)
      %slice3A_1847 = vector.extract_strided_slice %scan3A_498 {offsets = [12], sizes = [1], strides = [1]} : vector<16xi32> to vector<1xi32>
      %squeeze3A_1848 = vector.extract %slice3A_1847[0] : i32 from vector<1xi32>
      %broadcast_in_dim3A_1849 = vector.broadcast %squeeze3A_1848 : i32 to vector<16xi32>
      %mul3A_1850 = arith.constant 16 : i32
      %mul3A_1851 = arith.muli %scan3A_496, %mul3A_1850 : i32
      %add3A_1852 = arith.constant 12 : i32
      %add3A_1853 = arith.addi %mul3A_1851, %add3A_1852 : i32
      %broadcast_in_dim3A_1854 = vector.broadcast %add3A_1853 : i32 to vector<16xi32>
      %iota3A_1855 = tpu.iota {dimensions = array<i32: 0>} : vector<16xi32>
      %add3A_1856 = arith.constant 0 : i32
      %add3A_1857 = vector.broadcast %add3A_1856 : i32 to vector<16xi32>
      %add3A_1858 = arith.addi %iota3A_1855, %add3A_1857 : vector<16xi32>
      %gather3A_1859 = arith.constant 4 : i32
      %gather3A_1860 = arith.constant 0 : i32
      %gather3A_1861 = arith.constant 0 : i32
      %gather3A_1862 = tpu.memref_slice %arg6[%gather3A_1859, %gather3A_1860, %gather3A_1861] : memref<8x64x128xf32, #tpu.memory_space<vmem>> -> memref<1x64x128xf32, #tpu.memory_space<vmem>>
      %gather3A_1863 = tpu.memref_squeeze %gather3A_1862 : memref<1x64x128xf32, #tpu.memory_space<vmem>> -> memref<64x128xf32, #tpu.memory_space<vmem>>
      %gather3A_1864 = tpu.vector_load_idx %gather3A_1863[%add3A_1858, %broadcast_in_dim3A_1849] : memref<64x128xf32, #tpu.memory_space<vmem>>[vector<16xi32>, vector<16xi32>], vector<16xf32>,
      tpu.vector_store_idx %arg7[%add3A_1858, %broadcast_in_dim3A_1854], %gather3A_1864 : memref<64x512xf32, #tpu.memory_space<vmem>>[vector<16xi32>, vector<16xi32>], vector<16xf32>,
      %iota3A_1865 = tpu.iota {dimensions = array<i32: 0>} : vector<16xi32>
      %add3A_1866 = arith.constant 16 : i32
      %add3A_1867 = vector.broadcast %add3A_1866 : i32 to vector<16xi32>
      %add3A_1868 = arith.addi %iota3A_1865, %add3A_1867 : vector<16xi32>
      %gather3A_1869 = arith.constant 4 : i32
      %gather3A_1870 = arith.constant 0 : i32
      %gather3A_1871 = arith.constant 0 : i32
      %gather3A_1872 = tpu.memref_slice %arg6[%gather3A_1869, %gather3A_1870, %gather3A_1871] : memref<8x64x128xf32, #tpu.memory_space<vmem>> -> memref<1x64x128xf32, #tpu.memory_space<vmem>>
      %gather3A_1873 = tpu.memref_squeeze %gather3A_1872 : memref<1x64x128xf32, #tpu.memory_space<vmem>> -> memref<64x128xf32, #tpu.memory_space<vmem>>
      %gather3A_1874 = tpu.vector_load_idx %gather3A_1873[%add3A_1868, %broadcast_in_dim3A_1849] : memref<64x128xf32, #tpu.memory_space<vmem>>[vector<16xi32>, vector<16xi32>], vector<16xf32>,
      tpu.vector_store_idx %arg7[%add3A_1868, %broadcast_in_dim3A_1854], %gather3A_1874 : memref<64x512xf32, #tpu.memory_space<vmem>>[vector<16xi32>, vector<16xi32>], vector<16xf32>,
      %iota3A_1875 = tpu.iota {dimensions = array<i32: 0>} : vector<16xi32>
      %add3A_1876 = arith.constant 32 : i32
      %add3A_1877 = vector.broadcast %add3A_1876 : i32 to vector<16xi32>
      %add3A_1878 = arith.addi %iota3A_1875, %add3A_1877 : vector<16xi32>
      %gather3A_1879 = arith.constant 4 : i32
      %gather3A_1880 = arith.constant 0 : i32
      %gather3A_1881 = arith.constant 0 : i32
      %gather3A_1882 = tpu.memref_slice %arg6[%gather3A_1879, %gather3A_1880, %gather3A_1881] : memref<8x64x128xf32, #tpu.memory_space<vmem>> -> memref<1x64x128xf32, #tpu.memory_space<vmem>>
      %gather3A_1883 = tpu.memref_squeeze %gather3A_1882 : memref<1x64x128xf32, #tpu.memory_space<vmem>> -> memref<64x128xf32, #tpu.memory_space<vmem>>
      %gather3A_1884 = tpu.vector_load_idx %gather3A_1883[%add3A_1878, %broadcast_in_dim3A_1849] : memref<64x128xf32, #tpu.memory_space<vmem>>[vector<16xi32>, vector<16xi32>], vector<16xf32>,
      tpu.vector_store_idx %arg7[%add3A_1878, %broadcast_in_dim3A_1854], %gather3A_1884 : memref<64x512xf32, #tpu.memory_space<vmem>>[vector<16xi32>, vector<16xi32>], vector<16xf32>,
      %iota3A_1885 = tpu.iota {dimensions = array<i32: 0>} : vector<16xi32>
      %add3A_1886 = arith.constant 48 : i32
      %add3A_1887 = vector.broadcast %add3A_1886 : i32 to vector<16xi32>
      %add3A_1888 = arith.addi %iota3A_1885, %add3A_1887 : vector<16xi32>
      %gather3A_1889 = arith.constant 4 : i32
      %gather3A_1890 = arith.constant 0 : i32
      %gather3A_1891 = arith.constant 0 : i32
      %gather3A_1892 = tpu.memref_slice %arg6[%gather3A_1889, %gather3A_1890, %gather3A_1891] : memref<8x64x128xf32, #tpu.memory_space<vmem>> -> memref<1x64x128xf32, #tpu.memory_space<vmem>>
      %gather3A_1893 = tpu.memref_squeeze %gather3A_1892 : memref<1x64x128xf32, #tpu.memory_space<vmem>> -> memref<64x128xf32, #tpu.memory_space<vmem>>
      %gather3A_1894 = tpu.vector_load_idx %gather3A_1893[%add3A_1888, %broadcast_in_dim3A_1849] : memref<64x128xf32, #tpu.memory_space<vmem>>[vector<16xi32>, vector<16xi32>], vector<16xf32>,
      tpu.vector_store_idx %arg7[%add3A_1888, %broadcast_in_dim3A_1854], %gather3A_1894 : memref<64x512xf32, #tpu.memory_space<vmem>>[vector<16xi32>, vector<16xi32>], vector<16xf32>,
      %slice3A_1895 = vector.extract_strided_slice %shift_right_logical3A_508 {offsets = [4], sizes = [1], strides = [1]} : vector<16xi32> to vector<1xi32>
      %squeeze3A_1896 = vector.extract %slice3A_1895[0] : i32 from vector<1xi32>
      %mul3A_1897 = arith.constant 128 : i32
      %mul3A_1898 = arith.muli %squeeze3A_1896, %mul3A_1897 : i32
      %multiple_of3A_1899 = tpu.assume_multiple %mul3A_1898, 128 : i32
      %dma_start3A_1900 = arith.constant 4 : i32
      %dma_start3A_1901 = arith.constant 0 : i32
      %dma_start3A_1902 = arith.constant 0 : i32
      %dma_start3A_1903 = tpu.memref_slice %arg6[%dma_start3A_1900, %dma_start3A_1901, %dma_start3A_1902] : memref<8x64x128xf32, #tpu.memory_space<vmem>> -> memref<1x32x128xf32, #tpu.memory_space<vmem>>
      %dma_start3A_1904 = tpu.memref_squeeze %dma_start3A_1903 : memref<1x32x128xf32, #tpu.memory_space<vmem>> -> memref<32x128xf32, #tpu.memory_space<vmem>>
      %dma_start3A_1905 = arith.constant 0 : i32
      %dma_start3A_1906 = tpu.memref_slice %arg3[%dma_start3A_1905, %multiple_of3A_1899] : memref<64x1000000xf32, #tpu.memory_space<hbm>> -> memref<32x128xf32, #tpu.memory_space<hbm>>
      %dma_start3A_1907 = arith.constant 0 : i32
      %dma_start3A_1908 = arith.constant 0 : i32
      %dma_start3A_1909 = tpu.memref_slice %arg6[%dma_start3A_1900, %dma_start3A_1907, %dma_start3A_1908] : memref<8x64x128xf32, #tpu.memory_space<vmem>> -> memref<1x32x128xf32, #tpu.memory_space<vmem>>
      %dma_start3A_1910 = tpu.memref_squeeze %dma_start3A_1909 : memref<1x32x128xf32, #tpu.memory_space<vmem>> -> memref<32x128xf32, #tpu.memory_space<vmem>>
      %dma_start3A_1911 = arith.constant 0 : i32
      %dma_start3A_1912 = tpu.memref_slice %arg3[%dma_start3A_1911, %multiple_of3A_1899] : memref<64x1000000xf32, #tpu.memory_space<hbm>> -> memref<32x128xf32, #tpu.memory_space<hbm>>
      tpu.enqueue_dma source(%dma_start3A_1912 : memref<32x128xf32, #tpu.memory_space<hbm>>) target(%dma_start3A_1910 : memref<32x128xf32, #tpu.memory_space<vmem>>) target_semaphore(%arg13 : memref<!tpu.dma_semaphore, #tpu.memory_space<semaphore_mem>>)
      %dma_start3A_1913 = arith.constant 4 : i32
      %dma_start3A_1914 = arith.constant 32 : i32
      %dma_start3A_1915 = arith.constant 0 : i32
      %dma_start3A_1916 = tpu.memref_slice %arg6[%dma_start3A_1913, %dma_start3A_1914, %dma_start3A_1915] : memref<8x64x128xf32, #tpu.memory_space<vmem>> -> memref<1x32x128xf32, #tpu.memory_space<vmem>>
      %dma_start3A_1917 = tpu.memref_squeeze %dma_start3A_1916 : memref<1x32x128xf32, #tpu.memory_space<vmem>> -> memref<32x128xf32, #tpu.memory_space<vmem>>
      %dma_start3A_1918 = arith.constant 32 : i32
      %dma_start3A_1919 = tpu.memref_slice %arg3[%dma_start3A_1918, %multiple_of3A_1899] : memref<64x1000000xf32, #tpu.memory_space<hbm>> -> memref<32x128xf32, #tpu.memory_space<hbm>>
      %dma_start3A_1920 = arith.constant 32 : i32
      %dma_start3A_1921 = arith.constant 0 : i32
      %dma_start3A_1922 = tpu.memref_slice %arg6[%dma_start3A_1913, %dma_start3A_1920, %dma_start3A_1921] : memref<8x64x128xf32, #tpu.memory_space<vmem>> -> memref<1x32x128xf32, #tpu.memory_space<vmem>>
      %dma_start3A_1923 = tpu.memref_squeeze %dma_start3A_1922 : memref<1x32x128xf32, #tpu.memory_space<vmem>> -> memref<32x128xf32, #tpu.memory_space<vmem>>
      %dma_start3A_1924 = arith.constant 32 : i32
      %dma_start3A_1925 = tpu.memref_slice %arg3[%dma_start3A_1924, %multiple_of3A_1899] : memref<64x1000000xf32, #tpu.memory_space<hbm>> -> memref<32x128xf32, #tpu.memory_space<hbm>>
      tpu.enqueue_dma source(%dma_start3A_1925 : memref<32x128xf32, #tpu.memory_space<hbm>>) target(%dma_start3A_1923 : memref<32x128xf32, #tpu.memory_space<vmem>>) target_semaphore(%arg13 : memref<!tpu.dma_semaphore, #tpu.memory_space<semaphore_mem>>)
      %dma_wait3A_1926 = arith.constant 5 : i32
      %dma_wait3A_1927 = arith.constant 0 : i32
      %dma_wait3A_1928 = arith.constant 0 : i32
      %dma_wait3A_1929 = tpu.memref_slice %arg6[%dma_wait3A_1926, %dma_wait3A_1927, %dma_wait3A_1928] : memref<8x64x128xf32, #tpu.memory_space<vmem>> -> memref<1x32x128xf32, #tpu.memory_space<vmem>>
      %dma_wait3A_1930 = tpu.memref_squeeze %dma_wait3A_1929 : memref<1x32x128xf32, #tpu.memory_space<vmem>> -> memref<32x128xf32, #tpu.memory_space<vmem>>
      %dma_wait3A_1931 = arith.constant 0 : i32
      %dma_wait3A_1932 = arith.constant 0 : i32
      %dma_wait3A_1933 = tpu.memref_slice %arg3[%dma_wait3A_1931, %dma_wait3A_1932] : memref<64x1000000xf32, #tpu.memory_space<hbm>> -> memref<32x128xf32, #tpu.memory_space<hbm>>
      %dma_wait3A_1934 = arith.constant 0 : i32
      %dma_wait3A_1935 = arith.constant 0 : i32
      %dma_wait3A_1936 = tpu.memref_slice %arg6[%dma_wait3A_1926, %dma_wait3A_1934, %dma_wait3A_1935] : memref<8x64x128xf32, #tpu.memory_space<vmem>> -> memref<1x32x128xf32, #tpu.memory_space<vmem>>
      %dma_wait3A_1937 = tpu.memref_squeeze %dma_wait3A_1936 : memref<1x32x128xf32, #tpu.memory_space<vmem>> -> memref<32x128xf32, #tpu.memory_space<vmem>>
      %dma_wait3A_1938 = arith.constant 0 : i32
      %dma_wait3A_1939 = arith.constant 0 : i32
      %dma_wait3A_1940 = tpu.memref_slice %arg3[%dma_wait3A_1938, %dma_wait3A_1939] : memref<64x1000000xf32, #tpu.memory_space<hbm>> -> memref<32x128xf32, #tpu.memory_space<hbm>>
      tpu.wait_dma2 semaphore(%arg14 : memref<!tpu.dma_semaphore, #tpu.memory_space<semaphore_mem>>) src(%dma_wait3A_1940 : memref<32x128xf32, #tpu.memory_space<hbm>>) dst(%dma_wait3A_1937 : memref<32x128xf32, #tpu.memory_space<vmem>>)
      %dma_wait3A_1941 = arith.constant 5 : i32
      %dma_wait3A_1942 = arith.constant 32 : i32
      %dma_wait3A_1943 = arith.constant 0 : i32
      %dma_wait3A_1944 = tpu.memref_slice %arg6[%dma_wait3A_1941, %dma_wait3A_1942, %dma_wait3A_1943] : memref<8x64x128xf32, #tpu.memory_space<vmem>> -> memref<1x32x128xf32, #tpu.memory_space<vmem>>
      %dma_wait3A_1945 = tpu.memref_squeeze %dma_wait3A_1944 : memref<1x32x128xf32, #tpu.memory_space<vmem>> -> memref<32x128xf32, #tpu.memory_space<vmem>>
      %dma_wait3A_1946 = arith.constant 0 : i32
      %dma_wait3A_1947 = arith.constant 0 : i32
      %dma_wait3A_1948 = tpu.memref_slice %arg3[%dma_wait3A_1946, %dma_wait3A_1947] : memref<64x1000000xf32, #tpu.memory_space<hbm>> -> memref<32x128xf32, #tpu.memory_space<hbm>>
      %dma_wait3A_1949 = arith.constant 32 : i32
      %dma_wait3A_1950 = arith.constant 0 : i32
      %dma_wait3A_1951 = tpu.memref_slice %arg6[%dma_wait3A_1941, %dma_wait3A_1949, %dma_wait3A_1950] : memref<8x64x128xf32, #tpu.memory_space<vmem>> -> memref<1x32x128xf32, #tpu.memory_space<vmem>>
      %dma_wait3A_1952 = tpu.memref_squeeze %dma_wait3A_1951 : memref<1x32x128xf32, #tpu.memory_space<vmem>> -> memref<32x128xf32, #tpu.memory_space<vmem>>
      %dma_wait3A_1953 = arith.constant 0 : i32
      %dma_wait3A_1954 = arith.constant 0 : i32
      %dma_wait3A_1955 = tpu.memref_slice %arg3[%dma_wait3A_1953, %dma_wait3A_1954] : memref<64x1000000xf32, #tpu.memory_space<hbm>> -> memref<32x128xf32, #tpu.memory_space<hbm>>
      tpu.wait_dma2 semaphore(%arg14 : memref<!tpu.dma_semaphore, #tpu.memory_space<semaphore_mem>>) src(%dma_wait3A_1955 : memref<32x128xf32, #tpu.memory_space<hbm>>) dst(%dma_wait3A_1952 : memref<32x128xf32, #tpu.memory_space<vmem>>)
      %slice3A_1956 = vector.extract_strided_slice %scan3A_498 {offsets = [13], sizes = [1], strides = [1]} : vector<16xi32> to vector<1xi32>
      %squeeze3A_1957 = vector.extract %slice3A_1956[0] : i32 from vector<1xi32>
      %broadcast_in_dim3A_1958 = vector.broadcast %squeeze3A_1957 : i32 to vector<16xi32>
      %mul3A_1959 = arith.constant 16 : i32
      %mul3A_1960 = arith.muli %scan3A_496, %mul3A_1959 : i32
      %add3A_1961 = arith.constant 13 : i32
      %add3A_1962 = arith.addi %mul3A_1960, %add3A_1961 : i32
      %broadcast_in_dim3A_1963 = vector.broadcast %add3A_1962 : i32 to vector<16xi32>
      %iota3A_1964 = tpu.iota {dimensions = array<i32: 0>} : vector<16xi32>
      %add3A_1965 = arith.constant 0 : i32
      %add3A_1966 = vector.broadcast %add3A_1965 : i32 to vector<16xi32>
      %add3A_1967 = arith.addi %iota3A_1964, %add3A_1966 : vector<16xi32>
      %gather3A_1968 = arith.constant 5 : i32
      %gather3A_1969 = arith.constant 0 : i32
      %gather3A_1970 = arith.constant 0 : i32
      %gather3A_1971 = tpu.memref_slice %arg6[%gather3A_1968, %gather3A_1969, %gather3A_1970] : memref<8x64x128xf32, #tpu.memory_space<vmem>> -> memref<1x64x128xf32, #tpu.memory_space<vmem>>
      %gather3A_1972 = tpu.memref_squeeze %gather3A_1971 : memref<1x64x128xf32, #tpu.memory_space<vmem>> -> memref<64x128xf32, #tpu.memory_space<vmem>>
      %gather3A_1973 = tpu.vector_load_idx %gather3A_1972[%add3A_1967, %broadcast_in_dim3A_1958] : memref<64x128xf32, #tpu.memory_space<vmem>>[vector<16xi32>, vector<16xi32>], vector<16xf32>,
      tpu.vector_store_idx %arg7[%add3A_1967, %broadcast_in_dim3A_1963], %gather3A_1973 : memref<64x512xf32, #tpu.memory_space<vmem>>[vector<16xi32>, vector<16xi32>], vector<16xf32>,
      %iota3A_1974 = tpu.iota {dimensions = array<i32: 0>} : vector<16xi32>
      %add3A_1975 = arith.constant 16 : i32
      %add3A_1976 = vector.broadcast %add3A_1975 : i32 to vector<16xi32>
      %add3A_1977 = arith.addi %iota3A_1974, %add3A_1976 : vector<16xi32>
      %gather3A_1978 = arith.constant 5 : i32
      %gather3A_1979 = arith.constant 0 : i32
      %gather3A_1980 = arith.constant 0 : i32
      %gather3A_1981 = tpu.memref_slice %arg6[%gather3A_1978, %gather3A_1979, %gather3A_1980] : memref<8x64x128xf32, #tpu.memory_space<vmem>> -> memref<1x64x128xf32, #tpu.memory_space<vmem>>
      %gather3A_1982 = tpu.memref_squeeze %gather3A_1981 : memref<1x64x128xf32, #tpu.memory_space<vmem>> -> memref<64x128xf32, #tpu.memory_space<vmem>>
      %gather3A_1983 = tpu.vector_load_idx %gather3A_1982[%add3A_1977, %broadcast_in_dim3A_1958] : memref<64x128xf32, #tpu.memory_space<vmem>>[vector<16xi32>, vector<16xi32>], vector<16xf32>,
      tpu.vector_store_idx %arg7[%add3A_1977, %broadcast_in_dim3A_1963], %gather3A_1983 : memref<64x512xf32, #tpu.memory_space<vmem>>[vector<16xi32>, vector<16xi32>], vector<16xf32>,
      %iota3A_1984 = tpu.iota {dimensions = array<i32: 0>} : vector<16xi32>
      %add3A_1985 = arith.constant 32 : i32
      %add3A_1986 = vector.broadcast %add3A_1985 : i32 to vector<16xi32>
      %add3A_1987 = arith.addi %iota3A_1984, %add3A_1986 : vector<16xi32>
      %gather3A_1988 = arith.constant 5 : i32
      %gather3A_1989 = arith.constant 0 : i32
      %gather3A_1990 = arith.constant 0 : i32
      %gather3A_1991 = tpu.memref_slice %arg6[%gather3A_1988, %gather3A_1989, %gather3A_1990] : memref<8x64x128xf32, #tpu.memory_space<vmem>> -> memref<1x64x128xf32, #tpu.memory_space<vmem>>
      %gather3A_1992 = tpu.memref_squeeze %gather3A_1991 : memref<1x64x128xf32, #tpu.memory_space<vmem>> -> memref<64x128xf32, #tpu.memory_space<vmem>>
      %gather3A_1993 = tpu.vector_load_idx %gather3A_1992[%add3A_1987, %broadcast_in_dim3A_1958] : memref<64x128xf32, #tpu.memory_space<vmem>>[vector<16xi32>, vector<16xi32>], vector<16xf32>,
      tpu.vector_store_idx %arg7[%add3A_1987, %broadcast_in_dim3A_1963], %gather3A_1993 : memref<64x512xf32, #tpu.memory_space<vmem>>[vector<16xi32>, vector<16xi32>], vector<16xf32>,
      %iota3A_1994 = tpu.iota {dimensions = array<i32: 0>} : vector<16xi32>
      %add3A_1995 = arith.constant 48 : i32
      %add3A_1996 = vector.broadcast %add3A_1995 : i32 to vector<16xi32>
      %add3A_1997 = arith.addi %iota3A_1994, %add3A_1996 : vector<16xi32>
      %gather3A_1998 = arith.constant 5 : i32
      %gather3A_1999 = arith.constant 0 : i32
      %gather3A_2000 = arith.constant 0 : i32
      %gather3A_2001 = tpu.memref_slice %arg6[%gather3A_1998, %gather3A_1999, %gather3A_2000] : memref<8x64x128xf32, #tpu.memory_space<vmem>> -> memref<1x64x128xf32, #tpu.memory_space<vmem>>
      %gather3A_2002 = tpu.memref_squeeze %gather3A_2001 : memref<1x64x128xf32, #tpu.memory_space<vmem>> -> memref<64x128xf32, #tpu.memory_space<vmem>>
      %gather3A_2003 = tpu.vector_load_idx %gather3A_2002[%add3A_1997, %broadcast_in_dim3A_1958] : memref<64x128xf32, #tpu.memory_space<vmem>>[vector<16xi32>, vector<16xi32>], vector<16xf32>,
      tpu.vector_store_idx %arg7[%add3A_1997, %broadcast_in_dim3A_1963], %gather3A_2003 : memref<64x512xf32, #tpu.memory_space<vmem>>[vector<16xi32>, vector<16xi32>], vector<16xf32>,
      %slice3A_2004 = vector.extract_strided_slice %shift_right_logical3A_508 {offsets = [5], sizes = [1], strides = [1]} : vector<16xi32> to vector<1xi32>
      %squeeze3A_2005 = vector.extract %slice3A_2004[0] : i32 from vector<1xi32>
      %mul3A_2006 = arith.constant 128 : i32
      %mul3A_2007 = arith.muli %squeeze3A_2005, %mul3A_2006 : i32
      %multiple_of3A_2008 = tpu.assume_multiple %mul3A_2007, 128 : i32
      %dma_start3A_2009 = arith.constant 5 : i32
      %dma_start3A_2010 = arith.constant 0 : i32
      %dma_start3A_2011 = arith.constant 0 : i32
      %dma_start3A_2012 = tpu.memref_slice %arg6[%dma_start3A_2009, %dma_start3A_2010, %dma_start3A_2011] : memref<8x64x128xf32, #tpu.memory_space<vmem>> -> memref<1x32x128xf32, #tpu.memory_space<vmem>>
      %dma_start3A_2013 = tpu.memref_squeeze %dma_start3A_2012 : memref<1x32x128xf32, #tpu.memory_space<vmem>> -> memref<32x128xf32, #tpu.memory_space<vmem>>
      %dma_start3A_2014 = arith.constant 0 : i32
      %dma_start3A_2015 = tpu.memref_slice %arg3[%dma_start3A_2014, %multiple_of3A_2008] : memref<64x1000000xf32, #tpu.memory_space<hbm>> -> memref<32x128xf32, #tpu.memory_space<hbm>>
      %dma_start3A_2016 = arith.constant 0 : i32
      %dma_start3A_2017 = arith.constant 0 : i32
      %dma_start3A_2018 = tpu.memref_slice %arg6[%dma_start3A_2009, %dma_start3A_2016, %dma_start3A_2017] : memref<8x64x128xf32, #tpu.memory_space<vmem>> -> memref<1x32x128xf32, #tpu.memory_space<vmem>>
      %dma_start3A_2019 = tpu.memref_squeeze %dma_start3A_2018 : memref<1x32x128xf32, #tpu.memory_space<vmem>> -> memref<32x128xf32, #tpu.memory_space<vmem>>
      %dma_start3A_2020 = arith.constant 0 : i32
      %dma_start3A_2021 = tpu.memref_slice %arg3[%dma_start3A_2020, %multiple_of3A_2008] : memref<64x1000000xf32, #tpu.memory_space<hbm>> -> memref<32x128xf32, #tpu.memory_space<hbm>>
      tpu.enqueue_dma source(%dma_start3A_2021 : memref<32x128xf32, #tpu.memory_space<hbm>>) target(%dma_start3A_2019 : memref<32x128xf32, #tpu.memory_space<vmem>>) target_semaphore(%arg14 : memref<!tpu.dma_semaphore, #tpu.memory_space<semaphore_mem>>)
      %dma_start3A_2022 = arith.constant 5 : i32
      %dma_start3A_2023 = arith.constant 32 : i32
      %dma_start3A_2024 = arith.constant 0 : i32
      %dma_start3A_2025 = tpu.memref_slice %arg6[%dma_start3A_2022, %dma_start3A_2023, %dma_start3A_2024] : memref<8x64x128xf32, #tpu.memory_space<vmem>> -> memref<1x32x128xf32, #tpu.memory_space<vmem>>
      %dma_start3A_2026 = tpu.memref_squeeze %dma_start3A_2025 : memref<1x32x128xf32, #tpu.memory_space<vmem>> -> memref<32x128xf32, #tpu.memory_space<vmem>>
      %dma_start3A_2027 = arith.constant 32 : i32
      %dma_start3A_2028 = tpu.memref_slice %arg3[%dma_start3A_2027, %multiple_of3A_2008] : memref<64x1000000xf32, #tpu.memory_space<hbm>> -> memref<32x128xf32, #tpu.memory_space<hbm>>
      %dma_start3A_2029 = arith.constant 32 : i32
      %dma_start3A_2030 = arith.constant 0 : i32
      %dma_start3A_2031 = tpu.memref_slice %arg6[%dma_start3A_2022, %dma_start3A_2029, %dma_start3A_2030] : memref<8x64x128xf32, #tpu.memory_space<vmem>> -> memref<1x32x128xf32, #tpu.memory_space<vmem>>
      %dma_start3A_2032 = tpu.memref_squeeze %dma_start3A_2031 : memref<1x32x128xf32, #tpu.memory_space<vmem>> -> memref<32x128xf32, #tpu.memory_space<vmem>>
      %dma_start3A_2033 = arith.constant 32 : i32
      %dma_start3A_2034 = tpu.memref_slice %arg3[%dma_start3A_2033, %multiple_of3A_2008] : memref<64x1000000xf32, #tpu.memory_space<hbm>> -> memref<32x128xf32, #tpu.memory_space<hbm>>
      tpu.enqueue_dma source(%dma_start3A_2034 : memref<32x128xf32, #tpu.memory_space<hbm>>) target(%dma_start3A_2032 : memref<32x128xf32, #tpu.memory_space<vmem>>) target_semaphore(%arg14 : memref<!tpu.dma_semaphore, #tpu.memory_space<semaphore_mem>>)
      %dma_wait3A_2035 = arith.constant 6 : i32
      %dma_wait3A_2036 = arith.constant 0 : i32
      %dma_wait3A_2037 = arith.constant 0 : i32
      %dma_wait3A_2038 = tpu.memref_slice %arg6[%dma_wait3A_2035, %dma_wait3A_2036, %dma_wait3A_2037] : memref<8x64x128xf32, #tpu.memory_space<vmem>> -> memref<1x32x128xf32, #tpu.memory_space<vmem>>
      %dma_wait3A_2039 = tpu.memref_squeeze %dma_wait3A_2038 : memref<1x32x128xf32, #tpu.memory_space<vmem>> -> memref<32x128xf32, #tpu.memory_space<vmem>>
      %dma_wait3A_2040 = arith.constant 0 : i32
      %dma_wait3A_2041 = arith.constant 0 : i32
      %dma_wait3A_2042 = tpu.memref_slice %arg3[%dma_wait3A_2040, %dma_wait3A_2041] : memref<64x1000000xf32, #tpu.memory_space<hbm>> -> memref<32x128xf32, #tpu.memory_space<hbm>>
      %dma_wait3A_2043 = arith.constant 0 : i32
      %dma_wait3A_2044 = arith.constant 0 : i32
      %dma_wait3A_2045 = tpu.memref_slice %arg6[%dma_wait3A_2035, %dma_wait3A_2043, %dma_wait3A_2044] : memref<8x64x128xf32, #tpu.memory_space<vmem>> -> memref<1x32x128xf32, #tpu.memory_space<vmem>>
      %dma_wait3A_2046 = tpu.memref_squeeze %dma_wait3A_2045 : memref<1x32x128xf32, #tpu.memory_space<vmem>> -> memref<32x128xf32, #tpu.memory_space<vmem>>
      %dma_wait3A_2047 = arith.constant 0 : i32
      %dma_wait3A_2048 = arith.constant 0 : i32
      %dma_wait3A_2049 = tpu.memref_slice %arg3[%dma_wait3A_2047, %dma_wait3A_2048] : memref<64x1000000xf32, #tpu.memory_space<hbm>> -> memref<32x128xf32, #tpu.memory_space<hbm>>
      tpu.wait_dma2 semaphore(%arg15 : memref<!tpu.dma_semaphore, #tpu.memory_space<semaphore_mem>>) src(%dma_wait3A_2049 : memref<32x128xf32, #tpu.memory_space<hbm>>) dst(%dma_wait3A_2046 : memref<32x128xf32, #tpu.memory_space<vmem>>)
      %dma_wait3A_2050 = arith.constant 6 : i32
      %dma_wait3A_2051 = arith.constant 32 : i32
      %dma_wait3A_2052 = arith.constant 0 : i32
      %dma_wait3A_2053 = tpu.memref_slice %arg6[%dma_wait3A_2050, %dma_wait3A_2051, %dma_wait3A_2052] : memref<8x64x128xf32, #tpu.memory_space<vmem>> -> memref<1x32x128xf32, #tpu.memory_space<vmem>>
      %dma_wait3A_2054 = tpu.memref_squeeze %dma_wait3A_2053 : memref<1x32x128xf32, #tpu.memory_space<vmem>> -> memref<32x128xf32, #tpu.memory_space<vmem>>
      %dma_wait3A_2055 = arith.constant 0 : i32
      %dma_wait3A_2056 = arith.constant 0 : i32
      %dma_wait3A_2057 = tpu.memref_slice %arg3[%dma_wait3A_2055, %dma_wait3A_2056] : memref<64x1000000xf32, #tpu.memory_space<hbm>> -> memref<32x128xf32, #tpu.memory_space<hbm>>
      %dma_wait3A_2058 = arith.constant 32 : i32
      %dma_wait3A_2059 = arith.constant 0 : i32
      %dma_wait3A_2060 = tpu.memref_slice %arg6[%dma_wait3A_2050, %dma_wait3A_2058, %dma_wait3A_2059] : memref<8x64x128xf32, #tpu.memory_space<vmem>> -> memref<1x32x128xf32, #tpu.memory_space<vmem>>
      %dma_wait3A_2061 = tpu.memref_squeeze %dma_wait3A_2060 : memref<1x32x128xf32, #tpu.memory_space<vmem>> -> memref<32x128xf32, #tpu.memory_space<vmem>>
      %dma_wait3A_2062 = arith.constant 0 : i32
      %dma_wait3A_2063 = arith.constant 0 : i32
      %dma_wait3A_2064 = tpu.memref_slice %arg3[%dma_wait3A_2062, %dma_wait3A_2063] : memref<64x1000000xf32, #tpu.memory_space<hbm>> -> memref<32x128xf32, #tpu.memory_space<hbm>>
      tpu.wait_dma2 semaphore(%arg15 : memref<!tpu.dma_semaphore, #tpu.memory_space<semaphore_mem>>) src(%dma_wait3A_2064 : memref<32x128xf32, #tpu.memory_space<hbm>>) dst(%dma_wait3A_2061 : memref<32x128xf32, #tpu.memory_space<vmem>>)
      %slice3A_2065 = vector.extract_strided_slice %scan3A_498 {offsets = [14], sizes = [1], strides = [1]} : vector<16xi32> to vector<1xi32>
      %squeeze3A_2066 = vector.extract %slice3A_2065[0] : i32 from vector<1xi32>
      %broadcast_in_dim3A_2067 = vector.broadcast %squeeze3A_2066 : i32 to vector<16xi32>
      %mul3A_2068 = arith.constant 16 : i32
      %mul3A_2069 = arith.muli %scan3A_496, %mul3A_2068 : i32
      %add3A_2070 = arith.constant 14 : i32
      %add3A_2071 = arith.addi %mul3A_2069, %add3A_2070 : i32
      %broadcast_in_dim3A_2072 = vector.broadcast %add3A_2071 : i32 to vector<16xi32>
      %iota3A_2073 = tpu.iota {dimensions = array<i32: 0>} : vector<16xi32>
      %add3A_2074 = arith.constant 0 : i32
      %add3A_2075 = vector.broadcast %add3A_2074 : i32 to vector<16xi32>
      %add3A_2076 = arith.addi %iota3A_2073, %add3A_2075 : vector<16xi32>
      %gather3A_2077 = arith.constant 6 : i32
      %gather3A_2078 = arith.constant 0 : i32
      %gather3A_2079 = arith.constant 0 : i32
      %gather3A_2080 = tpu.memref_slice %arg6[%gather3A_2077, %gather3A_2078, %gather3A_2079] : memref<8x64x128xf32, #tpu.memory_space<vmem>> -> memref<1x64x128xf32, #tpu.memory_space<vmem>>
      %gather3A_2081 = tpu.memref_squeeze %gather3A_2080 : memref<1x64x128xf32, #tpu.memory_space<vmem>> -> memref<64x128xf32, #tpu.memory_space<vmem>>
      %gather3A_2082 = tpu.vector_load_idx %gather3A_2081[%add3A_2076, %broadcast_in_dim3A_2067] : memref<64x128xf32, #tpu.memory_space<vmem>>[vector<16xi32>, vector<16xi32>], vector<16xf32>,
      tpu.vector_store_idx %arg7[%add3A_2076, %broadcast_in_dim3A_2072], %gather3A_2082 : memref<64x512xf32, #tpu.memory_space<vmem>>[vector<16xi32>, vector<16xi32>], vector<16xf32>,
      %iota3A_2083 = tpu.iota {dimensions = array<i32: 0>} : vector<16xi32>
      %add3A_2084 = arith.constant 16 : i32
      %add3A_2085 = vector.broadcast %add3A_2084 : i32 to vector<16xi32>
      %add3A_2086 = arith.addi %iota3A_2083, %add3A_2085 : vector<16xi32>
      %gather3A_2087 = arith.constant 6 : i32
      %gather3A_2088 = arith.constant 0 : i32
      %gather3A_2089 = arith.constant 0 : i32
      %gather3A_2090 = tpu.memref_slice %arg6[%gather3A_2087, %gather3A_2088, %gather3A_2089] : memref<8x64x128xf32, #tpu.memory_space<vmem>> -> memref<1x64x128xf32, #tpu.memory_space<vmem>>
      %gather3A_2091 = tpu.memref_squeeze %gather3A_2090 : memref<1x64x128xf32, #tpu.memory_space<vmem>> -> memref<64x128xf32, #tpu.memory_space<vmem>>
      %gather3A_2092 = tpu.vector_load_idx %gather3A_2091[%add3A_2086, %broadcast_in_dim3A_2067] : memref<64x128xf32, #tpu.memory_space<vmem>>[vector<16xi32>, vector<16xi32>], vector<16xf32>,
      tpu.vector_store_idx %arg7[%add3A_2086, %broadcast_in_dim3A_2072], %gather3A_2092 : memref<64x512xf32, #tpu.memory_space<vmem>>[vector<16xi32>, vector<16xi32>], vector<16xf32>,
      %iota3A_2093 = tpu.iota {dimensions = array<i32: 0>} : vector<16xi32>
      %add3A_2094 = arith.constant 32 : i32
      %add3A_2095 = vector.broadcast %add3A_2094 : i32 to vector<16xi32>
      %add3A_2096 = arith.addi %iota3A_2093, %add3A_2095 : vector<16xi32>
      %gather3A_2097 = arith.constant 6 : i32
      %gather3A_2098 = arith.constant 0 : i32
      %gather3A_2099 = arith.constant 0 : i32
      %gather3A_2100 = tpu.memref_slice %arg6[%gather3A_2097, %gather3A_2098, %gather3A_2099] : memref<8x64x128xf32, #tpu.memory_space<vmem>> -> memref<1x64x128xf32, #tpu.memory_space<vmem>>
      %gather3A_2101 = tpu.memref_squeeze %gather3A_2100 : memref<1x64x128xf32, #tpu.memory_space<vmem>> -> memref<64x128xf32, #tpu.memory_space<vmem>>
      %gather3A_2102 = tpu.vector_load_idx %gather3A_2101[%add3A_2096, %broadcast_in_dim3A_2067] : memref<64x128xf32, #tpu.memory_space<vmem>>[vector<16xi32>, vector<16xi32>], vector<16xf32>,
      tpu.vector_store_idx %arg7[%add3A_2096, %broadcast_in_dim3A_2072], %gather3A_2102 : memref<64x512xf32, #tpu.memory_space<vmem>>[vector<16xi32>, vector<16xi32>], vector<16xf32>,
      %iota3A_2103 = tpu.iota {dimensions = array<i32: 0>} : vector<16xi32>
      %add3A_2104 = arith.constant 48 : i32
      %add3A_2105 = vector.broadcast %add3A_2104 : i32 to vector<16xi32>
      %add3A_2106 = arith.addi %iota3A_2103, %add3A_2105 : vector<16xi32>
      %gather3A_2107 = arith.constant 6 : i32
      %gather3A_2108 = arith.constant 0 : i32
      %gather3A_2109 = arith.constant 0 : i32
      %gather3A_2110 = tpu.memref_slice %arg6[%gather3A_2107, %gather3A_2108, %gather3A_2109] : memref<8x64x128xf32, #tpu.memory_space<vmem>> -> memref<1x64x128xf32, #tpu.memory_space<vmem>>
      %gather3A_2111 = tpu.memref_squeeze %gather3A_2110 : memref<1x64x128xf32, #tpu.memory_space<vmem>> -> memref<64x128xf32, #tpu.memory_space<vmem>>
      %gather3A_2112 = tpu.vector_load_idx %gather3A_2111[%add3A_2106, %broadcast_in_dim3A_2067] : memref<64x128xf32, #tpu.memory_space<vmem>>[vector<16xi32>, vector<16xi32>], vector<16xf32>,
      tpu.vector_store_idx %arg7[%add3A_2106, %broadcast_in_dim3A_2072], %gather3A_2112 : memref<64x512xf32, #tpu.memory_space<vmem>>[vector<16xi32>, vector<16xi32>], vector<16xf32>,
      %slice3A_2113 = vector.extract_strided_slice %shift_right_logical3A_508 {offsets = [6], sizes = [1], strides = [1]} : vector<16xi32> to vector<1xi32>
      %squeeze3A_2114 = vector.extract %slice3A_2113[0] : i32 from vector<1xi32>
      %mul3A_2115 = arith.constant 128 : i32
      %mul3A_2116 = arith.muli %squeeze3A_2114, %mul3A_2115 : i32
      %multiple_of3A_2117 = tpu.assume_multiple %mul3A_2116, 128 : i32
      %dma_start3A_2118 = arith.constant 6 : i32
      %dma_start3A_2119 = arith.constant 0 : i32
      %dma_start3A_2120 = arith.constant 0 : i32
      %dma_start3A_2121 = tpu.memref_slice %arg6[%dma_start3A_2118, %dma_start3A_2119, %dma_start3A_2120] : memref<8x64x128xf32, #tpu.memory_space<vmem>> -> memref<1x32x128xf32, #tpu.memory_space<vmem>>
      %dma_start3A_2122 = tpu.memref_squeeze %dma_start3A_2121 : memref<1x32x128xf32, #tpu.memory_space<vmem>> -> memref<32x128xf32, #tpu.memory_space<vmem>>
      %dma_start3A_2123 = arith.constant 0 : i32
      %dma_start3A_2124 = tpu.memref_slice %arg3[%dma_start3A_2123, %multiple_of3A_2117] : memref<64x1000000xf32, #tpu.memory_space<hbm>> -> memref<32x128xf32, #tpu.memory_space<hbm>>
      %dma_start3A_2125 = arith.constant 0 : i32
      %dma_start3A_2126 = arith.constant 0 : i32
      %dma_start3A_2127 = tpu.memref_slice %arg6[%dma_start3A_2118, %dma_start3A_2125, %dma_start3A_2126] : memref<8x64x128xf32, #tpu.memory_space<vmem>> -> memref<1x32x128xf32, #tpu.memory_space<vmem>>
      %dma_start3A_2128 = tpu.memref_squeeze %dma_start3A_2127 : memref<1x32x128xf32, #tpu.memory_space<vmem>> -> memref<32x128xf32, #tpu.memory_space<vmem>>
      %dma_start3A_2129 = arith.constant 0 : i32
      %dma_start3A_2130 = tpu.memref_slice %arg3[%dma_start3A_2129, %multiple_of3A_2117] : memref<64x1000000xf32, #tpu.memory_space<hbm>> -> memref<32x128xf32, #tpu.memory_space<hbm>>
      tpu.enqueue_dma source(%dma_start3A_2130 : memref<32x128xf32, #tpu.memory_space<hbm>>) target(%dma_start3A_2128 : memref<32x128xf32, #tpu.memory_space<vmem>>) target_semaphore(%arg15 : memref<!tpu.dma_semaphore, #tpu.memory_space<semaphore_mem>>)
      %dma_start3A_2131 = arith.constant 6 : i32
      %dma_start3A_2132 = arith.constant 32 : i32
      %dma_start3A_2133 = arith.constant 0 : i32
      %dma_start3A_2134 = tpu.memref_slice %arg6[%dma_start3A_2131, %dma_start3A_2132, %dma_start3A_2133] : memref<8x64x128xf32, #tpu.memory_space<vmem>> -> memref<1x32x128xf32, #tpu.memory_space<vmem>>
      %dma_start3A_2135 = tpu.memref_squeeze %dma_start3A_2134 : memref<1x32x128xf32, #tpu.memory_space<vmem>> -> memref<32x128xf32, #tpu.memory_space<vmem>>
      %dma_start3A_2136 = arith.constant 32 : i32
      %dma_start3A_2137 = tpu.memref_slice %arg3[%dma_start3A_2136, %multiple_of3A_2117] : memref<64x1000000xf32, #tpu.memory_space<hbm>> -> memref<32x128xf32, #tpu.memory_space<hbm>>
      %dma_start3A_2138 = arith.constant 32 : i32
      %dma_start3A_2139 = arith.constant 0 : i32
      %dma_start3A_2140 = tpu.memref_slice %arg6[%dma_start3A_2131, %dma_start3A_2138, %dma_start3A_2139] : memref<8x64x128xf32, #tpu.memory_space<vmem>> -> memref<1x32x128xf32, #tpu.memory_space<vmem>>
      %dma_start3A_2141 = tpu.memref_squeeze %dma_start3A_2140 : memref<1x32x128xf32, #tpu.memory_space<vmem>> -> memref<32x128xf32, #tpu.memory_space<vmem>>
      %dma_start3A_2142 = arith.constant 32 : i32
      %dma_start3A_2143 = tpu.memref_slice %arg3[%dma_start3A_2142, %multiple_of3A_2117] : memref<64x1000000xf32, #tpu.memory_space<hbm>> -> memref<32x128xf32, #tpu.memory_space<hbm>>
      tpu.enqueue_dma source(%dma_start3A_2143 : memref<32x128xf32, #tpu.memory_space<hbm>>) target(%dma_start3A_2141 : memref<32x128xf32, #tpu.memory_space<vmem>>) target_semaphore(%arg15 : memref<!tpu.dma_semaphore, #tpu.memory_space<semaphore_mem>>)
      %dma_wait3A_2144 = arith.constant 7 : i32
      %dma_wait3A_2145 = arith.constant 0 : i32
      %dma_wait3A_2146 = arith.constant 0 : i32
      %dma_wait3A_2147 = tpu.memref_slice %arg6[%dma_wait3A_2144, %dma_wait3A_2145, %dma_wait3A_2146] : memref<8x64x128xf32, #tpu.memory_space<vmem>> -> memref<1x32x128xf32, #tpu.memory_space<vmem>>
      %dma_wait3A_2148 = tpu.memref_squeeze %dma_wait3A_2147 : memref<1x32x128xf32, #tpu.memory_space<vmem>> -> memref<32x128xf32, #tpu.memory_space<vmem>>
      %dma_wait3A_2149 = arith.constant 0 : i32
      %dma_wait3A_2150 = arith.constant 0 : i32
      %dma_wait3A_2151 = tpu.memref_slice %arg3[%dma_wait3A_2149, %dma_wait3A_2150] : memref<64x1000000xf32, #tpu.memory_space<hbm>> -> memref<32x128xf32, #tpu.memory_space<hbm>>
      %dma_wait3A_2152 = arith.constant 0 : i32
      %dma_wait3A_2153 = arith.constant 0 : i32
      %dma_wait3A_2154 = tpu.memref_slice %arg6[%dma_wait3A_2144, %dma_wait3A_2152, %dma_wait3A_2153] : memref<8x64x128xf32, #tpu.memory_space<vmem>> -> memref<1x32x128xf32, #tpu.memory_space<vmem>>
      %dma_wait3A_2155 = tpu.memref_squeeze %dma_wait3A_2154 : memref<1x32x128xf32, #tpu.memory_space<vmem>> -> memref<32x128xf32, #tpu.memory_space<vmem>>
      %dma_wait3A_2156 = arith.constant 0 : i32
      %dma_wait3A_2157 = arith.constant 0 : i32
      %dma_wait3A_2158 = tpu.memref_slice %arg3[%dma_wait3A_2156, %dma_wait3A_2157] : memref<64x1000000xf32, #tpu.memory_space<hbm>> -> memref<32x128xf32, #tpu.memory_space<hbm>>
      tpu.wait_dma2 semaphore(%arg16 : memref<!tpu.dma_semaphore, #tpu.memory_space<semaphore_mem>>) src(%dma_wait3A_2158 : memref<32x128xf32, #tpu.memory_space<hbm>>) dst(%dma_wait3A_2155 : memref<32x128xf32, #tpu.memory_space<vmem>>)
      %dma_wait3A_2159 = arith.constant 7 : i32
      %dma_wait3A_2160 = arith.constant 32 : i32
      %dma_wait3A_2161 = arith.constant 0 : i32
      %dma_wait3A_2162 = tpu.memref_slice %arg6[%dma_wait3A_2159, %dma_wait3A_2160, %dma_wait3A_2161] : memref<8x64x128xf32, #tpu.memory_space<vmem>> -> memref<1x32x128xf32, #tpu.memory_space<vmem>>
      %dma_wait3A_2163 = tpu.memref_squeeze %dma_wait3A_2162 : memref<1x32x128xf32, #tpu.memory_space<vmem>> -> memref<32x128xf32, #tpu.memory_space<vmem>>
      %dma_wait3A_2164 = arith.constant 0 : i32
      %dma_wait3A_2165 = arith.constant 0 : i32
      %dma_wait3A_2166 = tpu.memref_slice %arg3[%dma_wait3A_2164, %dma_wait3A_2165] : memref<64x1000000xf32, #tpu.memory_space<hbm>> -> memref<32x128xf32, #tpu.memory_space<hbm>>
      %dma_wait3A_2167 = arith.constant 32 : i32
      %dma_wait3A_2168 = arith.constant 0 : i32
      %dma_wait3A_2169 = tpu.memref_slice %arg6[%dma_wait3A_2159, %dma_wait3A_2167, %dma_wait3A_2168] : memref<8x64x128xf32, #tpu.memory_space<vmem>> -> memref<1x32x128xf32, #tpu.memory_space<vmem>>
      %dma_wait3A_2170 = tpu.memref_squeeze %dma_wait3A_2169 : memref<1x32x128xf32, #tpu.memory_space<vmem>> -> memref<32x128xf32, #tpu.memory_space<vmem>>
      %dma_wait3A_2171 = arith.constant 0 : i32
      %dma_wait3A_2172 = arith.constant 0 : i32
      %dma_wait3A_2173 = tpu.memref_slice %arg3[%dma_wait3A_2171, %dma_wait3A_2172] : memref<64x1000000xf32, #tpu.memory_space<hbm>> -> memref<32x128xf32, #tpu.memory_space<hbm>>
      tpu.wait_dma2 semaphore(%arg16 : memref<!tpu.dma_semaphore, #tpu.memory_space<semaphore_mem>>) src(%dma_wait3A_2173 : memref<32x128xf32, #tpu.memory_space<hbm>>) dst(%dma_wait3A_2170 : memref<32x128xf32, #tpu.memory_space<vmem>>)
      %slice3A_2174 = vector.extract_strided_slice %scan3A_498 {offsets = [15], sizes = [1], strides = [1]} : vector<16xi32> to vector<1xi32>
      %squeeze3A_2175 = vector.extract %slice3A_2174[0] : i32 from vector<1xi32>
      %broadcast_in_dim3A_2176 = vector.broadcast %squeeze3A_2175 : i32 to vector<16xi32>
      %mul3A_2177 = arith.constant 16 : i32
      %mul3A_2178 = arith.muli %scan3A_496, %mul3A_2177 : i32
      %add3A_2179 = arith.constant 15 : i32
      %add3A_2180 = arith.addi %mul3A_2178, %add3A_2179 : i32
      %broadcast_in_dim3A_2181 = vector.broadcast %add3A_2180 : i32 to vector<16xi32>
      %iota3A_2182 = tpu.iota {dimensions = array<i32: 0>} : vector<16xi32>
      %add3A_2183 = arith.constant 0 : i32
      %add3A_2184 = vector.broadcast %add3A_2183 : i32 to vector<16xi32>
      %add3A_2185 = arith.addi %iota3A_2182, %add3A_2184 : vector<16xi32>
      %gather3A_2186 = arith.constant 7 : i32
      %gather3A_2187 = arith.constant 0 : i32
      %gather3A_2188 = arith.constant 0 : i32
      %gather3A_2189 = tpu.memref_slice %arg6[%gather3A_2186, %gather3A_2187, %gather3A_2188] : memref<8x64x128xf32, #tpu.memory_space<vmem>> -> memref<1x64x128xf32, #tpu.memory_space<vmem>>
      %gather3A_2190 = tpu.memref_squeeze %gather3A_2189 : memref<1x64x128xf32, #tpu.memory_space<vmem>> -> memref<64x128xf32, #tpu.memory_space<vmem>>
      %gather3A_2191 = tpu.vector_load_idx %gather3A_2190[%add3A_2185, %broadcast_in_dim3A_2176] : memref<64x128xf32, #tpu.memory_space<vmem>>[vector<16xi32>, vector<16xi32>], vector<16xf32>,
      tpu.vector_store_idx %arg7[%add3A_2185, %broadcast_in_dim3A_2181], %gather3A_2191 : memref<64x512xf32, #tpu.memory_space<vmem>>[vector<16xi32>, vector<16xi32>], vector<16xf32>,
      %iota3A_2192 = tpu.iota {dimensions = array<i32: 0>} : vector<16xi32>
      %add3A_2193 = arith.constant 16 : i32
      %add3A_2194 = vector.broadcast %add3A_2193 : i32 to vector<16xi32>
      %add3A_2195 = arith.addi %iota3A_2192, %add3A_2194 : vector<16xi32>
      %gather3A_2196 = arith.constant 7 : i32
      %gather3A_2197 = arith.constant 0 : i32
      %gather3A_2198 = arith.constant 0 : i32
      %gather3A_2199 = tpu.memref_slice %arg6[%gather3A_2196, %gather3A_2197, %gather3A_2198] : memref<8x64x128xf32, #tpu.memory_space<vmem>> -> memref<1x64x128xf32, #tpu.memory_space<vmem>>
      %gather3A_2200 = tpu.memref_squeeze %gather3A_2199 : memref<1x64x128xf32, #tpu.memory_space<vmem>> -> memref<64x128xf32, #tpu.memory_space<vmem>>
      %gather3A_2201 = tpu.vector_load_idx %gather3A_2200[%add3A_2195, %broadcast_in_dim3A_2176] : memref<64x128xf32, #tpu.memory_space<vmem>>[vector<16xi32>, vector<16xi32>], vector<16xf32>,
      tpu.vector_store_idx %arg7[%add3A_2195, %broadcast_in_dim3A_2181], %gather3A_2201 : memref<64x512xf32, #tpu.memory_space<vmem>>[vector<16xi32>, vector<16xi32>], vector<16xf32>,
      %iota3A_2202 = tpu.iota {dimensions = array<i32: 0>} : vector<16xi32>
      %add3A_2203 = arith.constant 32 : i32
      %add3A_2204 = vector.broadcast %add3A_2203 : i32 to vector<16xi32>
      %add3A_2205 = arith.addi %iota3A_2202, %add3A_2204 : vector<16xi32>
      %gather3A_2206 = arith.constant 7 : i32
      %gather3A_2207 = arith.constant 0 : i32
      %gather3A_2208 = arith.constant 0 : i32
      %gather3A_2209 = tpu.memref_slice %arg6[%gather3A_2206, %gather3A_2207, %gather3A_2208] : memref<8x64x128xf32, #tpu.memory_space<vmem>> -> memref<1x64x128xf32, #tpu.memory_space<vmem>>
      %gather3A_2210 = tpu.memref_squeeze %gather3A_2209 : memref<1x64x128xf32, #tpu.memory_space<vmem>> -> memref<64x128xf32, #tpu.memory_space<vmem>>
      %gather3A_2211 = tpu.vector_load_idx %gather3A_2210[%add3A_2205, %broadcast_in_dim3A_2176] : memref<64x128xf32, #tpu.memory_space<vmem>>[vector<16xi32>, vector<16xi32>], vector<16xf32>,
      tpu.vector_store_idx %arg7[%add3A_2205, %broadcast_in_dim3A_2181], %gather3A_2211 : memref<64x512xf32, #tpu.memory_space<vmem>>[vector<16xi32>, vector<16xi32>], vector<16xf32>,
      %iota3A_2212 = tpu.iota {dimensions = array<i32: 0>} : vector<16xi32>
      %add3A_2213 = arith.constant 48 : i32
      %add3A_2214 = vector.broadcast %add3A_2213 : i32 to vector<16xi32>
      %add3A_2215 = arith.addi %iota3A_2212, %add3A_2214 : vector<16xi32>
      %gather3A_2216 = arith.constant 7 : i32
      %gather3A_2217 = arith.constant 0 : i32
      %gather3A_2218 = arith.constant 0 : i32
      %gather3A_2219 = tpu.memref_slice %arg6[%gather3A_2216, %gather3A_2217, %gather3A_2218] : memref<8x64x128xf32, #tpu.memory_space<vmem>> -> memref<1x64x128xf32, #tpu.memory_space<vmem>>
      %gather3A_2220 = tpu.memref_squeeze %gather3A_2219 : memref<1x64x128xf32, #tpu.memory_space<vmem>> -> memref<64x128xf32, #tpu.memory_space<vmem>>
      %gather3A_2221 = tpu.vector_load_idx %gather3A_2220[%add3A_2215, %broadcast_in_dim3A_2176] : memref<64x128xf32, #tpu.memory_space<vmem>>[vector<16xi32>, vector<16xi32>], vector<16xf32>,
      tpu.vector_store_idx %arg7[%add3A_2215, %broadcast_in_dim3A_2181], %gather3A_2221 : memref<64x512xf32, #tpu.memory_space<vmem>>[vector<16xi32>, vector<16xi32>], vector<16xf32>,
      %slice3A_2222 = vector.extract_strided_slice %shift_right_logical3A_508 {offsets = [7], sizes = [1], strides = [1]} : vector<16xi32> to vector<1xi32>
      %squeeze3A_2223 = vector.extract %slice3A_2222[0] : i32 from vector<1xi32>
      %mul3A_2224 = arith.constant 128 : i32
      %mul3A_2225 = arith.muli %squeeze3A_2223, %mul3A_2224 : i32
      %multiple_of3A_2226 = tpu.assume_multiple %mul3A_2225, 128 : i32
      %dma_start3A_2227 = arith.constant 7 : i32
      %dma_start3A_2228 = arith.constant 0 : i32
      %dma_start3A_2229 = arith.constant 0 : i32
      %dma_start3A_2230 = tpu.memref_slice %arg6[%dma_start3A_2227, %dma_start3A_2228, %dma_start3A_2229] : memref<8x64x128xf32, #tpu.memory_space<vmem>> -> memref<1x32x128xf32, #tpu.memory_space<vmem>>
      %dma_start3A_2231 = tpu.memref_squeeze %dma_start3A_2230 : memref<1x32x128xf32, #tpu.memory_space<vmem>> -> memref<32x128xf32, #tpu.memory_space<vmem>>
      %dma_start3A_2232 = arith.constant 0 : i32
      %dma_start3A_2233 = tpu.memref_slice %arg3[%dma_start3A_2232, %multiple_of3A_2226] : memref<64x1000000xf32, #tpu.memory_space<hbm>> -> memref<32x128xf32, #tpu.memory_space<hbm>>
      %dma_start3A_2234 = arith.constant 0 : i32
      %dma_start3A_2235 = arith.constant 0 : i32
      %dma_start3A_2236 = tpu.memref_slice %arg6[%dma_start3A_2227, %dma_start3A_2234, %dma_start3A_2235] : memref<8x64x128xf32, #tpu.memory_space<vmem>> -> memref<1x32x128xf32, #tpu.memory_space<vmem>>
      %dma_start3A_2237 = tpu.memref_squeeze %dma_start3A_2236 : memref<1x32x128xf32, #tpu.memory_space<vmem>> -> memref<32x128xf32, #tpu.memory_space<vmem>>
      %dma_start3A_2238 = arith.constant 0 : i32
      %dma_start3A_2239 = tpu.memref_slice %arg3[%dma_start3A_2238, %multiple_of3A_2226] : memref<64x1000000xf32, #tpu.memory_space<hbm>> -> memref<32x128xf32, #tpu.memory_space<hbm>>
      tpu.enqueue_dma source(%dma_start3A_2239 : memref<32x128xf32, #tpu.memory_space<hbm>>) target(%dma_start3A_2237 : memref<32x128xf32, #tpu.memory_space<vmem>>) target_semaphore(%arg16 : memref<!tpu.dma_semaphore, #tpu.memory_space<semaphore_mem>>)
      %dma_start3A_2240 = arith.constant 7 : i32
      %dma_start3A_2241 = arith.constant 32 : i32
      %dma_start3A_2242 = arith.constant 0 : i32
      %dma_start3A_2243 = tpu.memref_slice %arg6[%dma_start3A_2240, %dma_start3A_2241, %dma_start3A_2242] : memref<8x64x128xf32, #tpu.memory_space<vmem>> -> memref<1x32x128xf32, #tpu.memory_space<vmem>>
      %dma_start3A_2244 = tpu.memref_squeeze %dma_start3A_2243 : memref<1x32x128xf32, #tpu.memory_space<vmem>> -> memref<32x128xf32, #tpu.memory_space<vmem>>
      %dma_start3A_2245 = arith.constant 32 : i32
      %dma_start3A_2246 = tpu.memref_slice %arg3[%dma_start3A_2245, %multiple_of3A_2226] : memref<64x1000000xf32, #tpu.memory_space<hbm>> -> memref<32x128xf32, #tpu.memory_space<hbm>>
      %dma_start3A_2247 = arith.constant 32 : i32
      %dma_start3A_2248 = arith.constant 0 : i32
      %dma_start3A_2249 = tpu.memref_slice %arg6[%dma_start3A_2240, %dma_start3A_2247, %dma_start3A_2248] : memref<8x64x128xf32, #tpu.memory_space<vmem>> -> memref<1x32x128xf32, #tpu.memory_space<vmem>>
      %dma_start3A_2250 = tpu.memref_squeeze %dma_start3A_2249 : memref<1x32x128xf32, #tpu.memory_space<vmem>> -> memref<32x128xf32, #tpu.memory_space<vmem>>
      %dma_start3A_2251 = arith.constant 32 : i32
      %dma_start3A_2252 = tpu.memref_slice %arg3[%dma_start3A_2251, %multiple_of3A_2226] : memref<64x1000000xf32, #tpu.memory_space<hbm>> -> memref<32x128xf32, #tpu.memory_space<hbm>>
      tpu.enqueue_dma source(%dma_start3A_2252 : memref<32x128xf32, #tpu.memory_space<hbm>>) target(%dma_start3A_2250 : memref<32x128xf32, #tpu.memory_space<vmem>>) target_semaphore(%arg16 : memref<!tpu.dma_semaphore, #tpu.memory_space<semaphore_mem>>)
      scf.yield %shift_right_logical3A_508, %and3A_511 : vector<16xi32>, vector<16xi32>
    }
    %scan3A_256 = arith.constant 32 : i32
    %dma_wait3A = arith.constant 0 : i32
    %dma_wait3A_257 = arith.constant 0 : i32
    %dma_wait3A_258 = arith.constant 0 : i32
    %dma_wait3A_259 = tpu.memref_slice %arg6[%dma_wait3A, %dma_wait3A_257, %dma_wait3A_258] : memref<8x64x128xf32, #tpu.memory_space<vmem>> -> memref<1x32x128xf32, #tpu.memory_space<vmem>>
    %dma_wait3A_260 = tpu.memref_squeeze %dma_wait3A_259 : memref<1x32x128xf32, #tpu.memory_space<vmem>> -> memref<32x128xf32, #tpu.memory_space<vmem>>
    %dma_wait3A_261 = arith.constant 0 : i32
    %dma_wait3A_262 = arith.constant 0 : i32
    %dma_wait3A_263 = tpu.memref_slice %arg3[%dma_wait3A_261, %dma_wait3A_262] : memref<64x1000000xf32, #tpu.memory_space<hbm>> -> memref<32x128xf32, #tpu.memory_space<hbm>>
    %dma_wait3A_264 = arith.constant 0 : i32
    %dma_wait3A_265 = arith.constant 0 : i32
    %dma_wait3A_266 = tpu.memref_slice %arg6[%dma_wait3A, %dma_wait3A_264, %dma_wait3A_265] : memref<8x64x128xf32, #tpu.memory_space<vmem>> -> memref<1x32x128xf32, #tpu.memory_space<vmem>>
    %dma_wait3A_267 = tpu.memref_squeeze %dma_wait3A_266 : memref<1x32x128xf32, #tpu.memory_space<vmem>> -> memref<32x128xf32, #tpu.memory_space<vmem>>
    %dma_wait3A_268 = arith.constant 0 : i32
    %dma_wait3A_269 = arith.constant 0 : i32
    %dma_wait3A_270 = tpu.memref_slice %arg3[%dma_wait3A_268, %dma_wait3A_269] : memref<64x1000000xf32, #tpu.memory_space<hbm>> -> memref<32x128xf32, #tpu.memory_space<hbm>>
    tpu.wait_dma2 semaphore(%arg9 : memref<!tpu.dma_semaphore, #tpu.memory_space<semaphore_mem>>) src(%dma_wait3A_270 : memref<32x128xf32, #tpu.memory_space<hbm>>) dst(%dma_wait3A_267 : memref<32x128xf32, #tpu.memory_space<vmem>>)
    %dma_wait3A_271 = arith.constant 0 : i32
    %dma_wait3A_272 = arith.constant 32 : i32
    %dma_wait3A_273 = arith.constant 0 : i32
    %dma_wait3A_274 = tpu.memref_slice %arg6[%dma_wait3A_271, %dma_wait3A_272, %dma_wait3A_273] : memref<8x64x128xf32, #tpu.memory_space<vmem>> -> memref<1x32x128xf32, #tpu.memory_space<vmem>>
    %dma_wait3A_275 = tpu.memref_squeeze %dma_wait3A_274 : memref<1x32x128xf32, #tpu.memory_space<vmem>> -> memref<32x128xf32, #tpu.memory_space<vmem>>
    %dma_wait3A_276 = arith.constant 0 : i32
    %dma_wait3A_277 = arith.constant 0 : i32
    %dma_wait3A_278 = tpu.memref_slice %arg3[%dma_wait3A_276, %dma_wait3A_277] : memref<64x1000000xf32, #tpu.memory_space<hbm>> -> memref<32x128xf32, #tpu.memory_space<hbm>>
    %dma_wait3A_279 = arith.constant 32 : i32
    %dma_wait3A_280 = arith.constant 0 : i32
    %dma_wait3A_281 = tpu.memref_slice %arg6[%dma_wait3A_271, %dma_wait3A_279, %dma_wait3A_280] : memref<8x64x128xf32, #tpu.memory_space<vmem>> -> memref<1x32x128xf32, #tpu.memory_space<vmem>>
    %dma_wait3A_282 = tpu.memref_squeeze %dma_wait3A_281 : memref<1x32x128xf32, #tpu.memory_space<vmem>> -> memref<32x128xf32, #tpu.memory_space<vmem>>
    %dma_wait3A_283 = arith.constant 0 : i32
    %dma_wait3A_284 = arith.constant 0 : i32
    %dma_wait3A_285 = tpu.memref_slice %arg3[%dma_wait3A_283, %dma_wait3A_284] : memref<64x1000000xf32, #tpu.memory_space<hbm>> -> memref<32x128xf32, #tpu.memory_space<hbm>>
    tpu.wait_dma2 semaphore(%arg9 : memref<!tpu.dma_semaphore, #tpu.memory_space<semaphore_mem>>) src(%dma_wait3A_285 : memref<32x128xf32, #tpu.memory_space<hbm>>) dst(%dma_wait3A_282 : memref<32x128xf32, #tpu.memory_space<vmem>>)
    %dma_wait3A_286 = arith.constant 1 : i32
    %dma_wait3A_287 = arith.constant 0 : i32
    %dma_wait3A_288 = arith.constant 0 : i32
    %dma_wait3A_289 = tpu.memref_slice %arg6[%dma_wait3A_286, %dma_wait3A_287, %dma_wait3A_288] : memref<8x64x128xf32, #tpu.memory_space<vmem>> -> memref<1x32x128xf32, #tpu.memory_space<vmem>>
    %dma_wait3A_290 = tpu.memref_squeeze %dma_wait3A_289 : memref<1x32x128xf32, #tpu.memory_space<vmem>> -> memref<32x128xf32, #tpu.memory_space<vmem>>
    %dma_wait3A_291 = arith.constant 0 : i32
    %dma_wait3A_292 = arith.constant 0 : i32
    %dma_wait3A_293 = tpu.memref_slice %arg3[%dma_wait3A_291, %dma_wait3A_292] : memref<64x1000000xf32, #tpu.memory_space<hbm>> -> memref<32x128xf32, #tpu.memory_space<hbm>>
    %dma_wait3A_294 = arith.constant 0 : i32
    %dma_wait3A_295 = arith.constant 0 : i32
    %dma_wait3A_296 = tpu.memref_slice %arg6[%dma_wait3A_286, %dma_wait3A_294, %dma_wait3A_295] : memref<8x64x128xf32, #tpu.memory_space<vmem>> -> memref<1x32x128xf32, #tpu.memory_space<vmem>>
    %dma_wait3A_297 = tpu.memref_squeeze %dma_wait3A_296 : memref<1x32x128xf32, #tpu.memory_space<vmem>> -> memref<32x128xf32, #tpu.memory_space<vmem>>
    %dma_wait3A_298 = arith.constant 0 : i32
    %dma_wait3A_299 = arith.constant 0 : i32
    %dma_wait3A_300 = tpu.memref_slice %arg3[%dma_wait3A_298, %dma_wait3A_299] : memref<64x1000000xf32, #tpu.memory_space<hbm>> -> memref<32x128xf32, #tpu.memory_space<hbm>>
    tpu.wait_dma2 semaphore(%arg10 : memref<!tpu.dma_semaphore, #tpu.memory_space<semaphore_mem>>) src(%dma_wait3A_300 : memref<32x128xf32, #tpu.memory_space<hbm>>) dst(%dma_wait3A_297 : memref<32x128xf32, #tpu.memory_space<vmem>>)
    %dma_wait3A_301 = arith.constant 1 : i32
    %dma_wait3A_302 = arith.constant 32 : i32
    %dma_wait3A_303 = arith.constant 0 : i32
    %dma_wait3A_304 = tpu.memref_slice %arg6[%dma_wait3A_301, %dma_wait3A_302, %dma_wait3A_303] : memref<8x64x128xf32, #tpu.memory_space<vmem>> -> memref<1x32x128xf32, #tpu.memory_space<vmem>>
    %dma_wait3A_305 = tpu.memref_squeeze %dma_wait3A_304 : memref<1x32x128xf32, #tpu.memory_space<vmem>> -> memref<32x128xf32, #tpu.memory_space<vmem>>
    %dma_wait3A_306 = arith.constant 0 : i32
    %dma_wait3A_307 = arith.constant 0 : i32
    %dma_wait3A_308 = tpu.memref_slice %arg3[%dma_wait3A_306, %dma_wait3A_307] : memref<64x1000000xf32, #tpu.memory_space<hbm>> -> memref<32x128xf32, #tpu.memory_space<hbm>>
    %dma_wait3A_309 = arith.constant 32 : i32
    %dma_wait3A_310 = arith.constant 0 : i32
    %dma_wait3A_311 = tpu.memref_slice %arg6[%dma_wait3A_301, %dma_wait3A_309, %dma_wait3A_310] : memref<8x64x128xf32, #tpu.memory_space<vmem>> -> memref<1x32x128xf32, #tpu.memory_space<vmem>>
    %dma_wait3A_312 = tpu.memref_squeeze %dma_wait3A_311 : memref<1x32x128xf32, #tpu.memory_space<vmem>> -> memref<32x128xf32, #tpu.memory_space<vmem>>
    %dma_wait3A_313 = arith.constant 0 : i32
    %dma_wait3A_314 = arith.constant 0 : i32
    %dma_wait3A_315 = tpu.memref_slice %arg3[%dma_wait3A_313, %dma_wait3A_314] : memref<64x1000000xf32, #tpu.memory_space<hbm>> -> memref<32x128xf32, #tpu.memory_space<hbm>>
    tpu.wait_dma2 semaphore(%arg10 : memref<!tpu.dma_semaphore, #tpu.memory_space<semaphore_mem>>) src(%dma_wait3A_315 : memref<32x128xf32, #tpu.memory_space<hbm>>) dst(%dma_wait3A_312 : memref<32x128xf32, #tpu.memory_space<vmem>>)
    %dma_wait3A_316 = arith.constant 2 : i32
    %dma_wait3A_317 = arith.constant 0 : i32
    %dma_wait3A_318 = arith.constant 0 : i32
    %dma_wait3A_319 = tpu.memref_slice %arg6[%dma_wait3A_316, %dma_wait3A_317, %dma_wait3A_318] : memref<8x64x128xf32, #tpu.memory_space<vmem>> -> memref<1x32x128xf32, #tpu.memory_space<vmem>>
    %dma_wait3A_320 = tpu.memref_squeeze %dma_wait3A_319 : memref<1x32x128xf32, #tpu.memory_space<vmem>> -> memref<32x128xf32, #tpu.memory_space<vmem>>
    %dma_wait3A_321 = arith.constant 0 : i32
    %dma_wait3A_322 = arith.constant 0 : i32
    %dma_wait3A_323 = tpu.memref_slice %arg3[%dma_wait3A_321, %dma_wait3A_322] : memref<64x1000000xf32, #tpu.memory_space<hbm>> -> memref<32x128xf32, #tpu.memory_space<hbm>>
    %dma_wait3A_324 = arith.constant 0 : i32
    %dma_wait3A_325 = arith.constant 0 : i32
    %dma_wait3A_326 = tpu.memref_slice %arg6[%dma_wait3A_316, %dma_wait3A_324, %dma_wait3A_325] : memref<8x64x128xf32, #tpu.memory_space<vmem>> -> memref<1x32x128xf32, #tpu.memory_space<vmem>>
    %dma_wait3A_327 = tpu.memref_squeeze %dma_wait3A_326 : memref<1x32x128xf32, #tpu.memory_space<vmem>> -> memref<32x128xf32, #tpu.memory_space<vmem>>
    %dma_wait3A_328 = arith.constant 0 : i32
    %dma_wait3A_329 = arith.constant 0 : i32
    %dma_wait3A_330 = tpu.memref_slice %arg3[%dma_wait3A_328, %dma_wait3A_329] : memref<64x1000000xf32, #tpu.memory_space<hbm>> -> memref<32x128xf32, #tpu.memory_space<hbm>>
    tpu.wait_dma2 semaphore(%arg11 : memref<!tpu.dma_semaphore, #tpu.memory_space<semaphore_mem>>) src(%dma_wait3A_330 : memref<32x128xf32, #tpu.memory_space<hbm>>) dst(%dma_wait3A_327 : memref<32x128xf32, #tpu.memory_space<vmem>>)
    %dma_wait3A_331 = arith.constant 2 : i32
    %dma_wait3A_332 = arith.constant 32 : i32
    %dma_wait3A_333 = arith.constant 0 : i32
    %dma_wait3A_334 = tpu.memref_slice %arg6[%dma_wait3A_331, %dma_wait3A_332, %dma_wait3A_333] : memref<8x64x128xf32, #tpu.memory_space<vmem>> -> memref<1x32x128xf32, #tpu.memory_space<vmem>>
    %dma_wait3A_335 = tpu.memref_squeeze %dma_wait3A_334 : memref<1x32x128xf32, #tpu.memory_space<vmem>> -> memref<32x128xf32, #tpu.memory_space<vmem>>
    %dma_wait3A_336 = arith.constant 0 : i32
    %dma_wait3A_337 = arith.constant 0 : i32
    %dma_wait3A_338 = tpu.memref_slice %arg3[%dma_wait3A_336, %dma_wait3A_337] : memref<64x1000000xf32, #tpu.memory_space<hbm>> -> memref<32x128xf32, #tpu.memory_space<hbm>>
    %dma_wait3A_339 = arith.constant 32 : i32
    %dma_wait3A_340 = arith.constant 0 : i32
    %dma_wait3A_341 = tpu.memref_slice %arg6[%dma_wait3A_331, %dma_wait3A_339, %dma_wait3A_340] : memref<8x64x128xf32, #tpu.memory_space<vmem>> -> memref<1x32x128xf32, #tpu.memory_space<vmem>>
    %dma_wait3A_342 = tpu.memref_squeeze %dma_wait3A_341 : memref<1x32x128xf32, #tpu.memory_space<vmem>> -> memref<32x128xf32, #tpu.memory_space<vmem>>
    %dma_wait3A_343 = arith.constant 0 : i32
    %dma_wait3A_344 = arith.constant 0 : i32
    %dma_wait3A_345 = tpu.memref_slice %arg3[%dma_wait3A_343, %dma_wait3A_344] : memref<64x1000000xf32, #tpu.memory_space<hbm>> -> memref<32x128xf32, #tpu.memory_space<hbm>>
    tpu.wait_dma2 semaphore(%arg11 : memref<!tpu.dma_semaphore, #tpu.memory_space<semaphore_mem>>) src(%dma_wait3A_345 : memref<32x128xf32, #tpu.memory_space<hbm>>) dst(%dma_wait3A_342 : memref<32x128xf32, #tpu.memory_space<vmem>>)
    %dma_wait3A_346 = arith.constant 3 : i32
    %dma_wait3A_347 = arith.constant 0 : i32
    %dma_wait3A_348 = arith.constant 0 : i32
    %dma_wait3A_349 = tpu.memref_slice %arg6[%dma_wait3A_346, %dma_wait3A_347, %dma_wait3A_348] : memref<8x64x128xf32, #tpu.memory_space<vmem>> -> memref<1x32x128xf32, #tpu.memory_space<vmem>>
    %dma_wait3A_350 = tpu.memref_squeeze %dma_wait3A_349 : memref<1x32x128xf32, #tpu.memory_space<vmem>> -> memref<32x128xf32, #tpu.memory_space<vmem>>
    %dma_wait3A_351 = arith.constant 0 : i32
    %dma_wait3A_352 = arith.constant 0 : i32
    %dma_wait3A_353 = tpu.memref_slice %arg3[%dma_wait3A_351, %dma_wait3A_352] : memref<64x1000000xf32, #tpu.memory_space<hbm>> -> memref<32x128xf32, #tpu.memory_space<hbm>>
    %dma_wait3A_354 = arith.constant 0 : i32
    %dma_wait3A_355 = arith.constant 0 : i32
    %dma_wait3A_356 = tpu.memref_slice %arg6[%dma_wait3A_346, %dma_wait3A_354, %dma_wait3A_355] : memref<8x64x128xf32, #tpu.memory_space<vmem>> -> memref<1x32x128xf32, #tpu.memory_space<vmem>>
    %dma_wait3A_357 = tpu.memref_squeeze %dma_wait3A_356 : memref<1x32x128xf32, #tpu.memory_space<vmem>> -> memref<32x128xf32, #tpu.memory_space<vmem>>
    %dma_wait3A_358 = arith.constant 0 : i32
    %dma_wait3A_359 = arith.constant 0 : i32
    %dma_wait3A_360 = tpu.memref_slice %arg3[%dma_wait3A_358, %dma_wait3A_359] : memref<64x1000000xf32, #tpu.memory_space<hbm>> -> memref<32x128xf32, #tpu.memory_space<hbm>>
    tpu.wait_dma2 semaphore(%arg12 : memref<!tpu.dma_semaphore, #tpu.memory_space<semaphore_mem>>) src(%dma_wait3A_360 : memref<32x128xf32, #tpu.memory_space<hbm>>) dst(%dma_wait3A_357 : memref<32x128xf32, #tpu.memory_space<vmem>>)
    %dma_wait3A_361 = arith.constant 3 : i32
    %dma_wait3A_362 = arith.constant 32 : i32
    %dma_wait3A_363 = arith.constant 0 : i32
    %dma_wait3A_364 = tpu.memref_slice %arg6[%dma_wait3A_361, %dma_wait3A_362, %dma_wait3A_363] : memref<8x64x128xf32, #tpu.memory_space<vmem>> -> memref<1x32x128xf32, #tpu.memory_space<vmem>>
    %dma_wait3A_365 = tpu.memref_squeeze %dma_wait3A_364 : memref<1x32x128xf32, #tpu.memory_space<vmem>> -> memref<32x128xf32, #tpu.memory_space<vmem>>
    %dma_wait3A_366 = arith.constant 0 : i32
    %dma_wait3A_367 = arith.constant 0 : i32
    %dma_wait3A_368 = tpu.memref_slice %arg3[%dma_wait3A_366, %dma_wait3A_367] : memref<64x1000000xf32, #tpu.memory_space<hbm>> -> memref<32x128xf32, #tpu.memory_space<hbm>>
    %dma_wait3A_369 = arith.constant 32 : i32
    %dma_wait3A_370 = arith.constant 0 : i32
    %dma_wait3A_371 = tpu.memref_slice %arg6[%dma_wait3A_361, %dma_wait3A_369, %dma_wait3A_370] : memref<8x64x128xf32, #tpu.memory_space<vmem>> -> memref<1x32x128xf32, #tpu.memory_space<vmem>>
    %dma_wait3A_372 = tpu.memref_squeeze %dma_wait3A_371 : memref<1x32x128xf32, #tpu.memory_space<vmem>> -> memref<32x128xf32, #tpu.memory_space<vmem>>
    %dma_wait3A_373 = arith.constant 0 : i32
    %dma_wait3A_374 = arith.constant 0 : i32
    %dma_wait3A_375 = tpu.memref_slice %arg3[%dma_wait3A_373, %dma_wait3A_374] : memref<64x1000000xf32, #tpu.memory_space<hbm>> -> memref<32x128xf32, #tpu.memory_space<hbm>>
    tpu.wait_dma2 semaphore(%arg12 : memref<!tpu.dma_semaphore, #tpu.memory_space<semaphore_mem>>) src(%dma_wait3A_375 : memref<32x128xf32, #tpu.memory_space<hbm>>) dst(%dma_wait3A_372 : memref<32x128xf32, #tpu.memory_space<vmem>>)
    %dma_wait3A_376 = arith.constant 4 : i32
    %dma_wait3A_377 = arith.constant 0 : i32
    %dma_wait3A_378 = arith.constant 0 : i32
    %dma_wait3A_379 = tpu.memref_slice %arg6[%dma_wait3A_376, %dma_wait3A_377, %dma_wait3A_378] : memref<8x64x128xf32, #tpu.memory_space<vmem>> -> memref<1x32x128xf32, #tpu.memory_space<vmem>>
    %dma_wait3A_380 = tpu.memref_squeeze %dma_wait3A_379 : memref<1x32x128xf32, #tpu.memory_space<vmem>> -> memref<32x128xf32, #tpu.memory_space<vmem>>
    %dma_wait3A_381 = arith.constant 0 : i32
    %dma_wait3A_382 = arith.constant 0 : i32
    %dma_wait3A_383 = tpu.memref_slice %arg3[%dma_wait3A_381, %dma_wait3A_382] : memref<64x1000000xf32, #tpu.memory_space<hbm>> -> memref<32x128xf32, #tpu.memory_space<hbm>>
    %dma_wait3A_384 = arith.constant 0 : i32
    %dma_wait3A_385 = arith.constant 0 : i32
    %dma_wait3A_386 = tpu.memref_slice %arg6[%dma_wait3A_376, %dma_wait3A_384, %dma_wait3A_385] : memref<8x64x128xf32, #tpu.memory_space<vmem>> -> memref<1x32x128xf32, #tpu.memory_space<vmem>>
    %dma_wait3A_387 = tpu.memref_squeeze %dma_wait3A_386 : memref<1x32x128xf32, #tpu.memory_space<vmem>> -> memref<32x128xf32, #tpu.memory_space<vmem>>
    %dma_wait3A_388 = arith.constant 0 : i32
    %dma_wait3A_389 = arith.constant 0 : i32
    %dma_wait3A_390 = tpu.memref_slice %arg3[%dma_wait3A_388, %dma_wait3A_389] : memref<64x1000000xf32, #tpu.memory_space<hbm>> -> memref<32x128xf32, #tpu.memory_space<hbm>>
    tpu.wait_dma2 semaphore(%arg13 : memref<!tpu.dma_semaphore, #tpu.memory_space<semaphore_mem>>) src(%dma_wait3A_390 : memref<32x128xf32, #tpu.memory_space<hbm>>) dst(%dma_wait3A_387 : memref<32x128xf32, #tpu.memory_space<vmem>>)
    %dma_wait3A_391 = arith.constant 4 : i32
    %dma_wait3A_392 = arith.constant 32 : i32
    %dma_wait3A_393 = arith.constant 0 : i32
    %dma_wait3A_394 = tpu.memref_slice %arg6[%dma_wait3A_391, %dma_wait3A_392, %dma_wait3A_393] : memref<8x64x128xf32, #tpu.memory_space<vmem>> -> memref<1x32x128xf32, #tpu.memory_space<vmem>>
    %dma_wait3A_395 = tpu.memref_squeeze %dma_wait3A_394 : memref<1x32x128xf32, #tpu.memory_space<vmem>> -> memref<32x128xf32, #tpu.memory_space<vmem>>
    %dma_wait3A_396 = arith.constant 0 : i32
    %dma_wait3A_397 = arith.constant 0 : i32
    %dma_wait3A_398 = tpu.memref_slice %arg3[%dma_wait3A_396, %dma_wait3A_397] : memref<64x1000000xf32, #tpu.memory_space<hbm>> -> memref<32x128xf32, #tpu.memory_space<hbm>>
    %dma_wait3A_399 = arith.constant 32 : i32
    %dma_wait3A_400 = arith.constant 0 : i32
    %dma_wait3A_401 = tpu.memref_slice %arg6[%dma_wait3A_391, %dma_wait3A_399, %dma_wait3A_400] : memref<8x64x128xf32, #tpu.memory_space<vmem>> -> memref<1x32x128xf32, #tpu.memory_space<vmem>>
    %dma_wait3A_402 = tpu.memref_squeeze %dma_wait3A_401 : memref<1x32x128xf32, #tpu.memory_space<vmem>> -> memref<32x128xf32, #tpu.memory_space<vmem>>
    %dma_wait3A_403 = arith.constant 0 : i32
    %dma_wait3A_404 = arith.constant 0 : i32
    %dma_wait3A_405 = tpu.memref_slice %arg3[%dma_wait3A_403, %dma_wait3A_404] : memref<64x1000000xf32, #tpu.memory_space<hbm>> -> memref<32x128xf32, #tpu.memory_space<hbm>>
    tpu.wait_dma2 semaphore(%arg13 : memref<!tpu.dma_semaphore, #tpu.memory_space<semaphore_mem>>) src(%dma_wait3A_405 : memref<32x128xf32, #tpu.memory_space<hbm>>) dst(%dma_wait3A_402 : memref<32x128xf32, #tpu.memory_space<vmem>>)
    %dma_wait3A_406 = arith.constant 5 : i32
    %dma_wait3A_407 = arith.constant 0 : i32
    %dma_wait3A_408 = arith.constant 0 : i32
    %dma_wait3A_409 = tpu.memref_slice %arg6[%dma_wait3A_406, %dma_wait3A_407, %dma_wait3A_408] : memref<8x64x128xf32, #tpu.memory_space<vmem>> -> memref<1x32x128xf32, #tpu.memory_space<vmem>>
    %dma_wait3A_410 = tpu.memref_squeeze %dma_wait3A_409 : memref<1x32x128xf32, #tpu.memory_space<vmem>> -> memref<32x128xf32, #tpu.memory_space<vmem>>
    %dma_wait3A_411 = arith.constant 0 : i32
    %dma_wait3A_412 = arith.constant 0 : i32
    %dma_wait3A_413 = tpu.memref_slice %arg3[%dma_wait3A_411, %dma_wait3A_412] : memref<64x1000000xf32, #tpu.memory_space<hbm>> -> memref<32x128xf32, #tpu.memory_space<hbm>>
    %dma_wait3A_414 = arith.constant 0 : i32
    %dma_wait3A_415 = arith.constant 0 : i32
    %dma_wait3A_416 = tpu.memref_slice %arg6[%dma_wait3A_406, %dma_wait3A_414, %dma_wait3A_415] : memref<8x64x128xf32, #tpu.memory_space<vmem>> -> memref<1x32x128xf32, #tpu.memory_space<vmem>>
    %dma_wait3A_417 = tpu.memref_squeeze %dma_wait3A_416 : memref<1x32x128xf32, #tpu.memory_space<vmem>> -> memref<32x128xf32, #tpu.memory_space<vmem>>
    %dma_wait3A_418 = arith.constant 0 : i32
    %dma_wait3A_419 = arith.constant 0 : i32
    %dma_wait3A_420 = tpu.memref_slice %arg3[%dma_wait3A_418, %dma_wait3A_419] : memref<64x1000000xf32, #tpu.memory_space<hbm>> -> memref<32x128xf32, #tpu.memory_space<hbm>>
    tpu.wait_dma2 semaphore(%arg14 : memref<!tpu.dma_semaphore, #tpu.memory_space<semaphore_mem>>) src(%dma_wait3A_420 : memref<32x128xf32, #tpu.memory_space<hbm>>) dst(%dma_wait3A_417 : memref<32x128xf32, #tpu.memory_space<vmem>>)
    %dma_wait3A_421 = arith.constant 5 : i32
    %dma_wait3A_422 = arith.constant 32 : i32
    %dma_wait3A_423 = arith.constant 0 : i32
    %dma_wait3A_424 = tpu.memref_slice %arg6[%dma_wait3A_421, %dma_wait3A_422, %dma_wait3A_423] : memref<8x64x128xf32, #tpu.memory_space<vmem>> -> memref<1x32x128xf32, #tpu.memory_space<vmem>>
    %dma_wait3A_425 = tpu.memref_squeeze %dma_wait3A_424 : memref<1x32x128xf32, #tpu.memory_space<vmem>> -> memref<32x128xf32, #tpu.memory_space<vmem>>
    %dma_wait3A_426 = arith.constant 0 : i32
    %dma_wait3A_427 = arith.constant 0 : i32
    %dma_wait3A_428 = tpu.memref_slice %arg3[%dma_wait3A_426, %dma_wait3A_427] : memref<64x1000000xf32, #tpu.memory_space<hbm>> -> memref<32x128xf32, #tpu.memory_space<hbm>>
    %dma_wait3A_429 = arith.constant 32 : i32
    %dma_wait3A_430 = arith.constant 0 : i32
    %dma_wait3A_431 = tpu.memref_slice %arg6[%dma_wait3A_421, %dma_wait3A_429, %dma_wait3A_430] : memref<8x64x128xf32, #tpu.memory_space<vmem>> -> memref<1x32x128xf32, #tpu.memory_space<vmem>>
    %dma_wait3A_432 = tpu.memref_squeeze %dma_wait3A_431 : memref<1x32x128xf32, #tpu.memory_space<vmem>> -> memref<32x128xf32, #tpu.memory_space<vmem>>
    %dma_wait3A_433 = arith.constant 0 : i32
    %dma_wait3A_434 = arith.constant 0 : i32
    %dma_wait3A_435 = tpu.memref_slice %arg3[%dma_wait3A_433, %dma_wait3A_434] : memref<64x1000000xf32, #tpu.memory_space<hbm>> -> memref<32x128xf32, #tpu.memory_space<hbm>>
    tpu.wait_dma2 semaphore(%arg14 : memref<!tpu.dma_semaphore, #tpu.memory_space<semaphore_mem>>) src(%dma_wait3A_435 : memref<32x128xf32, #tpu.memory_space<hbm>>) dst(%dma_wait3A_432 : memref<32x128xf32, #tpu.memory_space<vmem>>)
    %dma_wait3A_436 = arith.constant 6 : i32
    %dma_wait3A_437 = arith.constant 0 : i32
    %dma_wait3A_438 = arith.constant 0 : i32
    %dma_wait3A_439 = tpu.memref_slice %arg6[%dma_wait3A_436, %dma_wait3A_437, %dma_wait3A_438] : memref<8x64x128xf32, #tpu.memory_space<vmem>> -> memref<1x32x128xf32, #tpu.memory_space<vmem>>
    %dma_wait3A_440 = tpu.memref_squeeze %dma_wait3A_439 : memref<1x32x128xf32, #tpu.memory_space<vmem>> -> memref<32x128xf32, #tpu.memory_space<vmem>>
    %dma_wait3A_441 = arith.constant 0 : i32
    %dma_wait3A_442 = arith.constant 0 : i32
    %dma_wait3A_443 = tpu.memref_slice %arg3[%dma_wait3A_441, %dma_wait3A_442] : memref<64x1000000xf32, #tpu.memory_space<hbm>> -> memref<32x128xf32, #tpu.memory_space<hbm>>
    %dma_wait3A_444 = arith.constant 0 : i32
    %dma_wait3A_445 = arith.constant 0 : i32
    %dma_wait3A_446 = tpu.memref_slice %arg6[%dma_wait3A_436, %dma_wait3A_444, %dma_wait3A_445] : memref<8x64x128xf32, #tpu.memory_space<vmem>> -> memref<1x32x128xf32, #tpu.memory_space<vmem>>
    %dma_wait3A_447 = tpu.memref_squeeze %dma_wait3A_446 : memref<1x32x128xf32, #tpu.memory_space<vmem>> -> memref<32x128xf32, #tpu.memory_space<vmem>>
    %dma_wait3A_448 = arith.constant 0 : i32
    %dma_wait3A_449 = arith.constant 0 : i32
    %dma_wait3A_450 = tpu.memref_slice %arg3[%dma_wait3A_448, %dma_wait3A_449] : memref<64x1000000xf32, #tpu.memory_space<hbm>> -> memref<32x128xf32, #tpu.memory_space<hbm>>
    tpu.wait_dma2 semaphore(%arg15 : memref<!tpu.dma_semaphore, #tpu.memory_space<semaphore_mem>>) src(%dma_wait3A_450 : memref<32x128xf32, #tpu.memory_space<hbm>>) dst(%dma_wait3A_447 : memref<32x128xf32, #tpu.memory_space<vmem>>)
    %dma_wait3A_451 = arith.constant 6 : i32
    %dma_wait3A_452 = arith.constant 32 : i32
    %dma_wait3A_453 = arith.constant 0 : i32
    %dma_wait3A_454 = tpu.memref_slice %arg6[%dma_wait3A_451, %dma_wait3A_452, %dma_wait3A_453] : memref<8x64x128xf32, #tpu.memory_space<vmem>> -> memref<1x32x128xf32, #tpu.memory_space<vmem>>
    %dma_wait3A_455 = tpu.memref_squeeze %dma_wait3A_454 : memref<1x32x128xf32, #tpu.memory_space<vmem>> -> memref<32x128xf32, #tpu.memory_space<vmem>>
    %dma_wait3A_456 = arith.constant 0 : i32
    %dma_wait3A_457 = arith.constant 0 : i32
    %dma_wait3A_458 = tpu.memref_slice %arg3[%dma_wait3A_456, %dma_wait3A_457] : memref<64x1000000xf32, #tpu.memory_space<hbm>> -> memref<32x128xf32, #tpu.memory_space<hbm>>
    %dma_wait3A_459 = arith.constant 32 : i32
    %dma_wait3A_460 = arith.constant 0 : i32
    %dma_wait3A_461 = tpu.memref_slice %arg6[%dma_wait3A_451, %dma_wait3A_459, %dma_wait3A_460] : memref<8x64x128xf32, #tpu.memory_space<vmem>> -> memref<1x32x128xf32, #tpu.memory_space<vmem>>
    %dma_wait3A_462 = tpu.memref_squeeze %dma_wait3A_461 : memref<1x32x128xf32, #tpu.memory_space<vmem>> -> memref<32x128xf32, #tpu.memory_space<vmem>>
    %dma_wait3A_463 = arith.constant 0 : i32
    %dma_wait3A_464 = arith.constant 0 : i32
    %dma_wait3A_465 = tpu.memref_slice %arg3[%dma_wait3A_463, %dma_wait3A_464] : memref<64x1000000xf32, #tpu.memory_space<hbm>> -> memref<32x128xf32, #tpu.memory_space<hbm>>
    tpu.wait_dma2 semaphore(%arg15 : memref<!tpu.dma_semaphore, #tpu.memory_space<semaphore_mem>>) src(%dma_wait3A_465 : memref<32x128xf32, #tpu.memory_space<hbm>>) dst(%dma_wait3A_462 : memref<32x128xf32, #tpu.memory_space<vmem>>)
    %dma_wait3A_466 = arith.constant 7 : i32
    %dma_wait3A_467 = arith.constant 0 : i32
    %dma_wait3A_468 = arith.constant 0 : i32
    %dma_wait3A_469 = tpu.memref_slice %arg6[%dma_wait3A_466, %dma_wait3A_467, %dma_wait3A_468] : memref<8x64x128xf32, #tpu.memory_space<vmem>> -> memref<1x32x128xf32, #tpu.memory_space<vmem>>
    %dma_wait3A_470 = tpu.memref_squeeze %dma_wait3A_469 : memref<1x32x128xf32, #tpu.memory_space<vmem>> -> memref<32x128xf32, #tpu.memory_space<vmem>>
    %dma_wait3A_471 = arith.constant 0 : i32
    %dma_wait3A_472 = arith.constant 0 : i32
    %dma_wait3A_473 = tpu.memref_slice %arg3[%dma_wait3A_471, %dma_wait3A_472] : memref<64x1000000xf32, #tpu.memory_space<hbm>> -> memref<32x128xf32, #tpu.memory_space<hbm>>
    %dma_wait3A_474 = arith.constant 0 : i32
    %dma_wait3A_475 = arith.constant 0 : i32
    %dma_wait3A_476 = tpu.memref_slice %arg6[%dma_wait3A_466, %dma_wait3A_474, %dma_wait3A_475] : memref<8x64x128xf32, #tpu.memory_space<vmem>> -> memref<1x32x128xf32, #tpu.memory_space<vmem>>
    %dma_wait3A_477 = tpu.memref_squeeze %dma_wait3A_476 : memref<1x32x128xf32, #tpu.memory_space<vmem>> -> memref<32x128xf32, #tpu.memory_space<vmem>>
    %dma_wait3A_478 = arith.constant 0 : i32
    %dma_wait3A_479 = arith.constant 0 : i32
    %dma_wait3A_480 = tpu.memref_slice %arg3[%dma_wait3A_478, %dma_wait3A_479] : memref<64x1000000xf32, #tpu.memory_space<hbm>> -> memref<32x128xf32, #tpu.memory_space<hbm>>
    tpu.wait_dma2 semaphore(%arg16 : memref<!tpu.dma_semaphore, #tpu.memory_space<semaphore_mem>>) src(%dma_wait3A_480 : memref<32x128xf32, #tpu.memory_space<hbm>>) dst(%dma_wait3A_477 : memref<32x128xf32, #tpu.memory_space<vmem>>)
    %dma_wait3A_481 = arith.constant 7 : i32
    %dma_wait3A_482 = arith.constant 32 : i32
    %dma_wait3A_483 = arith.constant 0 : i32
    %dma_wait3A_484 = tpu.memref_slice %arg6[%dma_wait3A_481, %dma_wait3A_482, %dma_wait3A_483] : memref<8x64x128xf32, #tpu.memory_space<vmem>> -> memref<1x32x128xf32, #tpu.memory_space<vmem>>
    %dma_wait3A_485 = tpu.memref_squeeze %dma_wait3A_484 : memref<1x32x128xf32, #tpu.memory_space<vmem>> -> memref<32x128xf32, #tpu.memory_space<vmem>>
    %dma_wait3A_486 = arith.constant 0 : i32
    %dma_wait3A_487 = arith.constant 0 : i32
    %dma_wait3A_488 = tpu.memref_slice %arg3[%dma_wait3A_486, %dma_wait3A_487] : memref<64x1000000xf32, #tpu.memory_space<hbm>> -> memref<32x128xf32, #tpu.memory_space<hbm>>
    %dma_wait3A_489 = arith.constant 32 : i32
    %dma_wait3A_490 = arith.constant 0 : i32
    %dma_wait3A_491 = tpu.memref_slice %arg6[%dma_wait3A_481, %dma_wait3A_489, %dma_wait3A_490] : memref<8x64x128xf32, #tpu.memory_space<vmem>> -> memref<1x32x128xf32, #tpu.memory_space<vmem>>
    %dma_wait3A_492 = tpu.memref_squeeze %dma_wait3A_491 : memref<1x32x128xf32, #tpu.memory_space<vmem>> -> memref<32x128xf32, #tpu.memory_space<vmem>>
    %dma_wait3A_493 = arith.constant 0 : i32
    %dma_wait3A_494 = arith.constant 0 : i32
    %dma_wait3A_495 = tpu.memref_slice %arg3[%dma_wait3A_493, %dma_wait3A_494] : memref<64x1000000xf32, #tpu.memory_space<hbm>> -> memref<32x128xf32, #tpu.memory_space<hbm>>
    tpu.wait_dma2 semaphore(%arg16 : memref<!tpu.dma_semaphore, #tpu.memory_space<semaphore_mem>>) src(%dma_wait3A_495 : memref<32x128xf32, #tpu.memory_space<hbm>>) dst(%dma_wait3A_492 : memref<32x128xf32, #tpu.memory_space<vmem>>)
    "tpu.region"() ({
      %run_scoped3A = tpu.sem_alloc : memref<!tpu.dma_semaphore, #tpu.memory_space<semaphore_mem>>
      %dma_start3A_496 = arith.constant 0 : i32
      %dma_start3A_497 = tpu.memref_slice %arg4[%dma_start3A_496, %mul3A_2] : memref<64x16384xf32, #tpu.memory_space<hbm>> -> memref<64x512xf32, #tpu.memory_space<hbm>>
      %dma_start3A_498 = arith.constant 0 : i32
      %dma_start3A_499 = tpu.memref_slice %arg4[%dma_start3A_498, %mul3A_2] : memref<64x16384xf32, #tpu.memory_space<hbm>> -> memref<64x512xf32, #tpu.memory_space<hbm>>
      tpu.enqueue_dma source(%arg7 : memref<64x512xf32, #tpu.memory_space<vmem>>) target(%dma_start3A_499 : memref<64x512xf32, #tpu.memory_space<hbm>>) target_semaphore(%run_scoped3A : memref<!tpu.dma_semaphore, #tpu.memory_space<semaphore_mem>>)
      %dma_wait3A_500 = arith.constant 0 : i32
      %dma_wait3A_501 = tpu.memref_slice %arg4[%dma_wait3A_500, %mul3A_2] : memref<64x16384xf32, #tpu.memory_space<hbm>> -> memref<64x512xf32, #tpu.memory_space<hbm>>
      %dma_wait3A_502 = arith.constant 0 : i32
      %dma_wait3A_503 = tpu.memref_slice %arg4[%dma_wait3A_502, %mul3A_2] : memref<64x16384xf32, #tpu.memory_space<hbm>> -> memref<64x512xf32, #tpu.memory_space<hbm>>
      tpu.wait_dma2 semaphore(%run_scoped3A : memref<!tpu.dma_semaphore, #tpu.memory_space<semaphore_mem>>) src(%arg7 : memref<64x512xf32, #tpu.memory_space<vmem>>) dst(%dma_wait3A_503 : memref<64x512xf32, #tpu.memory_space<hbm>>)
      tpu.yield
    }) : () -> ()
    return
  }
}

</mosaic_0001>

<sc_bundles>
// kernel: kernel.3.cloned.1.call-start
scs
__scs_entry_jumppad:
0x0: {  	(pc) =	sbr.rel $0x88, $3  }
0x1: {  	(tag) =	ssettag $0x0;
	lr =	simm.s32 $0x1  }
0x2: {  	[smem:$0x3F9F] =	sst lr;
	_ =	strace $0xD0000000  }
0x3: {  	_ = 	snop  }
0x4: {  	_ = 	snop  }
0x5: {  	_ = 	snop  }
0x6: {  	_ = 	snop  }
0x7: {  	_ = 	snop  }
__scs_overlays_trampoline_lowered:
0x8: {  	[smem:$0x3FAE] =	sst s0  }
0x9: {  	[smem:$0x3FAF] =	sst s1  }
0xa: {  	[smem:$0x3FB0] =	sst s2  }
0xb: {  	[smem:$0x3FB1] =	sst s3  }
0xc: {  	[smem:$0x3FB2] =	sst s4  }
0xd: {  	[smem:$0x3FB3] =	sst s5  }
0xe: {  	[smem:$0x3FB4] =	sst s6  }
0xf: {  	[smem:$0x3FB5] =	sst s7  }
0x10: {  	[smem:$0x3FB6] =	sst s8  }
0x11: {  	[smem:$0x3FB7] =	sst s9;
	s0 =	simm.s32 @!p0 $0x0  }
0x12: {  	s1 =	sld [smem:$0x3F9D];
	s0 =	simm.s32 @p0 $0x1  }
0x13: {  	[smem:$0x3FB8] =	sst s0;
	s0 =	simm.s32 @!p1 $0x0  }
0x14: {  	s2 =	sld [smem:$0x3F9C];
	s0 =	simm.s32 @p1 $0x1  }
0x15: {  	[smem:$0x3FB9] =	sst s0;
	s0 =	simm.s32 @!p2 $0x0  }
0x16: {  	s3 =	sld [smem:$0x3FDB];
	s0 =	simm.s32 @p2 $0x1  }
0x17: {  	s4 =	simm.s32 $0x1BF5;
	[smem:$0x3FBB] =	sst s0  }
0x18: {  	s0 =	sld [smem:$0x3F9E];
	_ =	swait.ge [sflag:s4], $0x0  }
0x19: {  	s7 =	sld [smem:$0x3F9F]  }
0x1a: {  	s8 =	sadd.s32 $0xFFFFE003, lr  }
0x1b: {  	s9 =	sadd.s32 $0xFFFFFEF7, lr;
	s5 =	simm.s32 $0xFFFFFFFF;
	p2 =	slt.u32 s8, $0xFFFFF086  }
0x1c: {  	p1 =	slt.u32 s9, $0xF7A;
	s5 =	simm.s32 @!p2 $0x0  }
0x1d: {  	s5 =	simm.s32 @p1 $0x1;
	p0 =	seq.s32 s7, s2  }
0x1e: {  	s7 =	smul.u32 @!p0 $0xF7A, s2;
	p2 =	seq.s32 @!p0 s5, $0x0  }
0x1f: {  	s9 =	smul.u32 $0xF7A, s1;
	s8 =	simm.s32 @!p0 $0x1BF5;
	p2 =	por !p2, p0  }
0x20: {  	[sflag:s8] =	ssyncset.s32 @!p0 $0xFFFFF086;
	s6 =	sadd.s32 @!p0 s3, s7;
	s7 =	simm.s32 @!p0 $0x108  }
0x21: {  	s3 =	sadd.s32 s3, s9;
	s6 =	sadd.s32 @!p0 $0x88, s6;
	s7 =	simm.s32 @p2 $0x1082  }
0x22: {  	[simem:s7], [sflag:s8] =	dma.local @!p0 [hbm:s6], $0xF7A  }
0x23: {  	s9 =	sor.u32 $0xD0000000, s2;
	s6 =	simm.s32 $0x108;
	_ =	swait.ge @!p0 [sflag:s8], $0x0  }
0x24: {  	s3 =	sadd.s32 $0x88, s3;
	s6 =	simm.s32 @!p1 $0x1082;
	[sflag:s4] =	ssyncset.s32 $0xFFFFF086  }
0x25: {  	[simem:s6], [sflag:s4] =	dma.local [hbm:s3], $0xF7A  }
0x26: {  	[smem:$0x3F9F] =	sst s1;
	(tag) =	ssettag s2;
	_ =	strace s9  }
0x27: {  	s1 =	sld [smem:$0x3FAF]  }
0x28: {  	s2 =	sld [smem:$0x3FB0]  }
0x29: {  	s4 =	sld [smem:$0x3FB2]  }
0x2a: {  	p0 =	seq.s32 s5, $0x0;
	s5 =	sld [smem:$0x3FB3]  }
0x2b: {  	s6 =	sld [smem:$0x3FB4]  }
0x2c: {  	s7 =	sld [smem:$0x3FB5]  }
0x2d: {  	s3 =	simm.s32 $0x108;
	s8 =	sld [smem:$0x3FB6]  }
0x2e: {  	s3 =	simm.s32 @!p0 $0x1082;
	s9 =	sld [smem:$0x3FB7]  }
0x2f: {  	lr =	sadd.s32 s0, s3;
	s0 =	sld [smem:$0x3FAE]  }
0x30: {  	s3 =	sld [smem:$0x3FB1]  }
0x31: {  	[smem:$0x3FBA] =	sst s10  }
0x32: {  	s10 =	sld [smem:$0x3FB8];
	_ =	sdelay $0x3  }
0x33: {  	p0 =	seq.s32 s10, $0x1;
	s10 =	sld [smem:$0x3FBA];
	_ =	sdelay $0x3  }
0x34: {  	[smem:$0x3FBA] =	sst s10  }
0x35: {  	s10 =	sld [smem:$0x3FB9];
	_ =	sdelay $0x3  }
0x36: {  	p1 =	seq.s32 s10, $0x1;
	s10 =	sld [smem:$0x3FBA];
	_ =	sdelay $0x3  }
0x37: {  	[smem:$0x3FBA] =	sst s10  }
0x38: {  	s10 =	sld [smem:$0x3FBB]  }
0x39: {  	_ = 	snop;
	(pc) =	sbr.ind lr, $3  }
0x3a: {  	_ = 	snop  }
0x3b: {  	_ = 	snop  }
0x3c: {  	p2 =	seq.s32 s10, $0x1;
	s10 =	sld [smem:$0x3FBA]  }
0x3d: {  	_ =	shalt  }
0x3e: {  	_ =	shalt  }
0x3f: {  	_ =	shalt  }
0x40: {  	_ =	shalt  }
0x41: {  	_ =	shalt  }
0x42: {  	_ =	shalt  }
0x43: {  	_ =	shalt  }
0x44: {  	_ =	shalt  }
0x45: {  	_ =	shalt  }
0x46: {  	_ =	shalt  }
0x47: {  	_ =	shalt  }
0x48: {  	_ =	shalt  }
0x49: {  	_ =	shalt  }
0x4a: {  	_ =	shalt  }
0x4b: {  	_ =	shalt  }
0x4c: {  	_ =	shalt  }
0x4d: {  	_ =	shalt  }
0x4e: {  	_ =	shalt  }
0x4f: {  	_ =	shalt  }
0x50: {  	_ =	shalt  }
0x51: {  	_ =	shalt  }
0x52: {  	_ =	shalt  }
0x53: {  	_ =	shalt  }
0x54: {  	_ =	shalt  }
0x55: {  	_ =	shalt  }
0x56: {  	_ =	shalt  }
0x57: {  	_ =	shalt  }
0x58: {  	_ =	shalt  }
0x59: {  	_ =	shalt  }
0x5a: {  	_ =	shalt  }
0x5b: {  	_ =	shalt  }
0x5c: {  	_ =	shalt  }
0x5d: {  	_ =	shalt  }
0x5e: {  	_ =	shalt  }
0x5f: {  	_ =	shalt  }
0x60: {  	_ =	shalt  }
0x61: {  	_ =	shalt  }
0x62: {  	_ =	shalt  }
0x63: {  	_ =	shalt  }
0x64: {  	_ =	shalt  }
0x65: {  	_ =	shalt  }
0x66: {  	_ =	shalt  }
0x67: {  	_ =	shalt  }
0x68: {  	_ =	shalt  }
0x69: {  	_ =	shalt  }
0x6a: {  	_ =	shalt  }
0x6b: {  	_ =	shalt  }
0x6c: {  	_ =	shalt  }
0x6d: {  	_ =	shalt  }
0x6e: {  	_ =	shalt  }
0x6f: {  	_ =	shalt  }
0x70: {  	_ =	shalt  }
0x71: {  	_ =	shalt  }
0x72: {  	_ =	shalt  }
0x73: {  	_ =	shalt  }
0x74: {  	_ =	shalt  }
0x75: {  	_ =	shalt  }
0x76: {  	_ =	shalt  }
0x77: {  	_ =	shalt  }
0x78: {  	_ =	shalt  }
0x79: {  	_ =	shalt  }
0x7a: {  	_ =	shalt  }
0x7b: {  	_ =	shalt  }
0x7c: {  	_ =	shalt  }
0x7d: {  	_ =	shalt  }
0x7e: {  	_ =	shalt  }
0x7f: {  	_ =	shalt  }
0x80: {  	_ =	shalt  }
0x81: {  	_ =	shalt  }
0x82: {  	_ =	shalt  }
0x83: {  	_ =	shalt  }
0x84: {  	_ =	shalt  }
0x85: {  	_ =	shalt  }
0x86: {  	_ =	shalt  }
0x87: {  	_ =	shalt  }
.Lfunc_end0:
.L_simem_size_0:
called_computation_lowered:
.L_overlay_start_0:
0x88: {  	s2 =	sld [smem:$0x3FD9]  }
0x89: {  	s3 =	sld [smem:$0x3FFE];
	_ =	sdelay $0x1  }
0x8a: {  	s1 =	srdreg.scid  }
0x8b: {  	s0 =	sand.u32 $0x1, s1  }
0x8c: {  	s18 =	sshll.u32 s0, $0xA;
	s2 =	sadd.s32 s3, s2  }
0x8d: {  	s2 =	sadd.s32 s2, s18  }
0x8e: {  	[smem:$0x3FC6] =	sst s2  }
0x8f: {  	_ = 	snop  }
0x90: {  	s2 =	sld [smem:$0x3FC9]  }
0x91: {  	s19 =	sld [smem:$0x3FC8]  }
0x92: {  	s4 =	sld [smem:$0x3FD0];
	(tm) =	ssettm $0x1  }
0x93: {  	s5 =	sld [smem:$0x3FFB];
	_ =	sdelay $0x3  }
0x94: {  	_ =	strace s5  }
0x95: {  	s5 =	sld [smem:$0x3FFC];
	_ =	sdelay $0x3  }
0x96: {  	_ =	strace s5  }
0x97: {  	s5 =	sld [smem:$0x3FFD];
	_ =	sdelay $0x3  }
0x98: {  	_ =	strace s5  }
0x99: {  	_ =	strace $0x8FFFFFFF  }
0x9a: {  	s20 =	sld [smem:$0x3FDB];
	_ =	sdelay $0x1  }
0x9b: {  	s6 =	simm.s32 $_scs_section_size  }
0x9c: {  	s7 =	simm.s32 $_size__tile_overlayer_lowered;
	s8 =	simm.s32 $_tile_overlayer_lowered  }
0x9d: {  	s23 =	simm.s32 $0x1BFF;
	s22 =	sshll.u32 s8, $0x1;
	s5 =	sadd.s32 s6, s20  }
0x9e: {  	s9 =	simm.s32 $0x0;
	s21 =	sshll.u32 s7, $0x1;
	s7 =	sadd.s32 s22, s5  }
0x9f: {  	[timem:s9], [sflag:s23] =	dma.local [hbm:s7], s21  }
0xa0: {  	_ =	swait.ge [sflag:s23], s21  }
0xa1: {  	s6 =	ssub.s32 $0x0, s21;
	[sflag:s23] =	ssyncset.done $0x0  }
0xa2: {  	[sflag:s23] =	ssyncadd.s32 s6;
	_ =	sdelay $0x1  }
0xa3: {  	s24 =	simm.s32 $0x1B8B  }
0xa4: {  	_ =	swait.ge [sflag:s24], $0x1  }
0xa5: {  	[sflag:s24] =	ssyncset.done $0x0  }
0xa6: {  	s25 =	simm.s32 $0x1B8E;
	[sflag:s24] =	ssyncadd.s32 $0xFFFFFFFF  }
0xa7: {  	s26 =	simm.s32 $execute0_lowered;
	[smem:$0x3FD2] =	sst s25  }
0xa8: {  	s6 =	sshll.u32 s26, $0x1;
	_ =	strace $0x80000046;
	[dreg:$0x1] =	wrdreg $0xFFFFFFFF  }
0xa9: {  	s28 =	simm.s32 $_size_execute0_lowered;
	s5 =	sadd.s32 s5, s6;
	[dreg:$0x0] =	wrdreg $0x0  }
0xaa: {  	s6 =	sshll.u32 s28, $0x1;
	[dreg:$0x2] =	wrdreg s5  }
0xab: {  	[dreg:$0x3] =	wrdreg s6  }
0xac: {  	[dreg:$0x4] =	wrdreg $0xC0  }
0xad: {  	_ =	task [dreg:s9], $0x5FFFF  }
0xae: {  	[dreg:$0x1] =	wrdreg $0xFFFFFFFF  }
0xaf: {  	[dreg:$0x0] =	wrdreg $0x60  }
0xb0: {  	[dreg:$0x2] =	wrdreg s2  }
0xb1: {  	[dreg:$0x3] =	wrdreg s19  }
0xb2: {  	[dreg:$0x4] =	wrdreg s4  }
0xb3: {  	[dreg:$0x5] =	wrdreg $0x9  }
0xb4: {  	_ =	task.clear_ibuf [dreg:s9], $0x6FFFF;
	_ =	strace $0x90000046  }
0xb5: {  	s29 =	simm.s32 $0x9;
	_ =	strace $0x80000048  }
0xb6: {  	_ =	swait.ge [sflag:s29], $0x1  }
0xb7: {  	[sflag:s29] =	ssyncadd.s32 $0xFFFFFFFF  }
0xb8: {  	_ =	strace $0x90000048  }
0xb9: {  	_ =	sfence  }
0xba: {  	s30 =	sld [smem:$0x0];
	_ =	sdelay $0x2  }
0xbb: {  	s31 =	sshll.u32 s1, $0xD;
	s1 =	sshrl.u32 s1, $0x2  }
0xbc: {  	s3 =	sand.u32 $0x4000, s31;
	s1 =	sadd.s32 s1, s30  }
0xbd: {  	s0 =	sor.u32 s3, s0;
	s1 =	sshll.u32 s1, $0x11  }
0xbe: {  	s0 =	sor.u32 s1, s0  }
0xbf: {  	s0 =	sadd.s32 $0x8F2B, s0  }
0xc0: {  	[sflag:s0] =	ssyncadd.remote.s32 $0x1  }
0xc1: {  	_ =	sfence.sel $0xFFFF  }
0xc2: {  	[dreg:$0x0] =	wrdreg $0xFFFFFFFF;
	(pc) =	sbr.abs _section_cstart, $3  }
0xc3: {  	[dreg:$0x1] =	wrdreg $0xFFFFFFFF  }
0xc4: {  	_ =	task.clear_ibuf [dreg:s9], $0x2FFFF;
	_ =	strace $0x9FFFFFFF  }
0xc5: {  	(tm) =	ssettm $0x7FFFFFFF  }
tec
execute0_lowered:
.L_overlay_start_1:
0x0: {  	(tag) =	ssettag $0x1  }
0x1: {  	v0 =	vimm.s32 $0x1380;
	vm14 =	vcmask $0x300;
	vm13 =	vcmask $0x704  }
0x2: {  	vm12 =	vcmask $0xB08;
	vm11 =	vcmask $0xF0C;
	vm10 =	vcmask $0x1310  }
0x3: {  	vm9 =	vcmask $0x1714;
	vm8 =	vcmask $0x1B18;
	vm7 =	vcmask $0x1F1C  }
0x4: {  	vm6 =	vcmask $0x2320;
	vm5 =	vcmask $0x2724;
	vm4 =	vcmask $0x2B28  }
0x5: {  	vm3 =	vcmask $0x2F2C;
	v1 =	vlaneseq.u32;
	vm2 =	vcmask $0x3330  }
0x6: {  	vm1 =	vcmask $0x3734;
	vm0 =	vcmask $0x3B38;
	v3 =	vimm.s32 $0x3380  }
0x7: {  	v4 =	vimm.s32 $0x5380;
	v5 =	vimm.s32 $0x7380;
	v0 =	vsel vm14, $0x0, v0  }
0x8: {  	v3 =	vsel vm14, $0x2000, v3;
	v4 =	vsel vm14, $0x4000, v4;
	v5 =	vsel vm14, $0x6000, v5  }
0x9: {  	v0 =	vsel vm13, $0x80, v0;
	v3 =	vsel vm13, $0x2080, v3;
	v4 =	vsel vm13, $0x4080, v4  }
0xa: {  	v5 =	vsel vm13, $0x6080, v5;
	v0 =	vsel vm12, $0x100, v0;
	v3 =	vsel vm12, $0x2100, v3  }
0xb: {  	s1 =	rddreg [dreg:$0x0];
	v4 =	vsel vm12, $0x4100, v4;
	v5 =	vsel vm12, $0x6100, v5;
	v0 =	vsel vm11, $0x180, v0  }
0xc: {  	s0 =	rddreg [dreg:$0x1];
	s2 =	srdreg.scid;
	v3 =	vsel vm11, $0x2180, v3;
	v4 =	vsel vm11, $0x4180, v4;
	v5 =	vsel vm11, $0x6180, v5  }
0xd: {  	s3 =	rddreg [dreg:$0x2];
	s4 =	stileid.u32;
	s8 =	simm.s32 $0x9;
	v0 =	vsel vm10, $0x200, v0;
	v3 =	vsel vm10, $0x2200, v3;
	v4 =	vsel vm10, $0x4200, v4  }
0xe: {  	s6 =	simm.s32 $0x0;
	s7 =	simm.s32 $0x400;
	s9 =	simm.s32 $0x7A1400;
	v5 =	vsel vm10, $0x6200, v5;
	v0 =	vsel vm9, $0x280, v0;
	v3 =	vsel vm9, $0x2280, v3  }
0xf: {  	s10 =	simm.s32 $0x200;
	s11 =	simm.s32 $0x1200;
	s12 =	simm.s32 $0x2200;
	v4 =	vsel vm9, $0x4280, v4;
	v5 =	vsel vm9, $0x6280, v5;
	v0 =	vsel vm8, $0x300, v0  }
0x10: {  	s13 =	simm.s32 $0x3200;
	s14 =	simm.s32 $0x4200;
	s15 =	simm.s32 $0x5200;
	v3 =	vsel vm8, $0x2300, v3;
	v4 =	vsel vm8, $0x4300, v4;
	v5 =	vsel vm8, $0x6300, v5  }
0x11: {  	s16 =	simm.s32 $0x6200;
	s17 =	simm.s32 $0x7200;
	s18 =	simm.s32 $0x8200;
	v0 =	vsel vm7, $0x380, v0;
	v3 =	vsel vm7, $0x2380, v3;
	v4 =	vsel vm7, $0x4380, v4  }
0x12: {  	s19 =	simm.s32 $0x9200;
	s20 =	simm.s32 $0xA200;
	s21 =	simm.s32 $0xB200;
	v5 =	vsel vm7, $0x6380, v5;
	v0 =	vsel vm6, $0x1000, v0;
	v3 =	vsel vm6, $0x3000, v3  }
0x13: {  	s22 =	simm.s32 $0xC200;
	s28 =	simm.s32 $0x10200;
	s29 =	simm.s32 $0x2;
	v4 =	vsel vm6, $0x5000, v4;
	v5 =	vsel vm6, $0x7000, v5;
	v0 =	vsel vm5, $0x1080, v0  }
0x14: {  	s30 =	simm.s32 $0x3;
	s31 =	simm.s32 $0x4;
	s2 =	sand.u32 $0x1, s2;
	v3 =	vsel vm5, $0x3080, v3;
	v4 =	vsel vm5, $0x5080, v4;
	v5 =	vsel vm5, $0x7080, v5  }
0x15: {  	s4 =	sshll.u32 s4, $0xA;
	[smem:$0x7FF] =	sst s6;
	s5 =	sshll.u32 s2, $0x9;
	v0 =	vsel vm4, $0x1100, v0;
	v3 =	vsel vm4, $0x3100, v3;
	v4 =	vsel vm4, $0x5100, v4  }
0x16: {  	s6 =	simm.s32 $0x0;
	s2 =	ssub.s32 $0x2, s2;
	s4 =	sor.u32 s5, s4;
	v5 =	vsel vm4, $0x7100, v5;
	v2 =	vsel vm3, $0x1180, v0;
	v0 =	vmul.u32 $0x80, v1  }
0x17: {  	_ =	strace $0x80000047;
	s23 =	sshrl.u32 s2, $0x1;
	s24 =	sshrl.u32 s4, $0x3;
	v3 =	vsel vm3, $0x3180, v3;
	v4 =	vsel vm3, $0x5180, v4;
	v5 =	vsel vm3, $0x7180, v5  }
0x18: {  	s2 =	ssub.s32 s2, s23;
	s25 =	sadd.s32 s3, s4;
	s23 =	simm.s32 $0xD200;
	v1 =	vsel vm2, $0x1200, v2;
	v3 =	vsel vm2, $0x3200, v3;
	v6 =	vsel vm2, $0x5200, v4  }
0x19: {  	s3 =	simm.s32 $0x7;
	s4 =	simm.s32 $0x8;
	s1 =	sadd.s32 s1, s24;
	v5 =	vsel vm2, $0x7200, v5;
	v1 =	vsel vm1, $0x1280, v1;
	v2 =	vor.u32 $0x800, v0  }
0x1a: {  	[dreg:$0x5] =	wrdreg s25;
	s26 =	smax.u32 s2, $0x1;
	s24 =	simm.s32 $0xE200;
	v3 =	vsel vm1, $0x3280, v3;
	v4 =	vor.u32 $0x1000, v0;
	v6 =	vsel vm1, $0x5280, v6  }
0x1b: {  	s25 =	simm.s32 $0xF200;
	s2 =	simm.s32 $0x5;
	[dreg:$0x4] =	wrdreg s1;
	v7 =	vsel vm1, $0x7280, v5;
	v1 =	vsel vm0, $0x1300, v1;
	v3 =	vsel vm0, $0x3300, v3  }
0x1c: {  	[dreg:$0x6] =	wrdreg s26;
	s26 =	simm.s32 $0x1;
	s1 =	simm.s32 $0x6;
	v5 =	vsel vm0, $0x5300, v6;
	v6 =	vor.u32 $0x1800, v0;
	v7 =	vsel vm0, $0x7300, v7  }
.LBB2_1:
0x1d: {  	[dreg:$0x7] =	wrdreg s6  }
0x1e: {  	s5 =	simm.s32 $0x0;
	s6 =	rddreg [dreg:$0x4]  }
0x1f: {  	[tilespmem:s5], [sflag:$0x9] =	stream.linear.gather [hbm4b:s6+s5], $0x200, $0x38;
	[tilespmem:$0x18200] =	vst v63  }
0x20: {  	_ =	swait.ge [sflag:s8], $0x200  }
0x21: {  	[sflag:s8] =	ssyncset.done $0x0  }
0x22: {  	[sflag:s8] =	ssyncadd.s32 $0xFFFFFE00  }
0x23: {  	v8 =	vld [tilespmem:$0x0];
	_ =	sdelay $0x4  }
0x24: {  	v10 =	vshrl.u32 v8, $0x7  }
0x25: {  	v9 =	vshll.u32 v10, $0x7  }
0x26: {  	(v2sf) =	vpush v9, $0x1  }
0x27: {  	(v2sf) =	vpush v9, $0x0;
	_ =	sdelay $0x3  }
0x28: {  	(v2sf) =	vpush v9, $0x3;
	_ =	sdelay $0x1  }
0x29: {  	(v2sf) =	vpush v9, $0x2;
	_ =	sdelay $0x7  }
0x2a: {  	s6 =	spop (v2sf);
	(v2sf) =	vpush v9, $0x5  }
0x2b: {  	s5 =	spop (v2sf)  }
0x2c: {  	(v2sf) =	vpush v9, $0x4;
	s8 =	sand.u32 $0x1FFFFF80, s5  }
0x2d: {  	s8 =	sadd.s32 s0, s8  }
0x2e: {  	[tilespmem:s10], [sflag:$0x1] =	stream.strided.gather [hbm4b:s8+s7], $0x1000, s9, s7, $0x38;
	[tilespmem:$0x18200] =	vst v63  }
0x2f: {  	s6 =	sand.u32 $0x1FFFFF80, s6;
	s5 =	spop (v2sf);
	s8 =	sadd.s32 $0x3D0A00, s8  }
0x30: {  	[tilespmem:s11], [sflag:$0x1] =	stream.strided.gather [hbm4b:s8+s7], $0x1000, s9, s7, $0x38;
	[tilespmem:$0x18200] =	vst v63  }
0x31: {  	s6 =	sadd.s32 s0, s6;
	s11 =	spop (v2sf)  }
0x32: {  	[tilespmem:s12], [sflag:$0x2] =	stream.strided.gather [hbm4b:s6+s7], $0x1000, s9, s7, $0x38;
	[tilespmem:$0x18200] =	vst v63  }
0x33: {  	s8 =	sand.u32 $0x1FFFFF80, s11;
	s6 =	sadd.s32 $0x3D0A00, s6  }
0x34: {  	[tilespmem:s13], [sflag:$0x2] =	stream.strided.gather [hbm4b:s6+s7], $0x1000, s9, s7, $0x38;
	[tilespmem:$0x18200] =	vst v63  }
0x35: {  	(v2sf) =	vpush v9, $0x7;
	s8 =	sadd.s32 s0, s8  }
0x36: {  	[tilespmem:s14], [sflag:$0x3] =	stream.strided.gather [hbm4b:s8+s7], $0x1000, s9, s7, $0x38;
	[tilespmem:$0x18200] =	vst v63  }
0x37: {  	(v2sf) =	vpush v9, $0x6;
	s6 =	sand.u32 $0x1FFFFF80, s5;
	s8 =	sadd.s32 $0x3D0A00, s8  }
0x38: {  	[tilespmem:s15], [sflag:$0x3] =	stream.strided.gather [hbm4b:s8+s7], $0x1000, s9, s7, $0x38;
	[tilespmem:$0x18200] =	vst v63  }
0x39: {  	s6 =	sadd.s32 s0, s6;
	s13 =	spop (v2sf)  }
0x3a: {  	[tilespmem:s16], [sflag:$0x4] =	stream.strided.gather [hbm4b:s6+s7], $0x1000, s9, s7, $0x38;
	[tilespmem:$0x18200] =	vst v63  }
0x3b: {  	s6 =	sadd.s32 $0x3D0A00, s6;
	s15 =	spop (v2sf)  }
0x3c: {  	[tilespmem:s17], [sflag:$0x4] =	stream.strided.gather [hbm4b:s6+s7], $0x1000, s9, s7, $0x38;
	[tilespmem:$0x18200] =	vst v63  }
0x3d: {  	s6 =	sand.u32 $0x1FFFFF80, s15  }
0x3e: {  	s6 =	sadd.s32 s0, s6  }
0x3f: {  	[tilespmem:s18], [sflag:$0x5] =	stream.strided.gather [hbm4b:s6+s7], $0x1000, s9, s7, $0x38;
	[tilespmem:$0x18200] =	vst v63  }
0x40: {  	s17 =	sand.u32 $0x1FFFFF80, s13;
	s6 =	sadd.s32 $0x3D0A00, s6  }
0x41: {  	[tilespmem:s19], [sflag:$0x5] =	stream.strided.gather [hbm4b:s6+s7], $0x1000, s9, s7, $0x38;
	[tilespmem:$0x18200] =	vst v63  }
0x42: {  	s6 =	sadd.s32 s0, s17  }
0x43: {  	[tilespmem:s20], [sflag:$0x6] =	stream.strided.gather [hbm4b:s6+s7], $0x1000, s9, s7, $0x38;
	[tilespmem:$0x18200] =	vst v63  }
0x44: {  	s19 =	spop (v2sf);
	s6 =	sadd.s32 $0x3D0A00, s6  }
0x45: {  	[tilespmem:s21], [sflag:$0x6] =	stream.strided.gather [hbm4b:s6+s7], $0x1000, s9, s7, $0x38;
	[tilespmem:$0x18200] =	vst v63  }
0x46: {  	s21 =	spop (v2sf)  }
0x47: {  	s6 =	sand.u32 $0x1FFFFF80, s21  }
0x48: {  	s6 =	sadd.s32 s0, s6  }
0x49: {  	[tilespmem:s22], [sflag:$0x7] =	stream.strided.gather [hbm4b:s6+s7], $0x1000, s9, s7, $0x38;
	[tilespmem:$0x18200] =	vst v63  }
0x4a: {  	s6 =	sadd.s32 $0x3D0A00, s6  }
0x4b: {  	[tilespmem:s23], [sflag:$0x7] =	stream.strided.gather [hbm4b:s6+s7], $0x1000, s9, s7, $0x38;
	[tilespmem:$0x18200] =	vst v63  }
0x4c: {  	s23 =	sand.u32 $0x1FFFFF80, s19  }
0x4d: {  	s6 =	sadd.s32 s0, s23  }
0x4e: {  	[tilespmem:s24], [sflag:$0x8] =	stream.strided.gather [hbm4b:s6+s7], $0x1000, s9, s7, $0x38;
	[tilespmem:$0x18200] =	vst v63  }
0x4f: {  	s6 =	sadd.s32 $0x3D0A00, s6  }
0x50: {  	[tilespmem:s25], [sflag:$0x8] =	stream.strided.gather [hbm4b:s6+s7], $0x1000, s9, s7, $0x38;
	[tilespmem:$0x18200] =	vst v63  }
0x51: {  	s8 =	simm.s32 $0xF;
	s6 =	simm.s32 $0x1  }
.LBB2_2:
0x52: {  	s5 =	smin.u32 s6, $0x1F;
	v9 =	vand.u32 $0x7F, v8  }
0x53: {  	s5 =	sshll.u32 s5, $0x4;
	v11 =	vbroadcast v9, $0x0  }
0x54: {  	v8 =	vld [tilespmem:s5+$0x0];
	_ =	swait.ge [sflag:s26], $0x1000  }
0x55: {  	s21 =	sadd.s32 $0xFFFFFFF1, s8;
	[sflag:s26] =	ssyncset.done $0x0;
	v12 =	vor.u32 v0, v11  }
0x56: {  	v13 =	vmov s21;
	[sflag:s26] =	ssyncadd.s32 $0xFFFFF000  }
0x57: {  	v14 =	vshll.u32 v13, $0x3;
	_ =	swait.ge [sflag:s26], $0x1000  }
0x58: {  	v13 =	vand.u32 $0x70, v13;
	v14 =	vand.u32 $0xC00, v14;
	[sflag:s26] =	ssyncset.done $0x0  }
0x59: {  	v13 =	vor.u32 v13, v14;
	[sflag:s26] =	ssyncadd.s32 $0xFFFFF000  }
0x5a: {  	v14 =	vor.u32 v1, v13;
	v12 =	vld.idx.msk [tilespmem:v12+s10+$0x0], $0xffff  }
0x5b: {  	v15 =	vor.u32 v2, v11;
	_ =	sdelay $0x2  }
0x5c: {  	v10 =	vshll.u32 v10, $0x7  }
0x5d: {  	(v2sf) =	vpush v10, $0x9;
	[tilespmem:v14+s28+$0x0] =	vst.idx.msk $0xffff, v12  }
0x5e: {  	v32 =	vor.u32 v3, v13;
	(v2sf) =	vpush v10, $0x8;
	v12 =	vld.idx.msk [tilespmem:v15+s10+$0x0], $0xffff  }
0x5f: {  	v33 =	vor.u32 v4, v11;
	_ =	sdelay $0x3  }
0x60: {  	[tilespmem:v32+s28+$0x0] =	vst.idx.msk $0xffff, v12  }
0x61: {  	v34 =	vor.u32 v5, v13;
	v12 =	vld.idx.msk [tilespmem:v33+s10+$0x0], $0xffff  }
0x62: {  	v11 =	vor.u32 v6, v11;
	_ =	sdelay $0x3  }
0x63: {  	[tilespmem:v34+s28+$0x0] =	vst.idx.msk $0xffff, v12  }
0x64: {  	v35 =	vor.u32 v7, v13;
	v11 =	vld.idx.msk [tilespmem:v11+s10+$0x0], $0xffff;
	_ =	sdelay $0x1  }
0x65: {  	s23 =	spop (v2sf)  }
0x66: {  	s11 =	spop (v2sf)  }
0x67: {  	s11 =	sand.u32 $0x1FFFFF80, s11  }
0x68: {  	s11 =	sadd.s32 s0, s11;
	[tilespmem:v35+s28+$0x0] =	vst.idx.msk $0xffff, v11  }
0x69: {  	[tilespmem:s10], [sflag:$0x1] =	stream.strided.gather [hbm4b:s11+s7], $0x1000, s9, s7, $0x38;
	[tilespmem:$0x18200] =	vst v63  }
0x6a: {  	s17 =	simm.s32 $0x1200;
	s11 =	sadd.s32 $0x3D0A00, s11  }
0x6b: {  	v11 =	vbroadcast v9, $0x1;
	[tilespmem:s17], [sflag:$0x1] =	stream.strided.gather [hbm4b:s11+s7], $0x1000, s9, s7, $0x38;
	[tilespmem:$0x18200] =	vst v63  }
0x6c: {  	_ =	swait.ge [sflag:s29], $0x1000  }
0x6d: {  	s25 =	sadd.s32 $0xFFFFFFF2, s8;
	v36 =	vor.u32 v0, v11;
	[sflag:s29] =	ssyncset.done $0x0  }
0x6e: {  	v37 =	vmov s25;
	[sflag:s29] =	ssyncadd.s32 $0xFFFFF000  }
0x6f: {  	v38 =	vshll.u32 v37, $0x3;
	_ =	swait.ge [sflag:s29], $0x1000  }
0x70: {  	v13 =	vand.u32 $0x71, v37;
	v14 =	vand.u32 $0xC00, v38;
	[sflag:s29] =	ssyncset.done $0x0  }
0x71: {  	v13 =	vor.u32 v13, v14;
	[sflag:s29] =	ssyncadd.s32 $0xFFFFF000  }
0x72: {  	v14 =	vor.u32 v1, v13;
	v12 =	vld.idx.msk [tilespmem:v36+s12+$0x0], $0xffff  }
0x73: {  	v39 =	vor.u32 v2, v11;
	_ =	sdelay $0x3  }
0x74: {  	[tilespmem:v14+s28+$0x0] =	vst.idx.msk $0xffff, v12  }
0x75: {  	v40 =	vor.u32 v3, v13;
	v12 =	vld.idx.msk [tilespmem:v39+s12+$0x0], $0xffff  }
0x76: {  	v41 =	vor.u32 v4, v11;
	_ =	sdelay $0x3  }
0x77: {  	[tilespmem:v40+s28+$0x0] =	vst.idx.msk $0xffff, v12  }
0x78: {  	v42 =	vor.u32 v5, v13;
	v12 =	vld.idx.msk [tilespmem:v41+s12+$0x0], $0xffff  }
0x79: {  	v11 =	vor.u32 v6, v11;
	_ =	sdelay $0x3  }
0x7a: {  	[tilespmem:v42+s28+$0x0] =	vst.idx.msk $0xffff, v12  }
0x7b: {  	v43 =	vor.u32 v7, v13;
	v11 =	vld.idx.msk [tilespmem:v11+s12+$0x0], $0xffff;
	_ =	sdelay $0x3  }
0x7c: {  	s5 =	sand.u32 $0x1FFFFF80, s23  }
0x7d: {  	s5 =	sadd.s32 s0, s5;
	[tilespmem:v43+s28+$0x0] =	vst.idx.msk $0xffff, v11  }
0x7e: {  	[tilespmem:s12], [sflag:$0x2] =	stream.strided.gather [hbm4b:s5+s7], $0x1000, s9, s7, $0x38;
	[tilespmem:$0x18200] =	vst v63  }
0x7f: {  	s19 =	simm.s32 $0x3200;
	s5 =	sadd.s32 $0x3D0A00, s5  }
0x80: {  	v11 =	vbroadcast v9, $0x2;
	[tilespmem:s19], [sflag:$0x2] =	stream.strided.gather [hbm4b:s5+s7], $0x1000, s9, s7, $0x38;
	[tilespmem:$0x18200] =	vst v63  }
0x81: {  	_ =	swait.ge [sflag:s30], $0x1000  }
0x82: {  	s13 =	sadd.s32 $0xFFFFFFF3, s8;
	v44 =	vor.u32 v0, v11;
	[sflag:s30] =	ssyncset.done $0x0  }
0x83: {  	v45 =	vmov s13;
	[sflag:s30] =	ssyncadd.s32 $0xFFFFF000  }
0x84: {  	v46 =	vshll.u32 v45, $0x3;
	_ =	swait.ge [sflag:s30], $0x1000  }
0x85: {  	v13 =	vand.u32 $0x72, v45;
	v14 =	vand.u32 $0xC00, v46;
	[sflag:s30] =	ssyncset.done $0x0  }
0x86: {  	v13 =	vor.u32 v13, v14;
	[sflag:s30] =	ssyncadd.s32 $0xFFFFF000  }
0x87: {  	v14 =	vor.u32 v1, v13;
	v12 =	vld.idx.msk [tilespmem:v44+s14+$0x0], $0xffff  }
0x88: {  	v47 =	vor.u32 v2, v11;
	_ =	sdelay $0x3  }
0x89: {  	(v2sf) =	vpush v10, $0xB;
	[tilespmem:v14+s28+$0x0] =	vst.idx.msk $0xffff, v12  }
0x8a: {  	v48 =	vor.u32 v3, v13;
	(v2sf) =	vpush v10, $0xA;
	v12 =	vld.idx.msk [tilespmem:v47+s14+$0x0], $0xffff  }
0x8b: {  	v49 =	vor.u32 v4, v11;
	_ =	sdelay $0x3  }
0x8c: {  	[tilespmem:v48+s28+$0x0] =	vst.idx.msk $0xffff, v12  }
0x8d: {  	v50 =	vor.u32 v5, v13;
	v12 =	vld.idx.msk [tilespmem:v49+s14+$0x0], $0xffff  }
0x8e: {  	v11 =	vor.u32 v6, v11;
	_ =	sdelay $0x3  }
0x8f: {  	[tilespmem:v50+s28+$0x0] =	vst.idx.msk $0xffff, v12  }
0x90: {  	v51 =	vor.u32 v7, v13;
	v11 =	vld.idx.msk [tilespmem:v11+s14+$0x0], $0xffff;
	_ =	sdelay $0x1  }
0x91: {  	s15 =	spop (v2sf)  }
0x92: {  	s23 =	spop (v2sf)  }
0x93: {  	s11 =	sand.u32 $0x1FFFFF80, s23  }
0x94: {  	s11 =	sadd.s32 s0, s11;
	[tilespmem:v51+s28+$0x0] =	vst.idx.msk $0xffff, v11  }
0x95: {  	[tilespmem:s14], [sflag:$0x3] =	stream.strided.gather [hbm4b:s11+s7], $0x1000, s9, s7, $0x38;
	[tilespmem:$0x18200] =	vst v63  }
0x96: {  	s21 =	simm.s32 $0x5200;
	s11 =	sadd.s32 $0x3D0A00, s11  }
0x97: {  	v11 =	vbroadcast v9, $0x3;
	[tilespmem:s21], [sflag:$0x3] =	stream.strided.gather [hbm4b:s11+s7], $0x1000, s9, s7, $0x38;
	[tilespmem:$0x18200] =	vst v63  }
0x98: {  	_ =	swait.ge [sflag:s31], $0x1000  }
0x99: {  	s25 =	sadd.s32 $0xFFFFFFF4, s8;
	v52 =	vor.u32 v0, v11;
	[sflag:s31] =	ssyncset.done $0x0  }
0x9a: {  	v53 =	vmov s25;
	[sflag:s31] =	ssyncadd.s32 $0xFFFFF000  }
0x9b: {  	v54 =	vshll.u32 v53, $0x3;
	_ =	swait.ge [sflag:s31], $0x1000  }
0x9c: {  	v13 =	vand.u32 $0x73, v53;
	v14 =	vand.u32 $0xC00, v54;
	[sflag:s31] =	ssyncset.done $0x0  }
0x9d: {  	v13 =	vor.u32 v13, v14;
	[sflag:s31] =	ssyncadd.s32 $0xFFFFF000  }
0x9e: {  	v14 =	vor.u32 v1, v13;
	v12 =	vld.idx.msk [tilespmem:v52+s16+$0x0], $0xffff  }
0x9f: {  	v55 =	vor.u32 v2, v11;
	_ =	sdelay $0x3  }
0xa0: {  	[tilespmem:v14+s28+$0x0] =	vst.idx.msk $0xffff, v12  }
0xa1: {  	v56 =	vor.u32 v3, v13;
	v12 =	vld.idx.msk [tilespmem:v55+s16+$0x0], $0xffff  }
0xa2: {  	v57 =	vor.u32 v4, v11;
	_ =	sdelay $0x3  }
0xa3: {  	[tilespmem:v56+s28+$0x0] =	vst.idx.msk $0xffff, v12  }
0xa4: {  	v58 =	vor.u32 v5, v13;
	v12 =	vld.idx.msk [tilespmem:v57+s16+$0x0], $0xffff  }
0xa5: {  	v11 =	vor.u32 v6, v11;
	_ =	sdelay $0x3  }
0xa6: {  	[tilespmem:v58+s28+$0x0] =	vst.idx.msk $0xffff, v12  }
0xa7: {  	v59 =	vor.u32 v7, v13;
	v11 =	vld.idx.msk [tilespmem:v11+s16+$0x0], $0xffff;
	_ =	sdelay $0x3  }
0xa8: {  	s5 =	sand.u32 $0x1FFFFF80, s15  }
0xa9: {  	s5 =	sadd.s32 s0, s5;
	[tilespmem:v59+s28+$0x0] =	vst.idx.msk $0xffff, v11  }
0xaa: {  	[tilespmem:s16], [sflag:$0x4] =	stream.strided.gather [hbm4b:s5+s7], $0x1000, s9, s7, $0x38;
	[tilespmem:$0x18200] =	vst v63  }
0xab: {  	s23 =	simm.s32 $0x7200;
	s5 =	sadd.s32 $0x3D0A00, s5  }
0xac: {  	v11 =	vbroadcast v9, $0x4;
	[tilespmem:s23], [sflag:$0x4] =	stream.strided.gather [hbm4b:s5+s7], $0x1000, s9, s7, $0x38;
	[tilespmem:$0x18200] =	vst v63  }
0xad: {  	_ =	swait.ge [sflag:s2], $0x1000  }
0xae: {  	s11 =	sadd.s32 $0xFFFFFFF5, s8;
	v60 =	vor.u32 v0, v11;
	[sflag:s2] =	ssyncset.done $0x0  }
0xaf: {  	v61 =	vmov s11;
	[sflag:s2] =	ssyncadd.s32 $0xFFFFF000  }
0xb0: {  	v62 =	vshll.u32 v61, $0x3;
	_ =	swait.ge [sflag:s2], $0x1000  }
0xb1: {  	v13 =	vand.u32 $0x74, v61;
	v14 =	vand.u32 $0xC00, v62;
	[sflag:s2] =	ssyncset.done $0x0  }
0xb2: {  	v13 =	vor.u32 v13, v14;
	[sflag:s2] =	ssyncadd.s32 $0xFFFFF000  }
0xb3: {  	v14 =	vor.u32 v1, v13;
	v12 =	vld.idx.msk [tilespmem:v60+s18+$0x0], $0xffff  }
0xb4: {  	v63 =	vor.u32 v2, v11;
	_ =	sdelay $0x3  }
0xb5: {  	(v2sf) =	vpush v10, $0xD;
	[tilespmem:v14+s28+$0x0] =	vst.idx.msk $0xffff, v12  }
0xb6: {  	v18 =	vor.u32 v3, v13;
	(v2sf) =	vpush v10, $0xC;
	v12 =	vld.idx.msk [tilespmem:v63+s18+$0x0], $0xffff  }
0xb7: {  	v19 =	vor.u32 v4, v11;
	_ =	sdelay $0x3  }
0xb8: {  	[tilespmem:v18+s28+$0x0] =	vst.idx.msk $0xffff, v12  }
0xb9: {  	v20 =	vor.u32 v5, v13;
	v12 =	vld.idx.msk [tilespmem:v19+s18+$0x0], $0xffff  }
0xba: {  	v11 =	vor.u32 v6, v11;
	_ =	sdelay $0x3  }
0xbb: {  	[tilespmem:v20+s28+$0x0] =	vst.idx.msk $0xffff, v12  }
0xbc: {  	v21 =	vor.u32 v7, v13;
	v11 =	vld.idx.msk [tilespmem:v11+s18+$0x0], $0xffff;
	_ =	sdelay $0x1  }
0xbd: {  	s5 =	spop (v2sf)  }
0xbe: {  	s13 =	spop (v2sf)  }
0xbf: {  	s11 =	sand.u32 $0x1FFFFF80, s13  }
0xc0: {  	s11 =	sadd.s32 s0, s11;
	[tilespmem:v21+s28+$0x0] =	vst.idx.msk $0xffff, v11  }
0xc1: {  	[tilespmem:s18], [sflag:$0x5] =	stream.strided.gather [hbm4b:s11+s7], $0x1000, s9, s7, $0x38;
	[tilespmem:$0x18200] =	vst v63  }
0xc2: {  	s25 =	simm.s32 $0x9200;
	s11 =	sadd.s32 $0x3D0A00, s11  }
0xc3: {  	v11 =	vbroadcast v9, $0x5;
	[tilespmem:s25], [sflag:$0x5] =	stream.strided.gather [hbm4b:s11+s7], $0x1000, s9, s7, $0x38;
	[tilespmem:$0x18200] =	vst v63  }
0xc4: {  	_ =	swait.ge [sflag:s1], $0x1000  }
0xc5: {  	s15 =	sadd.s32 $0xFFFFFFF6, s8;
	v22 =	vor.u32 v0, v11;
	[sflag:s1] =	ssyncset.done $0x0  }
0xc6: {  	v23 =	vmov s15;
	[sflag:s1] =	ssyncadd.s32 $0xFFFFF000  }
0xc7: {  	v24 =	vshll.u32 v23, $0x3;
	_ =	swait.ge [sflag:s1], $0x1000  }
0xc8: {  	v13 =	vand.u32 $0x75, v23;
	v14 =	vand.u32 $0xC00, v24;
	[sflag:s1] =	ssyncset.done $0x0  }
0xc9: {  	v13 =	vor.u32 v13, v14;
	[sflag:s1] =	ssyncadd.s32 $0xFFFFF000  }
0xca: {  	v14 =	vor.u32 v1, v13;
	v12 =	vld.idx.msk [tilespmem:v22+s20+$0x0], $0xffff  }
0xcb: {  	v25 =	vor.u32 v2, v11;
	_ =	sdelay $0x3  }
0xcc: {  	[tilespmem:v14+s28+$0x0] =	vst.idx.msk $0xffff, v12  }
0xcd: {  	v26 =	vor.u32 v3, v13;
	v12 =	vld.idx.msk [tilespmem:v25+s20+$0x0], $0xffff  }
0xce: {  	v27 =	vor.u32 v4, v11;
	_ =	sdelay $0x3  }
0xcf: {  	[tilespmem:v26+s28+$0x0] =	vst.idx.msk $0xffff, v12  }
0xd0: {  	v28 =	vor.u32 v5, v13;
	v12 =	vld.idx.msk [tilespmem:v27+s20+$0x0], $0xffff  }
0xd1: {  	v11 =	vor.u32 v6, v11;
	_ =	sdelay $0x3  }
0xd2: {  	[tilespmem:v28+s28+$0x0] =	vst.idx.msk $0xffff, v12  }
0xd3: {  	v29 =	vor.u32 v7, v13;
	v11 =	vld.idx.msk [tilespmem:v11+s20+$0x0], $0xffff;
	_ =	sdelay $0x3  }
0xd4: {  	s5 =	sand.u32 $0x1FFFFF80, s5  }
0xd5: {  	s5 =	sadd.s32 s0, s5;
	[tilespmem:v29+s28+$0x0] =	vst.idx.msk $0xffff, v11  }
0xd6: {  	[tilespmem:s20], [sflag:$0x6] =	stream.strided.gather [hbm4b:s5+s7], $0x1000, s9, s7, $0x38;
	[tilespmem:$0x18200] =	vst v63  }
0xd7: {  	s13 =	simm.s32 $0xB200;
	s5 =	sadd.s32 $0x3D0A00, s5  }
0xd8: {  	v11 =	vbroadcast v9, $0x6;
	[tilespmem:s13], [sflag:$0x6] =	stream.strided.gather [hbm4b:s5+s7], $0x1000, s9, s7, $0x38;
	[tilespmem:$0x18200] =	vst v63  }
0xd9: {  	_ =	swait.ge [sflag:s3], $0x1000  }
0xda: {  	s11 =	sadd.s32 $0xFFFFFFF7, s8;
	v30 =	vor.u32 v0, v11;
	[sflag:s3] =	ssyncset.done $0x0  }
0xdb: {  	v31 =	vmov s11;
	[sflag:s3] =	ssyncadd.s32 $0xFFFFF000  }
0xdc: {  	v32 =	vshll.u32 v31, $0x3;
	_ =	swait.ge [sflag:s3], $0x1000  }
0xdd: {  	v13 =	vand.u32 $0x76, v31;
	v14 =	vand.u32 $0xC00, v32;
	[sflag:s3] =	ssyncset.done $0x0  }
0xde: {  	v13 =	vor.u32 v13, v14;
	[sflag:s3] =	ssyncadd.s32 $0xFFFFF000  }
0xdf: {  	v14 =	vor.u32 v1, v13;
	v12 =	vld.idx.msk [tilespmem:v30+s22+$0x0], $0xffff  }
0xe0: {  	v33 =	vor.u32 v2, v11;
	_ =	sdelay $0x3  }
0xe1: {  	(v2sf) =	vpush v10, $0xF;
	[tilespmem:v14+s28+$0x0] =	vst.idx.msk $0xffff, v12  }
0xe2: {  	v34 =	vor.u32 v3, v13;
	(v2sf) =	vpush v10, $0xE;
	v12 =	vld.idx.msk [tilespmem:v33+s22+$0x0], $0xffff  }
0xe3: {  	v10 =	vor.u32 v4, v11;
	_ =	sdelay $0x3  }
0xe4: {  	[tilespmem:v34+s28+$0x0] =	vst.idx.msk $0xffff, v12  }
0xe5: {  	v35 =	vor.u32 v5, v13;
	v10 =	vld.idx.msk [tilespmem:v10+s22+$0x0], $0xffff  }
0xe6: {  	v11 =	vor.u32 v6, v11;
	_ =	sdelay $0x3  }
0xe7: {  	[tilespmem:v35+s28+$0x0] =	vst.idx.msk $0xffff, v10  }
0xe8: {  	v10 =	vld.idx.msk [tilespmem:v11+s22+$0x0], $0xffff;
	v11 =	vor.u32 v7, v13;
	_ =	sdelay $0x1  }
0xe9: {  	s5 =	spop (v2sf)  }
0xea: {  	s15 =	spop (v2sf)  }
0xeb: {  	s11 =	sand.u32 $0x1FFFFF80, s15  }
0xec: {  	s11 =	sadd.s32 s0, s11;
	[tilespmem:v11+s28+$0x0] =	vst.idx.msk $0xffff, v10  }
0xed: {  	[tilespmem:s22], [sflag:$0x7] =	stream.strided.gather [hbm4b:s11+s7], $0x1000, s9, s7, $0x38;
	[tilespmem:$0x18200] =	vst v63  }
0xee: {  	s15 =	simm.s32 $0xD200;
	s11 =	sadd.s32 $0x3D0A00, s11  }
0xef: {  	v10 =	vbroadcast v9, $0x7;
	[tilespmem:s15], [sflag:$0x7] =	stream.strided.gather [hbm4b:s11+s7], $0x1000, s9, s7, $0x38;
	[tilespmem:$0x18200] =	vst v63  }
0xf0: {  	_ =	swait.ge [sflag:s4], $0x1000  }
0xf1: {  	v11 =	vor.u32 v0, v10;
	s15 =	sadd.s32 $0xFFFFFFF8, s8;
	[sflag:s4] =	ssyncset.done $0x0  }
0xf2: {  	v36 =	vmov s15;
	[sflag:s4] =	ssyncadd.s32 $0xFFFFF000  }
0xf3: {  	v37 =	vshll.u32 v36, $0x3;
	_ =	swait.ge [sflag:s4], $0x1000  }
0xf4: {  	v12 =	vand.u32 $0x77, v36;
	v13 =	vand.u32 $0xC00, v37;
	[sflag:s4] =	ssyncset.done $0x0  }
0xf5: {  	v12 =	vor.u32 v12, v13;
	[sflag:s4] =	ssyncadd.s32 $0xFFFFF000  }
0xf6: {  	v13 =	vor.u32 v1, v12;
	v11 =	vld.idx.msk [tilespmem:v11+s24+$0x0], $0xffff  }
0xf7: {  	v38 =	vor.u32 v2, v10;
	_ =	sdelay $0x3  }
0xf8: {  	[tilespmem:v13+s28+$0x0] =	vst.idx.msk $0xffff, v11  }
0xf9: {  	v39 =	vor.u32 v3, v12;
	v11 =	vld.idx.msk [tilespmem:v38+s24+$0x0], $0xffff  }
0xfa: {  	v40 =	vor.u32 v4, v10;
	_ =	sdelay $0x3  }
0xfb: {  	[tilespmem:v39+s28+$0x0] =	vst.idx.msk $0xffff, v11  }
0xfc: {  	v41 =	vor.u32 v5, v12;
	v11 =	vld.idx.msk [tilespmem:v40+s24+$0x0], $0xffff  }
0xfd: {  	v10 =	vor.u32 v6, v10;
	_ =	sdelay $0x3  }
0xfe: {  	[tilespmem:v41+s28+$0x0] =	vst.idx.msk $0xffff, v11  }
0xff: {  	v11 =	vor.u32 v7, v12;
	v10 =	vld.idx.msk [tilespmem:v10+s24+$0x0], $0xffff;
	_ =	sdelay $0x3  }
0x100: {  	s5 =	sand.u32 $0x1FFFFF80, s5  }
0x101: {  	s5 =	sadd.s32 s0, s5;
	[tilespmem:v11+s28+$0x0] =	vst.idx.msk $0xffff, v10  }
0x102: {  	[tilespmem:s24], [sflag:$0x8] =	stream.strided.gather [hbm4b:s5+s7], $0x1000, s9, s7, $0x38;
	[tilespmem:$0x18200] =	vst v63  }
0x103: {  	s15 =	simm.s32 $0xF200;
	s5 =	sadd.s32 $0x3D0A00, s5  }
0x104: {  	v42 =	vbroadcast v9, $0x8;
	[tilespmem:s15], [sflag:$0x8] =	stream.strided.gather [hbm4b:s5+s7], $0x1000, s9, s7, $0x38;
	[tilespmem:$0x18200] =	vst v63  }
0x105: {  	_ =	swait.ge [sflag:s26], $0x1000  }
0x106: {  	s11 =	sadd.s32 $0xFFFFFFF9, s8;
	v10 =	vor.u32 v0, v42;
	[sflag:s26] =	ssyncset.done $0x0  }
0x107: {  	v11 =	vmov s11;
	[sflag:s26] =	ssyncadd.s32 $0xFFFFF000  }
0x108: {  	v43 =	vshll.u32 v11, $0x3;
	_ =	swait.ge [sflag:s26], $0x1000  }
0x109: {  	v11 =	vand.u32 $0x78, v11;
	v13 =	vand.u32 $0xC00, v43;
	[sflag:s26] =	ssyncset.done $0x0  }
0x10a: {  	v13 =	vor.u32 v11, v13;
	[sflag:s26] =	ssyncadd.s32 $0xFFFFF000  }
0x10b: {  	v45 =	vor.u32 v1, v13;
	v44 =	vld.idx.msk [tilespmem:v10+s10+$0x0], $0xffff  }
0x10c: {  	v16 =	vor.u32 v2, v42;
	_ =	sdelay $0x1  }
0x10d: {  	v10 =	vshrl.u32 v8, $0x7  }
0x10e: {  	v11 =	vshll.u32 v10, $0x7  }
0x10f: {  	(v2sf) =	vpush v11, $0x1;
	[tilespmem:v45+s28+$0x0] =	vst.idx.msk $0xffff, v44  }
0x110: {  	v46 =	vor.u32 v3, v13;
	(v2sf) =	vpush v11, $0x0;
	v14 =	vld.idx.msk [tilespmem:v16+s10+$0x0], $0xffff  }
0x111: {  	v47 =	vor.u32 v4, v42;
	_ =	sdelay $0x3  }
0x112: {  	[tilespmem:v46+s28+$0x0] =	vst.idx.msk $0xffff, v14  }
0x113: {  	v48 =	vor.u32 v5, v13;
	v14 =	vld.idx.msk [tilespmem:v47+s10+$0x0], $0xffff  }
0x114: {  	v12 =	vor.u32 v6, v42;
	_ =	sdelay $0x3  }
0x115: {  	[tilespmem:v48+s28+$0x0] =	vst.idx.msk $0xffff, v14  }
0x116: {  	v13 =	vor.u32 v7, v13;
	v12 =	vld.idx.msk [tilespmem:v12+s10+$0x0], $0xffff;
	_ =	sdelay $0x1  }
0x117: {  	s5 =	spop (v2sf)  }
0x118: {  	s11 =	spop (v2sf)  }
0x119: {  	s11 =	sand.u32 $0x1FFFFF80, s11  }
0x11a: {  	s11 =	sadd.s32 s0, s11;
	[tilespmem:v13+s28+$0x0] =	vst.idx.msk $0xffff, v12  }
0x11b: {  	[tilespmem:s10], [sflag:$0x1] =	stream.strided.gather [hbm4b:s11+s7], $0x1000, s9, s7, $0x38;
	[tilespmem:$0x18200] =	vst v63  }
0x11c: {  	s11 =	sadd.s32 $0x3D0A00, s11  }
0x11d: {  	v49 =	vbroadcast v9, $0x9;
	[tilespmem:s17], [sflag:$0x1] =	stream.strided.gather [hbm4b:s11+s7], $0x1000, s9, s7, $0x38;
	[tilespmem:$0x18200] =	vst v63  }
0x11e: {  	_ =	swait.ge [sflag:s29], $0x1000  }
0x11f: {  	v50 =	vor.u32 v0, v49;
	s17 =	sadd.s32 $0xFFFFFFFA, s8;
	[sflag:s29] =	ssyncset.done $0x0  }
0x120: {  	v51 =	vmov s17;
	[sflag:s29] =	ssyncadd.s32 $0xFFFFF000  }
0x121: {  	v52 =	vshll.u32 v51, $0x3;
	_ =	swait.ge [sflag:s29], $0x1000  }
0x122: {  	v14 =	vand.u32 $0x79, v51;
	v15 =	vand.u32 $0xC00, v52;
	[sflag:s29] =	ssyncset.done $0x0  }
0x123: {  	v14 =	vor.u32 v14, v15;
	[sflag:s29] =	ssyncadd.s32 $0xFFFFF000  }
0x124: {  	v15 =	vor.u32 v1, v14;
	v13 =	vld.idx.msk [tilespmem:v50+s12+$0x0], $0xffff  }
0x125: {  	v53 =	vor.u32 v2, v49;
	_ =	sdelay $0x3  }
0x126: {  	[tilespmem:v15+s28+$0x0] =	vst.idx.msk $0xffff, v13  }
0x127: {  	v54 =	vor.u32 v3, v14;
	v13 =	vld.idx.msk [tilespmem:v53+s12+$0x0], $0xffff  }
0x128: {  	v55 =	vor.u32 v4, v49;
	_ =	sdelay $0x3  }
0x129: {  	[tilespmem:v54+s28+$0x0] =	vst.idx.msk $0xffff, v13  }
0x12a: {  	v56 =	vor.u32 v5, v14;
	v13 =	vld.idx.msk [tilespmem:v55+s12+$0x0], $0xffff  }
0x12b: {  	v12 =	vor.u32 v6, v49;
	_ =	sdelay $0x3  }
0x12c: {  	[tilespmem:v56+s28+$0x0] =	vst.idx.msk $0xffff, v13  }
0x12d: {  	v57 =	vor.u32 v7, v14;
	v12 =	vld.idx.msk [tilespmem:v12+s12+$0x0], $0xffff;
	_ =	sdelay $0x3  }
0x12e: {  	s5 =	sand.u32 $0x1FFFFF80, s5  }
0x12f: {  	s5 =	sadd.s32 s0, s5;
	[tilespmem:v57+s28+$0x0] =	vst.idx.msk $0xffff, v12  }
0x130: {  	[tilespmem:s12], [sflag:$0x2] =	stream.strided.gather [hbm4b:s5+s7], $0x1000, s9, s7, $0x38;
	[tilespmem:$0x18200] =	vst v63  }
0x131: {  	s5 =	sadd.s32 $0x3D0A00, s5  }
0x132: {  	v58 =	vbroadcast v9, $0xA;
	[tilespmem:s19], [sflag:$0x2] =	stream.strided.gather [hbm4b:s5+s7], $0x1000, s9, s7, $0x38;
	[tilespmem:$0x18200] =	vst v63  }
0x133: {  	_ =	swait.ge [sflag:s30], $0x1000  }
0x134: {  	v59 =	vor.u32 v0, v58;
	s17 =	sadd.s32 $0xFFFFFFFB, s8;
	[sflag:s30] =	ssyncset.done $0x0  }
0x135: {  	v60 =	vmov s17;
	[sflag:s30] =	ssyncadd.s32 $0xFFFFF000  }
0x136: {  	v61 =	vshll.u32 v60, $0x3;
	_ =	swait.ge [sflag:s30], $0x1000  }
0x137: {  	v14 =	vand.u32 $0x7A, v60;
	v15 =	vand.u32 $0xC00, v61;
	[sflag:s30] =	ssyncset.done $0x0  }
0x138: {  	v14 =	vor.u32 v14, v15;
	[sflag:s30] =	ssyncadd.s32 $0xFFFFF000  }
0x139: {  	v15 =	vor.u32 v1, v14;
	v13 =	vld.idx.msk [tilespmem:v59+s14+$0x0], $0xffff  }
0x13a: {  	v62 =	vor.u32 v2, v58;
	_ =	sdelay $0x3  }
0x13b: {  	(v2sf) =	vpush v11, $0x3;
	[tilespmem:v15+s28+$0x0] =	vst.idx.msk $0xffff, v13  }
0x13c: {  	v63 =	vor.u32 v3, v14;
	(v2sf) =	vpush v11, $0x2;
	v13 =	vld.idx.msk [tilespmem:v62+s14+$0x0], $0xffff  }
0x13d: {  	v20 =	vor.u32 v4, v58;
	_ =	sdelay $0x3  }
0x13e: {  	[tilespmem:v63+s28+$0x0] =	vst.idx.msk $0xffff, v13  }
0x13f: {  	v21 =	vor.u32 v5, v14;
	v13 =	vld.idx.msk [tilespmem:v20+s14+$0x0], $0xffff  }
0x140: {  	v12 =	vor.u32 v6, v58;
	_ =	sdelay $0x3  }
0x141: {  	[tilespmem:v21+s28+$0x0] =	vst.idx.msk $0xffff, v13  }
0x142: {  	v22 =	vor.u32 v7, v14;
	v12 =	vld.idx.msk [tilespmem:v12+s14+$0x0], $0xffff;
	_ =	sdelay $0x1  }
0x143: {  	s5 =	spop (v2sf)  }
0x144: {  	s19 =	spop (v2sf)  }
0x145: {  	s11 =	sand.u32 $0x1FFFFF80, s19  }
0x146: {  	s11 =	sadd.s32 s0, s11;
	[tilespmem:v22+s28+$0x0] =	vst.idx.msk $0xffff, v12  }
0x147: {  	[tilespmem:s14], [sflag:$0x3] =	stream.strided.gather [hbm4b:s11+s7], $0x1000, s9, s7, $0x38;
	[tilespmem:$0x18200] =	vst v63  }
0x148: {  	s11 =	sadd.s32 $0x3D0A00, s11  }
0x149: {  	v23 =	vbroadcast v9, $0xB;
	[tilespmem:s21], [sflag:$0x3] =	stream.strided.gather [hbm4b:s11+s7], $0x1000, s9, s7, $0x38;
	[tilespmem:$0x18200] =	vst v63  }
0x14a: {  	_ =	swait.ge [sflag:s31], $0x1000  }
0x14b: {  	v24 =	vor.u32 v0, v23;
	s17 =	sadd.s32 $0xFFFFFFFC, s8;
	[sflag:s31] =	ssyncset.done $0x0  }
0x14c: {  	v25 =	vmov s17;
	[sflag:s31] =	ssyncadd.s32 $0xFFFFF000  }
0x14d: {  	v26 =	vshll.u32 v25, $0x3;
	_ =	swait.ge [sflag:s31], $0x1000  }
0x14e: {  	v14 =	vand.u32 $0x7B, v25;
	v15 =	vand.u32 $0xC00, v26;
	[sflag:s31] =	ssyncset.done $0x0  }
0x14f: {  	v14 =	vor.u32 v14, v15;
	[sflag:s31] =	ssyncadd.s32 $0xFFFFF000  }
0x150: {  	v15 =	vor.u32 v1, v14;
	v13 =	vld.idx.msk [tilespmem:v24+s16+$0x0], $0xffff  }
0x151: {  	v27 =	vor.u32 v2, v23;
	_ =	sdelay $0x3  }
0x152: {  	[tilespmem:v15+s28+$0x0] =	vst.idx.msk $0xffff, v13  }
0x153: {  	v28 =	vor.u32 v3, v14;
	v13 =	vld.idx.msk [tilespmem:v27+s16+$0x0], $0xffff  }
0x154: {  	v29 =	vor.u32 v4, v23;
	_ =	sdelay $0x3  }
0x155: {  	[tilespmem:v28+s28+$0x0] =	vst.idx.msk $0xffff, v13  }
0x156: {  	v30 =	vor.u32 v5, v14;
	v13 =	vld.idx.msk [tilespmem:v29+s16+$0x0], $0xffff  }
0x157: {  	v12 =	vor.u32 v6, v23;
	_ =	sdelay $0x3  }
0x158: {  	[tilespmem:v30+s28+$0x0] =	vst.idx.msk $0xffff, v13  }
0x159: {  	v31 =	vor.u32 v7, v14;
	v12 =	vld.idx.msk [tilespmem:v12+s16+$0x0], $0xffff;
	_ =	sdelay $0x3  }
0x15a: {  	s5 =	sand.u32 $0x1FFFFF80, s5  }
0x15b: {  	s5 =	sadd.s32 s0, s5;
	[tilespmem:v31+s28+$0x0] =	vst.idx.msk $0xffff, v12  }
0x15c: {  	[tilespmem:s16], [sflag:$0x4] =	stream.strided.gather [hbm4b:s5+s7], $0x1000, s9, s7, $0x38;
	[tilespmem:$0x18200] =	vst v63  }
0x15d: {  	s5 =	sadd.s32 $0x3D0A00, s5  }
0x15e: {  	v32 =	vbroadcast v9, $0xC;
	[tilespmem:s23], [sflag:$0x4] =	stream.strided.gather [hbm4b:s5+s7], $0x1000, s9, s7, $0x38;
	[tilespmem:$0x18200] =	vst v63  }
0x15f: {  	_ =	swait.ge [sflag:s2], $0x1000  }
0x160: {  	v33 =	vor.u32 v0, v32;
	s19 =	sadd.s32 $0xFFFFFFFD, s8;
	[sflag:s2] =	ssyncset.done $0x0  }
0x161: {  	v34 =	vmov s19;
	[sflag:s2] =	ssyncadd.s32 $0xFFFFF000  }
0x162: {  	v35 =	vshll.u32 v34, $0x3;
	_ =	swait.ge [sflag:s2], $0x1000  }
0x163: {  	v14 =	vand.u32 $0x7C, v34;
	v15 =	vand.u32 $0xC00, v35;
	[sflag:s2] =	ssyncset.done $0x0  }
0x164: {  	v14 =	vor.u32 v14, v15;
	[sflag:s2] =	ssyncadd.s32 $0xFFFFF000  }
0x165: {  	v15 =	vor.u32 v1, v14;
	v13 =	vld.idx.msk [tilespmem:v33+s18+$0x0], $0xffff  }
0x166: {  	v36 =	vor.u32 v2, v32;
	_ =	sdelay $0x3  }
0x167: {  	(v2sf) =	vpush v11, $0x5;
	[tilespmem:v15+s28+$0x0] =	vst.idx.msk $0xffff, v13  }
0x168: {  	v37 =	vor.u32 v3, v14;
	(v2sf) =	vpush v11, $0x4;
	v13 =	vld.idx.msk [tilespmem:v36+s18+$0x0], $0xffff  }
0x169: {  	v38 =	vor.u32 v4, v32;
	_ =	sdelay $0x3  }
0x16a: {  	[tilespmem:v37+s28+$0x0] =	vst.idx.msk $0xffff, v13  }
0x16b: {  	v39 =	vor.u32 v5, v14;
	v13 =	vld.idx.msk [tilespmem:v38+s18+$0x0], $0xffff  }
0x16c: {  	v12 =	vor.u32 v6, v32;
	_ =	sdelay $0x3  }
0x16d: {  	[tilespmem:v39+s28+$0x0] =	vst.idx.msk $0xffff, v13  }
0x16e: {  	v40 =	vor.u32 v7, v14;
	v12 =	vld.idx.msk [tilespmem:v12+s18+$0x0], $0xffff;
	_ =	sdelay $0x1  }
0x16f: {  	s21 =	spop (v2sf)  }
0x170: {  	s23 =	spop (v2sf)  }
0x171: {  	s11 =	sand.u32 $0x1FFFFF80, s23  }
0x172: {  	s11 =	sadd.s32 s0, s11;
	[tilespmem:v40+s28+$0x0] =	vst.idx.msk $0xffff, v12  }
0x173: {  	[tilespmem:s18], [sflag:$0x5] =	stream.strided.gather [hbm4b:s11+s7], $0x1000, s9, s7, $0x38;
	[tilespmem:$0x18200] =	vst v63  }
0x174: {  	s11 =	sadd.s32 $0x3D0A00, s11  }
0x175: {  	v41 =	vbroadcast v9, $0xD;
	[tilespmem:s25], [sflag:$0x5] =	stream.strided.gather [hbm4b:s11+s7], $0x1000, s9, s7, $0x38;
	[tilespmem:$0x18200] =	vst v63  }
0x176: {  	_ =	swait.ge [sflag:s1], $0x1000  }
0x177: {  	v42 =	vor.u32 v0, v41;
	s17 =	sadd.s32 $0xFFFFFFFE, s8;
	[sflag:s1] =	ssyncset.done $0x0  }
0x178: {  	v43 =	vmov s17;
	[sflag:s1] =	ssyncadd.s32 $0xFFFFF000  }
0x179: {  	v44 =	vshll.u32 v43, $0x3;
	_ =	swait.ge [sflag:s1], $0x1000  }
0x17a: {  	v14 =	vand.u32 $0x7D, v43;
	v15 =	vand.u32 $0xC00, v44;
	[sflag:s1] =	ssyncset.done $0x0  }
0x17b: {  	v14 =	vor.u32 v14, v15;
	[sflag:s1] =	ssyncadd.s32 $0xFFFFF000  }
0x17c: {  	v15 =	vor.u32 v1, v14;
	v13 =	vld.idx.msk [tilespmem:v42+s20+$0x0], $0xffff  }
0x17d: {  	v45 =	vor.u32 v2, v41;
	_ =	sdelay $0x3  }
0x17e: {  	[tilespmem:v15+s28+$0x0] =	vst.idx.msk $0xffff, v13  }
0x17f: {  	v46 =	vor.u32 v3, v14;
	v13 =	vld.idx.msk [tilespmem:v45+s20+$0x0], $0xffff  }
0x180: {  	v47 =	vor.u32 v4, v41;
	_ =	sdelay $0x3  }
0x181: {  	[tilespmem:v46+s28+$0x0] =	vst.idx.msk $0xffff, v13  }
0x182: {  	v48 =	vor.u32 v5, v14;
	v13 =	vld.idx.msk [tilespmem:v47+s20+$0x0], $0xffff  }
0x183: {  	v12 =	vor.u32 v6, v41;
	_ =	sdelay $0x3  }
0x184: {  	[tilespmem:v48+s28+$0x0] =	vst.idx.msk $0xffff, v13  }
0x185: {  	v49 =	vor.u32 v7, v14;
	v12 =	vld.idx.msk [tilespmem:v12+s20+$0x0], $0xffff;
	_ =	sdelay $0x3  }
0x186: {  	s5 =	sand.u32 $0x1FFFFF80, s21  }
0x187: {  	s5 =	sadd.s32 s0, s5;
	[tilespmem:v49+s28+$0x0] =	vst.idx.msk $0xffff, v12  }
0x188: {  	[tilespmem:s20], [sflag:$0x6] =	stream.strided.gather [hbm4b:s5+s7], $0x1000, s9, s7, $0x38;
	[tilespmem:$0x18200] =	vst v63  }
0x189: {  	s5 =	sadd.s32 $0x3D0A00, s5  }
0x18a: {  	v50 =	vbroadcast v9, $0xE;
	[tilespmem:s13], [sflag:$0x6] =	stream.strided.gather [hbm4b:s5+s7], $0x1000, s9, s7, $0x38;
	[tilespmem:$0x18200] =	vst v63  }
0x18b: {  	_ =	swait.ge [sflag:s3], $0x1000  }
0x18c: {  	v51 =	vor.u32 v0, v50;
	s19 =	sadd.s32 $0xFFFFFFFF, s8;
	[sflag:s3] =	ssyncset.done $0x0  }
0x18d: {  	v52 =	vmov s19;
	[sflag:s3] =	ssyncadd.s32 $0xFFFFF000  }
0x18e: {  	v53 =	vshll.u32 v52, $0x3;
	_ =	swait.ge [sflag:s3], $0x1000  }
0x18f: {  	v14 =	vand.u32 $0x7E, v52;
	v15 =	vand.u32 $0xC00, v53;
	[sflag:s3] =	ssyncset.done $0x0  }
0x190: {  	v14 =	vor.u32 v14, v15;
	[sflag:s3] =	ssyncadd.s32 $0xFFFFF000  }
0x191: {  	v15 =	vor.u32 v1, v14;
	v13 =	vld.idx.msk [tilespmem:v51+s22+$0x0], $0xffff  }
0x192: {  	v54 =	vor.u32 v2, v50;
	_ =	sdelay $0x3  }
0x193: {  	(v2sf) =	vpush v11, $0x7;
	[tilespmem:v15+s28+$0x0] =	vst.idx.msk $0xffff, v13  }
0x194: {  	v55 =	vor.u32 v3, v14;
	(v2sf) =	vpush v11, $0x6;
	v13 =	vld.idx.msk [tilespmem:v54+s22+$0x0], $0xffff  }
0x195: {  	v11 =	vor.u32 v4, v50;
	_ =	sdelay $0x3  }
0x196: {  	[tilespmem:v55+s28+$0x0] =	vst.idx.msk $0xffff, v13  }
0x197: {  	v56 =	vor.u32 v5, v14;
	v11 =	vld.idx.msk [tilespmem:v11+s22+$0x0], $0xffff  }
0x198: {  	v12 =	vor.u32 v6, v50;
	_ =	sdelay $0x3  }
0x199: {  	[tilespmem:v56+s28+$0x0] =	vst.idx.msk $0xffff, v11  }
0x19a: {  	v57 =	vor.u32 v7, v14;
	v11 =	vld.idx.msk [tilespmem:v12+s22+$0x0], $0xffff;
	_ =	sdelay $0x1  }
0x19b: {  	s21 =	spop (v2sf)  }
0x19c: {  	s23 =	spop (v2sf)  }
0x19d: {  	s11 =	sand.u32 $0x1FFFFF80, s23  }
0x19e: {  	s11 =	sadd.s32 s0, s11;
	[tilespmem:v57+s28+$0x0] =	vst.idx.msk $0xffff, v11  }
0x19f: {  	[tilespmem:s22], [sflag:$0x7] =	stream.strided.gather [hbm4b:s11+s7], $0x1000, s9, s7, $0x38;
	[tilespmem:$0x18200] =	vst v63  }
0x1a0: {  	s25 =	simm.s32 $0xD200;
	s11 =	sadd.s32 $0x3D0A00, s11  }
0x1a1: {  	v9 =	vbroadcast v9, $0xF;
	[tilespmem:s25], [sflag:$0x7] =	stream.strided.gather [hbm4b:s11+s7], $0x1000, s9, s7, $0x38;
	[tilespmem:$0x18200] =	vst v63  }
0x1a2: {  	_ =	swait.ge [sflag:s4], $0x1000  }
0x1a3: {  	v11 =	vor.u32 v0, v9;
	[sflag:s4] =	ssyncset.done $0x0  }
0x1a4: {  	v58 =	vmov s8;
	[sflag:s4] =	ssyncadd.s32 $0xFFFFF000  }
0x1a5: {  	v59 =	vshll.u32 v58, $0x3;
	_ =	swait.ge [sflag:s4], $0x1000  }
0x1a6: {  	v13 =	vand.u32 $0xC00, v59;
	v12 =	vand.u32 $0x7F, v58;
	[sflag:s4] =	ssyncset.done $0x0  }
0x1a7: {  	v12 =	vor.u32 v12, v13;
	[sflag:s4] =	ssyncadd.s32 $0xFFFFF000  }
0x1a8: {  	v13 =	vor.u32 v1, v12;
	v11 =	vld.idx.msk [tilespmem:v11+s24+$0x0], $0xffff  }
0x1a9: {  	v60 =	vor.u32 v2, v9;
	_ =	sdelay $0x3  }
0x1aa: {  	[tilespmem:v13+s28+$0x0] =	vst.idx.msk $0xffff, v11  }
0x1ab: {  	v61 =	vor.u32 v3, v12;
	v11 =	vld.idx.msk [tilespmem:v60+s24+$0x0], $0xffff  }
0x1ac: {  	v62 =	vor.u32 v4, v9;
	_ =	sdelay $0x3  }
0x1ad: {  	[tilespmem:v61+s28+$0x0] =	vst.idx.msk $0xffff, v11  }
0x1ae: {  	v63 =	vor.u32 v5, v12;
	v11 =	vld.idx.msk [tilespmem:v62+s24+$0x0], $0xffff  }
0x1af: {  	v9 =	vor.u32 v6, v9;
	_ =	sdelay $0x3  }
0x1b0: {  	[tilespmem:v63+s28+$0x0] =	vst.idx.msk $0xffff, v11  }
0x1b1: {  	v11 =	vor.u32 v7, v12;
	v9 =	vld.idx.msk [tilespmem:v9+s24+$0x0], $0xffff;
	_ =	sdelay $0x2  }
0x1b2: {  	p0 =	sne.s32 s8, $0x1FF  }
.Ltmp0:
0x1b3: {  	s5 =	sand.u32 $0x1FFFFF80, s21;
	(pc) =	sbr.rel @p0 .LBB2_2-.Ltmp0, $4  }
0x1b4: {  	s5 =	sadd.s32 s0, s5;
	[tilespmem:v11+s28+$0x0] =	vst.idx.msk $0xffff, v9  }
0x1b5: {  	[tilespmem:s24], [sflag:$0x8] =	stream.strided.gather [hbm4b:s5+s7], $0x1000, s9, s7, $0x38;
	[tilespmem:$0x18200] =	vst v63  }
0x1b6: {  	s6 =	sadd.s32 $0x1, s6;
	s8 =	sadd.s32 $0x10, s8;
	s5 =	sadd.s32 $0x3D0A00, s5  }
0x1b7: {  	[tilespmem:s15], [sflag:$0x8] =	stream.strided.gather [hbm4b:s5+s7], $0x1000, s9, s7, $0x38;
	[tilespmem:$0x18200] =	vst v63  }
0x1b8: {  	_ =	swait.ge [sflag:s26], $0x1000  }
0x1b9: {  	[sflag:s26] =	ssyncset.done $0x0  }
0x1ba: {  	[sflag:s26] =	ssyncadd.s32 $0xFFFFF000  }
0x1bb: {  	_ =	swait.ge [sflag:s26], $0x1000  }
0x1bc: {  	[sflag:s26] =	ssyncset.done $0x0  }
0x1bd: {  	[sflag:s26] =	ssyncadd.s32 $0xFFFFF000  }
0x1be: {  	_ =	swait.ge [sflag:s29], $0x1000  }
0x1bf: {  	[sflag:s29] =	ssyncset.done $0x0  }
0x1c0: {  	[sflag:s29] =	ssyncadd.s32 $0xFFFFF000  }
0x1c1: {  	_ =	swait.ge [sflag:s29], $0x1000  }
0x1c2: {  	[sflag:s29] =	ssyncset.done $0x0  }
0x1c3: {  	[sflag:s29] =	ssyncadd.s32 $0xFFFFF000  }
0x1c4: {  	_ =	swait.ge [sflag:s30], $0x1000  }
0x1c5: {  	[sflag:s30] =	ssyncset.done $0x0  }
0x1c6: {  	[sflag:s30] =	ssyncadd.s32 $0xFFFFF000  }
0x1c7: {  	_ =	swait.ge [sflag:s30], $0x1000  }
0x1c8: {  	[sflag:s30] =	ssyncset.done $0x0  }
0x1c9: {  	[sflag:s30] =	ssyncadd.s32 $0xFFFFF000  }
0x1ca: {  	_ =	swait.ge [sflag:s31], $0x1000  }
0x1cb: {  	[sflag:s31] =	ssyncset.done $0x0  }
0x1cc: {  	[sflag:s31] =	ssyncadd.s32 $0xFFFFF000  }
0x1cd: {  	_ =	swait.ge [sflag:s31], $0x1000  }
0x1ce: {  	[sflag:s31] =	ssyncset.done $0x0  }
0x1cf: {  	[sflag:s31] =	ssyncadd.s32 $0xFFFFF000  }
0x1d0: {  	_ =	swait.ge [sflag:s2], $0x1000  }
0x1d1: {  	[sflag:s2] =	ssyncset.done $0x0  }
0x1d2: {  	[sflag:s2] =	ssyncadd.s32 $0xFFFFF000  }
0x1d3: {  	_ =	swait.ge [sflag:s2], $0x1000  }
0x1d4: {  	[sflag:s2] =	ssyncset.done $0x0  }
0x1d5: {  	[sflag:s2] =	ssyncadd.s32 $0xFFFFF000  }
0x1d6: {  	_ =	swait.ge [sflag:s1], $0x1000  }
0x1d7: {  	[sflag:s1] =	ssyncset.done $0x0  }
0x1d8: {  	[sflag:s1] =	ssyncadd.s32 $0xFFFFF000  }
0x1d9: {  	_ =	swait.ge [sflag:s1], $0x1000  }
0x1da: {  	[sflag:s1] =	ssyncset.done $0x0  }
0x1db: {  	[sflag:s1] =	ssyncadd.s32 $0xFFFFF000  }
0x1dc: {  	_ =	swait.ge [sflag:s3], $0x1000  }
0x1dd: {  	[sflag:s3] =	ssyncset.done $0x0  }
0x1de: {  	[sflag:s3] =	ssyncadd.s32 $0xFFFFF000  }
0x1df: {  	_ =	swait.ge [sflag:s3], $0x1000  }
0x1e0: {  	[sflag:s3] =	ssyncset.done $0x0  }
0x1e1: {  	[sflag:s3] =	ssyncadd.s32 $0xFFFFF000  }
0x1e2: {  	_ =	swait.ge [sflag:s4], $0x1000  }
0x1e3: {  	[sflag:s4] =	ssyncset.done $0x0  }
0x1e4: {  	[sflag:s4] =	ssyncadd.s32 $0xFFFFF000  }
0x1e5: {  	_ =	swait.ge [sflag:s4], $0x1000  }
0x1e6: {  	s6 =	simm.s32 $0x1000;
	[sflag:s4] =	ssyncset.done $0x0  }
0x1e7: {  	s8 =	simm.s32 $0x20000;
	s5 =	rddreg [dreg:$0x5];
	[sflag:s4] =	ssyncadd.s32 $0xFFFFF000  }
0x1e8: {  	[hbm4b:s5+s6] =	stream.strided.scatter [tilespmem:s28], [sflag:$0x9], $0x8000, s8, s6, $0x38;
	[tilespmem:$0x18200] =	vst v63  }
0x1e9: {  	s8 =	simm.s32 $0x9  }
0x1ea: {  	_ =	swait.ge [sflag:s8], $0x8000  }
0x1eb: {  	s23 =	rddreg [dreg:$0x7]  }
0x1ec: {  	s25 =	rddreg [dreg:$0x6];
	s6 =	sadd.s32 $0x1, s23  }
0x1ed: {  	p0 =	sne.s32 s6, s25  }
.Ltmp1:
0x1ee: {  	_ = 	snop;
	(pc) =	sbr.rel @p0 .LBB2_1-.Ltmp1, $4  }
0x1ef: {  	s11 =	simm.s32 $0x1200  }
0x1f0: {  	s13 =	simm.s32 $0x3200;
	s15 =	simm.s32 $0x5200;
	s17 =	simm.s32 $0x7200  }
0x1f1: {  	s19 =	simm.s32 $0x9200;
	s21 =	simm.s32 $0xB200;
	[sflag:s8] =	ssyncset.done $0x0  }
0x1f2: {  	[sflag:s8] =	ssyncadd.s32 $0xFFFF8000;
	s23 =	simm.s32 $0xD200;
	s25 =	simm.s32 $0xF200  }
0x1f3: {  	_ =	sfence.sel $0x180000  }
0x1f4: {  	[bflag:$0x0] =	sbarrier.arrive $0xFFFF  }
0x1f5: {  	_ =	strace $0x90000047  }
0x1f6: {  	s0 =	stileid.u32;
	[bflag:$0x2] =	sbarrier.arrive $0xFFFF  }
0x1f7: {  	p0 =	sne.s32 s0, $0x0;
	s0 =	rddreg [dreg:$0x3]  }
0x1f8: {  	s0 =	sadd.s32 @!p0 $0x100000, s0  }
0x1f9: {  	[sflag:s0] =	ssyncadd.tile.s32 @!p0 $0x1;
	_ =	shalt  }
.Lfunc_end2:
_tile_overlayer_lowered:
.L_overlay_start_2:
0x1fa: {  	(tag) =	ssettag $0x2  }
0x1fb: {  	s0 =	rddreg [dreg:$0x0];
	s2 =	stileid.u32  }
0x1fc: {  	s1 =	rddreg [dreg:$0x1];
	p0 =	sne.s32 s2, $0x0  }
0x1fd: {  	s3 =	rddreg [dreg:$0x2];
	[bflag:$0x3] =	sbarrier.arrive $0xFFFF;
	s2 =	simm.s32 @!p0 $0x1C09  }
0x1fe: {  	[timem:s3], [sflag:s2] =	dma.local @!p0 [hbm:s0], s1  }
0x1ff: {  	s0 =	simm.s32 @!p0 $0x9  }
0x200: {  	_ =	swait.ge @!p0 [sflag:s0], s1  }
0x201: {  	s1 =	ssub.s32 @!p0 $0x0, s1;
	[sflag:s0] =	ssyncset.done @!p0 $0x0  }
0x202: {  	[sflag:s0] =	ssyncadd.s32 @!p0 s1  }
0x203: {  	[bflag:$0x3] =	sbarrier.arrive $0xFFFF  }
0x204: {  	_ =	shalt  }

</sc_bundles>
